<compile_context>
chip_gen: v7x
topology: tpu7x:2x2x1
jax: 0.10.2.dev20260603
libtpu: 0.0.44.dev20260713+nightly
codegen_flags: <defaults>
</compile_context>

<pallas_src>
import functools

import jax
import jax.numpy as jnp
from jax import lax
from jax.experimental import pallas as pl
from jax.experimental.pallas import tpu as pltpu
from jax.experimental.pallas import tpu_sc as plsc

B, S, V, D, P, T = 1024, 200, 100000, 128, 512, 2
N = B * S
NC, NS, L = 2, 16, 16
NW = NC * NS
W = N // NW
CH = 128
NCHUNK = W // CH
NJ = D // L
EPS = 1e-12

_mesh = plsc.VectorSubcoreMesh(core_axis_name="c", subcore_axis_name="s")


def _rsqrt16(x):
    i = lax.bitcast_convert_type(x, jnp.int32)
    i = jnp.int32(0x5F3759DF) - lax.shift_right_logical(i, 1)
    y = lax.bitcast_convert_type(i, jnp.float32)
    h = x * jnp.float32(-0.5)
    for _ in range(2):
        y = y * (jnp.float32(1.5) + h * y * y)
    return y


def _tree_add(vs):
    vs = list(vs)
    while len(vs) > 1:
        vs = [vs[i] + vs[i + 1] for i in range(0, len(vs) - 1, 2)] + (
            [vs[-1]] if len(vs) % 2 else [])
    return vs[0]


@functools.partial(
    pl.kernel,
    out_type=jax.ShapeDtypeStruct((N, D), jnp.float32),
    mesh=_mesh,
    scratch_types=[
        pltpu.VMEM((2, CH, D), jnp.float32),
        pltpu.VMEM((2, CH, D), jnp.float32),
        pltpu.VMEM((2, CH, D), jnp.float32),
        pltpu.VMEM((2, 3, CH), jnp.int32),
        pltpu.VMEM((2, CH), jnp.int32),
        pltpu.VMEM((2, CH), jnp.int32),
        pltpu.VMEM((D,), jnp.float32),
        pltpu.VMEM((D,), jnp.float32),
        pltpu.SemaphoreType.DMA,
        pltpu.SemaphoreType.DMA,
        pltpu.SemaphoreType.DMA,
        pltpu.SemaphoreType.DMA,
        pltpu.SemaphoreType.DMA,
        pltpu.SemaphoreType.DMA,
    ],
)
def _sc_embed(ids3, tok_tab, comb_tab, gamma, beta, out,
              tokrows_v, combrows_v, outbuf_v, ids_v, cix_v, tix_v, g_v, b_v,
              sem0, sem1, osem0, osem1, isem0, isem1):
    wid = lax.axis_index("s") * NC + lax.axis_index("c")
    base = wid * W
    sems = (sem0, sem1)
    osems = (osem0, osem1)
    isems = (isem0, isem1)

    pltpu.sync_copy(gamma, g_v)
    pltpu.sync_copy(beta, b_v)

    g_regs = [g_v[pl.ds(j * L, L)] for j in range(NJ)]
    b_regs = [b_v[pl.ds(j * L, L)] for j in range(NJ)]
    inv_d = jnp.float32(1.0 / D)

    def ids_start(c, b):
        pltpu.async_copy(ids3.at[:, pl.ds(base + c * CH, CH)], ids_v.at[b],
                         isems[b])

    def ids_wait(c, b):
        pltpu.make_async_copy(ids3.at[:, pl.ds(base + c * CH, CH)],
                              ids_v.at[b], isems[b]).wait()

    def gather_start(c, b):
        ids_wait(c, b)
        for j in range(CH // L):
            tix_v[b, pl.ds(j * L, L)] = ids_v[b, 0, pl.ds(j * L, L)]
            pvi = ids_v[b, 1, pl.ds(j * L, L)]
            tvi = ids_v[b, 2, pl.ds(j * L, L)]
            cix_v[b, pl.ds(j * L, L)] = pvi + pvi + tvi
        pltpu.async_copy(tok_tab.at[tix_v.at[b]], tokrows_v.at[b],
                         sems[b])
        pltpu.async_copy(comb_tab.at[cix_v.at[b]], combrows_v.at[b], sems[b])

        @pl.when(c + 2 < NCHUNK)
        def _():
            ids_start(c + 2, b)

    def wait_rows(b):
        pltpu.make_async_copy(
            tok_tab.at[tix_v.at[b]], tokrows_v.at[b], sems[b]).wait()
        pltpu.make_async_copy(
            comb_tab.at[cix_v.at[b]], combrows_v.at[b], sems[b]).wait()

    def wait_out(c, b):
        pltpu.make_async_copy(
            outbuf_v.at[b], out.at[pl.ds(base + c * CH, CH)], osems[b]).wait()

    perms = [jnp.reshape(lax.iota(jnp.int32, L) ^ jnp.int32(1 << p), (L, 1))
             for p in range(4)]
    _dnums = lax.GatherDimensionNumbers(
        offset_dims=(), collapsed_slice_dims=(0,), start_index_map=(0,))

    def _hsum(v):
        for p in perms:
            v = v + lax.gather(v, p, _dnums, slice_sizes=(1,),
                               mode=lax.GatherScatterMode.PROMISE_IN_BOUNDS)
        return v

    def ln_token(t, b):
        acc = [tokrows_v[b, t, pl.ds(j * L, L)] +
               combrows_v[b, t, pl.ds(j * L, L)] for j in range(NJ)]
        sv = _tree_add(acc)
        qv = _tree_add([a * a for a in acc])
        meanb = _hsum(sv) * inv_d
        varb = _hsum(qv) * inv_d - meanb * meanb
        yb = _rsqrt16(varb + jnp.float32(EPS))
        for j in range(NJ):
            u = (acc[j] - meanb) * yb
            outbuf_v[b, t, pl.ds(j * L, L)] = u * g_regs[j] + b_regs[j]

    def chunk(c, b):
        wait_rows(b)

        @pl.when(c >= 2)
        def _():
            wait_out(c - 2, b)

        @plsc.parallel_loop(0, CH, unroll=4)
        def _(t):
            ln_token(t, b)

        @pl.when(c + 2 < NCHUNK)
        def _():
            gather_start(c + 2, b)

        pltpu.async_copy(outbuf_v.at[b], out.at[pl.ds(base + c * CH, CH)],
                         osems[b])

    ids_start(0, 0)
    ids_start(1, 1)
    gather_start(0, 0)
    gather_start(1, 1)

    def outer(g, carry):
        chunk(g * 2, 0)
        chunk(g * 2 + 1, 1)
        return carry

    lax.fori_loop(0, NCHUNK // 2, outer, 0)
    wait_out(NCHUNK - 2, 0)
    wait_out(NCHUNK - 1, 1)


def kernel(token_ids, token_type_ids, token_pos, token_table, pos_table,
           type_table, gamma, beta):
    ids3 = jnp.stack([token_ids.reshape(-1).astype(jnp.int32),
                      token_pos.reshape(-1).astype(jnp.int32),
                      token_type_ids.reshape(-1).astype(jnp.int32)])
    comb = (pos_table[:, None, :] + type_table[None, :, :]).reshape(
        P * T, D)
    out = _sc_embed(ids3, token_table, comb, gamma, beta)
    return out.reshape(B, S, D)

# --- scband reference (transcript-rebuilt; emitter-appended) ---
"""Pipeline reference for scband-bert-embeddings-36266703847542 (READ-ONLY COPY).

The authoritative reference and input builder live on the scoring server;
editing this copy changes nothing except your own understanding.
"""

import jax, jax.numpy as jnp
import numpy as np

B, S, V, D, P, T = 1024, 200, 100000, 128, 512, 2
EPS = 1e-12


def setup_inputs(seed: int = 0) -> dict:
    key = jax.random.key(seed)
    k1, k2, k3, k4, k5, k6 = jax.random.split(key, 6)
    token_ids = jax.random.randint(k1, (B, S), 0, V, dtype=jnp.int64 if jax.config.jax_enable_x64 else jnp.int32)
    token_type_ids = jax.random.randint(k2, (B, S), 0, T, dtype=token_ids.dtype)
    token_pos = jax.random.randint(k3, (B, S), 0, P, dtype=token_ids.dtype)
    token_table = jax.random.normal(k4, (V, D), dtype=jnp.float32) * 0.02
    token_table = token_table.at[0].set(0.0)  # padding_idx=0 row zeroed
    pos_table = jax.random.normal(k5, (P, D), dtype=jnp.float32) * 0.02
    type_table = jax.random.normal(k6, (T, D), dtype=jnp.float32) * 0.02
    gamma = jnp.ones((D,), dtype=jnp.float32)
    beta = jnp.zeros((D,), dtype=jnp.float32)
    return {
        "token_ids": token_ids,
        "token_type_ids": token_type_ids,
        "token_pos": token_pos,
        "token_table": token_table,
        "pos_table": pos_table,
        "type_table": type_table,
        "gamma": gamma,
        "beta": beta,
    }


def reference(token_ids, token_type_ids, token_pos, token_table, pos_table, type_table, gamma, beta):
    token_emb = jnp.take(token_table, token_ids, axis=0)
    type_emb = jnp.take(type_table, token_type_ids, axis=0)
    pos_emb = jnp.take(pos_table, token_pos, axis=0)
    emb = token_emb + type_emb + pos_emb
    mean = jnp.mean(emb, axis=-1, keepdims=True)
    var = jnp.mean(jnp.square(emb - mean), axis=-1, keepdims=True)
    out = (emb - mean) / jnp.sqrt(var + EPS) * gamma + beta
    return out

if __name__ == "__main__":
    import jax
    _d = setup_inputs()
    print(jax.jit(kernel)(*tuple(_d.values())))

</pallas_src>

<mosaic_0001>
#map = affine_map<(d0, d1) -> (0, 0)>
#map1 = affine_map<(d0, d1) -> (0)>
module attributes {stable_mosaic.version = 14 : i64} {
  func.func @_sc_embed(%arg0: i32, %arg1: i32, %arg2: memref<3x204800xi32, #tpu.memory_space<hbm>>, %arg3: memref<100000x128xf32, #tpu.memory_space<hbm>>, %arg4: memref<1024x128xf32, #tpu.memory_space<hbm>>, %arg5: memref<128xf32, #tpu.memory_space<hbm>>, %arg6: memref<128xf32, #tpu.memory_space<hbm>>, %arg7: memref<204800x128xf32, #tpu.memory_space<hbm>>, %arg8: memref<2x128x128xf32, #tpu.memory_space<vmem>>, %arg9: memref<2x128x128xf32, #tpu.memory_space<vmem>>, %arg10: memref<2x128x128xf32, #tpu.memory_space<vmem>>, %arg11: memref<2x3x128xi32, #tpu.memory_space<vmem>>, %arg12: memref<2x128xi32, #tpu.memory_space<vmem>>, %arg13: memref<2x128xi32, #tpu.memory_space<vmem>>, %arg14: memref<128xf32, #tpu.memory_space<vmem>>, %arg15: memref<128xf32, #tpu.memory_space<vmem>>, %arg16: memref<!tpu.dma_semaphore, #tpu.memory_space<semaphore_mem>>, %arg17: memref<!tpu.dma_semaphore, #tpu.memory_space<semaphore_mem>>, %arg18: memref<!tpu.dma_semaphore, #tpu.memory_space<semaphore_mem>>, %arg19: memref<!tpu.dma_semaphore, #tpu.memory_space<semaphore_mem>>, %arg20: memref<!tpu.dma_semaphore, #tpu.memory_space<semaphore_mem>>, %arg21: memref<!tpu.dma_semaphore, #tpu.memory_space<semaphore_mem>>) attributes {dimension_semantics = [#tpu.dimension_semantics<core_parallel>, #tpu.dimension_semantics<subcore_parallel>], iteration_bounds = array<i64: 2, 16>, scalar_prefetch = 0 : i64, scratch_operands = 14 : i64, tpu.core_type = #tpu.core_type<sc_vector_subcore>, window_params = [{transform_indices = #map}, {transform_indices = #map}, {transform_indices = #map}, {transform_indices = #map1}, {transform_indices = #map1}, {transform_indices = #map}]} {
    %mul3A = arith.constant 2 : i32
    %mul3A_0 = arith.muli %arg1, %mul3A : i32
    %add3A = arith.addi %mul3A_0, %arg0 : i32
    %mul3A_1 = arith.constant 6400 : i32
    %mul3A_2 = arith.muli %add3A, %mul3A_1 : i32
    "tpu.region"() ({
      %run_scoped3A = tpu.sem_alloc : memref<!tpu.dma_semaphore, #tpu.memory_space<semaphore_mem>>
      tpu.enqueue_dma source(%arg5 : memref<128xf32, #tpu.memory_space<hbm>>) target(%arg14 : memref<128xf32, #tpu.memory_space<vmem>>) target_semaphore(%run_scoped3A : memref<!tpu.dma_semaphore, #tpu.memory_space<semaphore_mem>>)
      tpu.wait_dma2 semaphore(%run_scoped3A : memref<!tpu.dma_semaphore, #tpu.memory_space<semaphore_mem>>) src(%arg5 : memref<128xf32, #tpu.memory_space<hbm>>) dst(%arg14 : memref<128xf32, #tpu.memory_space<vmem>>)
      tpu.yield
    }) : () -> ()
    "tpu.region"() ({
      %run_scoped3A = tpu.sem_alloc : memref<!tpu.dma_semaphore, #tpu.memory_space<semaphore_mem>>
      tpu.enqueue_dma source(%arg6 : memref<128xf32, #tpu.memory_space<hbm>>) target(%arg15 : memref<128xf32, #tpu.memory_space<vmem>>) target_semaphore(%run_scoped3A : memref<!tpu.dma_semaphore, #tpu.memory_space<semaphore_mem>>)
      tpu.wait_dma2 semaphore(%run_scoped3A : memref<!tpu.dma_semaphore, #tpu.memory_space<semaphore_mem>>) src(%arg6 : memref<128xf32, #tpu.memory_space<hbm>>) dst(%arg15 : memref<128xf32, #tpu.memory_space<vmem>>)
      tpu.yield
    }) : () -> ()
    %get3A = arith.constant 0 : index
    %get3A_3 = tpu.vector_load %arg14[%get3A] {strides = array<i32>} : memref<128xf32, #tpu.memory_space<vmem>>, vector<16xf32>,
    %get3A_4 = vector.shape_cast %get3A_3 : vector<16xf32> to vector<16xf32>
    %get3A_5 = arith.constant 16 : index
    %get3A_6 = tpu.vector_load %arg14[%get3A_5] {strides = array<i32>} : memref<128xf32, #tpu.memory_space<vmem>>, vector<16xf32>,
    %get3A_7 = vector.shape_cast %get3A_6 : vector<16xf32> to vector<16xf32>
    %get3A_8 = arith.constant 32 : index
    %get3A_9 = tpu.vector_load %arg14[%get3A_8] {strides = array<i32>} : memref<128xf32, #tpu.memory_space<vmem>>, vector<16xf32>,
    %get3A_10 = vector.shape_cast %get3A_9 : vector<16xf32> to vector<16xf32>
    %get3A_11 = arith.constant 48 : index
    %get3A_12 = tpu.vector_load %arg14[%get3A_11] {strides = array<i32>} : memref<128xf32, #tpu.memory_space<vmem>>, vector<16xf32>,
    %get3A_13 = vector.shape_cast %get3A_12 : vector<16xf32> to vector<16xf32>
    %get3A_14 = arith.constant 64 : index
    %get3A_15 = tpu.vector_load %arg14[%get3A_14] {strides = array<i32>} : memref<128xf32, #tpu.memory_space<vmem>>, vector<16xf32>,
    %get3A_16 = vector.shape_cast %get3A_15 : vector<16xf32> to vector<16xf32>
    %get3A_17 = arith.constant 80 : index
    %get3A_18 = tpu.vector_load %arg14[%get3A_17] {strides = array<i32>} : memref<128xf32, #tpu.memory_space<vmem>>, vector<16xf32>,
    %get3A_19 = vector.shape_cast %get3A_18 : vector<16xf32> to vector<16xf32>
    %get3A_20 = arith.constant 96 : index
    %get3A_21 = tpu.vector_load %arg14[%get3A_20] {strides = array<i32>} : memref<128xf32, #tpu.memory_space<vmem>>, vector<16xf32>,
    %get3A_22 = vector.shape_cast %get3A_21 : vector<16xf32> to vector<16xf32>
    %get3A_23 = arith.constant 112 : index
    %get3A_24 = tpu.vector_load %arg14[%get3A_23] {strides = array<i32>} : memref<128xf32, #tpu.memory_space<vmem>>, vector<16xf32>,
    %get3A_25 = vector.shape_cast %get3A_24 : vector<16xf32> to vector<16xf32>
    %get3A_26 = arith.constant 0 : index
    %get3A_27 = tpu.vector_load %arg15[%get3A_26] {strides = array<i32>} : memref<128xf32, #tpu.memory_space<vmem>>, vector<16xf32>,
    %get3A_28 = vector.shape_cast %get3A_27 : vector<16xf32> to vector<16xf32>
    %get3A_29 = arith.constant 16 : index
    %get3A_30 = tpu.vector_load %arg15[%get3A_29] {strides = array<i32>} : memref<128xf32, #tpu.memory_space<vmem>>, vector<16xf32>,
    %get3A_31 = vector.shape_cast %get3A_30 : vector<16xf32> to vector<16xf32>
    %get3A_32 = arith.constant 32 : index
    %get3A_33 = tpu.vector_load %arg15[%get3A_32] {strides = array<i32>} : memref<128xf32, #tpu.memory_space<vmem>>, vector<16xf32>,
    %get3A_34 = vector.shape_cast %get3A_33 : vector<16xf32> to vector<16xf32>
    %get3A_35 = arith.constant 48 : index
    %get3A_36 = tpu.vector_load %arg15[%get3A_35] {strides = array<i32>} : memref<128xf32, #tpu.memory_space<vmem>>, vector<16xf32>,
    %get3A_37 = vector.shape_cast %get3A_36 : vector<16xf32> to vector<16xf32>
    %get3A_38 = arith.constant 64 : index
    %get3A_39 = tpu.vector_load %arg15[%get3A_38] {strides = array<i32>} : memref<128xf32, #tpu.memory_space<vmem>>, vector<16xf32>,
    %get3A_40 = vector.shape_cast %get3A_39 : vector<16xf32> to vector<16xf32>
    %get3A_41 = arith.constant 80 : index
    %get3A_42 = tpu.vector_load %arg15[%get3A_41] {strides = array<i32>} : memref<128xf32, #tpu.memory_space<vmem>>, vector<16xf32>,
    %get3A_43 = vector.shape_cast %get3A_42 : vector<16xf32> to vector<16xf32>
    %get3A_44 = arith.constant 96 : index
    %get3A_45 = tpu.vector_load %arg15[%get3A_44] {strides = array<i32>} : memref<128xf32, #tpu.memory_space<vmem>>, vector<16xf32>,
    %get3A_46 = vector.shape_cast %get3A_45 : vector<16xf32> to vector<16xf32>
    %get3A_47 = arith.constant 112 : index
    %get3A_48 = tpu.vector_load %arg15[%get3A_47] {strides = array<i32>} : memref<128xf32, #tpu.memory_space<vmem>>, vector<16xf32>,
    %get3A_49 = vector.shape_cast %get3A_48 : vector<16xf32> to vector<16xf32>
    %iota3A = tpu.iota {dimensions = array<i32: 0>} : vector<16xi32>
    %xor3A = arith.constant 1 : i32
    %xor3A_50 = vector.broadcast %xor3A : i32 to vector<16xi32>
    %xor3A_51 = arith.xori %iota3A, %xor3A_50 : vector<16xi32>
    %reshape3A = vector.shape_cast %xor3A_51 : vector<16xi32> to vector<16x1xi32>
    %iota3A_52 = tpu.iota {dimensions = array<i32: 0>} : vector<16xi32>
    %xor3A_53 = arith.constant 2 : i32
    %xor3A_54 = vector.broadcast %xor3A_53 : i32 to vector<16xi32>
    %xor3A_55 = arith.xori %iota3A_52, %xor3A_54 : vector<16xi32>
    %reshape3A_56 = vector.shape_cast %xor3A_55 : vector<16xi32> to vector<16x1xi32>
    %iota3A_57 = tpu.iota {dimensions = array<i32: 0>} : vector<16xi32>
    %xor3A_58 = arith.constant 4 : i32
    %xor3A_59 = vector.broadcast %xor3A_58 : i32 to vector<16xi32>
    %xor3A_60 = arith.xori %iota3A_57, %xor3A_59 : vector<16xi32>
    %reshape3A_61 = vector.shape_cast %xor3A_60 : vector<16xi32> to vector<16x1xi32>
    %iota3A_62 = tpu.iota {dimensions = array<i32: 0>} : vector<16xi32>
    %xor3A_63 = arith.constant 8 : i32
    %xor3A_64 = vector.broadcast %xor3A_63 : i32 to vector<16xi32>
    %xor3A_65 = arith.xori %iota3A_62, %xor3A_64 : vector<16xi32>
    %reshape3A_66 = vector.shape_cast %xor3A_65 : vector<16xi32> to vector<16x1xi32>
    %add3A_67 = arith.constant 0 : i32
    %add3A_68 = arith.addi %mul3A_2, %add3A_67 : i32
    %dma_start3A = arith.constant 0 : i32
    %dma_start3A_69 = arith.constant 0 : i32
    %dma_start3A_70 = arith.constant 0 : i32
    %dma_start3A_71 = tpu.memref_slice %arg11[%dma_start3A, %dma_start3A_69, %dma_start3A_70] : memref<2x3x128xi32, #tpu.memory_space<vmem>> -> memref<1x3x128xi32, #tpu.memory_space<vmem>>
    %dma_start3A_72 = tpu.memref_squeeze %dma_start3A_71 : memref<1x3x128xi32, #tpu.memory_space<vmem>> -> memref<3x128xi32, #tpu.memory_space<vmem>>
    %dma_start3A_73 = arith.constant 0 : i32
    %dma_start3A_74 = tpu.memref_slice %arg2[%dma_start3A_73, %add3A_68] : memref<3x204800xi32, #tpu.memory_space<hbm>> -> memref<3x128xi32, #tpu.memory_space<hbm>>
    %dma_start3A_75 = arith.constant 0 : i32
    %dma_start3A_76 = arith.constant 0 : i32
    %dma_start3A_77 = tpu.memref_slice %arg11[%dma_start3A, %dma_start3A_75, %dma_start3A_76] : memref<2x3x128xi32, #tpu.memory_space<vmem>> -> memref<1x3x128xi32, #tpu.memory_space<vmem>>
    %dma_start3A_78 = tpu.memref_squeeze %dma_start3A_77 : memref<1x3x128xi32, #tpu.memory_space<vmem>> -> memref<3x128xi32, #tpu.memory_space<vmem>>
    %dma_start3A_79 = arith.constant 0 : i32
    %dma_start3A_80 = tpu.memref_slice %arg2[%dma_start3A_79, %add3A_68] : memref<3x204800xi32, #tpu.memory_space<hbm>> -> memref<3x128xi32, #tpu.memory_space<hbm>>
    tpu.enqueue_dma source(%dma_start3A_80 : memref<3x128xi32, #tpu.memory_space<hbm>>) target(%dma_start3A_78 : memref<3x128xi32, #tpu.memory_space<vmem>>) target_semaphore(%arg20 : memref<!tpu.dma_semaphore, #tpu.memory_space<semaphore_mem>>)
    %add3A_81 = arith.constant 128 : i32
    %add3A_82 = arith.addi %mul3A_2, %add3A_81 : i32
    %dma_start3A_83 = arith.constant 1 : i32
    %dma_start3A_84 = arith.constant 0 : i32
    %dma_start3A_85 = arith.constant 0 : i32
    %dma_start3A_86 = tpu.memref_slice %arg11[%dma_start3A_83, %dma_start3A_84, %dma_start3A_85] : memref<2x3x128xi32, #tpu.memory_space<vmem>> -> memref<1x3x128xi32, #tpu.memory_space<vmem>>
    %dma_start3A_87 = tpu.memref_squeeze %dma_start3A_86 : memref<1x3x128xi32, #tpu.memory_space<vmem>> -> memref<3x128xi32, #tpu.memory_space<vmem>>
    %dma_start3A_88 = arith.constant 0 : i32
    %dma_start3A_89 = tpu.memref_slice %arg2[%dma_start3A_88, %add3A_82] : memref<3x204800xi32, #tpu.memory_space<hbm>> -> memref<3x128xi32, #tpu.memory_space<hbm>>
    %dma_start3A_90 = arith.constant 0 : i32
    %dma_start3A_91 = arith.constant 0 : i32
    %dma_start3A_92 = tpu.memref_slice %arg11[%dma_start3A_83, %dma_start3A_90, %dma_start3A_91] : memref<2x3x128xi32, #tpu.memory_space<vmem>> -> memref<1x3x128xi32, #tpu.memory_space<vmem>>
    %dma_start3A_93 = tpu.memref_squeeze %dma_start3A_92 : memref<1x3x128xi32, #tpu.memory_space<vmem>> -> memref<3x128xi32, #tpu.memory_space<vmem>>
    %dma_start3A_94 = arith.constant 0 : i32
    %dma_start3A_95 = tpu.memref_slice %arg2[%dma_start3A_94, %add3A_82] : memref<3x204800xi32, #tpu.memory_space<hbm>> -> memref<3x128xi32, #tpu.memory_space<hbm>>
    tpu.enqueue_dma source(%dma_start3A_95 : memref<3x128xi32, #tpu.memory_space<hbm>>) target(%dma_start3A_93 : memref<3x128xi32, #tpu.memory_space<vmem>>) target_semaphore(%arg21 : memref<!tpu.dma_semaphore, #tpu.memory_space<semaphore_mem>>)
    %add3A_96 = arith.constant 0 : i32
    %add3A_97 = arith.addi %mul3A_2, %add3A_96 : i32
    %dma_wait3A = arith.constant 0 : i32
    %dma_wait3A_98 = arith.constant 0 : i32
    %dma_wait3A_99 = arith.constant 0 : i32
    %dma_wait3A_100 = tpu.memref_slice %arg11[%dma_wait3A, %dma_wait3A_98, %dma_wait3A_99] : memref<2x3x128xi32, #tpu.memory_space<vmem>> -> memref<1x3x128xi32, #tpu.memory_space<vmem>>
    %dma_wait3A_101 = tpu.memref_squeeze %dma_wait3A_100 : memref<1x3x128xi32, #tpu.memory_space<vmem>> -> memref<3x128xi32, #tpu.memory_space<vmem>>
    %dma_wait3A_102 = arith.constant 0 : i32
    %dma_wait3A_103 = tpu.memref_slice %arg2[%dma_wait3A_102, %add3A_97] : memref<3x204800xi32, #tpu.memory_space<hbm>> -> memref<3x128xi32, #tpu.memory_space<hbm>>
    %dma_wait3A_104 = arith.constant 0 : i32
    %dma_wait3A_105 = arith.constant 0 : i32
    %dma_wait3A_106 = tpu.memref_slice %arg11[%dma_wait3A, %dma_wait3A_104, %dma_wait3A_105] : memref<2x3x128xi32, #tpu.memory_space<vmem>> -> memref<1x3x128xi32, #tpu.memory_space<vmem>>
    %dma_wait3A_107 = tpu.memref_squeeze %dma_wait3A_106 : memref<1x3x128xi32, #tpu.memory_space<vmem>> -> memref<3x128xi32, #tpu.memory_space<vmem>>
    %dma_wait3A_108 = arith.constant 0 : i32
    %dma_wait3A_109 = tpu.memref_slice %arg2[%dma_wait3A_108, %add3A_97] : memref<3x204800xi32, #tpu.memory_space<hbm>> -> memref<3x128xi32, #tpu.memory_space<hbm>>
    tpu.wait_dma2 semaphore(%arg20 : memref<!tpu.dma_semaphore, #tpu.memory_space<semaphore_mem>>) src(%dma_wait3A_109 : memref<3x128xi32, #tpu.memory_space<hbm>>) dst(%dma_wait3A_107 : memref<3x128xi32, #tpu.memory_space<vmem>>)
    %get3A_110 = arith.constant 0 : i32
    %get3A_111 = arith.constant 0 : i32
    %get3A_112 = arith.index_cast %get3A_110 : i32 to index
    %get3A_113 = arith.index_cast %get3A_111 : i32 to index
    %get3A_114 = arith.constant 0 : index
    %get3A_115 = tpu.vector_load %arg11[%get3A_112, %get3A_113, %get3A_114] {strides = array<i32>} : memref<2x3x128xi32, #tpu.memory_space<vmem>>, vector<1x1x16xi32>,
    %get3A_116 = vector.shape_cast %get3A_115 : vector<1x1x16xi32> to vector<16xi32>
    %swap3A = arith.constant 0 : i32
    %swap3A_117 = arith.index_cast %swap3A : i32 to index
    %swap3A_118 = arith.constant 0 : index
    %swap3A_119 = tpu.vector_load %arg13[%swap3A_117, %swap3A_118] {strides = array<i32>} : memref<2x128xi32, #tpu.memory_space<vmem>>, vector<1x16xi32>,
    %swap3A_120 = vector.shape_cast %swap3A_119 : vector<1x16xi32> to vector<16xi32>
    %swap3A_121 = vector.shape_cast %get3A_116 : vector<16xi32> to vector<1x16xi32>
    tpu.vector_store %arg13[%swap3A_117, %swap3A_118], %swap3A_121 {strides = array<i32>} : memref<2x128xi32, #tpu.memory_space<vmem>>, vector<1x16xi32>,
    %get3A_122 = arith.constant 0 : i32
    %get3A_123 = arith.constant 1 : i32
    %get3A_124 = arith.index_cast %get3A_122 : i32 to index
    %get3A_125 = arith.index_cast %get3A_123 : i32 to index
    %get3A_126 = arith.constant 0 : index
    %get3A_127 = tpu.vector_load %arg11[%get3A_124, %get3A_125, %get3A_126] {strides = array<i32>} : memref<2x3x128xi32, #tpu.memory_space<vmem>>, vector<1x1x16xi32>,
    %get3A_128 = vector.shape_cast %get3A_127 : vector<1x1x16xi32> to vector<16xi32>
    %get3A_129 = arith.constant 0 : i32
    %get3A_130 = arith.constant 2 : i32
    %get3A_131 = arith.index_cast %get3A_129 : i32 to index
    %get3A_132 = arith.index_cast %get3A_130 : i32 to index
    %get3A_133 = arith.constant 0 : index
    %get3A_134 = tpu.vector_load %arg11[%get3A_131, %get3A_132, %get3A_133] {strides = array<i32>} : memref<2x3x128xi32, #tpu.memory_space<vmem>>, vector<1x1x16xi32>,
    %get3A_135 = vector.shape_cast %get3A_134 : vector<1x1x16xi32> to vector<16xi32>
    %add3A_136 = arith.addi %get3A_128, %get3A_128 : vector<16xi32>
    %add3A_137 = arith.addi %add3A_136, %get3A_135 : vector<16xi32>
    %swap3A_138 = arith.constant 0 : i32
    %swap3A_139 = arith.index_cast %swap3A_138 : i32 to index
    %swap3A_140 = arith.constant 0 : index
    %swap3A_141 = tpu.vector_load %arg12[%swap3A_139, %swap3A_140] {strides = array<i32>} : memref<2x128xi32, #tpu.memory_space<vmem>>, vector<1x16xi32>,
    %swap3A_142 = vector.shape_cast %swap3A_141 : vector<1x16xi32> to vector<16xi32>
    %swap3A_143 = vector.shape_cast %add3A_137 : vector<16xi32> to vector<1x16xi32>
    tpu.vector_store %arg12[%swap3A_139, %swap3A_140], %swap3A_143 {strides = array<i32>} : memref<2x128xi32, #tpu.memory_space<vmem>>, vector<1x16xi32>,
    %get3A_144 = arith.constant 0 : i32
    %get3A_145 = arith.constant 0 : i32
    %get3A_146 = arith.index_cast %get3A_144 : i32 to index
    %get3A_147 = arith.index_cast %get3A_145 : i32 to index
    %get3A_148 = arith.constant 16 : index
    %get3A_149 = tpu.vector_load %arg11[%get3A_146, %get3A_147, %get3A_148] {strides = array<i32>} : memref<2x3x128xi32, #tpu.memory_space<vmem>>, vector<1x1x16xi32>,
    %get3A_150 = vector.shape_cast %get3A_149 : vector<1x1x16xi32> to vector<16xi32>
    %swap3A_151 = arith.constant 0 : i32
    %swap3A_152 = arith.index_cast %swap3A_151 : i32 to index
    %swap3A_153 = arith.constant 16 : index
    %swap3A_154 = tpu.vector_load %arg13[%swap3A_152, %swap3A_153] {strides = array<i32>} : memref<2x128xi32, #tpu.memory_space<vmem>>, vector<1x16xi32>,
    %swap3A_155 = vector.shape_cast %swap3A_154 : vector<1x16xi32> to vector<16xi32>
    %swap3A_156 = vector.shape_cast %get3A_150 : vector<16xi32> to vector<1x16xi32>
    tpu.vector_store %arg13[%swap3A_152, %swap3A_153], %swap3A_156 {strides = array<i32>} : memref<2x128xi32, #tpu.memory_space<vmem>>, vector<1x16xi32>,
    %get3A_157 = arith.constant 0 : i32
    %get3A_158 = arith.constant 1 : i32
    %get3A_159 = arith.index_cast %get3A_157 : i32 to index
    %get3A_160 = arith.index_cast %get3A_158 : i32 to index
    %get3A_161 = arith.constant 16 : index
    %get3A_162 = tpu.vector_load %arg11[%get3A_159, %get3A_160, %get3A_161] {strides = array<i32>} : memref<2x3x128xi32, #tpu.memory_space<vmem>>, vector<1x1x16xi32>,
    %get3A_163 = vector.shape_cast %get3A_162 : vector<1x1x16xi32> to vector<16xi32>
    %get3A_164 = arith.constant 0 : i32
    %get3A_165 = arith.constant 2 : i32
    %get3A_166 = arith.index_cast %get3A_164 : i32 to index
    %get3A_167 = arith.index_cast %get3A_165 : i32 to index
    %get3A_168 = arith.constant 16 : index
    %get3A_169 = tpu.vector_load %arg11[%get3A_166, %get3A_167, %get3A_168] {strides = array<i32>} : memref<2x3x128xi32, #tpu.memory_space<vmem>>, vector<1x1x16xi32>,
    %get3A_170 = vector.shape_cast %get3A_169 : vector<1x1x16xi32> to vector<16xi32>
    %add3A_171 = arith.addi %get3A_163, %get3A_163 : vector<16xi32>
    %add3A_172 = arith.addi %add3A_171, %get3A_170 : vector<16xi32>
    %swap3A_173 = arith.constant 0 : i32
    %swap3A_174 = arith.index_cast %swap3A_173 : i32 to index
    %swap3A_175 = arith.constant 16 : index
    %swap3A_176 = tpu.vector_load %arg12[%swap3A_174, %swap3A_175] {strides = array<i32>} : memref<2x128xi32, #tpu.memory_space<vmem>>, vector<1x16xi32>,
    %swap3A_177 = vector.shape_cast %swap3A_176 : vector<1x16xi32> to vector<16xi32>
    %swap3A_178 = vector.shape_cast %add3A_172 : vector<16xi32> to vector<1x16xi32>
    tpu.vector_store %arg12[%swap3A_174, %swap3A_175], %swap3A_178 {strides = array<i32>} : memref<2x128xi32, #tpu.memory_space<vmem>>, vector<1x16xi32>,
    %get3A_179 = arith.constant 0 : i32
    %get3A_180 = arith.constant 0 : i32
    %get3A_181 = arith.index_cast %get3A_179 : i32 to index
    %get3A_182 = arith.index_cast %get3A_180 : i32 to index
    %get3A_183 = arith.constant 32 : index
    %get3A_184 = tpu.vector_load %arg11[%get3A_181, %get3A_182, %get3A_183] {strides = array<i32>} : memref<2x3x128xi32, #tpu.memory_space<vmem>>, vector<1x1x16xi32>,
    %get3A_185 = vector.shape_cast %get3A_184 : vector<1x1x16xi32> to vector<16xi32>
    %swap3A_186 = arith.constant 0 : i32
    %swap3A_187 = arith.index_cast %swap3A_186 : i32 to index
    %swap3A_188 = arith.constant 32 : index
    %swap3A_189 = tpu.vector_load %arg13[%swap3A_187, %swap3A_188] {strides = array<i32>} : memref<2x128xi32, #tpu.memory_space<vmem>>, vector<1x16xi32>,
    %swap3A_190 = vector.shape_cast %swap3A_189 : vector<1x16xi32> to vector<16xi32>
    %swap3A_191 = vector.shape_cast %get3A_185 : vector<16xi32> to vector<1x16xi32>
    tpu.vector_store %arg13[%swap3A_187, %swap3A_188], %swap3A_191 {strides = array<i32>} : memref<2x128xi32, #tpu.memory_space<vmem>>, vector<1x16xi32>,
    %get3A_192 = arith.constant 0 : i32
    %get3A_193 = arith.constant 1 : i32
    %get3A_194 = arith.index_cast %get3A_192 : i32 to index
    %get3A_195 = arith.index_cast %get3A_193 : i32 to index
    %get3A_196 = arith.constant 32 : index
    %get3A_197 = tpu.vector_load %arg11[%get3A_194, %get3A_195, %get3A_196] {strides = array<i32>} : memref<2x3x128xi32, #tpu.memory_space<vmem>>, vector<1x1x16xi32>,
    %get3A_198 = vector.shape_cast %get3A_197 : vector<1x1x16xi32> to vector<16xi32>
    %get3A_199 = arith.constant 0 : i32
    %get3A_200 = arith.constant 2 : i32
    %get3A_201 = arith.index_cast %get3A_199 : i32 to index
    %get3A_202 = arith.index_cast %get3A_200 : i32 to index
    %get3A_203 = arith.constant 32 : index
    %get3A_204 = tpu.vector_load %arg11[%get3A_201, %get3A_202, %get3A_203] {strides = array<i32>} : memref<2x3x128xi32, #tpu.memory_space<vmem>>, vector<1x1x16xi32>,
    %get3A_205 = vector.shape_cast %get3A_204 : vector<1x1x16xi32> to vector<16xi32>
    %add3A_206 = arith.addi %get3A_198, %get3A_198 : vector<16xi32>
    %add3A_207 = arith.addi %add3A_206, %get3A_205 : vector<16xi32>
    %swap3A_208 = arith.constant 0 : i32
    %swap3A_209 = arith.index_cast %swap3A_208 : i32 to index
    %swap3A_210 = arith.constant 32 : index
    %swap3A_211 = tpu.vector_load %arg12[%swap3A_209, %swap3A_210] {strides = array<i32>} : memref<2x128xi32, #tpu.memory_space<vmem>>, vector<1x16xi32>,
    %swap3A_212 = vector.shape_cast %swap3A_211 : vector<1x16xi32> to vector<16xi32>
    %swap3A_213 = vector.shape_cast %add3A_207 : vector<16xi32> to vector<1x16xi32>
    tpu.vector_store %arg12[%swap3A_209, %swap3A_210], %swap3A_213 {strides = array<i32>} : memref<2x128xi32, #tpu.memory_space<vmem>>, vector<1x16xi32>,
    %get3A_214 = arith.constant 0 : i32
    %get3A_215 = arith.constant 0 : i32
    %get3A_216 = arith.index_cast %get3A_214 : i32 to index
    %get3A_217 = arith.index_cast %get3A_215 : i32 to index
    %get3A_218 = arith.constant 48 : index
    %get3A_219 = tpu.vector_load %arg11[%get3A_216, %get3A_217, %get3A_218] {strides = array<i32>} : memref<2x3x128xi32, #tpu.memory_space<vmem>>, vector<1x1x16xi32>,
    %get3A_220 = vector.shape_cast %get3A_219 : vector<1x1x16xi32> to vector<16xi32>
    %swap3A_221 = arith.constant 0 : i32
    %swap3A_222 = arith.index_cast %swap3A_221 : i32 to index
    %swap3A_223 = arith.constant 48 : index
    %swap3A_224 = tpu.vector_load %arg13[%swap3A_222, %swap3A_223] {strides = array<i32>} : memref<2x128xi32, #tpu.memory_space<vmem>>, vector<1x16xi32>,
    %swap3A_225 = vector.shape_cast %swap3A_224 : vector<1x16xi32> to vector<16xi32>
    %swap3A_226 = vector.shape_cast %get3A_220 : vector<16xi32> to vector<1x16xi32>
    tpu.vector_store %arg13[%swap3A_222, %swap3A_223], %swap3A_226 {strides = array<i32>} : memref<2x128xi32, #tpu.memory_space<vmem>>, vector<1x16xi32>,
    %get3A_227 = arith.constant 0 : i32
    %get3A_228 = arith.constant 1 : i32
    %get3A_229 = arith.index_cast %get3A_227 : i32 to index
    %get3A_230 = arith.index_cast %get3A_228 : i32 to index
    %get3A_231 = arith.constant 48 : index
    %get3A_232 = tpu.vector_load %arg11[%get3A_229, %get3A_230, %get3A_231] {strides = array<i32>} : memref<2x3x128xi32, #tpu.memory_space<vmem>>, vector<1x1x16xi32>,
    %get3A_233 = vector.shape_cast %get3A_232 : vector<1x1x16xi32> to vector<16xi32>
    %get3A_234 = arith.constant 0 : i32
    %get3A_235 = arith.constant 2 : i32
    %get3A_236 = arith.index_cast %get3A_234 : i32 to index
    %get3A_237 = arith.index_cast %get3A_235 : i32 to index
    %get3A_238 = arith.constant 48 : index
    %get3A_239 = tpu.vector_load %arg11[%get3A_236, %get3A_237, %get3A_238] {strides = array<i32>} : memref<2x3x128xi32, #tpu.memory_space<vmem>>, vector<1x1x16xi32>,
    %get3A_240 = vector.shape_cast %get3A_239 : vector<1x1x16xi32> to vector<16xi32>
    %add3A_241 = arith.addi %get3A_233, %get3A_233 : vector<16xi32>
    %add3A_242 = arith.addi %add3A_241, %get3A_240 : vector<16xi32>
    %swap3A_243 = arith.constant 0 : i32
    %swap3A_244 = arith.index_cast %swap3A_243 : i32 to index
    %swap3A_245 = arith.constant 48 : index
    %swap3A_246 = tpu.vector_load %arg12[%swap3A_244, %swap3A_245] {strides = array<i32>} : memref<2x128xi32, #tpu.memory_space<vmem>>, vector<1x16xi32>,
    %swap3A_247 = vector.shape_cast %swap3A_246 : vector<1x16xi32> to vector<16xi32>
    %swap3A_248 = vector.shape_cast %add3A_242 : vector<16xi32> to vector<1x16xi32>
    tpu.vector_store %arg12[%swap3A_244, %swap3A_245], %swap3A_248 {strides = array<i32>} : memref<2x128xi32, #tpu.memory_space<vmem>>, vector<1x16xi32>,
    %get3A_249 = arith.constant 0 : i32
    %get3A_250 = arith.constant 0 : i32
    %get3A_251 = arith.index_cast %get3A_249 : i32 to index
    %get3A_252 = arith.index_cast %get3A_250 : i32 to index
    %get3A_253 = arith.constant 64 : index
    %get3A_254 = tpu.vector_load %arg11[%get3A_251, %get3A_252, %get3A_253] {strides = array<i32>} : memref<2x3x128xi32, #tpu.memory_space<vmem>>, vector<1x1x16xi32>,
    %get3A_255 = vector.shape_cast %get3A_254 : vector<1x1x16xi32> to vector<16xi32>
    %swap3A_256 = arith.constant 0 : i32
    %swap3A_257 = arith.index_cast %swap3A_256 : i32 to index
    %swap3A_258 = arith.constant 64 : index
    %swap3A_259 = tpu.vector_load %arg13[%swap3A_257, %swap3A_258] {strides = array<i32>} : memref<2x128xi32, #tpu.memory_space<vmem>>, vector<1x16xi32>,
    %swap3A_260 = vector.shape_cast %swap3A_259 : vector<1x16xi32> to vector<16xi32>
    %swap3A_261 = vector.shape_cast %get3A_255 : vector<16xi32> to vector<1x16xi32>
    tpu.vector_store %arg13[%swap3A_257, %swap3A_258], %swap3A_261 {strides = array<i32>} : memref<2x128xi32, #tpu.memory_space<vmem>>, vector<1x16xi32>,
    %get3A_262 = arith.constant 0 : i32
    %get3A_263 = arith.constant 1 : i32
    %get3A_264 = arith.index_cast %get3A_262 : i32 to index
    %get3A_265 = arith.index_cast %get3A_263 : i32 to index
    %get3A_266 = arith.constant 64 : index
    %get3A_267 = tpu.vector_load %arg11[%get3A_264, %get3A_265, %get3A_266] {strides = array<i32>} : memref<2x3x128xi32, #tpu.memory_space<vmem>>, vector<1x1x16xi32>,
    %get3A_268 = vector.shape_cast %get3A_267 : vector<1x1x16xi32> to vector<16xi32>
    %get3A_269 = arith.constant 0 : i32
    %get3A_270 = arith.constant 2 : i32
    %get3A_271 = arith.index_cast %get3A_269 : i32 to index
    %get3A_272 = arith.index_cast %get3A_270 : i32 to index
    %get3A_273 = arith.constant 64 : index
    %get3A_274 = tpu.vector_load %arg11[%get3A_271, %get3A_272, %get3A_273] {strides = array<i32>} : memref<2x3x128xi32, #tpu.memory_space<vmem>>, vector<1x1x16xi32>,
    %get3A_275 = vector.shape_cast %get3A_274 : vector<1x1x16xi32> to vector<16xi32>
    %add3A_276 = arith.addi %get3A_268, %get3A_268 : vector<16xi32>
    %add3A_277 = arith.addi %add3A_276, %get3A_275 : vector<16xi32>
    %swap3A_278 = arith.constant 0 : i32
    %swap3A_279 = arith.index_cast %swap3A_278 : i32 to index
    %swap3A_280 = arith.constant 64 : index
    %swap3A_281 = tpu.vector_load %arg12[%swap3A_279, %swap3A_280] {strides = array<i32>} : memref<2x128xi32, #tpu.memory_space<vmem>>, vector<1x16xi32>,
    %swap3A_282 = vector.shape_cast %swap3A_281 : vector<1x16xi32> to vector<16xi32>
    %swap3A_283 = vector.shape_cast %add3A_277 : vector<16xi32> to vector<1x16xi32>
    tpu.vector_store %arg12[%swap3A_279, %swap3A_280], %swap3A_283 {strides = array<i32>} : memref<2x128xi32, #tpu.memory_space<vmem>>, vector<1x16xi32>,
    %get3A_284 = arith.constant 0 : i32
    %get3A_285 = arith.constant 0 : i32
    %get3A_286 = arith.index_cast %get3A_284 : i32 to index
    %get3A_287 = arith.index_cast %get3A_285 : i32 to index
    %get3A_288 = arith.constant 80 : index
    %get3A_289 = tpu.vector_load %arg11[%get3A_286, %get3A_287, %get3A_288] {strides = array<i32>} : memref<2x3x128xi32, #tpu.memory_space<vmem>>, vector<1x1x16xi32>,
    %get3A_290 = vector.shape_cast %get3A_289 : vector<1x1x16xi32> to vector<16xi32>
    %swap3A_291 = arith.constant 0 : i32
    %swap3A_292 = arith.index_cast %swap3A_291 : i32 to index
    %swap3A_293 = arith.constant 80 : index
    %swap3A_294 = tpu.vector_load %arg13[%swap3A_292, %swap3A_293] {strides = array<i32>} : memref<2x128xi32, #tpu.memory_space<vmem>>, vector<1x16xi32>,
    %swap3A_295 = vector.shape_cast %swap3A_294 : vector<1x16xi32> to vector<16xi32>
    %swap3A_296 = vector.shape_cast %get3A_290 : vector<16xi32> to vector<1x16xi32>
    tpu.vector_store %arg13[%swap3A_292, %swap3A_293], %swap3A_296 {strides = array<i32>} : memref<2x128xi32, #tpu.memory_space<vmem>>, vector<1x16xi32>,
    %get3A_297 = arith.constant 0 : i32
    %get3A_298 = arith.constant 1 : i32
    %get3A_299 = arith.index_cast %get3A_297 : i32 to index
    %get3A_300 = arith.index_cast %get3A_298 : i32 to index
    %get3A_301 = arith.constant 80 : index
    %get3A_302 = tpu.vector_load %arg11[%get3A_299, %get3A_300, %get3A_301] {strides = array<i32>} : memref<2x3x128xi32, #tpu.memory_space<vmem>>, vector<1x1x16xi32>,
    %get3A_303 = vector.shape_cast %get3A_302 : vector<1x1x16xi32> to vector<16xi32>
    %get3A_304 = arith.constant 0 : i32
    %get3A_305 = arith.constant 2 : i32
    %get3A_306 = arith.index_cast %get3A_304 : i32 to index
    %get3A_307 = arith.index_cast %get3A_305 : i32 to index
    %get3A_308 = arith.constant 80 : index
    %get3A_309 = tpu.vector_load %arg11[%get3A_306, %get3A_307, %get3A_308] {strides = array<i32>} : memref<2x3x128xi32, #tpu.memory_space<vmem>>, vector<1x1x16xi32>,
    %get3A_310 = vector.shape_cast %get3A_309 : vector<1x1x16xi32> to vector<16xi32>
    %add3A_311 = arith.addi %get3A_303, %get3A_303 : vector<16xi32>
    %add3A_312 = arith.addi %add3A_311, %get3A_310 : vector<16xi32>
    %swap3A_313 = arith.constant 0 : i32
    %swap3A_314 = arith.index_cast %swap3A_313 : i32 to index
    %swap3A_315 = arith.constant 80 : index
    %swap3A_316 = tpu.vector_load %arg12[%swap3A_314, %swap3A_315] {strides = array<i32>} : memref<2x128xi32, #tpu.memory_space<vmem>>, vector<1x16xi32>,
    %swap3A_317 = vector.shape_cast %swap3A_316 : vector<1x16xi32> to vector<16xi32>
    %swap3A_318 = vector.shape_cast %add3A_312 : vector<16xi32> to vector<1x16xi32>
    tpu.vector_store %arg12[%swap3A_314, %swap3A_315], %swap3A_318 {strides = array<i32>} : memref<2x128xi32, #tpu.memory_space<vmem>>, vector<1x16xi32>,
    %get3A_319 = arith.constant 0 : i32
    %get3A_320 = arith.constant 0 : i32
    %get3A_321 = arith.index_cast %get3A_319 : i32 to index
    %get3A_322 = arith.index_cast %get3A_320 : i32 to index
    %get3A_323 = arith.constant 96 : index
    %get3A_324 = tpu.vector_load %arg11[%get3A_321, %get3A_322, %get3A_323] {strides = array<i32>} : memref<2x3x128xi32, #tpu.memory_space<vmem>>, vector<1x1x16xi32>,
    %get3A_325 = vector.shape_cast %get3A_324 : vector<1x1x16xi32> to vector<16xi32>
    %swap3A_326 = arith.constant 0 : i32
    %swap3A_327 = arith.index_cast %swap3A_326 : i32 to index
    %swap3A_328 = arith.constant 96 : index
    %swap3A_329 = tpu.vector_load %arg13[%swap3A_327, %swap3A_328] {strides = array<i32>} : memref<2x128xi32, #tpu.memory_space<vmem>>, vector<1x16xi32>,
    %swap3A_330 = vector.shape_cast %swap3A_329 : vector<1x16xi32> to vector<16xi32>
    %swap3A_331 = vector.shape_cast %get3A_325 : vector<16xi32> to vector<1x16xi32>
    tpu.vector_store %arg13[%swap3A_327, %swap3A_328], %swap3A_331 {strides = array<i32>} : memref<2x128xi32, #tpu.memory_space<vmem>>, vector<1x16xi32>,
    %get3A_332 = arith.constant 0 : i32
    %get3A_333 = arith.constant 1 : i32
    %get3A_334 = arith.index_cast %get3A_332 : i32 to index
    %get3A_335 = arith.index_cast %get3A_333 : i32 to index
    %get3A_336 = arith.constant 96 : index
    %get3A_337 = tpu.vector_load %arg11[%get3A_334, %get3A_335, %get3A_336] {strides = array<i32>} : memref<2x3x128xi32, #tpu.memory_space<vmem>>, vector<1x1x16xi32>,
    %get3A_338 = vector.shape_cast %get3A_337 : vector<1x1x16xi32> to vector<16xi32>
    %get3A_339 = arith.constant 0 : i32
    %get3A_340 = arith.constant 2 : i32
    %get3A_341 = arith.index_cast %get3A_339 : i32 to index
    %get3A_342 = arith.index_cast %get3A_340 : i32 to index
    %get3A_343 = arith.constant 96 : index
    %get3A_344 = tpu.vector_load %arg11[%get3A_341, %get3A_342, %get3A_343] {strides = array<i32>} : memref<2x3x128xi32, #tpu.memory_space<vmem>>, vector<1x1x16xi32>,
    %get3A_345 = vector.shape_cast %get3A_344 : vector<1x1x16xi32> to vector<16xi32>
    %add3A_346 = arith.addi %get3A_338, %get3A_338 : vector<16xi32>
    %add3A_347 = arith.addi %add3A_346, %get3A_345 : vector<16xi32>
    %swap3A_348 = arith.constant 0 : i32
    %swap3A_349 = arith.index_cast %swap3A_348 : i32 to index
    %swap3A_350 = arith.constant 96 : index
    %swap3A_351 = tpu.vector_load %arg12[%swap3A_349, %swap3A_350] {strides = array<i32>} : memref<2x128xi32, #tpu.memory_space<vmem>>, vector<1x16xi32>,
    %swap3A_352 = vector.shape_cast %swap3A_351 : vector<1x16xi32> to vector<16xi32>
    %swap3A_353 = vector.shape_cast %add3A_347 : vector<16xi32> to vector<1x16xi32>
    tpu.vector_store %arg12[%swap3A_349, %swap3A_350], %swap3A_353 {strides = array<i32>} : memref<2x128xi32, #tpu.memory_space<vmem>>, vector<1x16xi32>,
    %get3A_354 = arith.constant 0 : i32
    %get3A_355 = arith.constant 0 : i32
    %get3A_356 = arith.index_cast %get3A_354 : i32 to index
    %get3A_357 = arith.index_cast %get3A_355 : i32 to index
    %get3A_358 = arith.constant 112 : index
    %get3A_359 = tpu.vector_load %arg11[%get3A_356, %get3A_357, %get3A_358] {strides = array<i32>} : memref<2x3x128xi32, #tpu.memory_space<vmem>>, vector<1x1x16xi32>,
    %get3A_360 = vector.shape_cast %get3A_359 : vector<1x1x16xi32> to vector<16xi32>
    %swap3A_361 = arith.constant 0 : i32
    %swap3A_362 = arith.index_cast %swap3A_361 : i32 to index
    %swap3A_363 = arith.constant 112 : index
    %swap3A_364 = tpu.vector_load %arg13[%swap3A_362, %swap3A_363] {strides = array<i32>} : memref<2x128xi32, #tpu.memory_space<vmem>>, vector<1x16xi32>,
    %swap3A_365 = vector.shape_cast %swap3A_364 : vector<1x16xi32> to vector<16xi32>
    %swap3A_366 = vector.shape_cast %get3A_360 : vector<16xi32> to vector<1x16xi32>
    tpu.vector_store %arg13[%swap3A_362, %swap3A_363], %swap3A_366 {strides = array<i32>} : memref<2x128xi32, #tpu.memory_space<vmem>>, vector<1x16xi32>,
    %get3A_367 = arith.constant 0 : i32
    %get3A_368 = arith.constant 1 : i32
    %get3A_369 = arith.index_cast %get3A_367 : i32 to index
    %get3A_370 = arith.index_cast %get3A_368 : i32 to index
    %get3A_371 = arith.constant 112 : index
    %get3A_372 = tpu.vector_load %arg11[%get3A_369, %get3A_370, %get3A_371] {strides = array<i32>} : memref<2x3x128xi32, #tpu.memory_space<vmem>>, vector<1x1x16xi32>,
    %get3A_373 = vector.shape_cast %get3A_372 : vector<1x1x16xi32> to vector<16xi32>
    %get3A_374 = arith.constant 0 : i32
    %get3A_375 = arith.constant 2 : i32
    %get3A_376 = arith.index_cast %get3A_374 : i32 to index
    %get3A_377 = arith.index_cast %get3A_375 : i32 to index
    %get3A_378 = arith.constant 112 : index
    %get3A_379 = tpu.vector_load %arg11[%get3A_376, %get3A_377, %get3A_378] {strides = array<i32>} : memref<2x3x128xi32, #tpu.memory_space<vmem>>, vector<1x1x16xi32>,
    %get3A_380 = vector.shape_cast %get3A_379 : vector<1x1x16xi32> to vector<16xi32>
    %add3A_381 = arith.addi %get3A_373, %get3A_373 : vector<16xi32>
    %add3A_382 = arith.addi %add3A_381, %get3A_380 : vector<16xi32>
    %swap3A_383 = arith.constant 0 : i32
    %swap3A_384 = arith.index_cast %swap3A_383 : i32 to index
    %swap3A_385 = arith.constant 112 : index
    %swap3A_386 = tpu.vector_load %arg12[%swap3A_384, %swap3A_385] {strides = array<i32>} : memref<2x128xi32, #tpu.memory_space<vmem>>, vector<1x16xi32>,
    %swap3A_387 = vector.shape_cast %swap3A_386 : vector<1x16xi32> to vector<16xi32>
    %swap3A_388 = vector.shape_cast %add3A_382 : vector<16xi32> to vector<1x16xi32>
    tpu.vector_store %arg12[%swap3A_384, %swap3A_385], %swap3A_388 {strides = array<i32>} : memref<2x128xi32, #tpu.memory_space<vmem>>, vector<1x16xi32>,
    %dma_start3A_389 = arith.constant 0 : i32
    %dma_start3A_390 = arith.constant 0 : i32
    %dma_start3A_391 = arith.constant 0 : i32
    %dma_start3A_392 = arith.constant 0 : i32
    %dma_start3A_393 = tpu.memref_slice %arg8[%dma_start3A_390, %dma_start3A_391, %dma_start3A_392] : memref<2x128x128xf32, #tpu.memory_space<vmem>> -> memref<1x128x128xf32, #tpu.memory_space<vmem>>
    %dma_start3A_394 = tpu.memref_squeeze %dma_start3A_393 : memref<1x128x128xf32, #tpu.memory_space<vmem>> -> memref<128x128xf32, #tpu.memory_space<vmem>>
    %dma_start3A_395 = arith.constant 0 : i32
    %dma_start3A_396 = tpu.memref_slice %arg13[%dma_start3A_389, %dma_start3A_395] : memref<2x128xi32, #tpu.memory_space<vmem>> -> memref<1x128xi32, #tpu.memory_space<vmem>>
    %dma_start3A_397 = tpu.memref_squeeze %dma_start3A_396 : memref<1x128xi32, #tpu.memory_space<vmem>> -> memref<128xi32, #tpu.memory_space<vmem>>
    %dma_start3A_398 = arith.constant 0 : i32
    %dma_start3A_399 = arith.constant 0 : i32
    %dma_start3A_400 = tpu.memref_slice %arg3[%dma_start3A_398, %dma_start3A_399] : memref<100000x128xf32, #tpu.memory_space<hbm>> -> memref<100000x128xf32, #tpu.memory_space<hbm>>
    tpu.enqueue_indirect_dma source(%dma_start3A_400 : memref<100000x128xf32, #tpu.memory_space<hbm>>) target(%dma_start3A_394 : memref<128x128xf32, #tpu.memory_space<vmem>>) offsets(%dma_start3A_397 : memref<128xi32, #tpu.memory_space<vmem>>) semaphore(%arg16 : memref<!tpu.dma_semaphore, #tpu.memory_space<semaphore_mem>>)
    %dma_start3A_401 = arith.constant 0 : i32
    %dma_start3A_402 = arith.constant 0 : i32
    %dma_start3A_403 = arith.constant 0 : i32
    %dma_start3A_404 = arith.constant 0 : i32
    %dma_start3A_405 = tpu.memref_slice %arg9[%dma_start3A_402, %dma_start3A_403, %dma_start3A_404] : memref<2x128x128xf32, #tpu.memory_space<vmem>> -> memref<1x128x128xf32, #tpu.memory_space<vmem>>
    %dma_start3A_406 = tpu.memref_squeeze %dma_start3A_405 : memref<1x128x128xf32, #tpu.memory_space<vmem>> -> memref<128x128xf32, #tpu.memory_space<vmem>>
    %dma_start3A_407 = arith.constant 0 : i32
    %dma_start3A_408 = tpu.memref_slice %arg12[%dma_start3A_401, %dma_start3A_407] : memref<2x128xi32, #tpu.memory_space<vmem>> -> memref<1x128xi32, #tpu.memory_space<vmem>>
    %dma_start3A_409 = tpu.memref_squeeze %dma_start3A_408 : memref<1x128xi32, #tpu.memory_space<vmem>> -> memref<128xi32, #tpu.memory_space<vmem>>
    %dma_start3A_410 = arith.constant 0 : i32
    %dma_start3A_411 = arith.constant 0 : i32
    %dma_start3A_412 = tpu.memref_slice %arg4[%dma_start3A_410, %dma_start3A_411] : memref<1024x128xf32, #tpu.memory_space<hbm>> -> memref<1024x128xf32, #tpu.memory_space<hbm>>
    tpu.enqueue_indirect_dma source(%dma_start3A_412 : memref<1024x128xf32, #tpu.memory_space<hbm>>) target(%dma_start3A_406 : memref<128x128xf32, #tpu.memory_space<vmem>>) offsets(%dma_start3A_409 : memref<128xi32, #tpu.memory_space<vmem>>) semaphore(%arg16 : memref<!tpu.dma_semaphore, #tpu.memory_space<semaphore_mem>>)
    %add3A_413 = arith.constant 256 : i32
    %add3A_414 = arith.addi %mul3A_2, %add3A_413 : i32
    %dma_start3A_415 = arith.constant 0 : i32
    %dma_start3A_416 = arith.constant 0 : i32
    %dma_start3A_417 = arith.constant 0 : i32
    %dma_start3A_418 = tpu.memref_slice %arg11[%dma_start3A_415, %dma_start3A_416, %dma_start3A_417] : memref<2x3x128xi32, #tpu.memory_space<vmem>> -> memref<1x3x128xi32, #tpu.memory_space<vmem>>
    %dma_start3A_419 = tpu.memref_squeeze %dma_start3A_418 : memref<1x3x128xi32, #tpu.memory_space<vmem>> -> memref<3x128xi32, #tpu.memory_space<vmem>>
    %dma_start3A_420 = arith.constant 0 : i32
    %dma_start3A_421 = tpu.memref_slice %arg2[%dma_start3A_420, %add3A_414] : memref<3x204800xi32, #tpu.memory_space<hbm>> -> memref<3x128xi32, #tpu.memory_space<hbm>>
    %dma_start3A_422 = arith.constant 0 : i32
    %dma_start3A_423 = arith.constant 0 : i32
    %dma_start3A_424 = tpu.memref_slice %arg11[%dma_start3A_415, %dma_start3A_422, %dma_start3A_423] : memref<2x3x128xi32, #tpu.memory_space<vmem>> -> memref<1x3x128xi32, #tpu.memory_space<vmem>>
    %dma_start3A_425 = tpu.memref_squeeze %dma_start3A_424 : memref<1x3x128xi32, #tpu.memory_space<vmem>> -> memref<3x128xi32, #tpu.memory_space<vmem>>
    %dma_start3A_426 = arith.constant 0 : i32
    %dma_start3A_427 = tpu.memref_slice %arg2[%dma_start3A_426, %add3A_414] : memref<3x204800xi32, #tpu.memory_space<hbm>> -> memref<3x128xi32, #tpu.memory_space<hbm>>
    tpu.enqueue_dma source(%dma_start3A_427 : memref<3x128xi32, #tpu.memory_space<hbm>>) target(%dma_start3A_425 : memref<3x128xi32, #tpu.memory_space<vmem>>) target_semaphore(%arg20 : memref<!tpu.dma_semaphore, #tpu.memory_space<semaphore_mem>>)
    %add3A_428 = arith.constant 128 : i32
    %add3A_429 = arith.addi %mul3A_2, %add3A_428 : i32
    %dma_wait3A_430 = arith.constant 1 : i32
    %dma_wait3A_431 = arith.constant 0 : i32
    %dma_wait3A_432 = arith.constant 0 : i32
    %dma_wait3A_433 = tpu.memref_slice %arg11[%dma_wait3A_430, %dma_wait3A_431, %dma_wait3A_432] : memref<2x3x128xi32, #tpu.memory_space<vmem>> -> memref<1x3x128xi32, #tpu.memory_space<vmem>>
    %dma_wait3A_434 = tpu.memref_squeeze %dma_wait3A_433 : memref<1x3x128xi32, #tpu.memory_space<vmem>> -> memref<3x128xi32, #tpu.memory_space<vmem>>
    %dma_wait3A_435 = arith.constant 0 : i32
    %dma_wait3A_436 = tpu.memref_slice %arg2[%dma_wait3A_435, %add3A_429] : memref<3x204800xi32, #tpu.memory_space<hbm>> -> memref<3x128xi32, #tpu.memory_space<hbm>>
    %dma_wait3A_437 = arith.constant 0 : i32
    %dma_wait3A_438 = arith.constant 0 : i32
    %dma_wait3A_439 = tpu.memref_slice %arg11[%dma_wait3A_430, %dma_wait3A_437, %dma_wait3A_438] : memref<2x3x128xi32, #tpu.memory_space<vmem>> -> memref<1x3x128xi32, #tpu.memory_space<vmem>>
    %dma_wait3A_440 = tpu.memref_squeeze %dma_wait3A_439 : memref<1x3x128xi32, #tpu.memory_space<vmem>> -> memref<3x128xi32, #tpu.memory_space<vmem>>
    %dma_wait3A_441 = arith.constant 0 : i32
    %dma_wait3A_442 = tpu.memref_slice %arg2[%dma_wait3A_441, %add3A_429] : memref<3x204800xi32, #tpu.memory_space<hbm>> -> memref<3x128xi32, #tpu.memory_space<hbm>>
    tpu.wait_dma2 semaphore(%arg21 : memref<!tpu.dma_semaphore, #tpu.memory_space<semaphore_mem>>) src(%dma_wait3A_442 : memref<3x128xi32, #tpu.memory_space<hbm>>) dst(%dma_wait3A_440 : memref<3x128xi32, #tpu.memory_space<vmem>>)
    %get3A_443 = arith.constant 1 : i32
    %get3A_444 = arith.constant 0 : i32
    %get3A_445 = arith.index_cast %get3A_443 : i32 to index
    %get3A_446 = arith.index_cast %get3A_444 : i32 to index
    %get3A_447 = arith.constant 0 : index
    %get3A_448 = tpu.vector_load %arg11[%get3A_445, %get3A_446, %get3A_447] {strides = array<i32>} : memref<2x3x128xi32, #tpu.memory_space<vmem>>, vector<1x1x16xi32>,
    %get3A_449 = vector.shape_cast %get3A_448 : vector<1x1x16xi32> to vector<16xi32>
    %swap3A_450 = arith.constant 1 : i32
    %swap3A_451 = arith.index_cast %swap3A_450 : i32 to index
    %swap3A_452 = arith.constant 0 : index
    %swap3A_453 = tpu.vector_load %arg13[%swap3A_451, %swap3A_452] {strides = array<i32>} : memref<2x128xi32, #tpu.memory_space<vmem>>, vector<1x16xi32>,
    %swap3A_454 = vector.shape_cast %swap3A_453 : vector<1x16xi32> to vector<16xi32>
    %swap3A_455 = vector.shape_cast %get3A_449 : vector<16xi32> to vector<1x16xi32>
    tpu.vector_store %arg13[%swap3A_451, %swap3A_452], %swap3A_455 {strides = array<i32>} : memref<2x128xi32, #tpu.memory_space<vmem>>, vector<1x16xi32>,
    %get3A_456 = arith.constant 1 : i32
    %get3A_457 = arith.constant 1 : i32
    %get3A_458 = arith.index_cast %get3A_456 : i32 to index
    %get3A_459 = arith.index_cast %get3A_457 : i32 to index
    %get3A_460 = arith.constant 0 : index
    %get3A_461 = tpu.vector_load %arg11[%get3A_458, %get3A_459, %get3A_460] {strides = array<i32>} : memref<2x3x128xi32, #tpu.memory_space<vmem>>, vector<1x1x16xi32>,
    %get3A_462 = vector.shape_cast %get3A_461 : vector<1x1x16xi32> to vector<16xi32>
    %get3A_463 = arith.constant 1 : i32
    %get3A_464 = arith.constant 2 : i32
    %get3A_465 = arith.index_cast %get3A_463 : i32 to index
    %get3A_466 = arith.index_cast %get3A_464 : i32 to index
    %get3A_467 = arith.constant 0 : index
    %get3A_468 = tpu.vector_load %arg11[%get3A_465, %get3A_466, %get3A_467] {strides = array<i32>} : memref<2x3x128xi32, #tpu.memory_space<vmem>>, vector<1x1x16xi32>,
    %get3A_469 = vector.shape_cast %get3A_468 : vector<1x1x16xi32> to vector<16xi32>
    %add3A_470 = arith.addi %get3A_462, %get3A_462 : vector<16xi32>
    %add3A_471 = arith.addi %add3A_470, %get3A_469 : vector<16xi32>
    %swap3A_472 = arith.constant 1 : i32
    %swap3A_473 = arith.index_cast %swap3A_472 : i32 to index
    %swap3A_474 = arith.constant 0 : index
    %swap3A_475 = tpu.vector_load %arg12[%swap3A_473, %swap3A_474] {strides = array<i32>} : memref<2x128xi32, #tpu.memory_space<vmem>>, vector<1x16xi32>,
    %swap3A_476 = vector.shape_cast %swap3A_475 : vector<1x16xi32> to vector<16xi32>
    %swap3A_477 = vector.shape_cast %add3A_471 : vector<16xi32> to vector<1x16xi32>
    tpu.vector_store %arg12[%swap3A_473, %swap3A_474], %swap3A_477 {strides = array<i32>} : memref<2x128xi32, #tpu.memory_space<vmem>>, vector<1x16xi32>,
    %get3A_478 = arith.constant 1 : i32
    %get3A_479 = arith.constant 0 : i32
    %get3A_480 = arith.index_cast %get3A_478 : i32 to index
    %get3A_481 = arith.index_cast %get3A_479 : i32 to index
    %get3A_482 = arith.constant 16 : index
    %get3A_483 = tpu.vector_load %arg11[%get3A_480, %get3A_481, %get3A_482] {strides = array<i32>} : memref<2x3x128xi32, #tpu.memory_space<vmem>>, vector<1x1x16xi32>,
    %get3A_484 = vector.shape_cast %get3A_483 : vector<1x1x16xi32> to vector<16xi32>
    %swap3A_485 = arith.constant 1 : i32
    %swap3A_486 = arith.index_cast %swap3A_485 : i32 to index
    %swap3A_487 = arith.constant 16 : index
    %swap3A_488 = tpu.vector_load %arg13[%swap3A_486, %swap3A_487] {strides = array<i32>} : memref<2x128xi32, #tpu.memory_space<vmem>>, vector<1x16xi32>,
    %swap3A_489 = vector.shape_cast %swap3A_488 : vector<1x16xi32> to vector<16xi32>
    %swap3A_490 = vector.shape_cast %get3A_484 : vector<16xi32> to vector<1x16xi32>
    tpu.vector_store %arg13[%swap3A_486, %swap3A_487], %swap3A_490 {strides = array<i32>} : memref<2x128xi32, #tpu.memory_space<vmem>>, vector<1x16xi32>,
    %get3A_491 = arith.constant 1 : i32
    %get3A_492 = arith.constant 1 : i32
    %get3A_493 = arith.index_cast %get3A_491 : i32 to index
    %get3A_494 = arith.index_cast %get3A_492 : i32 to index
    %get3A_495 = arith.constant 16 : index
    %get3A_496 = tpu.vector_load %arg11[%get3A_493, %get3A_494, %get3A_495] {strides = array<i32>} : memref<2x3x128xi32, #tpu.memory_space<vmem>>, vector<1x1x16xi32>,
    %get3A_497 = vector.shape_cast %get3A_496 : vector<1x1x16xi32> to vector<16xi32>
    %get3A_498 = arith.constant 1 : i32
    %get3A_499 = arith.constant 2 : i32
    %get3A_500 = arith.index_cast %get3A_498 : i32 to index
    %get3A_501 = arith.index_cast %get3A_499 : i32 to index
    %get3A_502 = arith.constant 16 : index
    %get3A_503 = tpu.vector_load %arg11[%get3A_500, %get3A_501, %get3A_502] {strides = array<i32>} : memref<2x3x128xi32, #tpu.memory_space<vmem>>, vector<1x1x16xi32>,
    %get3A_504 = vector.shape_cast %get3A_503 : vector<1x1x16xi32> to vector<16xi32>
    %add3A_505 = arith.addi %get3A_497, %get3A_497 : vector<16xi32>
    %add3A_506 = arith.addi %add3A_505, %get3A_504 : vector<16xi32>
    %swap3A_507 = arith.constant 1 : i32
    %swap3A_508 = arith.index_cast %swap3A_507 : i32 to index
    %swap3A_509 = arith.constant 16 : index
    %swap3A_510 = tpu.vector_load %arg12[%swap3A_508, %swap3A_509] {strides = array<i32>} : memref<2x128xi32, #tpu.memory_space<vmem>>, vector<1x16xi32>,
    %swap3A_511 = vector.shape_cast %swap3A_510 : vector<1x16xi32> to vector<16xi32>
    %swap3A_512 = vector.shape_cast %add3A_506 : vector<16xi32> to vector<1x16xi32>
    tpu.vector_store %arg12[%swap3A_508, %swap3A_509], %swap3A_512 {strides = array<i32>} : memref<2x128xi32, #tpu.memory_space<vmem>>, vector<1x16xi32>,
    %get3A_513 = arith.constant 1 : i32
    %get3A_514 = arith.constant 0 : i32
    %get3A_515 = arith.index_cast %get3A_513 : i32 to index
    %get3A_516 = arith.index_cast %get3A_514 : i32 to index
    %get3A_517 = arith.constant 32 : index
    %get3A_518 = tpu.vector_load %arg11[%get3A_515, %get3A_516, %get3A_517] {strides = array<i32>} : memref<2x3x128xi32, #tpu.memory_space<vmem>>, vector<1x1x16xi32>,
    %get3A_519 = vector.shape_cast %get3A_518 : vector<1x1x16xi32> to vector<16xi32>
    %swap3A_520 = arith.constant 1 : i32
    %swap3A_521 = arith.index_cast %swap3A_520 : i32 to index
    %swap3A_522 = arith.constant 32 : index
    %swap3A_523 = tpu.vector_load %arg13[%swap3A_521, %swap3A_522] {strides = array<i32>} : memref<2x128xi32, #tpu.memory_space<vmem>>, vector<1x16xi32>,
    %swap3A_524 = vector.shape_cast %swap3A_523 : vector<1x16xi32> to vector<16xi32>
    %swap3A_525 = vector.shape_cast %get3A_519 : vector<16xi32> to vector<1x16xi32>
    tpu.vector_store %arg13[%swap3A_521, %swap3A_522], %swap3A_525 {strides = array<i32>} : memref<2x128xi32, #tpu.memory_space<vmem>>, vector<1x16xi32>,
    %get3A_526 = arith.constant 1 : i32
    %get3A_527 = arith.constant 1 : i32
    %get3A_528 = arith.index_cast %get3A_526 : i32 to index
    %get3A_529 = arith.index_cast %get3A_527 : i32 to index
    %get3A_530 = arith.constant 32 : index
    %get3A_531 = tpu.vector_load %arg11[%get3A_528, %get3A_529, %get3A_530] {strides = array<i32>} : memref<2x3x128xi32, #tpu.memory_space<vmem>>, vector<1x1x16xi32>,
    %get3A_532 = vector.shape_cast %get3A_531 : vector<1x1x16xi32> to vector<16xi32>
    %get3A_533 = arith.constant 1 : i32
    %get3A_534 = arith.constant 2 : i32
    %get3A_535 = arith.index_cast %get3A_533 : i32 to index
    %get3A_536 = arith.index_cast %get3A_534 : i32 to index
    %get3A_537 = arith.constant 32 : index
    %get3A_538 = tpu.vector_load %arg11[%get3A_535, %get3A_536, %get3A_537] {strides = array<i32>} : memref<2x3x128xi32, #tpu.memory_space<vmem>>, vector<1x1x16xi32>,
    %get3A_539 = vector.shape_cast %get3A_538 : vector<1x1x16xi32> to vector<16xi32>
    %add3A_540 = arith.addi %get3A_532, %get3A_532 : vector<16xi32>
    %add3A_541 = arith.addi %add3A_540, %get3A_539 : vector<16xi32>
    %swap3A_542 = arith.constant 1 : i32
    %swap3A_543 = arith.index_cast %swap3A_542 : i32 to index
    %swap3A_544 = arith.constant 32 : index
    %swap3A_545 = tpu.vector_load %arg12[%swap3A_543, %swap3A_544] {strides = array<i32>} : memref<2x128xi32, #tpu.memory_space<vmem>>, vector<1x16xi32>,
    %swap3A_546 = vector.shape_cast %swap3A_545 : vector<1x16xi32> to vector<16xi32>
    %swap3A_547 = vector.shape_cast %add3A_541 : vector<16xi32> to vector<1x16xi32>
    tpu.vector_store %arg12[%swap3A_543, %swap3A_544], %swap3A_547 {strides = array<i32>} : memref<2x128xi32, #tpu.memory_space<vmem>>, vector<1x16xi32>,
    %get3A_548 = arith.constant 1 : i32
    %get3A_549 = arith.constant 0 : i32
    %get3A_550 = arith.index_cast %get3A_548 : i32 to index
    %get3A_551 = arith.index_cast %get3A_549 : i32 to index
    %get3A_552 = arith.constant 48 : index
    %get3A_553 = tpu.vector_load %arg11[%get3A_550, %get3A_551, %get3A_552] {strides = array<i32>} : memref<2x3x128xi32, #tpu.memory_space<vmem>>, vector<1x1x16xi32>,
    %get3A_554 = vector.shape_cast %get3A_553 : vector<1x1x16xi32> to vector<16xi32>
    %swap3A_555 = arith.constant 1 : i32
    %swap3A_556 = arith.index_cast %swap3A_555 : i32 to index
    %swap3A_557 = arith.constant 48 : index
    %swap3A_558 = tpu.vector_load %arg13[%swap3A_556, %swap3A_557] {strides = array<i32>} : memref<2x128xi32, #tpu.memory_space<vmem>>, vector<1x16xi32>,
    %swap3A_559 = vector.shape_cast %swap3A_558 : vector<1x16xi32> to vector<16xi32>
    %swap3A_560 = vector.shape_cast %get3A_554 : vector<16xi32> to vector<1x16xi32>
    tpu.vector_store %arg13[%swap3A_556, %swap3A_557], %swap3A_560 {strides = array<i32>} : memref<2x128xi32, #tpu.memory_space<vmem>>, vector<1x16xi32>,
    %get3A_561 = arith.constant 1 : i32
    %get3A_562 = arith.constant 1 : i32
    %get3A_563 = arith.index_cast %get3A_561 : i32 to index
    %get3A_564 = arith.index_cast %get3A_562 : i32 to index
    %get3A_565 = arith.constant 48 : index
    %get3A_566 = tpu.vector_load %arg11[%get3A_563, %get3A_564, %get3A_565] {strides = array<i32>} : memref<2x3x128xi32, #tpu.memory_space<vmem>>, vector<1x1x16xi32>,
    %get3A_567 = vector.shape_cast %get3A_566 : vector<1x1x16xi32> to vector<16xi32>
    %get3A_568 = arith.constant 1 : i32
    %get3A_569 = arith.constant 2 : i32
    %get3A_570 = arith.index_cast %get3A_568 : i32 to index
    %get3A_571 = arith.index_cast %get3A_569 : i32 to index
    %get3A_572 = arith.constant 48 : index
    %get3A_573 = tpu.vector_load %arg11[%get3A_570, %get3A_571, %get3A_572] {strides = array<i32>} : memref<2x3x128xi32, #tpu.memory_space<vmem>>, vector<1x1x16xi32>,
    %get3A_574 = vector.shape_cast %get3A_573 : vector<1x1x16xi32> to vector<16xi32>
    %add3A_575 = arith.addi %get3A_567, %get3A_567 : vector<16xi32>
    %add3A_576 = arith.addi %add3A_575, %get3A_574 : vector<16xi32>
    %swap3A_577 = arith.constant 1 : i32
    %swap3A_578 = arith.index_cast %swap3A_577 : i32 to index
    %swap3A_579 = arith.constant 48 : index
    %swap3A_580 = tpu.vector_load %arg12[%swap3A_578, %swap3A_579] {strides = array<i32>} : memref<2x128xi32, #tpu.memory_space<vmem>>, vector<1x16xi32>,
    %swap3A_581 = vector.shape_cast %swap3A_580 : vector<1x16xi32> to vector<16xi32>
    %swap3A_582 = vector.shape_cast %add3A_576 : vector<16xi32> to vector<1x16xi32>
    tpu.vector_store %arg12[%swap3A_578, %swap3A_579], %swap3A_582 {strides = array<i32>} : memref<2x128xi32, #tpu.memory_space<vmem>>, vector<1x16xi32>,
    %get3A_583 = arith.constant 1 : i32
    %get3A_584 = arith.constant 0 : i32
    %get3A_585 = arith.index_cast %get3A_583 : i32 to index
    %get3A_586 = arith.index_cast %get3A_584 : i32 to index
    %get3A_587 = arith.constant 64 : index
    %get3A_588 = tpu.vector_load %arg11[%get3A_585, %get3A_586, %get3A_587] {strides = array<i32>} : memref<2x3x128xi32, #tpu.memory_space<vmem>>, vector<1x1x16xi32>,
    %get3A_589 = vector.shape_cast %get3A_588 : vector<1x1x16xi32> to vector<16xi32>
    %swap3A_590 = arith.constant 1 : i32
    %swap3A_591 = arith.index_cast %swap3A_590 : i32 to index
    %swap3A_592 = arith.constant 64 : index
    %swap3A_593 = tpu.vector_load %arg13[%swap3A_591, %swap3A_592] {strides = array<i32>} : memref<2x128xi32, #tpu.memory_space<vmem>>, vector<1x16xi32>,
    %swap3A_594 = vector.shape_cast %swap3A_593 : vector<1x16xi32> to vector<16xi32>
    %swap3A_595 = vector.shape_cast %get3A_589 : vector<16xi32> to vector<1x16xi32>
    tpu.vector_store %arg13[%swap3A_591, %swap3A_592], %swap3A_595 {strides = array<i32>} : memref<2x128xi32, #tpu.memory_space<vmem>>, vector<1x16xi32>,
    %get3A_596 = arith.constant 1 : i32
    %get3A_597 = arith.constant 1 : i32
    %get3A_598 = arith.index_cast %get3A_596 : i32 to index
    %get3A_599 = arith.index_cast %get3A_597 : i32 to index
    %get3A_600 = arith.constant 64 : index
    %get3A_601 = tpu.vector_load %arg11[%get3A_598, %get3A_599, %get3A_600] {strides = array<i32>} : memref<2x3x128xi32, #tpu.memory_space<vmem>>, vector<1x1x16xi32>,
    %get3A_602 = vector.shape_cast %get3A_601 : vector<1x1x16xi32> to vector<16xi32>
    %get3A_603 = arith.constant 1 : i32
    %get3A_604 = arith.constant 2 : i32
    %get3A_605 = arith.index_cast %get3A_603 : i32 to index
    %get3A_606 = arith.index_cast %get3A_604 : i32 to index
    %get3A_607 = arith.constant 64 : index
    %get3A_608 = tpu.vector_load %arg11[%get3A_605, %get3A_606, %get3A_607] {strides = array<i32>} : memref<2x3x128xi32, #tpu.memory_space<vmem>>, vector<1x1x16xi32>,
    %get3A_609 = vector.shape_cast %get3A_608 : vector<1x1x16xi32> to vector<16xi32>
    %add3A_610 = arith.addi %get3A_602, %get3A_602 : vector<16xi32>
    %add3A_611 = arith.addi %add3A_610, %get3A_609 : vector<16xi32>
    %swap3A_612 = arith.constant 1 : i32
    %swap3A_613 = arith.index_cast %swap3A_612 : i32 to index
    %swap3A_614 = arith.constant 64 : index
    %swap3A_615 = tpu.vector_load %arg12[%swap3A_613, %swap3A_614] {strides = array<i32>} : memref<2x128xi32, #tpu.memory_space<vmem>>, vector<1x16xi32>,
    %swap3A_616 = vector.shape_cast %swap3A_615 : vector<1x16xi32> to vector<16xi32>
    %swap3A_617 = vector.shape_cast %add3A_611 : vector<16xi32> to vector<1x16xi32>
    tpu.vector_store %arg12[%swap3A_613, %swap3A_614], %swap3A_617 {strides = array<i32>} : memref<2x128xi32, #tpu.memory_space<vmem>>, vector<1x16xi32>,
    %get3A_618 = arith.constant 1 : i32
    %get3A_619 = arith.constant 0 : i32
    %get3A_620 = arith.index_cast %get3A_618 : i32 to index
    %get3A_621 = arith.index_cast %get3A_619 : i32 to index
    %get3A_622 = arith.constant 80 : index
    %get3A_623 = tpu.vector_load %arg11[%get3A_620, %get3A_621, %get3A_622] {strides = array<i32>} : memref<2x3x128xi32, #tpu.memory_space<vmem>>, vector<1x1x16xi32>,
    %get3A_624 = vector.shape_cast %get3A_623 : vector<1x1x16xi32> to vector<16xi32>
    %swap3A_625 = arith.constant 1 : i32
    %swap3A_626 = arith.index_cast %swap3A_625 : i32 to index
    %swap3A_627 = arith.constant 80 : index
    %swap3A_628 = tpu.vector_load %arg13[%swap3A_626, %swap3A_627] {strides = array<i32>} : memref<2x128xi32, #tpu.memory_space<vmem>>, vector<1x16xi32>,
    %swap3A_629 = vector.shape_cast %swap3A_628 : vector<1x16xi32> to vector<16xi32>
    %swap3A_630 = vector.shape_cast %get3A_624 : vector<16xi32> to vector<1x16xi32>
    tpu.vector_store %arg13[%swap3A_626, %swap3A_627], %swap3A_630 {strides = array<i32>} : memref<2x128xi32, #tpu.memory_space<vmem>>, vector<1x16xi32>,
    %get3A_631 = arith.constant 1 : i32
    %get3A_632 = arith.constant 1 : i32
    %get3A_633 = arith.index_cast %get3A_631 : i32 to index
    %get3A_634 = arith.index_cast %get3A_632 : i32 to index
    %get3A_635 = arith.constant 80 : index
    %get3A_636 = tpu.vector_load %arg11[%get3A_633, %get3A_634, %get3A_635] {strides = array<i32>} : memref<2x3x128xi32, #tpu.memory_space<vmem>>, vector<1x1x16xi32>,
    %get3A_637 = vector.shape_cast %get3A_636 : vector<1x1x16xi32> to vector<16xi32>
    %get3A_638 = arith.constant 1 : i32
    %get3A_639 = arith.constant 2 : i32
    %get3A_640 = arith.index_cast %get3A_638 : i32 to index
    %get3A_641 = arith.index_cast %get3A_639 : i32 to index
    %get3A_642 = arith.constant 80 : index
    %get3A_643 = tpu.vector_load %arg11[%get3A_640, %get3A_641, %get3A_642] {strides = array<i32>} : memref<2x3x128xi32, #tpu.memory_space<vmem>>, vector<1x1x16xi32>,
    %get3A_644 = vector.shape_cast %get3A_643 : vector<1x1x16xi32> to vector<16xi32>
    %add3A_645 = arith.addi %get3A_637, %get3A_637 : vector<16xi32>
    %add3A_646 = arith.addi %add3A_645, %get3A_644 : vector<16xi32>
    %swap3A_647 = arith.constant 1 : i32
    %swap3A_648 = arith.index_cast %swap3A_647 : i32 to index
    %swap3A_649 = arith.constant 80 : index
    %swap3A_650 = tpu.vector_load %arg12[%swap3A_648, %swap3A_649] {strides = array<i32>} : memref<2x128xi32, #tpu.memory_space<vmem>>, vector<1x16xi32>,
    %swap3A_651 = vector.shape_cast %swap3A_650 : vector<1x16xi32> to vector<16xi32>
    %swap3A_652 = vector.shape_cast %add3A_646 : vector<16xi32> to vector<1x16xi32>
    tpu.vector_store %arg12[%swap3A_648, %swap3A_649], %swap3A_652 {strides = array<i32>} : memref<2x128xi32, #tpu.memory_space<vmem>>, vector<1x16xi32>,
    %get3A_653 = arith.constant 1 : i32
    %get3A_654 = arith.constant 0 : i32
    %get3A_655 = arith.index_cast %get3A_653 : i32 to index
    %get3A_656 = arith.index_cast %get3A_654 : i32 to index
    %get3A_657 = arith.constant 96 : index
    %get3A_658 = tpu.vector_load %arg11[%get3A_655, %get3A_656, %get3A_657] {strides = array<i32>} : memref<2x3x128xi32, #tpu.memory_space<vmem>>, vector<1x1x16xi32>,
    %get3A_659 = vector.shape_cast %get3A_658 : vector<1x1x16xi32> to vector<16xi32>
    %swap3A_660 = arith.constant 1 : i32
    %swap3A_661 = arith.index_cast %swap3A_660 : i32 to index
    %swap3A_662 = arith.constant 96 : index
    %swap3A_663 = tpu.vector_load %arg13[%swap3A_661, %swap3A_662] {strides = array<i32>} : memref<2x128xi32, #tpu.memory_space<vmem>>, vector<1x16xi32>,
    %swap3A_664 = vector.shape_cast %swap3A_663 : vector<1x16xi32> to vector<16xi32>
    %swap3A_665 = vector.shape_cast %get3A_659 : vector<16xi32> to vector<1x16xi32>
    tpu.vector_store %arg13[%swap3A_661, %swap3A_662], %swap3A_665 {strides = array<i32>} : memref<2x128xi32, #tpu.memory_space<vmem>>, vector<1x16xi32>,
    %get3A_666 = arith.constant 1 : i32
    %get3A_667 = arith.constant 1 : i32
    %get3A_668 = arith.index_cast %get3A_666 : i32 to index
    %get3A_669 = arith.index_cast %get3A_667 : i32 to index
    %get3A_670 = arith.constant 96 : index
    %get3A_671 = tpu.vector_load %arg11[%get3A_668, %get3A_669, %get3A_670] {strides = array<i32>} : memref<2x3x128xi32, #tpu.memory_space<vmem>>, vector<1x1x16xi32>,
    %get3A_672 = vector.shape_cast %get3A_671 : vector<1x1x16xi32> to vector<16xi32>
    %get3A_673 = arith.constant 1 : i32
    %get3A_674 = arith.constant 2 : i32
    %get3A_675 = arith.index_cast %get3A_673 : i32 to index
    %get3A_676 = arith.index_cast %get3A_674 : i32 to index
    %get3A_677 = arith.constant 96 : index
    %get3A_678 = tpu.vector_load %arg11[%get3A_675, %get3A_676, %get3A_677] {strides = array<i32>} : memref<2x3x128xi32, #tpu.memory_space<vmem>>, vector<1x1x16xi32>,
    %get3A_679 = vector.shape_cast %get3A_678 : vector<1x1x16xi32> to vector<16xi32>
    %add3A_680 = arith.addi %get3A_672, %get3A_672 : vector<16xi32>
    %add3A_681 = arith.addi %add3A_680, %get3A_679 : vector<16xi32>
    %swap3A_682 = arith.constant 1 : i32
    %swap3A_683 = arith.index_cast %swap3A_682 : i32 to index
    %swap3A_684 = arith.constant 96 : index
    %swap3A_685 = tpu.vector_load %arg12[%swap3A_683, %swap3A_684] {strides = array<i32>} : memref<2x128xi32, #tpu.memory_space<vmem>>, vector<1x16xi32>,
    %swap3A_686 = vector.shape_cast %swap3A_685 : vector<1x16xi32> to vector<16xi32>
    %swap3A_687 = vector.shape_cast %add3A_681 : vector<16xi32> to vector<1x16xi32>
    tpu.vector_store %arg12[%swap3A_683, %swap3A_684], %swap3A_687 {strides = array<i32>} : memref<2x128xi32, #tpu.memory_space<vmem>>, vector<1x16xi32>,
    %get3A_688 = arith.constant 1 : i32
    %get3A_689 = arith.constant 0 : i32
    %get3A_690 = arith.index_cast %get3A_688 : i32 to index
    %get3A_691 = arith.index_cast %get3A_689 : i32 to index
    %get3A_692 = arith.constant 112 : index
    %get3A_693 = tpu.vector_load %arg11[%get3A_690, %get3A_691, %get3A_692] {strides = array<i32>} : memref<2x3x128xi32, #tpu.memory_space<vmem>>, vector<1x1x16xi32>,
    %get3A_694 = vector.shape_cast %get3A_693 : vector<1x1x16xi32> to vector<16xi32>
    %swap3A_695 = arith.constant 1 : i32
    %swap3A_696 = arith.index_cast %swap3A_695 : i32 to index
    %swap3A_697 = arith.constant 112 : index
    %swap3A_698 = tpu.vector_load %arg13[%swap3A_696, %swap3A_697] {strides = array<i32>} : memref<2x128xi32, #tpu.memory_space<vmem>>, vector<1x16xi32>,
    %swap3A_699 = vector.shape_cast %swap3A_698 : vector<1x16xi32> to vector<16xi32>
    %swap3A_700 = vector.shape_cast %get3A_694 : vector<16xi32> to vector<1x16xi32>
    tpu.vector_store %arg13[%swap3A_696, %swap3A_697], %swap3A_700 {strides = array<i32>} : memref<2x128xi32, #tpu.memory_space<vmem>>, vector<1x16xi32>,
    %get3A_701 = arith.constant 1 : i32
    %get3A_702 = arith.constant 1 : i32
    %get3A_703 = arith.index_cast %get3A_701 : i32 to index
    %get3A_704 = arith.index_cast %get3A_702 : i32 to index
    %get3A_705 = arith.constant 112 : index
    %get3A_706 = tpu.vector_load %arg11[%get3A_703, %get3A_704, %get3A_705] {strides = array<i32>} : memref<2x3x128xi32, #tpu.memory_space<vmem>>, vector<1x1x16xi32>,
    %get3A_707 = vector.shape_cast %get3A_706 : vector<1x1x16xi32> to vector<16xi32>
    %get3A_708 = arith.constant 1 : i32
    %get3A_709 = arith.constant 2 : i32
    %get3A_710 = arith.index_cast %get3A_708 : i32 to index
    %get3A_711 = arith.index_cast %get3A_709 : i32 to index
    %get3A_712 = arith.constant 112 : index
    %get3A_713 = tpu.vector_load %arg11[%get3A_710, %get3A_711, %get3A_712] {strides = array<i32>} : memref<2x3x128xi32, #tpu.memory_space<vmem>>, vector<1x1x16xi32>,
    %get3A_714 = vector.shape_cast %get3A_713 : vector<1x1x16xi32> to vector<16xi32>
    %add3A_715 = arith.addi %get3A_707, %get3A_707 : vector<16xi32>
    %add3A_716 = arith.addi %add3A_715, %get3A_714 : vector<16xi32>
    %swap3A_717 = arith.constant 1 : i32
    %swap3A_718 = arith.index_cast %swap3A_717 : i32 to index
    %swap3A_719 = arith.constant 112 : index
    %swap3A_720 = tpu.vector_load %arg12[%swap3A_718, %swap3A_719] {strides = array<i32>} : memref<2x128xi32, #tpu.memory_space<vmem>>, vector<1x16xi32>,
    %swap3A_721 = vector.shape_cast %swap3A_720 : vector<1x16xi32> to vector<16xi32>
    %swap3A_722 = vector.shape_cast %add3A_716 : vector<16xi32> to vector<1x16xi32>
    tpu.vector_store %arg12[%swap3A_718, %swap3A_719], %swap3A_722 {strides = array<i32>} : memref<2x128xi32, #tpu.memory_space<vmem>>, vector<1x16xi32>,
    %dma_start3A_723 = arith.constant 1 : i32
    %dma_start3A_724 = arith.constant 1 : i32
    %dma_start3A_725 = arith.constant 0 : i32
    %dma_start3A_726 = arith.constant 0 : i32
    %dma_start3A_727 = tpu.memref_slice %arg8[%dma_start3A_724, %dma_start3A_725, %dma_start3A_726] : memref<2x128x128xf32, #tpu.memory_space<vmem>> -> memref<1x128x128xf32, #tpu.memory_space<vmem>>
    %dma_start3A_728 = tpu.memref_squeeze %dma_start3A_727 : memref<1x128x128xf32, #tpu.memory_space<vmem>> -> memref<128x128xf32, #tpu.memory_space<vmem>>
    %dma_start3A_729 = arith.constant 0 : i32
    %dma_start3A_730 = tpu.memref_slice %arg13[%dma_start3A_723, %dma_start3A_729] : memref<2x128xi32, #tpu.memory_space<vmem>> -> memref<1x128xi32, #tpu.memory_space<vmem>>
    %dma_start3A_731 = tpu.memref_squeeze %dma_start3A_730 : memref<1x128xi32, #tpu.memory_space<vmem>> -> memref<128xi32, #tpu.memory_space<vmem>>
    %dma_start3A_732 = arith.constant 0 : i32
    %dma_start3A_733 = arith.constant 0 : i32
    %dma_start3A_734 = tpu.memref_slice %arg3[%dma_start3A_732, %dma_start3A_733] : memref<100000x128xf32, #tpu.memory_space<hbm>> -> memref<100000x128xf32, #tpu.memory_space<hbm>>
    tpu.enqueue_indirect_dma source(%dma_start3A_734 : memref<100000x128xf32, #tpu.memory_space<hbm>>) target(%dma_start3A_728 : memref<128x128xf32, #tpu.memory_space<vmem>>) offsets(%dma_start3A_731 : memref<128xi32, #tpu.memory_space<vmem>>) semaphore(%arg17 : memref<!tpu.dma_semaphore, #tpu.memory_space<semaphore_mem>>)
    %dma_start3A_735 = arith.constant 1 : i32
    %dma_start3A_736 = arith.constant 1 : i32
    %dma_start3A_737 = arith.constant 0 : i32
    %dma_start3A_738 = arith.constant 0 : i32
    %dma_start3A_739 = tpu.memref_slice %arg9[%dma_start3A_736, %dma_start3A_737, %dma_start3A_738] : memref<2x128x128xf32, #tpu.memory_space<vmem>> -> memref<1x128x128xf32, #tpu.memory_space<vmem>>
    %dma_start3A_740 = tpu.memref_squeeze %dma_start3A_739 : memref<1x128x128xf32, #tpu.memory_space<vmem>> -> memref<128x128xf32, #tpu.memory_space<vmem>>
    %dma_start3A_741 = arith.constant 0 : i32
    %dma_start3A_742 = tpu.memref_slice %arg12[%dma_start3A_735, %dma_start3A_741] : memref<2x128xi32, #tpu.memory_space<vmem>> -> memref<1x128xi32, #tpu.memory_space<vmem>>
    %dma_start3A_743 = tpu.memref_squeeze %dma_start3A_742 : memref<1x128xi32, #tpu.memory_space<vmem>> -> memref<128xi32, #tpu.memory_space<vmem>>
    %dma_start3A_744 = arith.constant 0 : i32
    %dma_start3A_745 = arith.constant 0 : i32
    %dma_start3A_746 = tpu.memref_slice %arg4[%dma_start3A_744, %dma_start3A_745] : memref<1024x128xf32, #tpu.memory_space<hbm>> -> memref<1024x128xf32, #tpu.memory_space<hbm>>
    tpu.enqueue_indirect_dma source(%dma_start3A_746 : memref<1024x128xf32, #tpu.memory_space<hbm>>) target(%dma_start3A_740 : memref<128x128xf32, #tpu.memory_space<vmem>>) offsets(%dma_start3A_743 : memref<128xi32, #tpu.memory_space<vmem>>) semaphore(%arg17 : memref<!tpu.dma_semaphore, #tpu.memory_space<semaphore_mem>>)
    %add3A_747 = arith.constant 384 : i32
    %add3A_748 = arith.addi %mul3A_2, %add3A_747 : i32
    %dma_start3A_749 = arith.constant 1 : i32
    %dma_start3A_750 = arith.constant 0 : i32
    %dma_start3A_751 = arith.constant 0 : i32
    %dma_start3A_752 = tpu.memref_slice %arg11[%dma_start3A_749, %dma_start3A_750, %dma_start3A_751] : memref<2x3x128xi32, #tpu.memory_space<vmem>> -> memref<1x3x128xi32, #tpu.memory_space<vmem>>
    %dma_start3A_753 = tpu.memref_squeeze %dma_start3A_752 : memref<1x3x128xi32, #tpu.memory_space<vmem>> -> memref<3x128xi32, #tpu.memory_space<vmem>>
    %dma_start3A_754 = arith.constant 0 : i32
    %dma_start3A_755 = tpu.memref_slice %arg2[%dma_start3A_754, %add3A_748] : memref<3x204800xi32, #tpu.memory_space<hbm>> -> memref<3x128xi32, #tpu.memory_space<hbm>>
    %dma_start3A_756 = arith.constant 0 : i32
    %dma_start3A_757 = arith.constant 0 : i32
    %dma_start3A_758 = tpu.memref_slice %arg11[%dma_start3A_749, %dma_start3A_756, %dma_start3A_757] : memref<2x3x128xi32, #tpu.memory_space<vmem>> -> memref<1x3x128xi32, #tpu.memory_space<vmem>>
    %dma_start3A_759 = tpu.memref_squeeze %dma_start3A_758 : memref<1x3x128xi32, #tpu.memory_space<vmem>> -> memref<3x128xi32, #tpu.memory_space<vmem>>
    %dma_start3A_760 = arith.constant 0 : i32
    %dma_start3A_761 = tpu.memref_slice %arg2[%dma_start3A_760, %add3A_748] : memref<3x204800xi32, #tpu.memory_space<hbm>> -> memref<3x128xi32, #tpu.memory_space<hbm>>
    tpu.enqueue_dma source(%dma_start3A_761 : memref<3x128xi32, #tpu.memory_space<hbm>>) target(%dma_start3A_759 : memref<3x128xi32, #tpu.memory_space<vmem>>) target_semaphore(%arg21 : memref<!tpu.dma_semaphore, #tpu.memory_space<semaphore_mem>>)
    %scan3A = arith.constant 0 : i32
    %scan3A_762 = arith.constant 7.812500e-03 : f32
    %scan3A_763 = arith.constant 0 : i32
    %scan3A_764 = arith.constant 25 : i32
    %scan3A_765 = arith.addi %scan3A_763, %scan3A_764 : i32
    %scan3A_766 = arith.constant 1 : i32
    scf.for %scan3A_798 = %scan3A_763 to %scan3A_765 step %scan3A_766  : i32 {
      %mul3A_799 = arith.constant 2 : i32
      %mul3A_800 = arith.muli %scan3A_798, %mul3A_799 : i32
      %dma_wait3A_801 = arith.constant 0 : i32
      %dma_wait3A_802 = arith.constant 0 : i32
      %dma_wait3A_803 = arith.constant 0 : i32
      %dma_wait3A_804 = arith.constant 0 : i32
      %dma_wait3A_805 = tpu.memref_slice %arg8[%dma_wait3A_802, %dma_wait3A_803, %dma_wait3A_804] : memref<2x128x128xf32, #tpu.memory_space<vmem>> -> memref<1x128x128xf32, #tpu.memory_space<vmem>>
      %dma_wait3A_806 = tpu.memref_squeeze %dma_wait3A_805 : memref<1x128x128xf32, #tpu.memory_space<vmem>> -> memref<128x128xf32, #tpu.memory_space<vmem>>
      %dma_wait3A_807 = arith.constant 0 : i32
      %dma_wait3A_808 = tpu.memref_slice %arg13[%dma_wait3A_801, %dma_wait3A_807] : memref<2x128xi32, #tpu.memory_space<vmem>> -> memref<1x128xi32, #tpu.memory_space<vmem>>
      %dma_wait3A_809 = tpu.memref_squeeze %dma_wait3A_808 : memref<1x128xi32, #tpu.memory_space<vmem>> -> memref<128xi32, #tpu.memory_space<vmem>>
      %dma_wait3A_810 = arith.constant 0 : i32
      %dma_wait3A_811 = arith.constant 0 : i32
      %dma_wait3A_812 = tpu.memref_slice %arg3[%dma_wait3A_810, %dma_wait3A_811] : memref<100000x128xf32, #tpu.memory_space<hbm>> -> memref<100000x128xf32, #tpu.memory_space<hbm>>
      tpu.wait_indirect_dma semaphore(%arg16 : memref<!tpu.dma_semaphore, #tpu.memory_space<semaphore_mem>>) src(%dma_wait3A_812 : memref<100000x128xf32, #tpu.memory_space<hbm>>) dst(%dma_wait3A_806 : memref<128x128xf32, #tpu.memory_space<vmem>>)
      %dma_wait3A_813 = arith.constant 0 : i32
      %dma_wait3A_814 = arith.constant 0 : i32
      %dma_wait3A_815 = arith.constant 0 : i32
      %dma_wait3A_816 = arith.constant 0 : i32
      %dma_wait3A_817 = tpu.memref_slice %arg9[%dma_wait3A_814, %dma_wait3A_815, %dma_wait3A_816] : memref<2x128x128xf32, #tpu.memory_space<vmem>> -> memref<1x128x128xf32, #tpu.memory_space<vmem>>
      %dma_wait3A_818 = tpu.memref_squeeze %dma_wait3A_817 : memref<1x128x128xf32, #tpu.memory_space<vmem>> -> memref<128x128xf32, #tpu.memory_space<vmem>>
      %dma_wait3A_819 = arith.constant 0 : i32
      %dma_wait3A_820 = tpu.memref_slice %arg12[%dma_wait3A_813, %dma_wait3A_819] : memref<2x128xi32, #tpu.memory_space<vmem>> -> memref<1x128xi32, #tpu.memory_space<vmem>>
      %dma_wait3A_821 = tpu.memref_squeeze %dma_wait3A_820 : memref<1x128xi32, #tpu.memory_space<vmem>> -> memref<128xi32, #tpu.memory_space<vmem>>
      %dma_wait3A_822 = arith.constant 0 : i32
      %dma_wait3A_823 = arith.constant 0 : i32
      %dma_wait3A_824 = tpu.memref_slice %arg4[%dma_wait3A_822, %dma_wait3A_823] : memref<1024x128xf32, #tpu.memory_space<hbm>> -> memref<1024x128xf32, #tpu.memory_space<hbm>>
      tpu.wait_indirect_dma semaphore(%arg16 : memref<!tpu.dma_semaphore, #tpu.memory_space<semaphore_mem>>) src(%dma_wait3A_824 : memref<1024x128xf32, #tpu.memory_space<hbm>>) dst(%dma_wait3A_818 : memref<128x128xf32, #tpu.memory_space<vmem>>)
      %ge3A = arith.constant 2 : i32
      %ge3A_825 = arith.cmpi sge, %mul3A_800, %ge3A : i32
      %convert_element_type3A = arith.extui %ge3A_825 : i1 to i32
      %cond3A = arith.constant 0 : i32
      %cond3A_826 = arith.cmpi ne, %convert_element_type3A, %cond3A : i32
      scf.if %cond3A_826 {
        %sub3A = arith.constant 2 : i32
        %sub3A_910 = arith.subi %mul3A_800, %sub3A : i32
        %mul3A_911 = arith.constant 128 : i32
        %mul3A_912 = arith.muli %sub3A_910, %mul3A_911 : i32
        %add3A_913 = arith.addi %mul3A_2, %mul3A_912 : i32
        %dma_wait3A_914 = arith.constant 0 : i32
        %dma_wait3A_915 = arith.constant 0 : i32
        %dma_wait3A_916 = arith.constant 0 : i32
        %dma_wait3A_917 = tpu.memref_slice %arg10[%dma_wait3A_914, %dma_wait3A_915, %dma_wait3A_916] : memref<2x128x128xf32, #tpu.memory_space<vmem>> -> memref<1x128x128xf32, #tpu.memory_space<vmem>>
        %dma_wait3A_918 = tpu.memref_squeeze %dma_wait3A_917 : memref<1x128x128xf32, #tpu.memory_space<vmem>> -> memref<128x128xf32, #tpu.memory_space<vmem>>
        %dma_wait3A_919 = arith.constant 0 : i32
        %dma_wait3A_920 = tpu.memref_slice %arg7[%add3A_913, %dma_wait3A_919] : memref<204800x128xf32, #tpu.memory_space<hbm>> -> memref<128x128xf32, #tpu.memory_space<hbm>>
        %dma_wait3A_921 = arith.constant 0 : i32
        %dma_wait3A_922 = tpu.memref_slice %arg7[%add3A_913, %dma_wait3A_921] : memref<204800x128xf32, #tpu.memory_space<hbm>> -> memref<128x128xf32, #tpu.memory_space<hbm>>
        %dma_wait3A_923 = arith.constant 0 : i32
        %dma_wait3A_924 = arith.constant 0 : i32
        %dma_wait3A_925 = tpu.memref_slice %arg10[%dma_wait3A_914, %dma_wait3A_923, %dma_wait3A_924] : memref<2x128x128xf32, #tpu.memory_space<vmem>> -> memref<1x128x128xf32, #tpu.memory_space<vmem>>
        %dma_wait3A_926 = tpu.memref_squeeze %dma_wait3A_925 : memref<1x128x128xf32, #tpu.memory_space<vmem>> -> memref<128x128xf32, #tpu.memory_space<vmem>>
        tpu.wait_dma2 semaphore(%arg18 : memref<!tpu.dma_semaphore, #tpu.memory_space<semaphore_mem>>) src(%dma_wait3A_926 : memref<128x128xf32, #tpu.memory_space<vmem>>) dst(%dma_wait3A_922 : memref<128x128xf32, #tpu.memory_space<hbm>>)
      } else {
      }
      %parallel_loop3A = arith.constant 0 : i32
      %parallel_loop3A_827 = arith.constant 128 : i32
      %parallel_loop3A_828 = arith.constant 1 : i32
      scf.for %parallel_loop3A_910 = %parallel_loop3A to %parallel_loop3A_827 step %parallel_loop3A_828  : i32 {
        %parallel_loop3A_911 = arith.constant 0 : i32
        %parallel_loop3A_912 = arith.index_cast %parallel_loop3A_911 : i32 to index
        %parallel_loop3A_913 = arith.index_cast %parallel_loop3A_910 : i32 to index
        %parallel_loop3A_914 = arith.constant 0 : index
        %parallel_loop3A_915 = tpu.vector_load %arg8[%parallel_loop3A_912, %parallel_loop3A_913, %parallel_loop3A_914] {strides = array<i32>} : memref<2x128x128xf32, #tpu.memory_space<vmem>>, vector<1x1x16xf32>,
        %parallel_loop3A_916 = vector.shape_cast %parallel_loop3A_915 : vector<1x1x16xf32> to vector<16xf32>
        %parallel_loop3A_917 = arith.constant 0 : i32
        %parallel_loop3A_918 = arith.index_cast %parallel_loop3A_917 : i32 to index
        %parallel_loop3A_919 = arith.index_cast %parallel_loop3A_910 : i32 to index
        %parallel_loop3A_920 = arith.constant 0 : index
        %parallel_loop3A_921 = tpu.vector_load %arg9[%parallel_loop3A_918, %parallel_loop3A_919, %parallel_loop3A_920] {strides = array<i32>} : memref<2x128x128xf32, #tpu.memory_space<vmem>>, vector<1x1x16xf32>,
        %parallel_loop3A_922 = vector.shape_cast %parallel_loop3A_921 : vector<1x1x16xf32> to vector<16xf32>
        %parallel_loop3A_923 = arith.addf %parallel_loop3A_916, %parallel_loop3A_922 : vector<16xf32>
        %parallel_loop3A_924 = arith.constant 0 : i32
        %parallel_loop3A_925 = arith.index_cast %parallel_loop3A_924 : i32 to index
        %parallel_loop3A_926 = arith.index_cast %parallel_loop3A_910 : i32 to index
        %parallel_loop3A_927 = arith.constant 16 : index
        %parallel_loop3A_928 = tpu.vector_load %arg8[%parallel_loop3A_925, %parallel_loop3A_926, %parallel_loop3A_927] {strides = array<i32>} : memref<2x128x128xf32, #tpu.memory_space<vmem>>, vector<1x1x16xf32>,
        %parallel_loop3A_929 = vector.shape_cast %parallel_loop3A_928 : vector<1x1x16xf32> to vector<16xf32>
        %parallel_loop3A_930 = arith.constant 0 : i32
        %parallel_loop3A_931 = arith.index_cast %parallel_loop3A_930 : i32 to index
        %parallel_loop3A_932 = arith.index_cast %parallel_loop3A_910 : i32 to index
        %parallel_loop3A_933 = arith.constant 16 : index
        %parallel_loop3A_934 = tpu.vector_load %arg9[%parallel_loop3A_931, %parallel_loop3A_932, %parallel_loop3A_933] {strides = array<i32>} : memref<2x128x128xf32, #tpu.memory_space<vmem>>, vector<1x1x16xf32>,
        %parallel_loop3A_935 = vector.shape_cast %parallel_loop3A_934 : vector<1x1x16xf32> to vector<16xf32>
        %parallel_loop3A_936 = arith.addf %parallel_loop3A_929, %parallel_loop3A_935 : vector<16xf32>
        %parallel_loop3A_937 = arith.constant 0 : i32
        %parallel_loop3A_938 = arith.index_cast %parallel_loop3A_937 : i32 to index
        %parallel_loop3A_939 = arith.index_cast %parallel_loop3A_910 : i32 to index
        %parallel_loop3A_940 = arith.constant 32 : index
        %parallel_loop3A_941 = tpu.vector_load %arg8[%parallel_loop3A_938, %parallel_loop3A_939, %parallel_loop3A_940] {strides = array<i32>} : memref<2x128x128xf32, #tpu.memory_space<vmem>>, vector<1x1x16xf32>,
        %parallel_loop3A_942 = vector.shape_cast %parallel_loop3A_941 : vector<1x1x16xf32> to vector<16xf32>
        %parallel_loop3A_943 = arith.constant 0 : i32
        %parallel_loop3A_944 = arith.index_cast %parallel_loop3A_943 : i32 to index
        %parallel_loop3A_945 = arith.index_cast %parallel_loop3A_910 : i32 to index
        %parallel_loop3A_946 = arith.constant 32 : index
        %parallel_loop3A_947 = tpu.vector_load %arg9[%parallel_loop3A_944, %parallel_loop3A_945, %parallel_loop3A_946] {strides = array<i32>} : memref<2x128x128xf32, #tpu.memory_space<vmem>>, vector<1x1x16xf32>,
        %parallel_loop3A_948 = vector.shape_cast %parallel_loop3A_947 : vector<1x1x16xf32> to vector<16xf32>
        %parallel_loop3A_949 = arith.addf %parallel_loop3A_942, %parallel_loop3A_948 : vector<16xf32>
        %parallel_loop3A_950 = arith.constant 0 : i32
        %parallel_loop3A_951 = arith.index_cast %parallel_loop3A_950 : i32 to index
        %parallel_loop3A_952 = arith.index_cast %parallel_loop3A_910 : i32 to index
        %parallel_loop3A_953 = arith.constant 48 : index
        %parallel_loop3A_954 = tpu.vector_load %arg8[%parallel_loop3A_951, %parallel_loop3A_952, %parallel_loop3A_953] {strides = array<i32>} : memref<2x128x128xf32, #tpu.memory_space<vmem>>, vector<1x1x16xf32>,
        %parallel_loop3A_955 = vector.shape_cast %parallel_loop3A_954 : vector<1x1x16xf32> to vector<16xf32>
        %parallel_loop3A_956 = arith.constant 0 : i32
        %parallel_loop3A_957 = arith.index_cast %parallel_loop3A_956 : i32 to index
        %parallel_loop3A_958 = arith.index_cast %parallel_loop3A_910 : i32 to index
        %parallel_loop3A_959 = arith.constant 48 : index
        %parallel_loop3A_960 = tpu.vector_load %arg9[%parallel_loop3A_957, %parallel_loop3A_958, %parallel_loop3A_959] {strides = array<i32>} : memref<2x128x128xf32, #tpu.memory_space<vmem>>, vector<1x1x16xf32>,
        %parallel_loop3A_961 = vector.shape_cast %parallel_loop3A_960 : vector<1x1x16xf32> to vector<16xf32>
        %parallel_loop3A_962 = arith.addf %parallel_loop3A_955, %parallel_loop3A_961 : vector<16xf32>
        %parallel_loop3A_963 = arith.constant 0 : i32
        %parallel_loop3A_964 = arith.index_cast %parallel_loop3A_963 : i32 to index
        %parallel_loop3A_965 = arith.index_cast %parallel_loop3A_910 : i32 to index
        %parallel_loop3A_966 = arith.constant 64 : index
        %parallel_loop3A_967 = tpu.vector_load %arg8[%parallel_loop3A_964, %parallel_loop3A_965, %parallel_loop3A_966] {strides = array<i32>} : memref<2x128x128xf32, #tpu.memory_space<vmem>>, vector<1x1x16xf32>,
        %parallel_loop3A_968 = vector.shape_cast %parallel_loop3A_967 : vector<1x1x16xf32> to vector<16xf32>
        %parallel_loop3A_969 = arith.constant 0 : i32
        %parallel_loop3A_970 = arith.index_cast %parallel_loop3A_969 : i32 to index
        %parallel_loop3A_971 = arith.index_cast %parallel_loop3A_910 : i32 to index
        %parallel_loop3A_972 = arith.constant 64 : index
        %parallel_loop3A_973 = tpu.vector_load %arg9[%parallel_loop3A_970, %parallel_loop3A_971, %parallel_loop3A_972] {strides = array<i32>} : memref<2x128x128xf32, #tpu.memory_space<vmem>>, vector<1x1x16xf32>,
        %parallel_loop3A_974 = vector.shape_cast %parallel_loop3A_973 : vector<1x1x16xf32> to vector<16xf32>
        %parallel_loop3A_975 = arith.addf %parallel_loop3A_968, %parallel_loop3A_974 : vector<16xf32>
        %parallel_loop3A_976 = arith.constant 0 : i32
        %parallel_loop3A_977 = arith.index_cast %parallel_loop3A_976 : i32 to index
        %parallel_loop3A_978 = arith.index_cast %parallel_loop3A_910 : i32 to index
        %parallel_loop3A_979 = arith.constant 80 : index
        %parallel_loop3A_980 = tpu.vector_load %arg8[%parallel_loop3A_977, %parallel_loop3A_978, %parallel_loop3A_979] {strides = array<i32>} : memref<2x128x128xf32, #tpu.memory_space<vmem>>, vector<1x1x16xf32>,
        %parallel_loop3A_981 = vector.shape_cast %parallel_loop3A_980 : vector<1x1x16xf32> to vector<16xf32>
        %parallel_loop3A_982 = arith.constant 0 : i32
        %parallel_loop3A_983 = arith.index_cast %parallel_loop3A_982 : i32 to index
        %parallel_loop3A_984 = arith.index_cast %parallel_loop3A_910 : i32 to index
        %parallel_loop3A_985 = arith.constant 80 : index
        %parallel_loop3A_986 = tpu.vector_load %arg9[%parallel_loop3A_983, %parallel_loop3A_984, %parallel_loop3A_985] {strides = array<i32>} : memref<2x128x128xf32, #tpu.memory_space<vmem>>, vector<1x1x16xf32>,
        %parallel_loop3A_987 = vector.shape_cast %parallel_loop3A_986 : vector<1x1x16xf32> to vector<16xf32>
        %parallel_loop3A_988 = arith.addf %parallel_loop3A_981, %parallel_loop3A_987 : vector<16xf32>
        %parallel_loop3A_989 = arith.constant 0 : i32
        %parallel_loop3A_990 = arith.index_cast %parallel_loop3A_989 : i32 to index
        %parallel_loop3A_991 = arith.index_cast %parallel_loop3A_910 : i32 to index
        %parallel_loop3A_992 = arith.constant 96 : index
        %parallel_loop3A_993 = tpu.vector_load %arg8[%parallel_loop3A_990, %parallel_loop3A_991, %parallel_loop3A_992] {strides = array<i32>} : memref<2x128x128xf32, #tpu.memory_space<vmem>>, vector<1x1x16xf32>,
        %parallel_loop3A_994 = vector.shape_cast %parallel_loop3A_993 : vector<1x1x16xf32> to vector<16xf32>
        %parallel_loop3A_995 = arith.constant 0 : i32
        %parallel_loop3A_996 = arith.index_cast %parallel_loop3A_995 : i32 to index
        %parallel_loop3A_997 = arith.index_cast %parallel_loop3A_910 : i32 to index
        %parallel_loop3A_998 = arith.constant 96 : index
        %parallel_loop3A_999 = tpu.vector_load %arg9[%parallel_loop3A_996, %parallel_loop3A_997, %parallel_loop3A_998] {strides = array<i32>} : memref<2x128x128xf32, #tpu.memory_space<vmem>>, vector<1x1x16xf32>,
        %parallel_loop3A_1000 = vector.shape_cast %parallel_loop3A_999 : vector<1x1x16xf32> to vector<16xf32>
        %parallel_loop3A_1001 = arith.addf %parallel_loop3A_994, %parallel_loop3A_1000 : vector<16xf32>
        %parallel_loop3A_1002 = arith.constant 0 : i32
        %parallel_loop3A_1003 = arith.index_cast %parallel_loop3A_1002 : i32 to index
        %parallel_loop3A_1004 = arith.index_cast %parallel_loop3A_910 : i32 to index
        %parallel_loop3A_1005 = arith.constant 112 : index
        %parallel_loop3A_1006 = tpu.vector_load %arg8[%parallel_loop3A_1003, %parallel_loop3A_1004, %parallel_loop3A_1005] {strides = array<i32>} : memref<2x128x128xf32, #tpu.memory_space<vmem>>, vector<1x1x16xf32>,
        %parallel_loop3A_1007 = vector.shape_cast %parallel_loop3A_1006 : vector<1x1x16xf32> to vector<16xf32>
        %parallel_loop3A_1008 = arith.constant 0 : i32
        %parallel_loop3A_1009 = arith.index_cast %parallel_loop3A_1008 : i32 to index
        %parallel_loop3A_1010 = arith.index_cast %parallel_loop3A_910 : i32 to index
        %parallel_loop3A_1011 = arith.constant 112 : index
        %parallel_loop3A_1012 = tpu.vector_load %arg9[%parallel_loop3A_1009, %parallel_loop3A_1010, %parallel_loop3A_1011] {strides = array<i32>} : memref<2x128x128xf32, #tpu.memory_space<vmem>>, vector<1x1x16xf32>,
        %parallel_loop3A_1013 = vector.shape_cast %parallel_loop3A_1012 : vector<1x1x16xf32> to vector<16xf32>
        %parallel_loop3A_1014 = arith.addf %parallel_loop3A_1007, %parallel_loop3A_1013 : vector<16xf32>
        %parallel_loop3A_1015 = arith.addf %parallel_loop3A_923, %parallel_loop3A_936 : vector<16xf32>
        %parallel_loop3A_1016 = arith.addf %parallel_loop3A_949, %parallel_loop3A_962 : vector<16xf32>
        %parallel_loop3A_1017 = arith.addf %parallel_loop3A_975, %parallel_loop3A_988 : vector<16xf32>
        %parallel_loop3A_1018 = arith.addf %parallel_loop3A_1001, %parallel_loop3A_1014 : vector<16xf32>
        %parallel_loop3A_1019 = arith.addf %parallel_loop3A_1015, %parallel_loop3A_1016 : vector<16xf32>
        %parallel_loop3A_1020 = arith.addf %parallel_loop3A_1017, %parallel_loop3A_1018 : vector<16xf32>
        %parallel_loop3A_1021 = arith.addf %parallel_loop3A_1019, %parallel_loop3A_1020 : vector<16xf32>
        %parallel_loop3A_1022 = arith.mulf %parallel_loop3A_923, %parallel_loop3A_923 : vector<16xf32>
        %parallel_loop3A_1023 = arith.mulf %parallel_loop3A_936, %parallel_loop3A_936 : vector<16xf32>
        %parallel_loop3A_1024 = arith.mulf %parallel_loop3A_949, %parallel_loop3A_949 : vector<16xf32>
        %parallel_loop3A_1025 = arith.mulf %parallel_loop3A_962, %parallel_loop3A_962 : vector<16xf32>
        %parallel_loop3A_1026 = arith.mulf %parallel_loop3A_975, %parallel_loop3A_975 : vector<16xf32>
        %parallel_loop3A_1027 = arith.mulf %parallel_loop3A_988, %parallel_loop3A_988 : vector<16xf32>
        %parallel_loop3A_1028 = arith.mulf %parallel_loop3A_1001, %parallel_loop3A_1001 : vector<16xf32>
        %parallel_loop3A_1029 = arith.mulf %parallel_loop3A_1014, %parallel_loop3A_1014 : vector<16xf32>
        %parallel_loop3A_1030 = arith.addf %parallel_loop3A_1022, %parallel_loop3A_1023 : vector<16xf32>
        %parallel_loop3A_1031 = arith.addf %parallel_loop3A_1024, %parallel_loop3A_1025 : vector<16xf32>
        %parallel_loop3A_1032 = arith.addf %parallel_loop3A_1026, %parallel_loop3A_1027 : vector<16xf32>
        %parallel_loop3A_1033 = arith.addf %parallel_loop3A_1028, %parallel_loop3A_1029 : vector<16xf32>
        %parallel_loop3A_1034 = arith.addf %parallel_loop3A_1030, %parallel_loop3A_1031 : vector<16xf32>
        %parallel_loop3A_1035 = arith.addf %parallel_loop3A_1032, %parallel_loop3A_1033 : vector<16xf32>
        %parallel_loop3A_1036 = arith.addf %parallel_loop3A_1034, %parallel_loop3A_1035 : vector<16xf32>
        %parallel_loop3A_1037 = vector.shape_cast %reshape3A : vector<16x1xi32> to vector<16xi32>
        %parallel_loop3A_1038 = tpu.dynamic_gather %parallel_loop3A_1021[%parallel_loop3A_1037] in [0] : vector<16xf32>, vector<16xi32> -> vector<16xf32>
        %parallel_loop3A_1039 = arith.addf %parallel_loop3A_1021, %parallel_loop3A_1038 : vector<16xf32>
        %parallel_loop3A_1040 = vector.shape_cast %reshape3A_56 : vector<16x1xi32> to vector<16xi32>
        %parallel_loop3A_1041 = tpu.dynamic_gather %parallel_loop3A_1039[%parallel_loop3A_1040] in [0] : vector<16xf32>, vector<16xi32> -> vector<16xf32>
        %parallel_loop3A_1042 = arith.addf %parallel_loop3A_1039, %parallel_loop3A_1041 : vector<16xf32>
        %parallel_loop3A_1043 = vector.shape_cast %reshape3A_61 : vector<16x1xi32> to vector<16xi32>
        %parallel_loop3A_1044 = tpu.dynamic_gather %parallel_loop3A_1042[%parallel_loop3A_1043] in [0] : vector<16xf32>, vector<16xi32> -> vector<16xf32>
        %parallel_loop3A_1045 = arith.addf %parallel_loop3A_1042, %parallel_loop3A_1044 : vector<16xf32>
        %parallel_loop3A_1046 = vector.shape_cast %reshape3A_66 : vector<16x1xi32> to vector<16xi32>
        %parallel_loop3A_1047 = tpu.dynamic_gather %parallel_loop3A_1045[%parallel_loop3A_1046] in [0] : vector<16xf32>, vector<16xi32> -> vector<16xf32>
        %parallel_loop3A_1048 = arith.addf %parallel_loop3A_1045, %parallel_loop3A_1047 : vector<16xf32>
        %parallel_loop3A_1049 = vector.broadcast %scan3A_762 : f32 to vector<16xf32>
        %parallel_loop3A_1050 = arith.mulf %parallel_loop3A_1048, %parallel_loop3A_1049 : vector<16xf32>
        %parallel_loop3A_1051 = vector.shape_cast %reshape3A : vector<16x1xi32> to vector<16xi32>
        %parallel_loop3A_1052 = tpu.dynamic_gather %parallel_loop3A_1036[%parallel_loop3A_1051] in [0] : vector<16xf32>, vector<16xi32> -> vector<16xf32>
        %parallel_loop3A_1053 = arith.addf %parallel_loop3A_1036, %parallel_loop3A_1052 : vector<16xf32>
        %parallel_loop3A_1054 = vector.shape_cast %reshape3A_56 : vector<16x1xi32> to vector<16xi32>
        %parallel_loop3A_1055 = tpu.dynamic_gather %parallel_loop3A_1053[%parallel_loop3A_1054] in [0] : vector<16xf32>, vector<16xi32> -> vector<16xf32>
        %parallel_loop3A_1056 = arith.addf %parallel_loop3A_1053, %parallel_loop3A_1055 : vector<16xf32>
        %parallel_loop3A_1057 = vector.shape_cast %reshape3A_61 : vector<16x1xi32> to vector<16xi32>
        %parallel_loop3A_1058 = tpu.dynamic_gather %parallel_loop3A_1056[%parallel_loop3A_1057] in [0] : vector<16xf32>, vector<16xi32> -> vector<16xf32>
        %parallel_loop3A_1059 = arith.addf %parallel_loop3A_1056, %parallel_loop3A_1058 : vector<16xf32>
        %parallel_loop3A_1060 = vector.shape_cast %reshape3A_66 : vector<16x1xi32> to vector<16xi32>
        %parallel_loop3A_1061 = tpu.dynamic_gather %parallel_loop3A_1059[%parallel_loop3A_1060] in [0] : vector<16xf32>, vector<16xi32> -> vector<16xf32>
        %parallel_loop3A_1062 = arith.addf %parallel_loop3A_1059, %parallel_loop3A_1061 : vector<16xf32>
        %parallel_loop3A_1063 = vector.broadcast %scan3A_762 : f32 to vector<16xf32>
        %parallel_loop3A_1064 = arith.mulf %parallel_loop3A_1062, %parallel_loop3A_1063 : vector<16xf32>
        %parallel_loop3A_1065 = arith.mulf %parallel_loop3A_1050, %parallel_loop3A_1050 : vector<16xf32>
        %parallel_loop3A_1066 = arith.subf %parallel_loop3A_1064, %parallel_loop3A_1065 : vector<16xf32>
        %parallel_loop3A_1067 = arith.constant 9.99999996E-13 : f32
        %parallel_loop3A_1068 = vector.broadcast %parallel_loop3A_1067 : f32 to vector<16xf32>
        %parallel_loop3A_1069 = arith.addf %parallel_loop3A_1066, %parallel_loop3A_1068 : vector<16xf32>
        %parallel_loop3A_1070 = tpu.bitcast %parallel_loop3A_1069 : vector<16xf32> -> vector<16xi32>
        %parallel_loop3A_1071 = arith.constant 1 : i32
        %parallel_loop3A_1072 = vector.broadcast %parallel_loop3A_1071 : i32 to vector<16xi32>
        %parallel_loop3A_1073 = arith.shrui %parallel_loop3A_1070, %parallel_loop3A_1072 : vector<16xi32>
        %parallel_loop3A_1074 = arith.constant 1597463007 : i32
        %parallel_loop3A_1075 = vector.broadcast %parallel_loop3A_1074 : i32 to vector<16xi32>
        %parallel_loop3A_1076 = arith.subi %parallel_loop3A_1075, %parallel_loop3A_1073 : vector<16xi32>
        %parallel_loop3A_1077 = tpu.bitcast %parallel_loop3A_1076 : vector<16xi32> -> vector<16xf32>
        %parallel_loop3A_1078 = arith.constant -5.000000e-01 : f32
        %parallel_loop3A_1079 = vector.broadcast %parallel_loop3A_1078 : f32 to vector<16xf32>
        %parallel_loop3A_1080 = arith.mulf %parallel_loop3A_1069, %parallel_loop3A_1079 : vector<16xf32>
        %parallel_loop3A_1081 = arith.mulf %parallel_loop3A_1080, %parallel_loop3A_1077 : vector<16xf32>
        %parallel_loop3A_1082 = arith.mulf %parallel_loop3A_1081, %parallel_loop3A_1077 : vector<16xf32>
        %parallel_loop3A_1083 = arith.constant 1.500000e+00 : f32
        %parallel_loop3A_1084 = vector.broadcast %parallel_loop3A_1083 : f32 to vector<16xf32>
        %parallel_loop3A_1085 = arith.addf %parallel_loop3A_1084, %parallel_loop3A_1082 : vector<16xf32>
        %parallel_loop3A_1086 = arith.mulf %parallel_loop3A_1077, %parallel_loop3A_1085 : vector<16xf32>
        %parallel_loop3A_1087 = arith.mulf %parallel_loop3A_1080, %parallel_loop3A_1086 : vector<16xf32>
        %parallel_loop3A_1088 = arith.mulf %parallel_loop3A_1087, %parallel_loop3A_1086 : vector<16xf32>
        %parallel_loop3A_1089 = arith.constant 1.500000e+00 : f32
        %parallel_loop3A_1090 = vector.broadcast %parallel_loop3A_1089 : f32 to vector<16xf32>
        %parallel_loop3A_1091 = arith.addf %parallel_loop3A_1090, %parallel_loop3A_1088 : vector<16xf32>
        %parallel_loop3A_1092 = arith.mulf %parallel_loop3A_1086, %parallel_loop3A_1091 : vector<16xf32>
        %parallel_loop3A_1093 = arith.subf %parallel_loop3A_923, %parallel_loop3A_1050 : vector<16xf32>
        %parallel_loop3A_1094 = arith.mulf %parallel_loop3A_1093, %parallel_loop3A_1092 : vector<16xf32>
        %parallel_loop3A_1095 = arith.mulf %parallel_loop3A_1094, %get3A_4 : vector<16xf32>
        %parallel_loop3A_1096 = arith.addf %parallel_loop3A_1095, %get3A_28 : vector<16xf32>
        %parallel_loop3A_1097 = arith.constant 0 : i32
        %parallel_loop3A_1098 = arith.index_cast %parallel_loop3A_1097 : i32 to index
        %parallel_loop3A_1099 = arith.index_cast %parallel_loop3A_910 : i32 to index
        %parallel_loop3A_1100 = arith.constant 0 : index
        %parallel_loop3A_1101 = tpu.vector_load %arg10[%parallel_loop3A_1098, %parallel_loop3A_1099, %parallel_loop3A_1100] {strides = array<i32>} : memref<2x128x128xf32, #tpu.memory_space<vmem>>, vector<1x1x16xf32>,
        %parallel_loop3A_1102 = vector.shape_cast %parallel_loop3A_1101 : vector<1x1x16xf32> to vector<16xf32>
        %parallel_loop3A_1103 = vector.shape_cast %parallel_loop3A_1096 : vector<16xf32> to vector<1x1x16xf32>
        tpu.vector_store %arg10[%parallel_loop3A_1098, %parallel_loop3A_1099, %parallel_loop3A_1100], %parallel_loop3A_1103 {strides = array<i32>} : memref<2x128x128xf32, #tpu.memory_space<vmem>>, vector<1x1x16xf32>,
        %parallel_loop3A_1104 = arith.subf %parallel_loop3A_936, %parallel_loop3A_1050 : vector<16xf32>
        %parallel_loop3A_1105 = arith.mulf %parallel_loop3A_1104, %parallel_loop3A_1092 : vector<16xf32>
        %parallel_loop3A_1106 = arith.mulf %parallel_loop3A_1105, %get3A_7 : vector<16xf32>
        %parallel_loop3A_1107 = arith.addf %parallel_loop3A_1106, %get3A_31 : vector<16xf32>
        %parallel_loop3A_1108 = arith.constant 0 : i32
        %parallel_loop3A_1109 = arith.index_cast %parallel_loop3A_1108 : i32 to index
        %parallel_loop3A_1110 = arith.index_cast %parallel_loop3A_910 : i32 to index
        %parallel_loop3A_1111 = arith.constant 16 : index
        %parallel_loop3A_1112 = tpu.vector_load %arg10[%parallel_loop3A_1109, %parallel_loop3A_1110, %parallel_loop3A_1111] {strides = array<i32>} : memref<2x128x128xf32, #tpu.memory_space<vmem>>, vector<1x1x16xf32>,
        %parallel_loop3A_1113 = vector.shape_cast %parallel_loop3A_1112 : vector<1x1x16xf32> to vector<16xf32>
        %parallel_loop3A_1114 = vector.shape_cast %parallel_loop3A_1107 : vector<16xf32> to vector<1x1x16xf32>
        tpu.vector_store %arg10[%parallel_loop3A_1109, %parallel_loop3A_1110, %parallel_loop3A_1111], %parallel_loop3A_1114 {strides = array<i32>} : memref<2x128x128xf32, #tpu.memory_space<vmem>>, vector<1x1x16xf32>,
        %parallel_loop3A_1115 = arith.subf %parallel_loop3A_949, %parallel_loop3A_1050 : vector<16xf32>
        %parallel_loop3A_1116 = arith.mulf %parallel_loop3A_1115, %parallel_loop3A_1092 : vector<16xf32>
        %parallel_loop3A_1117 = arith.mulf %parallel_loop3A_1116, %get3A_10 : vector<16xf32>
        %parallel_loop3A_1118 = arith.addf %parallel_loop3A_1117, %get3A_34 : vector<16xf32>
        %parallel_loop3A_1119 = arith.constant 0 : i32
        %parallel_loop3A_1120 = arith.index_cast %parallel_loop3A_1119 : i32 to index
        %parallel_loop3A_1121 = arith.index_cast %parallel_loop3A_910 : i32 to index
        %parallel_loop3A_1122 = arith.constant 32 : index
        %parallel_loop3A_1123 = tpu.vector_load %arg10[%parallel_loop3A_1120, %parallel_loop3A_1121, %parallel_loop3A_1122] {strides = array<i32>} : memref<2x128x128xf32, #tpu.memory_space<vmem>>, vector<1x1x16xf32>,
        %parallel_loop3A_1124 = vector.shape_cast %parallel_loop3A_1123 : vector<1x1x16xf32> to vector<16xf32>
        %parallel_loop3A_1125 = vector.shape_cast %parallel_loop3A_1118 : vector<16xf32> to vector<1x1x16xf32>
        tpu.vector_store %arg10[%parallel_loop3A_1120, %parallel_loop3A_1121, %parallel_loop3A_1122], %parallel_loop3A_1125 {strides = array<i32>} : memref<2x128x128xf32, #tpu.memory_space<vmem>>, vector<1x1x16xf32>,
        %parallel_loop3A_1126 = arith.subf %parallel_loop3A_962, %parallel_loop3A_1050 : vector<16xf32>
        %parallel_loop3A_1127 = arith.mulf %parallel_loop3A_1126, %parallel_loop3A_1092 : vector<16xf32>
        %parallel_loop3A_1128 = arith.mulf %parallel_loop3A_1127, %get3A_13 : vector<16xf32>
        %parallel_loop3A_1129 = arith.addf %parallel_loop3A_1128, %get3A_37 : vector<16xf32>
        %parallel_loop3A_1130 = arith.constant 0 : i32
        %parallel_loop3A_1131 = arith.index_cast %parallel_loop3A_1130 : i32 to index
        %parallel_loop3A_1132 = arith.index_cast %parallel_loop3A_910 : i32 to index
        %parallel_loop3A_1133 = arith.constant 48 : index
        %parallel_loop3A_1134 = tpu.vector_load %arg10[%parallel_loop3A_1131, %parallel_loop3A_1132, %parallel_loop3A_1133] {strides = array<i32>} : memref<2x128x128xf32, #tpu.memory_space<vmem>>, vector<1x1x16xf32>,
        %parallel_loop3A_1135 = vector.shape_cast %parallel_loop3A_1134 : vector<1x1x16xf32> to vector<16xf32>
        %parallel_loop3A_1136 = vector.shape_cast %parallel_loop3A_1129 : vector<16xf32> to vector<1x1x16xf32>
        tpu.vector_store %arg10[%parallel_loop3A_1131, %parallel_loop3A_1132, %parallel_loop3A_1133], %parallel_loop3A_1136 {strides = array<i32>} : memref<2x128x128xf32, #tpu.memory_space<vmem>>, vector<1x1x16xf32>,
        %parallel_loop3A_1137 = arith.subf %parallel_loop3A_975, %parallel_loop3A_1050 : vector<16xf32>
        %parallel_loop3A_1138 = arith.mulf %parallel_loop3A_1137, %parallel_loop3A_1092 : vector<16xf32>
        %parallel_loop3A_1139 = arith.mulf %parallel_loop3A_1138, %get3A_16 : vector<16xf32>
        %parallel_loop3A_1140 = arith.addf %parallel_loop3A_1139, %get3A_40 : vector<16xf32>
        %parallel_loop3A_1141 = arith.constant 0 : i32
        %parallel_loop3A_1142 = arith.index_cast %parallel_loop3A_1141 : i32 to index
        %parallel_loop3A_1143 = arith.index_cast %parallel_loop3A_910 : i32 to index
        %parallel_loop3A_1144 = arith.constant 64 : index
        %parallel_loop3A_1145 = tpu.vector_load %arg10[%parallel_loop3A_1142, %parallel_loop3A_1143, %parallel_loop3A_1144] {strides = array<i32>} : memref<2x128x128xf32, #tpu.memory_space<vmem>>, vector<1x1x16xf32>,
        %parallel_loop3A_1146 = vector.shape_cast %parallel_loop3A_1145 : vector<1x1x16xf32> to vector<16xf32>
        %parallel_loop3A_1147 = vector.shape_cast %parallel_loop3A_1140 : vector<16xf32> to vector<1x1x16xf32>
        tpu.vector_store %arg10[%parallel_loop3A_1142, %parallel_loop3A_1143, %parallel_loop3A_1144], %parallel_loop3A_1147 {strides = array<i32>} : memref<2x128x128xf32, #tpu.memory_space<vmem>>, vector<1x1x16xf32>,
        %parallel_loop3A_1148 = arith.subf %parallel_loop3A_988, %parallel_loop3A_1050 : vector<16xf32>
        %parallel_loop3A_1149 = arith.mulf %parallel_loop3A_1148, %parallel_loop3A_1092 : vector<16xf32>
        %parallel_loop3A_1150 = arith.mulf %parallel_loop3A_1149, %get3A_19 : vector<16xf32>
        %parallel_loop3A_1151 = arith.addf %parallel_loop3A_1150, %get3A_43 : vector<16xf32>
        %parallel_loop3A_1152 = arith.constant 0 : i32
        %parallel_loop3A_1153 = arith.index_cast %parallel_loop3A_1152 : i32 to index
        %parallel_loop3A_1154 = arith.index_cast %parallel_loop3A_910 : i32 to index
        %parallel_loop3A_1155 = arith.constant 80 : index
        %parallel_loop3A_1156 = tpu.vector_load %arg10[%parallel_loop3A_1153, %parallel_loop3A_1154, %parallel_loop3A_1155] {strides = array<i32>} : memref<2x128x128xf32, #tpu.memory_space<vmem>>, vector<1x1x16xf32>,
        %parallel_loop3A_1157 = vector.shape_cast %parallel_loop3A_1156 : vector<1x1x16xf32> to vector<16xf32>
        %parallel_loop3A_1158 = vector.shape_cast %parallel_loop3A_1151 : vector<16xf32> to vector<1x1x16xf32>
        tpu.vector_store %arg10[%parallel_loop3A_1153, %parallel_loop3A_1154, %parallel_loop3A_1155], %parallel_loop3A_1158 {strides = array<i32>} : memref<2x128x128xf32, #tpu.memory_space<vmem>>, vector<1x1x16xf32>,
        %parallel_loop3A_1159 = arith.subf %parallel_loop3A_1001, %parallel_loop3A_1050 : vector<16xf32>
        %parallel_loop3A_1160 = arith.mulf %parallel_loop3A_1159, %parallel_loop3A_1092 : vector<16xf32>
        %parallel_loop3A_1161 = arith.mulf %parallel_loop3A_1160, %get3A_22 : vector<16xf32>
        %parallel_loop3A_1162 = arith.addf %parallel_loop3A_1161, %get3A_46 : vector<16xf32>
        %parallel_loop3A_1163 = arith.constant 0 : i32
        %parallel_loop3A_1164 = arith.index_cast %parallel_loop3A_1163 : i32 to index
        %parallel_loop3A_1165 = arith.index_cast %parallel_loop3A_910 : i32 to index
        %parallel_loop3A_1166 = arith.constant 96 : index
        %parallel_loop3A_1167 = tpu.vector_load %arg10[%parallel_loop3A_1164, %parallel_loop3A_1165, %parallel_loop3A_1166] {strides = array<i32>} : memref<2x128x128xf32, #tpu.memory_space<vmem>>, vector<1x1x16xf32>,
        %parallel_loop3A_1168 = vector.shape_cast %parallel_loop3A_1167 : vector<1x1x16xf32> to vector<16xf32>
        %parallel_loop3A_1169 = vector.shape_cast %parallel_loop3A_1162 : vector<16xf32> to vector<1x1x16xf32>
        tpu.vector_store %arg10[%parallel_loop3A_1164, %parallel_loop3A_1165, %parallel_loop3A_1166], %parallel_loop3A_1169 {strides = array<i32>} : memref<2x128x128xf32, #tpu.memory_space<vmem>>, vector<1x1x16xf32>,
        %parallel_loop3A_1170 = arith.subf %parallel_loop3A_1014, %parallel_loop3A_1050 : vector<16xf32>
        %parallel_loop3A_1171 = arith.mulf %parallel_loop3A_1170, %parallel_loop3A_1092 : vector<16xf32>
        %parallel_loop3A_1172 = arith.mulf %parallel_loop3A_1171, %get3A_25 : vector<16xf32>
        %parallel_loop3A_1173 = arith.addf %parallel_loop3A_1172, %get3A_49 : vector<16xf32>
        %parallel_loop3A_1174 = arith.constant 0 : i32
        %parallel_loop3A_1175 = arith.index_cast %parallel_loop3A_1174 : i32 to index
        %parallel_loop3A_1176 = arith.index_cast %parallel_loop3A_910 : i32 to index
        %parallel_loop3A_1177 = arith.constant 112 : index
        %parallel_loop3A_1178 = tpu.vector_load %arg10[%parallel_loop3A_1175, %parallel_loop3A_1176, %parallel_loop3A_1177] {strides = array<i32>} : memref<2x128x128xf32, #tpu.memory_space<vmem>>, vector<1x1x16xf32>,
        %parallel_loop3A_1179 = vector.shape_cast %parallel_loop3A_1178 : vector<1x1x16xf32> to vector<16xf32>
        %parallel_loop3A_1180 = vector.shape_cast %parallel_loop3A_1173 : vector<16xf32> to vector<1x1x16xf32>
        tpu.vector_store %arg10[%parallel_loop3A_1175, %parallel_loop3A_1176, %parallel_loop3A_1177], %parallel_loop3A_1180 {strides = array<i32>} : memref<2x128x128xf32, #tpu.memory_space<vmem>>, vector<1x1x16xf32>,
      } {sc.loop_unroll_factor = 4 : i64, sc.parallel_access}
      %add3A_829 = arith.constant 2 : i32
      %add3A_830 = arith.addi %mul3A_800, %add3A_829 : i32
      %lt3A = arith.constant 50 : i32
      %lt3A_831 = arith.cmpi slt, %add3A_830, %lt3A : i32
      %convert_element_type3A_832 = arith.extui %lt3A_831 : i1 to i32
      %cond3A_833 = arith.constant 0 : i32
      %cond3A_834 = arith.cmpi ne, %convert_element_type3A_832, %cond3A_833 : i32
      scf.if %cond3A_834 {
        %add3A_910 = arith.constant 2 : i32
        %add3A_911 = arith.addi %mul3A_800, %add3A_910 : i32
        %mul3A_912 = arith.constant 128 : i32
        %mul3A_913 = arith.muli %add3A_911, %mul3A_912 : i32
        %add3A_914 = arith.addi %mul3A_2, %mul3A_913 : i32
        %dma_wait3A_915 = arith.constant 0 : i32
        %dma_wait3A_916 = arith.constant 0 : i32
        %dma_wait3A_917 = arith.constant 0 : i32
        %dma_wait3A_918 = tpu.memref_slice %arg11[%dma_wait3A_915, %dma_wait3A_916, %dma_wait3A_917] : memref<2x3x128xi32, #tpu.memory_space<vmem>> -> memref<1x3x128xi32, #tpu.memory_space<vmem>>
        %dma_wait3A_919 = tpu.memref_squeeze %dma_wait3A_918 : memref<1x3x128xi32, #tpu.memory_space<vmem>> -> memref<3x128xi32, #tpu.memory_space<vmem>>
        %dma_wait3A_920 = arith.constant 0 : i32
        %dma_wait3A_921 = tpu.memref_slice %arg2[%dma_wait3A_920, %add3A_914] : memref<3x204800xi32, #tpu.memory_space<hbm>> -> memref<3x128xi32, #tpu.memory_space<hbm>>
        %dma_wait3A_922 = arith.constant 0 : i32
        %dma_wait3A_923 = arith.constant 0 : i32
        %dma_wait3A_924 = tpu.memref_slice %arg11[%dma_wait3A_915, %dma_wait3A_922, %dma_wait3A_923] : memref<2x3x128xi32, #tpu.memory_space<vmem>> -> memref<1x3x128xi32, #tpu.memory_space<vmem>>
        %dma_wait3A_925 = tpu.memref_squeeze %dma_wait3A_924 : memref<1x3x128xi32, #tpu.memory_space<vmem>> -> memref<3x128xi32, #tpu.memory_space<vmem>>
        %dma_wait3A_926 = arith.constant 0 : i32
        %dma_wait3A_927 = tpu.memref_slice %arg2[%dma_wait3A_926, %add3A_914] : memref<3x204800xi32, #tpu.memory_space<hbm>> -> memref<3x128xi32, #tpu.memory_space<hbm>>
        tpu.wait_dma2 semaphore(%arg20 : memref<!tpu.dma_semaphore, #tpu.memory_space<semaphore_mem>>) src(%dma_wait3A_927 : memref<3x128xi32, #tpu.memory_space<hbm>>) dst(%dma_wait3A_925 : memref<3x128xi32, #tpu.memory_space<vmem>>)
        %get3A_928 = arith.constant 0 : i32
        %get3A_929 = arith.constant 0 : i32
        %get3A_930 = arith.index_cast %get3A_928 : i32 to index
        %get3A_931 = arith.index_cast %get3A_929 : i32 to index
        %get3A_932 = arith.constant 0 : index
        %get3A_933 = tpu.vector_load %arg11[%get3A_930, %get3A_931, %get3A_932] {strides = array<i32>} : memref<2x3x128xi32, #tpu.memory_space<vmem>>, vector<1x1x16xi32>,
        %get3A_934 = vector.shape_cast %get3A_933 : vector<1x1x16xi32> to vector<16xi32>
        %swap3A_935 = arith.constant 0 : i32
        %swap3A_936 = arith.index_cast %swap3A_935 : i32 to index
        %swap3A_937 = arith.constant 0 : index
        %swap3A_938 = tpu.vector_load %arg13[%swap3A_936, %swap3A_937] {strides = array<i32>} : memref<2x128xi32, #tpu.memory_space<vmem>>, vector<1x16xi32>,
        %swap3A_939 = vector.shape_cast %swap3A_938 : vector<1x16xi32> to vector<16xi32>
        %swap3A_940 = vector.shape_cast %get3A_934 : vector<16xi32> to vector<1x16xi32>
        tpu.vector_store %arg13[%swap3A_936, %swap3A_937], %swap3A_940 {strides = array<i32>} : memref<2x128xi32, #tpu.memory_space<vmem>>, vector<1x16xi32>,
        %get3A_941 = arith.constant 0 : i32
        %get3A_942 = arith.constant 1 : i32
        %get3A_943 = arith.index_cast %get3A_941 : i32 to index
        %get3A_944 = arith.index_cast %get3A_942 : i32 to index
        %get3A_945 = arith.constant 0 : index
        %get3A_946 = tpu.vector_load %arg11[%get3A_943, %get3A_944, %get3A_945] {strides = array<i32>} : memref<2x3x128xi32, #tpu.memory_space<vmem>>, vector<1x1x16xi32>,
        %get3A_947 = vector.shape_cast %get3A_946 : vector<1x1x16xi32> to vector<16xi32>
        %get3A_948 = arith.constant 0 : i32
        %get3A_949 = arith.constant 2 : i32
        %get3A_950 = arith.index_cast %get3A_948 : i32 to index
        %get3A_951 = arith.index_cast %get3A_949 : i32 to index
        %get3A_952 = arith.constant 0 : index
        %get3A_953 = tpu.vector_load %arg11[%get3A_950, %get3A_951, %get3A_952] {strides = array<i32>} : memref<2x3x128xi32, #tpu.memory_space<vmem>>, vector<1x1x16xi32>,
        %get3A_954 = vector.shape_cast %get3A_953 : vector<1x1x16xi32> to vector<16xi32>
        %add3A_955 = arith.addi %get3A_947, %get3A_947 : vector<16xi32>
        %add3A_956 = arith.addi %add3A_955, %get3A_954 : vector<16xi32>
        %swap3A_957 = arith.constant 0 : i32
        %swap3A_958 = arith.index_cast %swap3A_957 : i32 to index
        %swap3A_959 = arith.constant 0 : index
        %swap3A_960 = tpu.vector_load %arg12[%swap3A_958, %swap3A_959] {strides = array<i32>} : memref<2x128xi32, #tpu.memory_space<vmem>>, vector<1x16xi32>,
        %swap3A_961 = vector.shape_cast %swap3A_960 : vector<1x16xi32> to vector<16xi32>
        %swap3A_962 = vector.shape_cast %add3A_956 : vector<16xi32> to vector<1x16xi32>
        tpu.vector_store %arg12[%swap3A_958, %swap3A_959], %swap3A_962 {strides = array<i32>} : memref<2x128xi32, #tpu.memory_space<vmem>>, vector<1x16xi32>,
        %get3A_963 = arith.constant 0 : i32
        %get3A_964 = arith.constant 0 : i32
        %get3A_965 = arith.index_cast %get3A_963 : i32 to index
        %get3A_966 = arith.index_cast %get3A_964 : i32 to index
        %get3A_967 = arith.constant 16 : index
        %get3A_968 = tpu.vector_load %arg11[%get3A_965, %get3A_966, %get3A_967] {strides = array<i32>} : memref<2x3x128xi32, #tpu.memory_space<vmem>>, vector<1x1x16xi32>,
        %get3A_969 = vector.shape_cast %get3A_968 : vector<1x1x16xi32> to vector<16xi32>
        %swap3A_970 = arith.constant 0 : i32
        %swap3A_971 = arith.index_cast %swap3A_970 : i32 to index
        %swap3A_972 = arith.constant 16 : index
        %swap3A_973 = tpu.vector_load %arg13[%swap3A_971, %swap3A_972] {strides = array<i32>} : memref<2x128xi32, #tpu.memory_space<vmem>>, vector<1x16xi32>,
        %swap3A_974 = vector.shape_cast %swap3A_973 : vector<1x16xi32> to vector<16xi32>
        %swap3A_975 = vector.shape_cast %get3A_969 : vector<16xi32> to vector<1x16xi32>
        tpu.vector_store %arg13[%swap3A_971, %swap3A_972], %swap3A_975 {strides = array<i32>} : memref<2x128xi32, #tpu.memory_space<vmem>>, vector<1x16xi32>,
        %get3A_976 = arith.constant 0 : i32
        %get3A_977 = arith.constant 1 : i32
        %get3A_978 = arith.index_cast %get3A_976 : i32 to index
        %get3A_979 = arith.index_cast %get3A_977 : i32 to index
        %get3A_980 = arith.constant 16 : index
        %get3A_981 = tpu.vector_load %arg11[%get3A_978, %get3A_979, %get3A_980] {strides = array<i32>} : memref<2x3x128xi32, #tpu.memory_space<vmem>>, vector<1x1x16xi32>,
        %get3A_982 = vector.shape_cast %get3A_981 : vector<1x1x16xi32> to vector<16xi32>
        %get3A_983 = arith.constant 0 : i32
        %get3A_984 = arith.constant 2 : i32
        %get3A_985 = arith.index_cast %get3A_983 : i32 to index
        %get3A_986 = arith.index_cast %get3A_984 : i32 to index
        %get3A_987 = arith.constant 16 : index
        %get3A_988 = tpu.vector_load %arg11[%get3A_985, %get3A_986, %get3A_987] {strides = array<i32>} : memref<2x3x128xi32, #tpu.memory_space<vmem>>, vector<1x1x16xi32>,
        %get3A_989 = vector.shape_cast %get3A_988 : vector<1x1x16xi32> to vector<16xi32>
        %add3A_990 = arith.addi %get3A_982, %get3A_982 : vector<16xi32>
        %add3A_991 = arith.addi %add3A_990, %get3A_989 : vector<16xi32>
        %swap3A_992 = arith.constant 0 : i32
        %swap3A_993 = arith.index_cast %swap3A_992 : i32 to index
        %swap3A_994 = arith.constant 16 : index
        %swap3A_995 = tpu.vector_load %arg12[%swap3A_993, %swap3A_994] {strides = array<i32>} : memref<2x128xi32, #tpu.memory_space<vmem>>, vector<1x16xi32>,
        %swap3A_996 = vector.shape_cast %swap3A_995 : vector<1x16xi32> to vector<16xi32>
        %swap3A_997 = vector.shape_cast %add3A_991 : vector<16xi32> to vector<1x16xi32>
        tpu.vector_store %arg12[%swap3A_993, %swap3A_994], %swap3A_997 {strides = array<i32>} : memref<2x128xi32, #tpu.memory_space<vmem>>, vector<1x16xi32>,
        %get3A_998 = arith.constant 0 : i32
        %get3A_999 = arith.constant 0 : i32
        %get3A_1000 = arith.index_cast %get3A_998 : i32 to index
        %get3A_1001 = arith.index_cast %get3A_999 : i32 to index
        %get3A_1002 = arith.constant 32 : index
        %get3A_1003 = tpu.vector_load %arg11[%get3A_1000, %get3A_1001, %get3A_1002] {strides = array<i32>} : memref<2x3x128xi32, #tpu.memory_space<vmem>>, vector<1x1x16xi32>,
        %get3A_1004 = vector.shape_cast %get3A_1003 : vector<1x1x16xi32> to vector<16xi32>
        %swap3A_1005 = arith.constant 0 : i32
        %swap3A_1006 = arith.index_cast %swap3A_1005 : i32 to index
        %swap3A_1007 = arith.constant 32 : index
        %swap3A_1008 = tpu.vector_load %arg13[%swap3A_1006, %swap3A_1007] {strides = array<i32>} : memref<2x128xi32, #tpu.memory_space<vmem>>, vector<1x16xi32>,
        %swap3A_1009 = vector.shape_cast %swap3A_1008 : vector<1x16xi32> to vector<16xi32>
        %swap3A_1010 = vector.shape_cast %get3A_1004 : vector<16xi32> to vector<1x16xi32>
        tpu.vector_store %arg13[%swap3A_1006, %swap3A_1007], %swap3A_1010 {strides = array<i32>} : memref<2x128xi32, #tpu.memory_space<vmem>>, vector<1x16xi32>,
        %get3A_1011 = arith.constant 0 : i32
        %get3A_1012 = arith.constant 1 : i32
        %get3A_1013 = arith.index_cast %get3A_1011 : i32 to index
        %get3A_1014 = arith.index_cast %get3A_1012 : i32 to index
        %get3A_1015 = arith.constant 32 : index
        %get3A_1016 = tpu.vector_load %arg11[%get3A_1013, %get3A_1014, %get3A_1015] {strides = array<i32>} : memref<2x3x128xi32, #tpu.memory_space<vmem>>, vector<1x1x16xi32>,
        %get3A_1017 = vector.shape_cast %get3A_1016 : vector<1x1x16xi32> to vector<16xi32>
        %get3A_1018 = arith.constant 0 : i32
        %get3A_1019 = arith.constant 2 : i32
        %get3A_1020 = arith.index_cast %get3A_1018 : i32 to index
        %get3A_1021 = arith.index_cast %get3A_1019 : i32 to index
        %get3A_1022 = arith.constant 32 : index
        %get3A_1023 = tpu.vector_load %arg11[%get3A_1020, %get3A_1021, %get3A_1022] {strides = array<i32>} : memref<2x3x128xi32, #tpu.memory_space<vmem>>, vector<1x1x16xi32>,
        %get3A_1024 = vector.shape_cast %get3A_1023 : vector<1x1x16xi32> to vector<16xi32>
        %add3A_1025 = arith.addi %get3A_1017, %get3A_1017 : vector<16xi32>
        %add3A_1026 = arith.addi %add3A_1025, %get3A_1024 : vector<16xi32>
        %swap3A_1027 = arith.constant 0 : i32
        %swap3A_1028 = arith.index_cast %swap3A_1027 : i32 to index
        %swap3A_1029 = arith.constant 32 : index
        %swap3A_1030 = tpu.vector_load %arg12[%swap3A_1028, %swap3A_1029] {strides = array<i32>} : memref<2x128xi32, #tpu.memory_space<vmem>>, vector<1x16xi32>,
        %swap3A_1031 = vector.shape_cast %swap3A_1030 : vector<1x16xi32> to vector<16xi32>
        %swap3A_1032 = vector.shape_cast %add3A_1026 : vector<16xi32> to vector<1x16xi32>
        tpu.vector_store %arg12[%swap3A_1028, %swap3A_1029], %swap3A_1032 {strides = array<i32>} : memref<2x128xi32, #tpu.memory_space<vmem>>, vector<1x16xi32>,
        %get3A_1033 = arith.constant 0 : i32
        %get3A_1034 = arith.constant 0 : i32
        %get3A_1035 = arith.index_cast %get3A_1033 : i32 to index
        %get3A_1036 = arith.index_cast %get3A_1034 : i32 to index
        %get3A_1037 = arith.constant 48 : index
        %get3A_1038 = tpu.vector_load %arg11[%get3A_1035, %get3A_1036, %get3A_1037] {strides = array<i32>} : memref<2x3x128xi32, #tpu.memory_space<vmem>>, vector<1x1x16xi32>,
        %get3A_1039 = vector.shape_cast %get3A_1038 : vector<1x1x16xi32> to vector<16xi32>
        %swap3A_1040 = arith.constant 0 : i32
        %swap3A_1041 = arith.index_cast %swap3A_1040 : i32 to index
        %swap3A_1042 = arith.constant 48 : index
        %swap3A_1043 = tpu.vector_load %arg13[%swap3A_1041, %swap3A_1042] {strides = array<i32>} : memref<2x128xi32, #tpu.memory_space<vmem>>, vector<1x16xi32>,
        %swap3A_1044 = vector.shape_cast %swap3A_1043 : vector<1x16xi32> to vector<16xi32>
        %swap3A_1045 = vector.shape_cast %get3A_1039 : vector<16xi32> to vector<1x16xi32>
        tpu.vector_store %arg13[%swap3A_1041, %swap3A_1042], %swap3A_1045 {strides = array<i32>} : memref<2x128xi32, #tpu.memory_space<vmem>>, vector<1x16xi32>,
        %get3A_1046 = arith.constant 0 : i32
        %get3A_1047 = arith.constant 1 : i32
        %get3A_1048 = arith.index_cast %get3A_1046 : i32 to index
        %get3A_1049 = arith.index_cast %get3A_1047 : i32 to index
        %get3A_1050 = arith.constant 48 : index
        %get3A_1051 = tpu.vector_load %arg11[%get3A_1048, %get3A_1049, %get3A_1050] {strides = array<i32>} : memref<2x3x128xi32, #tpu.memory_space<vmem>>, vector<1x1x16xi32>,
        %get3A_1052 = vector.shape_cast %get3A_1051 : vector<1x1x16xi32> to vector<16xi32>
        %get3A_1053 = arith.constant 0 : i32
        %get3A_1054 = arith.constant 2 : i32
        %get3A_1055 = arith.index_cast %get3A_1053 : i32 to index
        %get3A_1056 = arith.index_cast %get3A_1054 : i32 to index
        %get3A_1057 = arith.constant 48 : index
        %get3A_1058 = tpu.vector_load %arg11[%get3A_1055, %get3A_1056, %get3A_1057] {strides = array<i32>} : memref<2x3x128xi32, #tpu.memory_space<vmem>>, vector<1x1x16xi32>,
        %get3A_1059 = vector.shape_cast %get3A_1058 : vector<1x1x16xi32> to vector<16xi32>
        %add3A_1060 = arith.addi %get3A_1052, %get3A_1052 : vector<16xi32>
        %add3A_1061 = arith.addi %add3A_1060, %get3A_1059 : vector<16xi32>
        %swap3A_1062 = arith.constant 0 : i32
        %swap3A_1063 = arith.index_cast %swap3A_1062 : i32 to index
        %swap3A_1064 = arith.constant 48 : index
        %swap3A_1065 = tpu.vector_load %arg12[%swap3A_1063, %swap3A_1064] {strides = array<i32>} : memref<2x128xi32, #tpu.memory_space<vmem>>, vector<1x16xi32>,
        %swap3A_1066 = vector.shape_cast %swap3A_1065 : vector<1x16xi32> to vector<16xi32>
        %swap3A_1067 = vector.shape_cast %add3A_1061 : vector<16xi32> to vector<1x16xi32>
        tpu.vector_store %arg12[%swap3A_1063, %swap3A_1064], %swap3A_1067 {strides = array<i32>} : memref<2x128xi32, #tpu.memory_space<vmem>>, vector<1x16xi32>,
        %get3A_1068 = arith.constant 0 : i32
        %get3A_1069 = arith.constant 0 : i32
        %get3A_1070 = arith.index_cast %get3A_1068 : i32 to index
        %get3A_1071 = arith.index_cast %get3A_1069 : i32 to index
        %get3A_1072 = arith.constant 64 : index
        %get3A_1073 = tpu.vector_load %arg11[%get3A_1070, %get3A_1071, %get3A_1072] {strides = array<i32>} : memref<2x3x128xi32, #tpu.memory_space<vmem>>, vector<1x1x16xi32>,
        %get3A_1074 = vector.shape_cast %get3A_1073 : vector<1x1x16xi32> to vector<16xi32>
        %swap3A_1075 = arith.constant 0 : i32
        %swap3A_1076 = arith.index_cast %swap3A_1075 : i32 to index
        %swap3A_1077 = arith.constant 64 : index
        %swap3A_1078 = tpu.vector_load %arg13[%swap3A_1076, %swap3A_1077] {strides = array<i32>} : memref<2x128xi32, #tpu.memory_space<vmem>>, vector<1x16xi32>,
        %swap3A_1079 = vector.shape_cast %swap3A_1078 : vector<1x16xi32> to vector<16xi32>
        %swap3A_1080 = vector.shape_cast %get3A_1074 : vector<16xi32> to vector<1x16xi32>
        tpu.vector_store %arg13[%swap3A_1076, %swap3A_1077], %swap3A_1080 {strides = array<i32>} : memref<2x128xi32, #tpu.memory_space<vmem>>, vector<1x16xi32>,
        %get3A_1081 = arith.constant 0 : i32
        %get3A_1082 = arith.constant 1 : i32
        %get3A_1083 = arith.index_cast %get3A_1081 : i32 to index
        %get3A_1084 = arith.index_cast %get3A_1082 : i32 to index
        %get3A_1085 = arith.constant 64 : index
        %get3A_1086 = tpu.vector_load %arg11[%get3A_1083, %get3A_1084, %get3A_1085] {strides = array<i32>} : memref<2x3x128xi32, #tpu.memory_space<vmem>>, vector<1x1x16xi32>,
        %get3A_1087 = vector.shape_cast %get3A_1086 : vector<1x1x16xi32> to vector<16xi32>
        %get3A_1088 = arith.constant 0 : i32
        %get3A_1089 = arith.constant 2 : i32
        %get3A_1090 = arith.index_cast %get3A_1088 : i32 to index
        %get3A_1091 = arith.index_cast %get3A_1089 : i32 to index
        %get3A_1092 = arith.constant 64 : index
        %get3A_1093 = tpu.vector_load %arg11[%get3A_1090, %get3A_1091, %get3A_1092] {strides = array<i32>} : memref<2x3x128xi32, #tpu.memory_space<vmem>>, vector<1x1x16xi32>,
        %get3A_1094 = vector.shape_cast %get3A_1093 : vector<1x1x16xi32> to vector<16xi32>
        %add3A_1095 = arith.addi %get3A_1087, %get3A_1087 : vector<16xi32>
        %add3A_1096 = arith.addi %add3A_1095, %get3A_1094 : vector<16xi32>
        %swap3A_1097 = arith.constant 0 : i32
        %swap3A_1098 = arith.index_cast %swap3A_1097 : i32 to index
        %swap3A_1099 = arith.constant 64 : index
        %swap3A_1100 = tpu.vector_load %arg12[%swap3A_1098, %swap3A_1099] {strides = array<i32>} : memref<2x128xi32, #tpu.memory_space<vmem>>, vector<1x16xi32>,
        %swap3A_1101 = vector.shape_cast %swap3A_1100 : vector<1x16xi32> to vector<16xi32>
        %swap3A_1102 = vector.shape_cast %add3A_1096 : vector<16xi32> to vector<1x16xi32>
        tpu.vector_store %arg12[%swap3A_1098, %swap3A_1099], %swap3A_1102 {strides = array<i32>} : memref<2x128xi32, #tpu.memory_space<vmem>>, vector<1x16xi32>,
        %get3A_1103 = arith.constant 0 : i32
        %get3A_1104 = arith.constant 0 : i32
        %get3A_1105 = arith.index_cast %get3A_1103 : i32 to index
        %get3A_1106 = arith.index_cast %get3A_1104 : i32 to index
        %get3A_1107 = arith.constant 80 : index
        %get3A_1108 = tpu.vector_load %arg11[%get3A_1105, %get3A_1106, %get3A_1107] {strides = array<i32>} : memref<2x3x128xi32, #tpu.memory_space<vmem>>, vector<1x1x16xi32>,
        %get3A_1109 = vector.shape_cast %get3A_1108 : vector<1x1x16xi32> to vector<16xi32>
        %swap3A_1110 = arith.constant 0 : i32
        %swap3A_1111 = arith.index_cast %swap3A_1110 : i32 to index
        %swap3A_1112 = arith.constant 80 : index
        %swap3A_1113 = tpu.vector_load %arg13[%swap3A_1111, %swap3A_1112] {strides = array<i32>} : memref<2x128xi32, #tpu.memory_space<vmem>>, vector<1x16xi32>,
        %swap3A_1114 = vector.shape_cast %swap3A_1113 : vector<1x16xi32> to vector<16xi32>
        %swap3A_1115 = vector.shape_cast %get3A_1109 : vector<16xi32> to vector<1x16xi32>
        tpu.vector_store %arg13[%swap3A_1111, %swap3A_1112], %swap3A_1115 {strides = array<i32>} : memref<2x128xi32, #tpu.memory_space<vmem>>, vector<1x16xi32>,
        %get3A_1116 = arith.constant 0 : i32
        %get3A_1117 = arith.constant 1 : i32
        %get3A_1118 = arith.index_cast %get3A_1116 : i32 to index
        %get3A_1119 = arith.index_cast %get3A_1117 : i32 to index
        %get3A_1120 = arith.constant 80 : index
        %get3A_1121 = tpu.vector_load %arg11[%get3A_1118, %get3A_1119, %get3A_1120] {strides = array<i32>} : memref<2x3x128xi32, #tpu.memory_space<vmem>>, vector<1x1x16xi32>,
        %get3A_1122 = vector.shape_cast %get3A_1121 : vector<1x1x16xi32> to vector<16xi32>
        %get3A_1123 = arith.constant 0 : i32
        %get3A_1124 = arith.constant 2 : i32
        %get3A_1125 = arith.index_cast %get3A_1123 : i32 to index
        %get3A_1126 = arith.index_cast %get3A_1124 : i32 to index
        %get3A_1127 = arith.constant 80 : index
        %get3A_1128 = tpu.vector_load %arg11[%get3A_1125, %get3A_1126, %get3A_1127] {strides = array<i32>} : memref<2x3x128xi32, #tpu.memory_space<vmem>>, vector<1x1x16xi32>,
        %get3A_1129 = vector.shape_cast %get3A_1128 : vector<1x1x16xi32> to vector<16xi32>
        %add3A_1130 = arith.addi %get3A_1122, %get3A_1122 : vector<16xi32>
        %add3A_1131 = arith.addi %add3A_1130, %get3A_1129 : vector<16xi32>
        %swap3A_1132 = arith.constant 0 : i32
        %swap3A_1133 = arith.index_cast %swap3A_1132 : i32 to index
        %swap3A_1134 = arith.constant 80 : index
        %swap3A_1135 = tpu.vector_load %arg12[%swap3A_1133, %swap3A_1134] {strides = array<i32>} : memref<2x128xi32, #tpu.memory_space<vmem>>, vector<1x16xi32>,
        %swap3A_1136 = vector.shape_cast %swap3A_1135 : vector<1x16xi32> to vector<16xi32>
        %swap3A_1137 = vector.shape_cast %add3A_1131 : vector<16xi32> to vector<1x16xi32>
        tpu.vector_store %arg12[%swap3A_1133, %swap3A_1134], %swap3A_1137 {strides = array<i32>} : memref<2x128xi32, #tpu.memory_space<vmem>>, vector<1x16xi32>,
        %get3A_1138 = arith.constant 0 : i32
        %get3A_1139 = arith.constant 0 : i32
        %get3A_1140 = arith.index_cast %get3A_1138 : i32 to index
        %get3A_1141 = arith.index_cast %get3A_1139 : i32 to index
        %get3A_1142 = arith.constant 96 : index
        %get3A_1143 = tpu.vector_load %arg11[%get3A_1140, %get3A_1141, %get3A_1142] {strides = array<i32>} : memref<2x3x128xi32, #tpu.memory_space<vmem>>, vector<1x1x16xi32>,
        %get3A_1144 = vector.shape_cast %get3A_1143 : vector<1x1x16xi32> to vector<16xi32>
        %swap3A_1145 = arith.constant 0 : i32
        %swap3A_1146 = arith.index_cast %swap3A_1145 : i32 to index
        %swap3A_1147 = arith.constant 96 : index
        %swap3A_1148 = tpu.vector_load %arg13[%swap3A_1146, %swap3A_1147] {strides = array<i32>} : memref<2x128xi32, #tpu.memory_space<vmem>>, vector<1x16xi32>,
        %swap3A_1149 = vector.shape_cast %swap3A_1148 : vector<1x16xi32> to vector<16xi32>
        %swap3A_1150 = vector.shape_cast %get3A_1144 : vector<16xi32> to vector<1x16xi32>
        tpu.vector_store %arg13[%swap3A_1146, %swap3A_1147], %swap3A_1150 {strides = array<i32>} : memref<2x128xi32, #tpu.memory_space<vmem>>, vector<1x16xi32>,
        %get3A_1151 = arith.constant 0 : i32
        %get3A_1152 = arith.constant 1 : i32
        %get3A_1153 = arith.index_cast %get3A_1151 : i32 to index
        %get3A_1154 = arith.index_cast %get3A_1152 : i32 to index
        %get3A_1155 = arith.constant 96 : index
        %get3A_1156 = tpu.vector_load %arg11[%get3A_1153, %get3A_1154, %get3A_1155] {strides = array<i32>} : memref<2x3x128xi32, #tpu.memory_space<vmem>>, vector<1x1x16xi32>,
        %get3A_1157 = vector.shape_cast %get3A_1156 : vector<1x1x16xi32> to vector<16xi32>
        %get3A_1158 = arith.constant 0 : i32
        %get3A_1159 = arith.constant 2 : i32
        %get3A_1160 = arith.index_cast %get3A_1158 : i32 to index
        %get3A_1161 = arith.index_cast %get3A_1159 : i32 to index
        %get3A_1162 = arith.constant 96 : index
        %get3A_1163 = tpu.vector_load %arg11[%get3A_1160, %get3A_1161, %get3A_1162] {strides = array<i32>} : memref<2x3x128xi32, #tpu.memory_space<vmem>>, vector<1x1x16xi32>,
        %get3A_1164 = vector.shape_cast %get3A_1163 : vector<1x1x16xi32> to vector<16xi32>
        %add3A_1165 = arith.addi %get3A_1157, %get3A_1157 : vector<16xi32>
        %add3A_1166 = arith.addi %add3A_1165, %get3A_1164 : vector<16xi32>
        %swap3A_1167 = arith.constant 0 : i32
        %swap3A_1168 = arith.index_cast %swap3A_1167 : i32 to index
        %swap3A_1169 = arith.constant 96 : index
        %swap3A_1170 = tpu.vector_load %arg12[%swap3A_1168, %swap3A_1169] {strides = array<i32>} : memref<2x128xi32, #tpu.memory_space<vmem>>, vector<1x16xi32>,
        %swap3A_1171 = vector.shape_cast %swap3A_1170 : vector<1x16xi32> to vector<16xi32>
        %swap3A_1172 = vector.shape_cast %add3A_1166 : vector<16xi32> to vector<1x16xi32>
        tpu.vector_store %arg12[%swap3A_1168, %swap3A_1169], %swap3A_1172 {strides = array<i32>} : memref<2x128xi32, #tpu.memory_space<vmem>>, vector<1x16xi32>,
        %get3A_1173 = arith.constant 0 : i32
        %get3A_1174 = arith.constant 0 : i32
        %get3A_1175 = arith.index_cast %get3A_1173 : i32 to index
        %get3A_1176 = arith.index_cast %get3A_1174 : i32 to index
        %get3A_1177 = arith.constant 112 : index
        %get3A_1178 = tpu.vector_load %arg11[%get3A_1175, %get3A_1176, %get3A_1177] {strides = array<i32>} : memref<2x3x128xi32, #tpu.memory_space<vmem>>, vector<1x1x16xi32>,
        %get3A_1179 = vector.shape_cast %get3A_1178 : vector<1x1x16xi32> to vector<16xi32>
        %swap3A_1180 = arith.constant 0 : i32
        %swap3A_1181 = arith.index_cast %swap3A_1180 : i32 to index
        %swap3A_1182 = arith.constant 112 : index
        %swap3A_1183 = tpu.vector_load %arg13[%swap3A_1181, %swap3A_1182] {strides = array<i32>} : memref<2x128xi32, #tpu.memory_space<vmem>>, vector<1x16xi32>,
        %swap3A_1184 = vector.shape_cast %swap3A_1183 : vector<1x16xi32> to vector<16xi32>
        %swap3A_1185 = vector.shape_cast %get3A_1179 : vector<16xi32> to vector<1x16xi32>
        tpu.vector_store %arg13[%swap3A_1181, %swap3A_1182], %swap3A_1185 {strides = array<i32>} : memref<2x128xi32, #tpu.memory_space<vmem>>, vector<1x16xi32>,
        %get3A_1186 = arith.constant 0 : i32
        %get3A_1187 = arith.constant 1 : i32
        %get3A_1188 = arith.index_cast %get3A_1186 : i32 to index
        %get3A_1189 = arith.index_cast %get3A_1187 : i32 to index
        %get3A_1190 = arith.constant 112 : index
        %get3A_1191 = tpu.vector_load %arg11[%get3A_1188, %get3A_1189, %get3A_1190] {strides = array<i32>} : memref<2x3x128xi32, #tpu.memory_space<vmem>>, vector<1x1x16xi32>,
        %get3A_1192 = vector.shape_cast %get3A_1191 : vector<1x1x16xi32> to vector<16xi32>
        %get3A_1193 = arith.constant 0 : i32
        %get3A_1194 = arith.constant 2 : i32
        %get3A_1195 = arith.index_cast %get3A_1193 : i32 to index
        %get3A_1196 = arith.index_cast %get3A_1194 : i32 to index
        %get3A_1197 = arith.constant 112 : index
        %get3A_1198 = tpu.vector_load %arg11[%get3A_1195, %get3A_1196, %get3A_1197] {strides = array<i32>} : memref<2x3x128xi32, #tpu.memory_space<vmem>>, vector<1x1x16xi32>,
        %get3A_1199 = vector.shape_cast %get3A_1198 : vector<1x1x16xi32> to vector<16xi32>
        %add3A_1200 = arith.addi %get3A_1192, %get3A_1192 : vector<16xi32>
        %add3A_1201 = arith.addi %add3A_1200, %get3A_1199 : vector<16xi32>
        %swap3A_1202 = arith.constant 0 : i32
        %swap3A_1203 = arith.index_cast %swap3A_1202 : i32 to index
        %swap3A_1204 = arith.constant 112 : index
        %swap3A_1205 = tpu.vector_load %arg12[%swap3A_1203, %swap3A_1204] {strides = array<i32>} : memref<2x128xi32, #tpu.memory_space<vmem>>, vector<1x16xi32>,
        %swap3A_1206 = vector.shape_cast %swap3A_1205 : vector<1x16xi32> to vector<16xi32>
        %swap3A_1207 = vector.shape_cast %add3A_1201 : vector<16xi32> to vector<1x16xi32>
        tpu.vector_store %arg12[%swap3A_1203, %swap3A_1204], %swap3A_1207 {strides = array<i32>} : memref<2x128xi32, #tpu.memory_space<vmem>>, vector<1x16xi32>,
        %dma_start3A_1208 = arith.constant 0 : i32
        %dma_start3A_1209 = arith.constant 0 : i32
        %dma_start3A_1210 = arith.constant 0 : i32
        %dma_start3A_1211 = arith.constant 0 : i32
        %dma_start3A_1212 = tpu.memref_slice %arg8[%dma_start3A_1209, %dma_start3A_1210, %dma_start3A_1211] : memref<2x128x128xf32, #tpu.memory_space<vmem>> -> memref<1x128x128xf32, #tpu.memory_space<vmem>>
        %dma_start3A_1213 = tpu.memref_squeeze %dma_start3A_1212 : memref<1x128x128xf32, #tpu.memory_space<vmem>> -> memref<128x128xf32, #tpu.memory_space<vmem>>
        %dma_start3A_1214 = arith.constant 0 : i32
        %dma_start3A_1215 = tpu.memref_slice %arg13[%dma_start3A_1208, %dma_start3A_1214] : memref<2x128xi32, #tpu.memory_space<vmem>> -> memref<1x128xi32, #tpu.memory_space<vmem>>
        %dma_start3A_1216 = tpu.memref_squeeze %dma_start3A_1215 : memref<1x128xi32, #tpu.memory_space<vmem>> -> memref<128xi32, #tpu.memory_space<vmem>>
        %dma_start3A_1217 = arith.constant 0 : i32
        %dma_start3A_1218 = arith.constant 0 : i32
        %dma_start3A_1219 = tpu.memref_slice %arg3[%dma_start3A_1217, %dma_start3A_1218] : memref<100000x128xf32, #tpu.memory_space<hbm>> -> memref<100000x128xf32, #tpu.memory_space<hbm>>
        tpu.enqueue_indirect_dma source(%dma_start3A_1219 : memref<100000x128xf32, #tpu.memory_space<hbm>>) target(%dma_start3A_1213 : memref<128x128xf32, #tpu.memory_space<vmem>>) offsets(%dma_start3A_1216 : memref<128xi32, #tpu.memory_space<vmem>>) semaphore(%arg16 : memref<!tpu.dma_semaphore, #tpu.memory_space<semaphore_mem>>)
        %dma_start3A_1220 = arith.constant 0 : i32
        %dma_start3A_1221 = arith.constant 0 : i32
        %dma_start3A_1222 = arith.constant 0 : i32
        %dma_start3A_1223 = arith.constant 0 : i32
        %dma_start3A_1224 = tpu.memref_slice %arg9[%dma_start3A_1221, %dma_start3A_1222, %dma_start3A_1223] : memref<2x128x128xf32, #tpu.memory_space<vmem>> -> memref<1x128x128xf32, #tpu.memory_space<vmem>>
        %dma_start3A_1225 = tpu.memref_squeeze %dma_start3A_1224 : memref<1x128x128xf32, #tpu.memory_space<vmem>> -> memref<128x128xf32, #tpu.memory_space<vmem>>
        %dma_start3A_1226 = arith.constant 0 : i32
        %dma_start3A_1227 = tpu.memref_slice %arg12[%dma_start3A_1220, %dma_start3A_1226] : memref<2x128xi32, #tpu.memory_space<vmem>> -> memref<1x128xi32, #tpu.memory_space<vmem>>
        %dma_start3A_1228 = tpu.memref_squeeze %dma_start3A_1227 : memref<1x128xi32, #tpu.memory_space<vmem>> -> memref<128xi32, #tpu.memory_space<vmem>>
        %dma_start3A_1229 = arith.constant 0 : i32
        %dma_start3A_1230 = arith.constant 0 : i32
        %dma_start3A_1231 = tpu.memref_slice %arg4[%dma_start3A_1229, %dma_start3A_1230] : memref<1024x128xf32, #tpu.memory_space<hbm>> -> memref<1024x128xf32, #tpu.memory_space<hbm>>
        tpu.enqueue_indirect_dma source(%dma_start3A_1231 : memref<1024x128xf32, #tpu.memory_space<hbm>>) target(%dma_start3A_1225 : memref<128x128xf32, #tpu.memory_space<vmem>>) offsets(%dma_start3A_1228 : memref<128xi32, #tpu.memory_space<vmem>>) semaphore(%arg16 : memref<!tpu.dma_semaphore, #tpu.memory_space<semaphore_mem>>)
        %add3A_1232 = arith.constant 2 : i32
        %add3A_1233 = arith.addi %add3A_911, %add3A_1232 : i32
        %lt3A_1234 = arith.constant 50 : i32
        %lt3A_1235 = arith.cmpi slt, %add3A_1233, %lt3A_1234 : i32
        %convert_element_type3A_1236 = arith.extui %lt3A_1235 : i1 to i32
        %cond3A_1237 = arith.constant 0 : i32
        %cond3A_1238 = arith.cmpi ne, %convert_element_type3A_1236, %cond3A_1237 : i32
        scf.if %cond3A_1238 {
          %add3A_1239 = arith.constant 2 : i32
          %add3A_1240 = arith.addi %add3A_911, %add3A_1239 : i32
          %mul3A_1241 = arith.constant 128 : i32
          %mul3A_1242 = arith.muli %add3A_1240, %mul3A_1241 : i32
          %add3A_1243 = arith.addi %mul3A_2, %mul3A_1242 : i32
          %dma_start3A_1244 = arith.constant 0 : i32
          %dma_start3A_1245 = arith.constant 0 : i32
          %dma_start3A_1246 = arith.constant 0 : i32
          %dma_start3A_1247 = tpu.memref_slice %arg11[%dma_start3A_1244, %dma_start3A_1245, %dma_start3A_1246] : memref<2x3x128xi32, #tpu.memory_space<vmem>> -> memref<1x3x128xi32, #tpu.memory_space<vmem>>
          %dma_start3A_1248 = tpu.memref_squeeze %dma_start3A_1247 : memref<1x3x128xi32, #tpu.memory_space<vmem>> -> memref<3x128xi32, #tpu.memory_space<vmem>>
          %dma_start3A_1249 = arith.constant 0 : i32
          %dma_start3A_1250 = tpu.memref_slice %arg2[%dma_start3A_1249, %add3A_1243] : memref<3x204800xi32, #tpu.memory_space<hbm>> -> memref<3x128xi32, #tpu.memory_space<hbm>>
          %dma_start3A_1251 = arith.constant 0 : i32
          %dma_start3A_1252 = arith.constant 0 : i32
          %dma_start3A_1253 = tpu.memref_slice %arg11[%dma_start3A_1244, %dma_start3A_1251, %dma_start3A_1252] : memref<2x3x128xi32, #tpu.memory_space<vmem>> -> memref<1x3x128xi32, #tpu.memory_space<vmem>>
          %dma_start3A_1254 = tpu.memref_squeeze %dma_start3A_1253 : memref<1x3x128xi32, #tpu.memory_space<vmem>> -> memref<3x128xi32, #tpu.memory_space<vmem>>
          %dma_start3A_1255 = arith.constant 0 : i32
          %dma_start3A_1256 = tpu.memref_slice %arg2[%dma_start3A_1255, %add3A_1243] : memref<3x204800xi32, #tpu.memory_space<hbm>> -> memref<3x128xi32, #tpu.memory_space<hbm>>
          tpu.enqueue_dma source(%dma_start3A_1256 : memref<3x128xi32, #tpu.memory_space<hbm>>) target(%dma_start3A_1254 : memref<3x128xi32, #tpu.memory_space<vmem>>) target_semaphore(%arg20 : memref<!tpu.dma_semaphore, #tpu.memory_space<semaphore_mem>>)
        } else {
        }
      } else {
      }
      %mul3A_835 = arith.constant 128 : i32
      %mul3A_836 = arith.muli %mul3A_800, %mul3A_835 : i32
      %add3A_837 = arith.addi %mul3A_2, %mul3A_836 : i32
      %dma_start3A_838 = arith.constant 0 : i32
      %dma_start3A_839 = arith.constant 0 : i32
      %dma_start3A_840 = arith.constant 0 : i32
      %dma_start3A_841 = tpu.memref_slice %arg10[%dma_start3A_838, %dma_start3A_839, %dma_start3A_840] : memref<2x128x128xf32, #tpu.memory_space<vmem>> -> memref<1x128x128xf32, #tpu.memory_space<vmem>>
      %dma_start3A_842 = tpu.memref_squeeze %dma_start3A_841 : memref<1x128x128xf32, #tpu.memory_space<vmem>> -> memref<128x128xf32, #tpu.memory_space<vmem>>
      %dma_start3A_843 = arith.constant 0 : i32
      %dma_start3A_844 = tpu.memref_slice %arg7[%add3A_837, %dma_start3A_843] : memref<204800x128xf32, #tpu.memory_space<hbm>> -> memref<128x128xf32, #tpu.memory_space<hbm>>
      %dma_start3A_845 = arith.constant 0 : i32
      %dma_start3A_846 = tpu.memref_slice %arg7[%add3A_837, %dma_start3A_845] : memref<204800x128xf32, #tpu.memory_space<hbm>> -> memref<128x128xf32, #tpu.memory_space<hbm>>
      %dma_start3A_847 = arith.constant 0 : i32
      %dma_start3A_848 = arith.constant 0 : i32
      %dma_start3A_849 = tpu.memref_slice %arg10[%dma_start3A_838, %dma_start3A_847, %dma_start3A_848] : memref<2x128x128xf32, #tpu.memory_space<vmem>> -> memref<1x128x128xf32, #tpu.memory_space<vmem>>
      %dma_start3A_850 = tpu.memref_squeeze %dma_start3A_849 : memref<1x128x128xf32, #tpu.memory_space<vmem>> -> memref<128x128xf32, #tpu.memory_space<vmem>>
      tpu.enqueue_dma source(%dma_start3A_850 : memref<128x128xf32, #tpu.memory_space<vmem>>) target(%dma_start3A_846 : memref<128x128xf32, #tpu.memory_space<hbm>>) target_semaphore(%arg18 : memref<!tpu.dma_semaphore, #tpu.memory_space<semaphore_mem>>)
      %mul3A_851 = arith.constant 2 : i32
      %mul3A_852 = arith.muli %scan3A_798, %mul3A_851 : i32
      %add3A_853 = arith.constant 1 : i32
      %add3A_854 = arith.addi %mul3A_852, %add3A_853 : i32
      %dma_wait3A_855 = arith.constant 1 : i32
      %dma_wait3A_856 = arith.constant 1 : i32
      %dma_wait3A_857 = arith.constant 0 : i32
      %dma_wait3A_858 = arith.constant 0 : i32
      %dma_wait3A_859 = tpu.memref_slice %arg8[%dma_wait3A_856, %dma_wait3A_857, %dma_wait3A_858] : memref<2x128x128xf32, #tpu.memory_space<vmem>> -> memref<1x128x128xf32, #tpu.memory_space<vmem>>
      %dma_wait3A_860 = tpu.memref_squeeze %dma_wait3A_859 : memref<1x128x128xf32, #tpu.memory_space<vmem>> -> memref<128x128xf32, #tpu.memory_space<vmem>>
      %dma_wait3A_861 = arith.constant 0 : i32
      %dma_wait3A_862 = tpu.memref_slice %arg13[%dma_wait3A_855, %dma_wait3A_861] : memref<2x128xi32, #tpu.memory_space<vmem>> -> memref<1x128xi32, #tpu.memory_space<vmem>>
      %dma_wait3A_863 = tpu.memref_squeeze %dma_wait3A_862 : memref<1x128xi32, #tpu.memory_space<vmem>> -> memref<128xi32, #tpu.memory_space<vmem>>
      %dma_wait3A_864 = arith.constant 0 : i32
      %dma_wait3A_865 = arith.constant 0 : i32
      %dma_wait3A_866 = tpu.memref_slice %arg3[%dma_wait3A_864, %dma_wait3A_865] : memref<100000x128xf32, #tpu.memory_space<hbm>> -> memref<100000x128xf32, #tpu.memory_space<hbm>>
      tpu.wait_indirect_dma semaphore(%arg17 : memref<!tpu.dma_semaphore, #tpu.memory_space<semaphore_mem>>) src(%dma_wait3A_866 : memref<100000x128xf32, #tpu.memory_space<hbm>>) dst(%dma_wait3A_860 : memref<128x128xf32, #tpu.memory_space<vmem>>)
      %dma_wait3A_867 = arith.constant 1 : i32
      %dma_wait3A_868 = arith.constant 1 : i32
      %dma_wait3A_869 = arith.constant 0 : i32
      %dma_wait3A_870 = arith.constant 0 : i32
      %dma_wait3A_871 = tpu.memref_slice %arg9[%dma_wait3A_868, %dma_wait3A_869, %dma_wait3A_870] : memref<2x128x128xf32, #tpu.memory_space<vmem>> -> memref<1x128x128xf32, #tpu.memory_space<vmem>>
      %dma_wait3A_872 = tpu.memref_squeeze %dma_wait3A_871 : memref<1x128x128xf32, #tpu.memory_space<vmem>> -> memref<128x128xf32, #tpu.memory_space<vmem>>
      %dma_wait3A_873 = arith.constant 0 : i32
      %dma_wait3A_874 = tpu.memref_slice %arg12[%dma_wait3A_867, %dma_wait3A_873] : memref<2x128xi32, #tpu.memory_space<vmem>> -> memref<1x128xi32, #tpu.memory_space<vmem>>
      %dma_wait3A_875 = tpu.memref_squeeze %dma_wait3A_874 : memref<1x128xi32, #tpu.memory_space<vmem>> -> memref<128xi32, #tpu.memory_space<vmem>>
      %dma_wait3A_876 = arith.constant 0 : i32
      %dma_wait3A_877 = arith.constant 0 : i32
      %dma_wait3A_878 = tpu.memref_slice %arg4[%dma_wait3A_876, %dma_wait3A_877] : memref<1024x128xf32, #tpu.memory_space<hbm>> -> memref<1024x128xf32, #tpu.memory_space<hbm>>
      tpu.wait_indirect_dma semaphore(%arg17 : memref<!tpu.dma_semaphore, #tpu.memory_space<semaphore_mem>>) src(%dma_wait3A_878 : memref<1024x128xf32, #tpu.memory_space<hbm>>) dst(%dma_wait3A_872 : memref<128x128xf32, #tpu.memory_space<vmem>>)
      %ge3A_879 = arith.constant 2 : i32
      %ge3A_880 = arith.cmpi sge, %add3A_854, %ge3A_879 : i32
      %convert_element_type3A_881 = arith.extui %ge3A_880 : i1 to i32
      %cond3A_882 = arith.constant 0 : i32
      %cond3A_883 = arith.cmpi ne, %convert_element_type3A_881, %cond3A_882 : i32
      scf.if %cond3A_883 {
        %sub3A = arith.constant 2 : i32
        %sub3A_910 = arith.subi %add3A_854, %sub3A : i32
        %mul3A_911 = arith.constant 128 : i32
        %mul3A_912 = arith.muli %sub3A_910, %mul3A_911 : i32
        %add3A_913 = arith.addi %mul3A_2, %mul3A_912 : i32
        %dma_wait3A_914 = arith.constant 1 : i32
        %dma_wait3A_915 = arith.constant 0 : i32
        %dma_wait3A_916 = arith.constant 0 : i32
        %dma_wait3A_917 = tpu.memref_slice %arg10[%dma_wait3A_914, %dma_wait3A_915, %dma_wait3A_916] : memref<2x128x128xf32, #tpu.memory_space<vmem>> -> memref<1x128x128xf32, #tpu.memory_space<vmem>>
        %dma_wait3A_918 = tpu.memref_squeeze %dma_wait3A_917 : memref<1x128x128xf32, #tpu.memory_space<vmem>> -> memref<128x128xf32, #tpu.memory_space<vmem>>
        %dma_wait3A_919 = arith.constant 0 : i32
        %dma_wait3A_920 = tpu.memref_slice %arg7[%add3A_913, %dma_wait3A_919] : memref<204800x128xf32, #tpu.memory_space<hbm>> -> memref<128x128xf32, #tpu.memory_space<hbm>>
        %dma_wait3A_921 = arith.constant 0 : i32
        %dma_wait3A_922 = tpu.memref_slice %arg7[%add3A_913, %dma_wait3A_921] : memref<204800x128xf32, #tpu.memory_space<hbm>> -> memref<128x128xf32, #tpu.memory_space<hbm>>
        %dma_wait3A_923 = arith.constant 0 : i32
        %dma_wait3A_924 = arith.constant 0 : i32
        %dma_wait3A_925 = tpu.memref_slice %arg10[%dma_wait3A_914, %dma_wait3A_923, %dma_wait3A_924] : memref<2x128x128xf32, #tpu.memory_space<vmem>> -> memref<1x128x128xf32, #tpu.memory_space<vmem>>
        %dma_wait3A_926 = tpu.memref_squeeze %dma_wait3A_925 : memref<1x128x128xf32, #tpu.memory_space<vmem>> -> memref<128x128xf32, #tpu.memory_space<vmem>>
        tpu.wait_dma2 semaphore(%arg19 : memref<!tpu.dma_semaphore, #tpu.memory_space<semaphore_mem>>) src(%dma_wait3A_926 : memref<128x128xf32, #tpu.memory_space<vmem>>) dst(%dma_wait3A_922 : memref<128x128xf32, #tpu.memory_space<hbm>>)
      } else {
      }
      %parallel_loop3A_884 = arith.constant 0 : i32
      %parallel_loop3A_885 = arith.constant 128 : i32
      %parallel_loop3A_886 = arith.constant 1 : i32
      scf.for %parallel_loop3A_910 = %parallel_loop3A_884 to %parallel_loop3A_885 step %parallel_loop3A_886  : i32 {
        %parallel_loop3A_911 = arith.constant 1 : i32
        %parallel_loop3A_912 = arith.index_cast %parallel_loop3A_911 : i32 to index
        %parallel_loop3A_913 = arith.index_cast %parallel_loop3A_910 : i32 to index
        %parallel_loop3A_914 = arith.constant 0 : index
        %parallel_loop3A_915 = tpu.vector_load %arg8[%parallel_loop3A_912, %parallel_loop3A_913, %parallel_loop3A_914] {strides = array<i32>} : memref<2x128x128xf32, #tpu.memory_space<vmem>>, vector<1x1x16xf32>,
        %parallel_loop3A_916 = vector.shape_cast %parallel_loop3A_915 : vector<1x1x16xf32> to vector<16xf32>
        %parallel_loop3A_917 = arith.constant 1 : i32
        %parallel_loop3A_918 = arith.index_cast %parallel_loop3A_917 : i32 to index
        %parallel_loop3A_919 = arith.index_cast %parallel_loop3A_910 : i32 to index
        %parallel_loop3A_920 = arith.constant 0 : index
        %parallel_loop3A_921 = tpu.vector_load %arg9[%parallel_loop3A_918, %parallel_loop3A_919, %parallel_loop3A_920] {strides = array<i32>} : memref<2x128x128xf32, #tpu.memory_space<vmem>>, vector<1x1x16xf32>,
        %parallel_loop3A_922 = vector.shape_cast %parallel_loop3A_921 : vector<1x1x16xf32> to vector<16xf32>
        %parallel_loop3A_923 = arith.addf %parallel_loop3A_916, %parallel_loop3A_922 : vector<16xf32>
        %parallel_loop3A_924 = arith.constant 1 : i32
        %parallel_loop3A_925 = arith.index_cast %parallel_loop3A_924 : i32 to index
        %parallel_loop3A_926 = arith.index_cast %parallel_loop3A_910 : i32 to index
        %parallel_loop3A_927 = arith.constant 16 : index
        %parallel_loop3A_928 = tpu.vector_load %arg8[%parallel_loop3A_925, %parallel_loop3A_926, %parallel_loop3A_927] {strides = array<i32>} : memref<2x128x128xf32, #tpu.memory_space<vmem>>, vector<1x1x16xf32>,
        %parallel_loop3A_929 = vector.shape_cast %parallel_loop3A_928 : vector<1x1x16xf32> to vector<16xf32>
        %parallel_loop3A_930 = arith.constant 1 : i32
        %parallel_loop3A_931 = arith.index_cast %parallel_loop3A_930 : i32 to index
        %parallel_loop3A_932 = arith.index_cast %parallel_loop3A_910 : i32 to index
        %parallel_loop3A_933 = arith.constant 16 : index
        %parallel_loop3A_934 = tpu.vector_load %arg9[%parallel_loop3A_931, %parallel_loop3A_932, %parallel_loop3A_933] {strides = array<i32>} : memref<2x128x128xf32, #tpu.memory_space<vmem>>, vector<1x1x16xf32>,
        %parallel_loop3A_935 = vector.shape_cast %parallel_loop3A_934 : vector<1x1x16xf32> to vector<16xf32>
        %parallel_loop3A_936 = arith.addf %parallel_loop3A_929, %parallel_loop3A_935 : vector<16xf32>
        %parallel_loop3A_937 = arith.constant 1 : i32
        %parallel_loop3A_938 = arith.index_cast %parallel_loop3A_937 : i32 to index
        %parallel_loop3A_939 = arith.index_cast %parallel_loop3A_910 : i32 to index
        %parallel_loop3A_940 = arith.constant 32 : index
        %parallel_loop3A_941 = tpu.vector_load %arg8[%parallel_loop3A_938, %parallel_loop3A_939, %parallel_loop3A_940] {strides = array<i32>} : memref<2x128x128xf32, #tpu.memory_space<vmem>>, vector<1x1x16xf32>,
        %parallel_loop3A_942 = vector.shape_cast %parallel_loop3A_941 : vector<1x1x16xf32> to vector<16xf32>
        %parallel_loop3A_943 = arith.constant 1 : i32
        %parallel_loop3A_944 = arith.index_cast %parallel_loop3A_943 : i32 to index
        %parallel_loop3A_945 = arith.index_cast %parallel_loop3A_910 : i32 to index
        %parallel_loop3A_946 = arith.constant 32 : index
        %parallel_loop3A_947 = tpu.vector_load %arg9[%parallel_loop3A_944, %parallel_loop3A_945, %parallel_loop3A_946] {strides = array<i32>} : memref<2x128x128xf32, #tpu.memory_space<vmem>>, vector<1x1x16xf32>,
        %parallel_loop3A_948 = vector.shape_cast %parallel_loop3A_947 : vector<1x1x16xf32> to vector<16xf32>
        %parallel_loop3A_949 = arith.addf %parallel_loop3A_942, %parallel_loop3A_948 : vector<16xf32>
        %parallel_loop3A_950 = arith.constant 1 : i32
        %parallel_loop3A_951 = arith.index_cast %parallel_loop3A_950 : i32 to index
        %parallel_loop3A_952 = arith.index_cast %parallel_loop3A_910 : i32 to index
        %parallel_loop3A_953 = arith.constant 48 : index
        %parallel_loop3A_954 = tpu.vector_load %arg8[%parallel_loop3A_951, %parallel_loop3A_952, %parallel_loop3A_953] {strides = array<i32>} : memref<2x128x128xf32, #tpu.memory_space<vmem>>, vector<1x1x16xf32>,
        %parallel_loop3A_955 = vector.shape_cast %parallel_loop3A_954 : vector<1x1x16xf32> to vector<16xf32>
        %parallel_loop3A_956 = arith.constant 1 : i32
        %parallel_loop3A_957 = arith.index_cast %parallel_loop3A_956 : i32 to index
        %parallel_loop3A_958 = arith.index_cast %parallel_loop3A_910 : i32 to index
        %parallel_loop3A_959 = arith.constant 48 : index
        %parallel_loop3A_960 = tpu.vector_load %arg9[%parallel_loop3A_957, %parallel_loop3A_958, %parallel_loop3A_959] {strides = array<i32>} : memref<2x128x128xf32, #tpu.memory_space<vmem>>, vector<1x1x16xf32>,
        %parallel_loop3A_961 = vector.shape_cast %parallel_loop3A_960 : vector<1x1x16xf32> to vector<16xf32>
        %parallel_loop3A_962 = arith.addf %parallel_loop3A_955, %parallel_loop3A_961 : vector<16xf32>
        %parallel_loop3A_963 = arith.constant 1 : i32
        %parallel_loop3A_964 = arith.index_cast %parallel_loop3A_963 : i32 to index
        %parallel_loop3A_965 = arith.index_cast %parallel_loop3A_910 : i32 to index
        %parallel_loop3A_966 = arith.constant 64 : index
        %parallel_loop3A_967 = tpu.vector_load %arg8[%parallel_loop3A_964, %parallel_loop3A_965, %parallel_loop3A_966] {strides = array<i32>} : memref<2x128x128xf32, #tpu.memory_space<vmem>>, vector<1x1x16xf32>,
        %parallel_loop3A_968 = vector.shape_cast %parallel_loop3A_967 : vector<1x1x16xf32> to vector<16xf32>
        %parallel_loop3A_969 = arith.constant 1 : i32
        %parallel_loop3A_970 = arith.index_cast %parallel_loop3A_969 : i32 to index
        %parallel_loop3A_971 = arith.index_cast %parallel_loop3A_910 : i32 to index
        %parallel_loop3A_972 = arith.constant 64 : index
        %parallel_loop3A_973 = tpu.vector_load %arg9[%parallel_loop3A_970, %parallel_loop3A_971, %parallel_loop3A_972] {strides = array<i32>} : memref<2x128x128xf32, #tpu.memory_space<vmem>>, vector<1x1x16xf32>,
        %parallel_loop3A_974 = vector.shape_cast %parallel_loop3A_973 : vector<1x1x16xf32> to vector<16xf32>
        %parallel_loop3A_975 = arith.addf %parallel_loop3A_968, %parallel_loop3A_974 : vector<16xf32>
        %parallel_loop3A_976 = arith.constant 1 : i32
        %parallel_loop3A_977 = arith.index_cast %parallel_loop3A_976 : i32 to index
        %parallel_loop3A_978 = arith.index_cast %parallel_loop3A_910 : i32 to index
        %parallel_loop3A_979 = arith.constant 80 : index
        %parallel_loop3A_980 = tpu.vector_load %arg8[%parallel_loop3A_977, %parallel_loop3A_978, %parallel_loop3A_979] {strides = array<i32>} : memref<2x128x128xf32, #tpu.memory_space<vmem>>, vector<1x1x16xf32>,
        %parallel_loop3A_981 = vector.shape_cast %parallel_loop3A_980 : vector<1x1x16xf32> to vector<16xf32>
        %parallel_loop3A_982 = arith.constant 1 : i32
        %parallel_loop3A_983 = arith.index_cast %parallel_loop3A_982 : i32 to index
        %parallel_loop3A_984 = arith.index_cast %parallel_loop3A_910 : i32 to index
        %parallel_loop3A_985 = arith.constant 80 : index
        %parallel_loop3A_986 = tpu.vector_load %arg9[%parallel_loop3A_983, %parallel_loop3A_984, %parallel_loop3A_985] {strides = array<i32>} : memref<2x128x128xf32, #tpu.memory_space<vmem>>, vector<1x1x16xf32>,
        %parallel_loop3A_987 = vector.shape_cast %parallel_loop3A_986 : vector<1x1x16xf32> to vector<16xf32>
        %parallel_loop3A_988 = arith.addf %parallel_loop3A_981, %parallel_loop3A_987 : vector<16xf32>
        %parallel_loop3A_989 = arith.constant 1 : i32
        %parallel_loop3A_990 = arith.index_cast %parallel_loop3A_989 : i32 to index
        %parallel_loop3A_991 = arith.index_cast %parallel_loop3A_910 : i32 to index
        %parallel_loop3A_992 = arith.constant 96 : index
        %parallel_loop3A_993 = tpu.vector_load %arg8[%parallel_loop3A_990, %parallel_loop3A_991, %parallel_loop3A_992] {strides = array<i32>} : memref<2x128x128xf32, #tpu.memory_space<vmem>>, vector<1x1x16xf32>,
        %parallel_loop3A_994 = vector.shape_cast %parallel_loop3A_993 : vector<1x1x16xf32> to vector<16xf32>
        %parallel_loop3A_995 = arith.constant 1 : i32
        %parallel_loop3A_996 = arith.index_cast %parallel_loop3A_995 : i32 to index
        %parallel_loop3A_997 = arith.index_cast %parallel_loop3A_910 : i32 to index
        %parallel_loop3A_998 = arith.constant 96 : index
        %parallel_loop3A_999 = tpu.vector_load %arg9[%parallel_loop3A_996, %parallel_loop3A_997, %parallel_loop3A_998] {strides = array<i32>} : memref<2x128x128xf32, #tpu.memory_space<vmem>>, vector<1x1x16xf32>,
        %parallel_loop3A_1000 = vector.shape_cast %parallel_loop3A_999 : vector<1x1x16xf32> to vector<16xf32>
        %parallel_loop3A_1001 = arith.addf %parallel_loop3A_994, %parallel_loop3A_1000 : vector<16xf32>
        %parallel_loop3A_1002 = arith.constant 1 : i32
        %parallel_loop3A_1003 = arith.index_cast %parallel_loop3A_1002 : i32 to index
        %parallel_loop3A_1004 = arith.index_cast %parallel_loop3A_910 : i32 to index
        %parallel_loop3A_1005 = arith.constant 112 : index
        %parallel_loop3A_1006 = tpu.vector_load %arg8[%parallel_loop3A_1003, %parallel_loop3A_1004, %parallel_loop3A_1005] {strides = array<i32>} : memref<2x128x128xf32, #tpu.memory_space<vmem>>, vector<1x1x16xf32>,
        %parallel_loop3A_1007 = vector.shape_cast %parallel_loop3A_1006 : vector<1x1x16xf32> to vector<16xf32>
        %parallel_loop3A_1008 = arith.constant 1 : i32
        %parallel_loop3A_1009 = arith.index_cast %parallel_loop3A_1008 : i32 to index
        %parallel_loop3A_1010 = arith.index_cast %parallel_loop3A_910 : i32 to index
        %parallel_loop3A_1011 = arith.constant 112 : index
        %parallel_loop3A_1012 = tpu.vector_load %arg9[%parallel_loop3A_1009, %parallel_loop3A_1010, %parallel_loop3A_1011] {strides = array<i32>} : memref<2x128x128xf32, #tpu.memory_space<vmem>>, vector<1x1x16xf32>,
        %parallel_loop3A_1013 = vector.shape_cast %parallel_loop3A_1012 : vector<1x1x16xf32> to vector<16xf32>
        %parallel_loop3A_1014 = arith.addf %parallel_loop3A_1007, %parallel_loop3A_1013 : vector<16xf32>
        %parallel_loop3A_1015 = arith.addf %parallel_loop3A_923, %parallel_loop3A_936 : vector<16xf32>
        %parallel_loop3A_1016 = arith.addf %parallel_loop3A_949, %parallel_loop3A_962 : vector<16xf32>
        %parallel_loop3A_1017 = arith.addf %parallel_loop3A_975, %parallel_loop3A_988 : vector<16xf32>
        %parallel_loop3A_1018 = arith.addf %parallel_loop3A_1001, %parallel_loop3A_1014 : vector<16xf32>
        %parallel_loop3A_1019 = arith.addf %parallel_loop3A_1015, %parallel_loop3A_1016 : vector<16xf32>
        %parallel_loop3A_1020 = arith.addf %parallel_loop3A_1017, %parallel_loop3A_1018 : vector<16xf32>
        %parallel_loop3A_1021 = arith.addf %parallel_loop3A_1019, %parallel_loop3A_1020 : vector<16xf32>
        %parallel_loop3A_1022 = arith.mulf %parallel_loop3A_923, %parallel_loop3A_923 : vector<16xf32>
        %parallel_loop3A_1023 = arith.mulf %parallel_loop3A_936, %parallel_loop3A_936 : vector<16xf32>
        %parallel_loop3A_1024 = arith.mulf %parallel_loop3A_949, %parallel_loop3A_949 : vector<16xf32>
        %parallel_loop3A_1025 = arith.mulf %parallel_loop3A_962, %parallel_loop3A_962 : vector<16xf32>
        %parallel_loop3A_1026 = arith.mulf %parallel_loop3A_975, %parallel_loop3A_975 : vector<16xf32>
        %parallel_loop3A_1027 = arith.mulf %parallel_loop3A_988, %parallel_loop3A_988 : vector<16xf32>
        %parallel_loop3A_1028 = arith.mulf %parallel_loop3A_1001, %parallel_loop3A_1001 : vector<16xf32>
        %parallel_loop3A_1029 = arith.mulf %parallel_loop3A_1014, %parallel_loop3A_1014 : vector<16xf32>
        %parallel_loop3A_1030 = arith.addf %parallel_loop3A_1022, %parallel_loop3A_1023 : vector<16xf32>
        %parallel_loop3A_1031 = arith.addf %parallel_loop3A_1024, %parallel_loop3A_1025 : vector<16xf32>
        %parallel_loop3A_1032 = arith.addf %parallel_loop3A_1026, %parallel_loop3A_1027 : vector<16xf32>
        %parallel_loop3A_1033 = arith.addf %parallel_loop3A_1028, %parallel_loop3A_1029 : vector<16xf32>
        %parallel_loop3A_1034 = arith.addf %parallel_loop3A_1030, %parallel_loop3A_1031 : vector<16xf32>
        %parallel_loop3A_1035 = arith.addf %parallel_loop3A_1032, %parallel_loop3A_1033 : vector<16xf32>
        %parallel_loop3A_1036 = arith.addf %parallel_loop3A_1034, %parallel_loop3A_1035 : vector<16xf32>
        %parallel_loop3A_1037 = vector.shape_cast %reshape3A : vector<16x1xi32> to vector<16xi32>
        %parallel_loop3A_1038 = tpu.dynamic_gather %parallel_loop3A_1021[%parallel_loop3A_1037] in [0] : vector<16xf32>, vector<16xi32> -> vector<16xf32>
        %parallel_loop3A_1039 = arith.addf %parallel_loop3A_1021, %parallel_loop3A_1038 : vector<16xf32>
        %parallel_loop3A_1040 = vector.shape_cast %reshape3A_56 : vector<16x1xi32> to vector<16xi32>
        %parallel_loop3A_1041 = tpu.dynamic_gather %parallel_loop3A_1039[%parallel_loop3A_1040] in [0] : vector<16xf32>, vector<16xi32> -> vector<16xf32>
        %parallel_loop3A_1042 = arith.addf %parallel_loop3A_1039, %parallel_loop3A_1041 : vector<16xf32>
        %parallel_loop3A_1043 = vector.shape_cast %reshape3A_61 : vector<16x1xi32> to vector<16xi32>
        %parallel_loop3A_1044 = tpu.dynamic_gather %parallel_loop3A_1042[%parallel_loop3A_1043] in [0] : vector<16xf32>, vector<16xi32> -> vector<16xf32>
        %parallel_loop3A_1045 = arith.addf %parallel_loop3A_1042, %parallel_loop3A_1044 : vector<16xf32>
        %parallel_loop3A_1046 = vector.shape_cast %reshape3A_66 : vector<16x1xi32> to vector<16xi32>
        %parallel_loop3A_1047 = tpu.dynamic_gather %parallel_loop3A_1045[%parallel_loop3A_1046] in [0] : vector<16xf32>, vector<16xi32> -> vector<16xf32>
        %parallel_loop3A_1048 = arith.addf %parallel_loop3A_1045, %parallel_loop3A_1047 : vector<16xf32>
        %parallel_loop3A_1049 = vector.broadcast %scan3A_762 : f32 to vector<16xf32>
        %parallel_loop3A_1050 = arith.mulf %parallel_loop3A_1048, %parallel_loop3A_1049 : vector<16xf32>
        %parallel_loop3A_1051 = vector.shape_cast %reshape3A : vector<16x1xi32> to vector<16xi32>
        %parallel_loop3A_1052 = tpu.dynamic_gather %parallel_loop3A_1036[%parallel_loop3A_1051] in [0] : vector<16xf32>, vector<16xi32> -> vector<16xf32>
        %parallel_loop3A_1053 = arith.addf %parallel_loop3A_1036, %parallel_loop3A_1052 : vector<16xf32>
        %parallel_loop3A_1054 = vector.shape_cast %reshape3A_56 : vector<16x1xi32> to vector<16xi32>
        %parallel_loop3A_1055 = tpu.dynamic_gather %parallel_loop3A_1053[%parallel_loop3A_1054] in [0] : vector<16xf32>, vector<16xi32> -> vector<16xf32>
        %parallel_loop3A_1056 = arith.addf %parallel_loop3A_1053, %parallel_loop3A_1055 : vector<16xf32>
        %parallel_loop3A_1057 = vector.shape_cast %reshape3A_61 : vector<16x1xi32> to vector<16xi32>
        %parallel_loop3A_1058 = tpu.dynamic_gather %parallel_loop3A_1056[%parallel_loop3A_1057] in [0] : vector<16xf32>, vector<16xi32> -> vector<16xf32>
        %parallel_loop3A_1059 = arith.addf %parallel_loop3A_1056, %parallel_loop3A_1058 : vector<16xf32>
        %parallel_loop3A_1060 = vector.shape_cast %reshape3A_66 : vector<16x1xi32> to vector<16xi32>
        %parallel_loop3A_1061 = tpu.dynamic_gather %parallel_loop3A_1059[%parallel_loop3A_1060] in [0] : vector<16xf32>, vector<16xi32> -> vector<16xf32>
        %parallel_loop3A_1062 = arith.addf %parallel_loop3A_1059, %parallel_loop3A_1061 : vector<16xf32>
        %parallel_loop3A_1063 = vector.broadcast %scan3A_762 : f32 to vector<16xf32>
        %parallel_loop3A_1064 = arith.mulf %parallel_loop3A_1062, %parallel_loop3A_1063 : vector<16xf32>
        %parallel_loop3A_1065 = arith.mulf %parallel_loop3A_1050, %parallel_loop3A_1050 : vector<16xf32>
        %parallel_loop3A_1066 = arith.subf %parallel_loop3A_1064, %parallel_loop3A_1065 : vector<16xf32>
        %parallel_loop3A_1067 = arith.constant 9.99999996E-13 : f32
        %parallel_loop3A_1068 = vector.broadcast %parallel_loop3A_1067 : f32 to vector<16xf32>
        %parallel_loop3A_1069 = arith.addf %parallel_loop3A_1066, %parallel_loop3A_1068 : vector<16xf32>
        %parallel_loop3A_1070 = tpu.bitcast %parallel_loop3A_1069 : vector<16xf32> -> vector<16xi32>
        %parallel_loop3A_1071 = arith.constant 1 : i32
        %parallel_loop3A_1072 = vector.broadcast %parallel_loop3A_1071 : i32 to vector<16xi32>
        %parallel_loop3A_1073 = arith.shrui %parallel_loop3A_1070, %parallel_loop3A_1072 : vector<16xi32>
        %parallel_loop3A_1074 = arith.constant 1597463007 : i32
        %parallel_loop3A_1075 = vector.broadcast %parallel_loop3A_1074 : i32 to vector<16xi32>
        %parallel_loop3A_1076 = arith.subi %parallel_loop3A_1075, %parallel_loop3A_1073 : vector<16xi32>
        %parallel_loop3A_1077 = tpu.bitcast %parallel_loop3A_1076 : vector<16xi32> -> vector<16xf32>
        %parallel_loop3A_1078 = arith.constant -5.000000e-01 : f32
        %parallel_loop3A_1079 = vector.broadcast %parallel_loop3A_1078 : f32 to vector<16xf32>
        %parallel_loop3A_1080 = arith.mulf %parallel_loop3A_1069, %parallel_loop3A_1079 : vector<16xf32>
        %parallel_loop3A_1081 = arith.mulf %parallel_loop3A_1080, %parallel_loop3A_1077 : vector<16xf32>
        %parallel_loop3A_1082 = arith.mulf %parallel_loop3A_1081, %parallel_loop3A_1077 : vector<16xf32>
        %parallel_loop3A_1083 = arith.constant 1.500000e+00 : f32
        %parallel_loop3A_1084 = vector.broadcast %parallel_loop3A_1083 : f32 to vector<16xf32>
        %parallel_loop3A_1085 = arith.addf %parallel_loop3A_1084, %parallel_loop3A_1082 : vector<16xf32>
        %parallel_loop3A_1086 = arith.mulf %parallel_loop3A_1077, %parallel_loop3A_1085 : vector<16xf32>
        %parallel_loop3A_1087 = arith.mulf %parallel_loop3A_1080, %parallel_loop3A_1086 : vector<16xf32>
        %parallel_loop3A_1088 = arith.mulf %parallel_loop3A_1087, %parallel_loop3A_1086 : vector<16xf32>
        %parallel_loop3A_1089 = arith.constant 1.500000e+00 : f32
        %parallel_loop3A_1090 = vector.broadcast %parallel_loop3A_1089 : f32 to vector<16xf32>
        %parallel_loop3A_1091 = arith.addf %parallel_loop3A_1090, %parallel_loop3A_1088 : vector<16xf32>
        %parallel_loop3A_1092 = arith.mulf %parallel_loop3A_1086, %parallel_loop3A_1091 : vector<16xf32>
        %parallel_loop3A_1093 = arith.subf %parallel_loop3A_923, %parallel_loop3A_1050 : vector<16xf32>
        %parallel_loop3A_1094 = arith.mulf %parallel_loop3A_1093, %parallel_loop3A_1092 : vector<16xf32>
        %parallel_loop3A_1095 = arith.mulf %parallel_loop3A_1094, %get3A_4 : vector<16xf32>
        %parallel_loop3A_1096 = arith.addf %parallel_loop3A_1095, %get3A_28 : vector<16xf32>
        %parallel_loop3A_1097 = arith.constant 1 : i32
        %parallel_loop3A_1098 = arith.index_cast %parallel_loop3A_1097 : i32 to index
        %parallel_loop3A_1099 = arith.index_cast %parallel_loop3A_910 : i32 to index
        %parallel_loop3A_1100 = arith.constant 0 : index
        %parallel_loop3A_1101 = tpu.vector_load %arg10[%parallel_loop3A_1098, %parallel_loop3A_1099, %parallel_loop3A_1100] {strides = array<i32>} : memref<2x128x128xf32, #tpu.memory_space<vmem>>, vector<1x1x16xf32>,
        %parallel_loop3A_1102 = vector.shape_cast %parallel_loop3A_1101 : vector<1x1x16xf32> to vector<16xf32>
        %parallel_loop3A_1103 = vector.shape_cast %parallel_loop3A_1096 : vector<16xf32> to vector<1x1x16xf32>
        tpu.vector_store %arg10[%parallel_loop3A_1098, %parallel_loop3A_1099, %parallel_loop3A_1100], %parallel_loop3A_1103 {strides = array<i32>} : memref<2x128x128xf32, #tpu.memory_space<vmem>>, vector<1x1x16xf32>,
        %parallel_loop3A_1104 = arith.subf %parallel_loop3A_936, %parallel_loop3A_1050 : vector<16xf32>
        %parallel_loop3A_1105 = arith.mulf %parallel_loop3A_1104, %parallel_loop3A_1092 : vector<16xf32>
        %parallel_loop3A_1106 = arith.mulf %parallel_loop3A_1105, %get3A_7 : vector<16xf32>
        %parallel_loop3A_1107 = arith.addf %parallel_loop3A_1106, %get3A_31 : vector<16xf32>
        %parallel_loop3A_1108 = arith.constant 1 : i32
        %parallel_loop3A_1109 = arith.index_cast %parallel_loop3A_1108 : i32 to index
        %parallel_loop3A_1110 = arith.index_cast %parallel_loop3A_910 : i32 to index
        %parallel_loop3A_1111 = arith.constant 16 : index
        %parallel_loop3A_1112 = tpu.vector_load %arg10[%parallel_loop3A_1109, %parallel_loop3A_1110, %parallel_loop3A_1111] {strides = array<i32>} : memref<2x128x128xf32, #tpu.memory_space<vmem>>, vector<1x1x16xf32>,
        %parallel_loop3A_1113 = vector.shape_cast %parallel_loop3A_1112 : vector<1x1x16xf32> to vector<16xf32>
        %parallel_loop3A_1114 = vector.shape_cast %parallel_loop3A_1107 : vector<16xf32> to vector<1x1x16xf32>
        tpu.vector_store %arg10[%parallel_loop3A_1109, %parallel_loop3A_1110, %parallel_loop3A_1111], %parallel_loop3A_1114 {strides = array<i32>} : memref<2x128x128xf32, #tpu.memory_space<vmem>>, vector<1x1x16xf32>,
        %parallel_loop3A_1115 = arith.subf %parallel_loop3A_949, %parallel_loop3A_1050 : vector<16xf32>
        %parallel_loop3A_1116 = arith.mulf %parallel_loop3A_1115, %parallel_loop3A_1092 : vector<16xf32>
        %parallel_loop3A_1117 = arith.mulf %parallel_loop3A_1116, %get3A_10 : vector<16xf32>
        %parallel_loop3A_1118 = arith.addf %parallel_loop3A_1117, %get3A_34 : vector<16xf32>
        %parallel_loop3A_1119 = arith.constant 1 : i32
        %parallel_loop3A_1120 = arith.index_cast %parallel_loop3A_1119 : i32 to index
        %parallel_loop3A_1121 = arith.index_cast %parallel_loop3A_910 : i32 to index
        %parallel_loop3A_1122 = arith.constant 32 : index
        %parallel_loop3A_1123 = tpu.vector_load %arg10[%parallel_loop3A_1120, %parallel_loop3A_1121, %parallel_loop3A_1122] {strides = array<i32>} : memref<2x128x128xf32, #tpu.memory_space<vmem>>, vector<1x1x16xf32>,
        %parallel_loop3A_1124 = vector.shape_cast %parallel_loop3A_1123 : vector<1x1x16xf32> to vector<16xf32>
        %parallel_loop3A_1125 = vector.shape_cast %parallel_loop3A_1118 : vector<16xf32> to vector<1x1x16xf32>
        tpu.vector_store %arg10[%parallel_loop3A_1120, %parallel_loop3A_1121, %parallel_loop3A_1122], %parallel_loop3A_1125 {strides = array<i32>} : memref<2x128x128xf32, #tpu.memory_space<vmem>>, vector<1x1x16xf32>,
        %parallel_loop3A_1126 = arith.subf %parallel_loop3A_962, %parallel_loop3A_1050 : vector<16xf32>
        %parallel_loop3A_1127 = arith.mulf %parallel_loop3A_1126, %parallel_loop3A_1092 : vector<16xf32>
        %parallel_loop3A_1128 = arith.mulf %parallel_loop3A_1127, %get3A_13 : vector<16xf32>
        %parallel_loop3A_1129 = arith.addf %parallel_loop3A_1128, %get3A_37 : vector<16xf32>
        %parallel_loop3A_1130 = arith.constant 1 : i32
        %parallel_loop3A_1131 = arith.index_cast %parallel_loop3A_1130 : i32 to index
        %parallel_loop3A_1132 = arith.index_cast %parallel_loop3A_910 : i32 to index
        %parallel_loop3A_1133 = arith.constant 48 : index
        %parallel_loop3A_1134 = tpu.vector_load %arg10[%parallel_loop3A_1131, %parallel_loop3A_1132, %parallel_loop3A_1133] {strides = array<i32>} : memref<2x128x128xf32, #tpu.memory_space<vmem>>, vector<1x1x16xf32>,
        %parallel_loop3A_1135 = vector.shape_cast %parallel_loop3A_1134 : vector<1x1x16xf32> to vector<16xf32>
        %parallel_loop3A_1136 = vector.shape_cast %parallel_loop3A_1129 : vector<16xf32> to vector<1x1x16xf32>
        tpu.vector_store %arg10[%parallel_loop3A_1131, %parallel_loop3A_1132, %parallel_loop3A_1133], %parallel_loop3A_1136 {strides = array<i32>} : memref<2x128x128xf32, #tpu.memory_space<vmem>>, vector<1x1x16xf32>,
        %parallel_loop3A_1137 = arith.subf %parallel_loop3A_975, %parallel_loop3A_1050 : vector<16xf32>
        %parallel_loop3A_1138 = arith.mulf %parallel_loop3A_1137, %parallel_loop3A_1092 : vector<16xf32>
        %parallel_loop3A_1139 = arith.mulf %parallel_loop3A_1138, %get3A_16 : vector<16xf32>
        %parallel_loop3A_1140 = arith.addf %parallel_loop3A_1139, %get3A_40 : vector<16xf32>
        %parallel_loop3A_1141 = arith.constant 1 : i32
        %parallel_loop3A_1142 = arith.index_cast %parallel_loop3A_1141 : i32 to index
        %parallel_loop3A_1143 = arith.index_cast %parallel_loop3A_910 : i32 to index
        %parallel_loop3A_1144 = arith.constant 64 : index
        %parallel_loop3A_1145 = tpu.vector_load %arg10[%parallel_loop3A_1142, %parallel_loop3A_1143, %parallel_loop3A_1144] {strides = array<i32>} : memref<2x128x128xf32, #tpu.memory_space<vmem>>, vector<1x1x16xf32>,
        %parallel_loop3A_1146 = vector.shape_cast %parallel_loop3A_1145 : vector<1x1x16xf32> to vector<16xf32>
        %parallel_loop3A_1147 = vector.shape_cast %parallel_loop3A_1140 : vector<16xf32> to vector<1x1x16xf32>
        tpu.vector_store %arg10[%parallel_loop3A_1142, %parallel_loop3A_1143, %parallel_loop3A_1144], %parallel_loop3A_1147 {strides = array<i32>} : memref<2x128x128xf32, #tpu.memory_space<vmem>>, vector<1x1x16xf32>,
        %parallel_loop3A_1148 = arith.subf %parallel_loop3A_988, %parallel_loop3A_1050 : vector<16xf32>
        %parallel_loop3A_1149 = arith.mulf %parallel_loop3A_1148, %parallel_loop3A_1092 : vector<16xf32>
        %parallel_loop3A_1150 = arith.mulf %parallel_loop3A_1149, %get3A_19 : vector<16xf32>
        %parallel_loop3A_1151 = arith.addf %parallel_loop3A_1150, %get3A_43 : vector<16xf32>
        %parallel_loop3A_1152 = arith.constant 1 : i32
        %parallel_loop3A_1153 = arith.index_cast %parallel_loop3A_1152 : i32 to index
        %parallel_loop3A_1154 = arith.index_cast %parallel_loop3A_910 : i32 to index
        %parallel_loop3A_1155 = arith.constant 80 : index
        %parallel_loop3A_1156 = tpu.vector_load %arg10[%parallel_loop3A_1153, %parallel_loop3A_1154, %parallel_loop3A_1155] {strides = array<i32>} : memref<2x128x128xf32, #tpu.memory_space<vmem>>, vector<1x1x16xf32>,
        %parallel_loop3A_1157 = vector.shape_cast %parallel_loop3A_1156 : vector<1x1x16xf32> to vector<16xf32>
        %parallel_loop3A_1158 = vector.shape_cast %parallel_loop3A_1151 : vector<16xf32> to vector<1x1x16xf32>
        tpu.vector_store %arg10[%parallel_loop3A_1153, %parallel_loop3A_1154, %parallel_loop3A_1155], %parallel_loop3A_1158 {strides = array<i32>} : memref<2x128x128xf32, #tpu.memory_space<vmem>>, vector<1x1x16xf32>,
        %parallel_loop3A_1159 = arith.subf %parallel_loop3A_1001, %parallel_loop3A_1050 : vector<16xf32>
        %parallel_loop3A_1160 = arith.mulf %parallel_loop3A_1159, %parallel_loop3A_1092 : vector<16xf32>
        %parallel_loop3A_1161 = arith.mulf %parallel_loop3A_1160, %get3A_22 : vector<16xf32>
        %parallel_loop3A_1162 = arith.addf %parallel_loop3A_1161, %get3A_46 : vector<16xf32>
        %parallel_loop3A_1163 = arith.constant 1 : i32
        %parallel_loop3A_1164 = arith.index_cast %parallel_loop3A_1163 : i32 to index
        %parallel_loop3A_1165 = arith.index_cast %parallel_loop3A_910 : i32 to index
        %parallel_loop3A_1166 = arith.constant 96 : index
        %parallel_loop3A_1167 = tpu.vector_load %arg10[%parallel_loop3A_1164, %parallel_loop3A_1165, %parallel_loop3A_1166] {strides = array<i32>} : memref<2x128x128xf32, #tpu.memory_space<vmem>>, vector<1x1x16xf32>,
        %parallel_loop3A_1168 = vector.shape_cast %parallel_loop3A_1167 : vector<1x1x16xf32> to vector<16xf32>
        %parallel_loop3A_1169 = vector.shape_cast %parallel_loop3A_1162 : vector<16xf32> to vector<1x1x16xf32>
        tpu.vector_store %arg10[%parallel_loop3A_1164, %parallel_loop3A_1165, %parallel_loop3A_1166], %parallel_loop3A_1169 {strides = array<i32>} : memref<2x128x128xf32, #tpu.memory_space<vmem>>, vector<1x1x16xf32>,
        %parallel_loop3A_1170 = arith.subf %parallel_loop3A_1014, %parallel_loop3A_1050 : vector<16xf32>
        %parallel_loop3A_1171 = arith.mulf %parallel_loop3A_1170, %parallel_loop3A_1092 : vector<16xf32>
        %parallel_loop3A_1172 = arith.mulf %parallel_loop3A_1171, %get3A_25 : vector<16xf32>
        %parallel_loop3A_1173 = arith.addf %parallel_loop3A_1172, %get3A_49 : vector<16xf32>
        %parallel_loop3A_1174 = arith.constant 1 : i32
        %parallel_loop3A_1175 = arith.index_cast %parallel_loop3A_1174 : i32 to index
        %parallel_loop3A_1176 = arith.index_cast %parallel_loop3A_910 : i32 to index
        %parallel_loop3A_1177 = arith.constant 112 : index
        %parallel_loop3A_1178 = tpu.vector_load %arg10[%parallel_loop3A_1175, %parallel_loop3A_1176, %parallel_loop3A_1177] {strides = array<i32>} : memref<2x128x128xf32, #tpu.memory_space<vmem>>, vector<1x1x16xf32>,
        %parallel_loop3A_1179 = vector.shape_cast %parallel_loop3A_1178 : vector<1x1x16xf32> to vector<16xf32>
        %parallel_loop3A_1180 = vector.shape_cast %parallel_loop3A_1173 : vector<16xf32> to vector<1x1x16xf32>
        tpu.vector_store %arg10[%parallel_loop3A_1175, %parallel_loop3A_1176, %parallel_loop3A_1177], %parallel_loop3A_1180 {strides = array<i32>} : memref<2x128x128xf32, #tpu.memory_space<vmem>>, vector<1x1x16xf32>,
      } {sc.loop_unroll_factor = 4 : i64, sc.parallel_access}
      %add3A_887 = arith.constant 2 : i32
      %add3A_888 = arith.addi %add3A_854, %add3A_887 : i32
      %lt3A_889 = arith.constant 50 : i32
      %lt3A_890 = arith.cmpi slt, %add3A_888, %lt3A_889 : i32
      %convert_element_type3A_891 = arith.extui %lt3A_890 : i1 to i32
      %cond3A_892 = arith.constant 0 : i32
      %cond3A_893 = arith.cmpi ne, %convert_element_type3A_891, %cond3A_892 : i32
      scf.if %cond3A_893 {
        %add3A_910 = arith.constant 2 : i32
        %add3A_911 = arith.addi %add3A_854, %add3A_910 : i32
        %mul3A_912 = arith.constant 128 : i32
        %mul3A_913 = arith.muli %add3A_911, %mul3A_912 : i32
        %add3A_914 = arith.addi %mul3A_2, %mul3A_913 : i32
        %dma_wait3A_915 = arith.constant 1 : i32
        %dma_wait3A_916 = arith.constant 0 : i32
        %dma_wait3A_917 = arith.constant 0 : i32
        %dma_wait3A_918 = tpu.memref_slice %arg11[%dma_wait3A_915, %dma_wait3A_916, %dma_wait3A_917] : memref<2x3x128xi32, #tpu.memory_space<vmem>> -> memref<1x3x128xi32, #tpu.memory_space<vmem>>
        %dma_wait3A_919 = tpu.memref_squeeze %dma_wait3A_918 : memref<1x3x128xi32, #tpu.memory_space<vmem>> -> memref<3x128xi32, #tpu.memory_space<vmem>>
        %dma_wait3A_920 = arith.constant 0 : i32
        %dma_wait3A_921 = tpu.memref_slice %arg2[%dma_wait3A_920, %add3A_914] : memref<3x204800xi32, #tpu.memory_space<hbm>> -> memref<3x128xi32, #tpu.memory_space<hbm>>
        %dma_wait3A_922 = arith.constant 0 : i32
        %dma_wait3A_923 = arith.constant 0 : i32
        %dma_wait3A_924 = tpu.memref_slice %arg11[%dma_wait3A_915, %dma_wait3A_922, %dma_wait3A_923] : memref<2x3x128xi32, #tpu.memory_space<vmem>> -> memref<1x3x128xi32, #tpu.memory_space<vmem>>
        %dma_wait3A_925 = tpu.memref_squeeze %dma_wait3A_924 : memref<1x3x128xi32, #tpu.memory_space<vmem>> -> memref<3x128xi32, #tpu.memory_space<vmem>>
        %dma_wait3A_926 = arith.constant 0 : i32
        %dma_wait3A_927 = tpu.memref_slice %arg2[%dma_wait3A_926, %add3A_914] : memref<3x204800xi32, #tpu.memory_space<hbm>> -> memref<3x128xi32, #tpu.memory_space<hbm>>
        tpu.wait_dma2 semaphore(%arg21 : memref<!tpu.dma_semaphore, #tpu.memory_space<semaphore_mem>>) src(%dma_wait3A_927 : memref<3x128xi32, #tpu.memory_space<hbm>>) dst(%dma_wait3A_925 : memref<3x128xi32, #tpu.memory_space<vmem>>)
        %get3A_928 = arith.constant 1 : i32
        %get3A_929 = arith.constant 0 : i32
        %get3A_930 = arith.index_cast %get3A_928 : i32 to index
        %get3A_931 = arith.index_cast %get3A_929 : i32 to index
        %get3A_932 = arith.constant 0 : index
        %get3A_933 = tpu.vector_load %arg11[%get3A_930, %get3A_931, %get3A_932] {strides = array<i32>} : memref<2x3x128xi32, #tpu.memory_space<vmem>>, vector<1x1x16xi32>,
        %get3A_934 = vector.shape_cast %get3A_933 : vector<1x1x16xi32> to vector<16xi32>
        %swap3A_935 = arith.constant 1 : i32
        %swap3A_936 = arith.index_cast %swap3A_935 : i32 to index
        %swap3A_937 = arith.constant 0 : index
        %swap3A_938 = tpu.vector_load %arg13[%swap3A_936, %swap3A_937] {strides = array<i32>} : memref<2x128xi32, #tpu.memory_space<vmem>>, vector<1x16xi32>,
        %swap3A_939 = vector.shape_cast %swap3A_938 : vector<1x16xi32> to vector<16xi32>
        %swap3A_940 = vector.shape_cast %get3A_934 : vector<16xi32> to vector<1x16xi32>
        tpu.vector_store %arg13[%swap3A_936, %swap3A_937], %swap3A_940 {strides = array<i32>} : memref<2x128xi32, #tpu.memory_space<vmem>>, vector<1x16xi32>,
        %get3A_941 = arith.constant 1 : i32
        %get3A_942 = arith.constant 1 : i32
        %get3A_943 = arith.index_cast %get3A_941 : i32 to index
        %get3A_944 = arith.index_cast %get3A_942 : i32 to index
        %get3A_945 = arith.constant 0 : index
        %get3A_946 = tpu.vector_load %arg11[%get3A_943, %get3A_944, %get3A_945] {strides = array<i32>} : memref<2x3x128xi32, #tpu.memory_space<vmem>>, vector<1x1x16xi32>,
        %get3A_947 = vector.shape_cast %get3A_946 : vector<1x1x16xi32> to vector<16xi32>
        %get3A_948 = arith.constant 1 : i32
        %get3A_949 = arith.constant 2 : i32
        %get3A_950 = arith.index_cast %get3A_948 : i32 to index
        %get3A_951 = arith.index_cast %get3A_949 : i32 to index
        %get3A_952 = arith.constant 0 : index
        %get3A_953 = tpu.vector_load %arg11[%get3A_950, %get3A_951, %get3A_952] {strides = array<i32>} : memref<2x3x128xi32, #tpu.memory_space<vmem>>, vector<1x1x16xi32>,
        %get3A_954 = vector.shape_cast %get3A_953 : vector<1x1x16xi32> to vector<16xi32>
        %add3A_955 = arith.addi %get3A_947, %get3A_947 : vector<16xi32>
        %add3A_956 = arith.addi %add3A_955, %get3A_954 : vector<16xi32>
        %swap3A_957 = arith.constant 1 : i32
        %swap3A_958 = arith.index_cast %swap3A_957 : i32 to index
        %swap3A_959 = arith.constant 0 : index
        %swap3A_960 = tpu.vector_load %arg12[%swap3A_958, %swap3A_959] {strides = array<i32>} : memref<2x128xi32, #tpu.memory_space<vmem>>, vector<1x16xi32>,
        %swap3A_961 = vector.shape_cast %swap3A_960 : vector<1x16xi32> to vector<16xi32>
        %swap3A_962 = vector.shape_cast %add3A_956 : vector<16xi32> to vector<1x16xi32>
        tpu.vector_store %arg12[%swap3A_958, %swap3A_959], %swap3A_962 {strides = array<i32>} : memref<2x128xi32, #tpu.memory_space<vmem>>, vector<1x16xi32>,
        %get3A_963 = arith.constant 1 : i32
        %get3A_964 = arith.constant 0 : i32
        %get3A_965 = arith.index_cast %get3A_963 : i32 to index
        %get3A_966 = arith.index_cast %get3A_964 : i32 to index
        %get3A_967 = arith.constant 16 : index
        %get3A_968 = tpu.vector_load %arg11[%get3A_965, %get3A_966, %get3A_967] {strides = array<i32>} : memref<2x3x128xi32, #tpu.memory_space<vmem>>, vector<1x1x16xi32>,
        %get3A_969 = vector.shape_cast %get3A_968 : vector<1x1x16xi32> to vector<16xi32>
        %swap3A_970 = arith.constant 1 : i32
        %swap3A_971 = arith.index_cast %swap3A_970 : i32 to index
        %swap3A_972 = arith.constant 16 : index
        %swap3A_973 = tpu.vector_load %arg13[%swap3A_971, %swap3A_972] {strides = array<i32>} : memref<2x128xi32, #tpu.memory_space<vmem>>, vector<1x16xi32>,
        %swap3A_974 = vector.shape_cast %swap3A_973 : vector<1x16xi32> to vector<16xi32>
        %swap3A_975 = vector.shape_cast %get3A_969 : vector<16xi32> to vector<1x16xi32>
        tpu.vector_store %arg13[%swap3A_971, %swap3A_972], %swap3A_975 {strides = array<i32>} : memref<2x128xi32, #tpu.memory_space<vmem>>, vector<1x16xi32>,
        %get3A_976 = arith.constant 1 : i32
        %get3A_977 = arith.constant 1 : i32
        %get3A_978 = arith.index_cast %get3A_976 : i32 to index
        %get3A_979 = arith.index_cast %get3A_977 : i32 to index
        %get3A_980 = arith.constant 16 : index
        %get3A_981 = tpu.vector_load %arg11[%get3A_978, %get3A_979, %get3A_980] {strides = array<i32>} : memref<2x3x128xi32, #tpu.memory_space<vmem>>, vector<1x1x16xi32>,
        %get3A_982 = vector.shape_cast %get3A_981 : vector<1x1x16xi32> to vector<16xi32>
        %get3A_983 = arith.constant 1 : i32
        %get3A_984 = arith.constant 2 : i32
        %get3A_985 = arith.index_cast %get3A_983 : i32 to index
        %get3A_986 = arith.index_cast %get3A_984 : i32 to index
        %get3A_987 = arith.constant 16 : index
        %get3A_988 = tpu.vector_load %arg11[%get3A_985, %get3A_986, %get3A_987] {strides = array<i32>} : memref<2x3x128xi32, #tpu.memory_space<vmem>>, vector<1x1x16xi32>,
        %get3A_989 = vector.shape_cast %get3A_988 : vector<1x1x16xi32> to vector<16xi32>
        %add3A_990 = arith.addi %get3A_982, %get3A_982 : vector<16xi32>
        %add3A_991 = arith.addi %add3A_990, %get3A_989 : vector<16xi32>
        %swap3A_992 = arith.constant 1 : i32
        %swap3A_993 = arith.index_cast %swap3A_992 : i32 to index
        %swap3A_994 = arith.constant 16 : index
        %swap3A_995 = tpu.vector_load %arg12[%swap3A_993, %swap3A_994] {strides = array<i32>} : memref<2x128xi32, #tpu.memory_space<vmem>>, vector<1x16xi32>,
        %swap3A_996 = vector.shape_cast %swap3A_995 : vector<1x16xi32> to vector<16xi32>
        %swap3A_997 = vector.shape_cast %add3A_991 : vector<16xi32> to vector<1x16xi32>
        tpu.vector_store %arg12[%swap3A_993, %swap3A_994], %swap3A_997 {strides = array<i32>} : memref<2x128xi32, #tpu.memory_space<vmem>>, vector<1x16xi32>,
        %get3A_998 = arith.constant 1 : i32
        %get3A_999 = arith.constant 0 : i32
        %get3A_1000 = arith.index_cast %get3A_998 : i32 to index
        %get3A_1001 = arith.index_cast %get3A_999 : i32 to index
        %get3A_1002 = arith.constant 32 : index
        %get3A_1003 = tpu.vector_load %arg11[%get3A_1000, %get3A_1001, %get3A_1002] {strides = array<i32>} : memref<2x3x128xi32, #tpu.memory_space<vmem>>, vector<1x1x16xi32>,
        %get3A_1004 = vector.shape_cast %get3A_1003 : vector<1x1x16xi32> to vector<16xi32>
        %swap3A_1005 = arith.constant 1 : i32
        %swap3A_1006 = arith.index_cast %swap3A_1005 : i32 to index
        %swap3A_1007 = arith.constant 32 : index
        %swap3A_1008 = tpu.vector_load %arg13[%swap3A_1006, %swap3A_1007] {strides = array<i32>} : memref<2x128xi32, #tpu.memory_space<vmem>>, vector<1x16xi32>,
        %swap3A_1009 = vector.shape_cast %swap3A_1008 : vector<1x16xi32> to vector<16xi32>
        %swap3A_1010 = vector.shape_cast %get3A_1004 : vector<16xi32> to vector<1x16xi32>
        tpu.vector_store %arg13[%swap3A_1006, %swap3A_1007], %swap3A_1010 {strides = array<i32>} : memref<2x128xi32, #tpu.memory_space<vmem>>, vector<1x16xi32>,
        %get3A_1011 = arith.constant 1 : i32
        %get3A_1012 = arith.constant 1 : i32
        %get3A_1013 = arith.index_cast %get3A_1011 : i32 to index
        %get3A_1014 = arith.index_cast %get3A_1012 : i32 to index
        %get3A_1015 = arith.constant 32 : index
        %get3A_1016 = tpu.vector_load %arg11[%get3A_1013, %get3A_1014, %get3A_1015] {strides = array<i32>} : memref<2x3x128xi32, #tpu.memory_space<vmem>>, vector<1x1x16xi32>,
        %get3A_1017 = vector.shape_cast %get3A_1016 : vector<1x1x16xi32> to vector<16xi32>
        %get3A_1018 = arith.constant 1 : i32
        %get3A_1019 = arith.constant 2 : i32
        %get3A_1020 = arith.index_cast %get3A_1018 : i32 to index
        %get3A_1021 = arith.index_cast %get3A_1019 : i32 to index
        %get3A_1022 = arith.constant 32 : index
        %get3A_1023 = tpu.vector_load %arg11[%get3A_1020, %get3A_1021, %get3A_1022] {strides = array<i32>} : memref<2x3x128xi32, #tpu.memory_space<vmem>>, vector<1x1x16xi32>,
        %get3A_1024 = vector.shape_cast %get3A_1023 : vector<1x1x16xi32> to vector<16xi32>
        %add3A_1025 = arith.addi %get3A_1017, %get3A_1017 : vector<16xi32>
        %add3A_1026 = arith.addi %add3A_1025, %get3A_1024 : vector<16xi32>
        %swap3A_1027 = arith.constant 1 : i32
        %swap3A_1028 = arith.index_cast %swap3A_1027 : i32 to index
        %swap3A_1029 = arith.constant 32 : index
        %swap3A_1030 = tpu.vector_load %arg12[%swap3A_1028, %swap3A_1029] {strides = array<i32>} : memref<2x128xi32, #tpu.memory_space<vmem>>, vector<1x16xi32>,
        %swap3A_1031 = vector.shape_cast %swap3A_1030 : vector<1x16xi32> to vector<16xi32>
        %swap3A_1032 = vector.shape_cast %add3A_1026 : vector<16xi32> to vector<1x16xi32>
        tpu.vector_store %arg12[%swap3A_1028, %swap3A_1029], %swap3A_1032 {strides = array<i32>} : memref<2x128xi32, #tpu.memory_space<vmem>>, vector<1x16xi32>,
        %get3A_1033 = arith.constant 1 : i32
        %get3A_1034 = arith.constant 0 : i32
        %get3A_1035 = arith.index_cast %get3A_1033 : i32 to index
        %get3A_1036 = arith.index_cast %get3A_1034 : i32 to index
        %get3A_1037 = arith.constant 48 : index
        %get3A_1038 = tpu.vector_load %arg11[%get3A_1035, %get3A_1036, %get3A_1037] {strides = array<i32>} : memref<2x3x128xi32, #tpu.memory_space<vmem>>, vector<1x1x16xi32>,
        %get3A_1039 = vector.shape_cast %get3A_1038 : vector<1x1x16xi32> to vector<16xi32>
        %swap3A_1040 = arith.constant 1 : i32
        %swap3A_1041 = arith.index_cast %swap3A_1040 : i32 to index
        %swap3A_1042 = arith.constant 48 : index
        %swap3A_1043 = tpu.vector_load %arg13[%swap3A_1041, %swap3A_1042] {strides = array<i32>} : memref<2x128xi32, #tpu.memory_space<vmem>>, vector<1x16xi32>,
        %swap3A_1044 = vector.shape_cast %swap3A_1043 : vector<1x16xi32> to vector<16xi32>
        %swap3A_1045 = vector.shape_cast %get3A_1039 : vector<16xi32> to vector<1x16xi32>
        tpu.vector_store %arg13[%swap3A_1041, %swap3A_1042], %swap3A_1045 {strides = array<i32>} : memref<2x128xi32, #tpu.memory_space<vmem>>, vector<1x16xi32>,
        %get3A_1046 = arith.constant 1 : i32
        %get3A_1047 = arith.constant 1 : i32
        %get3A_1048 = arith.index_cast %get3A_1046 : i32 to index
        %get3A_1049 = arith.index_cast %get3A_1047 : i32 to index
        %get3A_1050 = arith.constant 48 : index
        %get3A_1051 = tpu.vector_load %arg11[%get3A_1048, %get3A_1049, %get3A_1050] {strides = array<i32>} : memref<2x3x128xi32, #tpu.memory_space<vmem>>, vector<1x1x16xi32>,
        %get3A_1052 = vector.shape_cast %get3A_1051 : vector<1x1x16xi32> to vector<16xi32>
        %get3A_1053 = arith.constant 1 : i32
        %get3A_1054 = arith.constant 2 : i32
        %get3A_1055 = arith.index_cast %get3A_1053 : i32 to index
        %get3A_1056 = arith.index_cast %get3A_1054 : i32 to index
        %get3A_1057 = arith.constant 48 : index
        %get3A_1058 = tpu.vector_load %arg11[%get3A_1055, %get3A_1056, %get3A_1057] {strides = array<i32>} : memref<2x3x128xi32, #tpu.memory_space<vmem>>, vector<1x1x16xi32>,
        %get3A_1059 = vector.shape_cast %get3A_1058 : vector<1x1x16xi32> to vector<16xi32>
        %add3A_1060 = arith.addi %get3A_1052, %get3A_1052 : vector<16xi32>
        %add3A_1061 = arith.addi %add3A_1060, %get3A_1059 : vector<16xi32>
        %swap3A_1062 = arith.constant 1 : i32
        %swap3A_1063 = arith.index_cast %swap3A_1062 : i32 to index
        %swap3A_1064 = arith.constant 48 : index
        %swap3A_1065 = tpu.vector_load %arg12[%swap3A_1063, %swap3A_1064] {strides = array<i32>} : memref<2x128xi32, #tpu.memory_space<vmem>>, vector<1x16xi32>,
        %swap3A_1066 = vector.shape_cast %swap3A_1065 : vector<1x16xi32> to vector<16xi32>
        %swap3A_1067 = vector.shape_cast %add3A_1061 : vector<16xi32> to vector<1x16xi32>
        tpu.vector_store %arg12[%swap3A_1063, %swap3A_1064], %swap3A_1067 {strides = array<i32>} : memref<2x128xi32, #tpu.memory_space<vmem>>, vector<1x16xi32>,
        %get3A_1068 = arith.constant 1 : i32
        %get3A_1069 = arith.constant 0 : i32
        %get3A_1070 = arith.index_cast %get3A_1068 : i32 to index
        %get3A_1071 = arith.index_cast %get3A_1069 : i32 to index
        %get3A_1072 = arith.constant 64 : index
        %get3A_1073 = tpu.vector_load %arg11[%get3A_1070, %get3A_1071, %get3A_1072] {strides = array<i32>} : memref<2x3x128xi32, #tpu.memory_space<vmem>>, vector<1x1x16xi32>,
        %get3A_1074 = vector.shape_cast %get3A_1073 : vector<1x1x16xi32> to vector<16xi32>
        %swap3A_1075 = arith.constant 1 : i32
        %swap3A_1076 = arith.index_cast %swap3A_1075 : i32 to index
        %swap3A_1077 = arith.constant 64 : index
        %swap3A_1078 = tpu.vector_load %arg13[%swap3A_1076, %swap3A_1077] {strides = array<i32>} : memref<2x128xi32, #tpu.memory_space<vmem>>, vector<1x16xi32>,
        %swap3A_1079 = vector.shape_cast %swap3A_1078 : vector<1x16xi32> to vector<16xi32>
        %swap3A_1080 = vector.shape_cast %get3A_1074 : vector<16xi32> to vector<1x16xi32>
        tpu.vector_store %arg13[%swap3A_1076, %swap3A_1077], %swap3A_1080 {strides = array<i32>} : memref<2x128xi32, #tpu.memory_space<vmem>>, vector<1x16xi32>,
        %get3A_1081 = arith.constant 1 : i32
        %get3A_1082 = arith.constant 1 : i32
        %get3A_1083 = arith.index_cast %get3A_1081 : i32 to index
        %get3A_1084 = arith.index_cast %get3A_1082 : i32 to index
        %get3A_1085 = arith.constant 64 : index
        %get3A_1086 = tpu.vector_load %arg11[%get3A_1083, %get3A_1084, %get3A_1085] {strides = array<i32>} : memref<2x3x128xi32, #tpu.memory_space<vmem>>, vector<1x1x16xi32>,
        %get3A_1087 = vector.shape_cast %get3A_1086 : vector<1x1x16xi32> to vector<16xi32>
        %get3A_1088 = arith.constant 1 : i32
        %get3A_1089 = arith.constant 2 : i32
        %get3A_1090 = arith.index_cast %get3A_1088 : i32 to index
        %get3A_1091 = arith.index_cast %get3A_1089 : i32 to index
        %get3A_1092 = arith.constant 64 : index
        %get3A_1093 = tpu.vector_load %arg11[%get3A_1090, %get3A_1091, %get3A_1092] {strides = array<i32>} : memref<2x3x128xi32, #tpu.memory_space<vmem>>, vector<1x1x16xi32>,
        %get3A_1094 = vector.shape_cast %get3A_1093 : vector<1x1x16xi32> to vector<16xi32>
        %add3A_1095 = arith.addi %get3A_1087, %get3A_1087 : vector<16xi32>
        %add3A_1096 = arith.addi %add3A_1095, %get3A_1094 : vector<16xi32>
        %swap3A_1097 = arith.constant 1 : i32
        %swap3A_1098 = arith.index_cast %swap3A_1097 : i32 to index
        %swap3A_1099 = arith.constant 64 : index
        %swap3A_1100 = tpu.vector_load %arg12[%swap3A_1098, %swap3A_1099] {strides = array<i32>} : memref<2x128xi32, #tpu.memory_space<vmem>>, vector<1x16xi32>,
        %swap3A_1101 = vector.shape_cast %swap3A_1100 : vector<1x16xi32> to vector<16xi32>
        %swap3A_1102 = vector.shape_cast %add3A_1096 : vector<16xi32> to vector<1x16xi32>
        tpu.vector_store %arg12[%swap3A_1098, %swap3A_1099], %swap3A_1102 {strides = array<i32>} : memref<2x128xi32, #tpu.memory_space<vmem>>, vector<1x16xi32>,
        %get3A_1103 = arith.constant 1 : i32
        %get3A_1104 = arith.constant 0 : i32
        %get3A_1105 = arith.index_cast %get3A_1103 : i32 to index
        %get3A_1106 = arith.index_cast %get3A_1104 : i32 to index
        %get3A_1107 = arith.constant 80 : index
        %get3A_1108 = tpu.vector_load %arg11[%get3A_1105, %get3A_1106, %get3A_1107] {strides = array<i32>} : memref<2x3x128xi32, #tpu.memory_space<vmem>>, vector<1x1x16xi32>,
        %get3A_1109 = vector.shape_cast %get3A_1108 : vector<1x1x16xi32> to vector<16xi32>
        %swap3A_1110 = arith.constant 1 : i32
        %swap3A_1111 = arith.index_cast %swap3A_1110 : i32 to index
        %swap3A_1112 = arith.constant 80 : index
        %swap3A_1113 = tpu.vector_load %arg13[%swap3A_1111, %swap3A_1112] {strides = array<i32>} : memref<2x128xi32, #tpu.memory_space<vmem>>, vector<1x16xi32>,
        %swap3A_1114 = vector.shape_cast %swap3A_1113 : vector<1x16xi32> to vector<16xi32>
        %swap3A_1115 = vector.shape_cast %get3A_1109 : vector<16xi32> to vector<1x16xi32>
        tpu.vector_store %arg13[%swap3A_1111, %swap3A_1112], %swap3A_1115 {strides = array<i32>} : memref<2x128xi32, #tpu.memory_space<vmem>>, vector<1x16xi32>,
        %get3A_1116 = arith.constant 1 : i32
        %get3A_1117 = arith.constant 1 : i32
        %get3A_1118 = arith.index_cast %get3A_1116 : i32 to index
        %get3A_1119 = arith.index_cast %get3A_1117 : i32 to index
        %get3A_1120 = arith.constant 80 : index
        %get3A_1121 = tpu.vector_load %arg11[%get3A_1118, %get3A_1119, %get3A_1120] {strides = array<i32>} : memref<2x3x128xi32, #tpu.memory_space<vmem>>, vector<1x1x16xi32>,
        %get3A_1122 = vector.shape_cast %get3A_1121 : vector<1x1x16xi32> to vector<16xi32>
        %get3A_1123 = arith.constant 1 : i32
        %get3A_1124 = arith.constant 2 : i32
        %get3A_1125 = arith.index_cast %get3A_1123 : i32 to index
        %get3A_1126 = arith.index_cast %get3A_1124 : i32 to index
        %get3A_1127 = arith.constant 80 : index
        %get3A_1128 = tpu.vector_load %arg11[%get3A_1125, %get3A_1126, %get3A_1127] {strides = array<i32>} : memref<2x3x128xi32, #tpu.memory_space<vmem>>, vector<1x1x16xi32>,
        %get3A_1129 = vector.shape_cast %get3A_1128 : vector<1x1x16xi32> to vector<16xi32>
        %add3A_1130 = arith.addi %get3A_1122, %get3A_1122 : vector<16xi32>
        %add3A_1131 = arith.addi %add3A_1130, %get3A_1129 : vector<16xi32>
        %swap3A_1132 = arith.constant 1 : i32
        %swap3A_1133 = arith.index_cast %swap3A_1132 : i32 to index
        %swap3A_1134 = arith.constant 80 : index
        %swap3A_1135 = tpu.vector_load %arg12[%swap3A_1133, %swap3A_1134] {strides = array<i32>} : memref<2x128xi32, #tpu.memory_space<vmem>>, vector<1x16xi32>,
        %swap3A_1136 = vector.shape_cast %swap3A_1135 : vector<1x16xi32> to vector<16xi32>
        %swap3A_1137 = vector.shape_cast %add3A_1131 : vector<16xi32> to vector<1x16xi32>
        tpu.vector_store %arg12[%swap3A_1133, %swap3A_1134], %swap3A_1137 {strides = array<i32>} : memref<2x128xi32, #tpu.memory_space<vmem>>, vector<1x16xi32>,
        %get3A_1138 = arith.constant 1 : i32
        %get3A_1139 = arith.constant 0 : i32
        %get3A_1140 = arith.index_cast %get3A_1138 : i32 to index
        %get3A_1141 = arith.index_cast %get3A_1139 : i32 to index
        %get3A_1142 = arith.constant 96 : index
        %get3A_1143 = tpu.vector_load %arg11[%get3A_1140, %get3A_1141, %get3A_1142] {strides = array<i32>} : memref<2x3x128xi32, #tpu.memory_space<vmem>>, vector<1x1x16xi32>,
        %get3A_1144 = vector.shape_cast %get3A_1143 : vector<1x1x16xi32> to vector<16xi32>
        %swap3A_1145 = arith.constant 1 : i32
        %swap3A_1146 = arith.index_cast %swap3A_1145 : i32 to index
        %swap3A_1147 = arith.constant 96 : index
        %swap3A_1148 = tpu.vector_load %arg13[%swap3A_1146, %swap3A_1147] {strides = array<i32>} : memref<2x128xi32, #tpu.memory_space<vmem>>, vector<1x16xi32>,
        %swap3A_1149 = vector.shape_cast %swap3A_1148 : vector<1x16xi32> to vector<16xi32>
        %swap3A_1150 = vector.shape_cast %get3A_1144 : vector<16xi32> to vector<1x16xi32>
        tpu.vector_store %arg13[%swap3A_1146, %swap3A_1147], %swap3A_1150 {strides = array<i32>} : memref<2x128xi32, #tpu.memory_space<vmem>>, vector<1x16xi32>,
        %get3A_1151 = arith.constant 1 : i32
        %get3A_1152 = arith.constant 1 : i32
        %get3A_1153 = arith.index_cast %get3A_1151 : i32 to index
        %get3A_1154 = arith.index_cast %get3A_1152 : i32 to index
        %get3A_1155 = arith.constant 96 : index
        %get3A_1156 = tpu.vector_load %arg11[%get3A_1153, %get3A_1154, %get3A_1155] {strides = array<i32>} : memref<2x3x128xi32, #tpu.memory_space<vmem>>, vector<1x1x16xi32>,
        %get3A_1157 = vector.shape_cast %get3A_1156 : vector<1x1x16xi32> to vector<16xi32>
        %get3A_1158 = arith.constant 1 : i32
        %get3A_1159 = arith.constant 2 : i32
        %get3A_1160 = arith.index_cast %get3A_1158 : i32 to index
        %get3A_1161 = arith.index_cast %get3A_1159 : i32 to index
        %get3A_1162 = arith.constant 96 : index
        %get3A_1163 = tpu.vector_load %arg11[%get3A_1160, %get3A_1161, %get3A_1162] {strides = array<i32>} : memref<2x3x128xi32, #tpu.memory_space<vmem>>, vector<1x1x16xi32>,
        %get3A_1164 = vector.shape_cast %get3A_1163 : vector<1x1x16xi32> to vector<16xi32>
        %add3A_1165 = arith.addi %get3A_1157, %get3A_1157 : vector<16xi32>
        %add3A_1166 = arith.addi %add3A_1165, %get3A_1164 : vector<16xi32>
        %swap3A_1167 = arith.constant 1 : i32
        %swap3A_1168 = arith.index_cast %swap3A_1167 : i32 to index
        %swap3A_1169 = arith.constant 96 : index
        %swap3A_1170 = tpu.vector_load %arg12[%swap3A_1168, %swap3A_1169] {strides = array<i32>} : memref<2x128xi32, #tpu.memory_space<vmem>>, vector<1x16xi32>,
        %swap3A_1171 = vector.shape_cast %swap3A_1170 : vector<1x16xi32> to vector<16xi32>
        %swap3A_1172 = vector.shape_cast %add3A_1166 : vector<16xi32> to vector<1x16xi32>
        tpu.vector_store %arg12[%swap3A_1168, %swap3A_1169], %swap3A_1172 {strides = array<i32>} : memref<2x128xi32, #tpu.memory_space<vmem>>, vector<1x16xi32>,
        %get3A_1173 = arith.constant 1 : i32
        %get3A_1174 = arith.constant 0 : i32
        %get3A_1175 = arith.index_cast %get3A_1173 : i32 to index
        %get3A_1176 = arith.index_cast %get3A_1174 : i32 to index
        %get3A_1177 = arith.constant 112 : index
        %get3A_1178 = tpu.vector_load %arg11[%get3A_1175, %get3A_1176, %get3A_1177] {strides = array<i32>} : memref<2x3x128xi32, #tpu.memory_space<vmem>>, vector<1x1x16xi32>,
        %get3A_1179 = vector.shape_cast %get3A_1178 : vector<1x1x16xi32> to vector<16xi32>
        %swap3A_1180 = arith.constant 1 : i32
        %swap3A_1181 = arith.index_cast %swap3A_1180 : i32 to index
        %swap3A_1182 = arith.constant 112 : index
        %swap3A_1183 = tpu.vector_load %arg13[%swap3A_1181, %swap3A_1182] {strides = array<i32>} : memref<2x128xi32, #tpu.memory_space<vmem>>, vector<1x16xi32>,
        %swap3A_1184 = vector.shape_cast %swap3A_1183 : vector<1x16xi32> to vector<16xi32>
        %swap3A_1185 = vector.shape_cast %get3A_1179 : vector<16xi32> to vector<1x16xi32>
        tpu.vector_store %arg13[%swap3A_1181, %swap3A_1182], %swap3A_1185 {strides = array<i32>} : memref<2x128xi32, #tpu.memory_space<vmem>>, vector<1x16xi32>,
        %get3A_1186 = arith.constant 1 : i32
        %get3A_1187 = arith.constant 1 : i32
        %get3A_1188 = arith.index_cast %get3A_1186 : i32 to index
        %get3A_1189 = arith.index_cast %get3A_1187 : i32 to index
        %get3A_1190 = arith.constant 112 : index
        %get3A_1191 = tpu.vector_load %arg11[%get3A_1188, %get3A_1189, %get3A_1190] {strides = array<i32>} : memref<2x3x128xi32, #tpu.memory_space<vmem>>, vector<1x1x16xi32>,
        %get3A_1192 = vector.shape_cast %get3A_1191 : vector<1x1x16xi32> to vector<16xi32>
        %get3A_1193 = arith.constant 1 : i32
        %get3A_1194 = arith.constant 2 : i32
        %get3A_1195 = arith.index_cast %get3A_1193 : i32 to index
        %get3A_1196 = arith.index_cast %get3A_1194 : i32 to index
        %get3A_1197 = arith.constant 112 : index
        %get3A_1198 = tpu.vector_load %arg11[%get3A_1195, %get3A_1196, %get3A_1197] {strides = array<i32>} : memref<2x3x128xi32, #tpu.memory_space<vmem>>, vector<1x1x16xi32>,
        %get3A_1199 = vector.shape_cast %get3A_1198 : vector<1x1x16xi32> to vector<16xi32>
        %add3A_1200 = arith.addi %get3A_1192, %get3A_1192 : vector<16xi32>
        %add3A_1201 = arith.addi %add3A_1200, %get3A_1199 : vector<16xi32>
        %swap3A_1202 = arith.constant 1 : i32
        %swap3A_1203 = arith.index_cast %swap3A_1202 : i32 to index
        %swap3A_1204 = arith.constant 112 : index
        %swap3A_1205 = tpu.vector_load %arg12[%swap3A_1203, %swap3A_1204] {strides = array<i32>} : memref<2x128xi32, #tpu.memory_space<vmem>>, vector<1x16xi32>,
        %swap3A_1206 = vector.shape_cast %swap3A_1205 : vector<1x16xi32> to vector<16xi32>
        %swap3A_1207 = vector.shape_cast %add3A_1201 : vector<16xi32> to vector<1x16xi32>
        tpu.vector_store %arg12[%swap3A_1203, %swap3A_1204], %swap3A_1207 {strides = array<i32>} : memref<2x128xi32, #tpu.memory_space<vmem>>, vector<1x16xi32>,
        %dma_start3A_1208 = arith.constant 1 : i32
        %dma_start3A_1209 = arith.constant 1 : i32
        %dma_start3A_1210 = arith.constant 0 : i32
        %dma_start3A_1211 = arith.constant 0 : i32
        %dma_start3A_1212 = tpu.memref_slice %arg8[%dma_start3A_1209, %dma_start3A_1210, %dma_start3A_1211] : memref<2x128x128xf32, #tpu.memory_space<vmem>> -> memref<1x128x128xf32, #tpu.memory_space<vmem>>
        %dma_start3A_1213 = tpu.memref_squeeze %dma_start3A_1212 : memref<1x128x128xf32, #tpu.memory_space<vmem>> -> memref<128x128xf32, #tpu.memory_space<vmem>>
        %dma_start3A_1214 = arith.constant 0 : i32
        %dma_start3A_1215 = tpu.memref_slice %arg13[%dma_start3A_1208, %dma_start3A_1214] : memref<2x128xi32, #tpu.memory_space<vmem>> -> memref<1x128xi32, #tpu.memory_space<vmem>>
        %dma_start3A_1216 = tpu.memref_squeeze %dma_start3A_1215 : memref<1x128xi32, #tpu.memory_space<vmem>> -> memref<128xi32, #tpu.memory_space<vmem>>
        %dma_start3A_1217 = arith.constant 0 : i32
        %dma_start3A_1218 = arith.constant 0 : i32
        %dma_start3A_1219 = tpu.memref_slice %arg3[%dma_start3A_1217, %dma_start3A_1218] : memref<100000x128xf32, #tpu.memory_space<hbm>> -> memref<100000x128xf32, #tpu.memory_space<hbm>>
        tpu.enqueue_indirect_dma source(%dma_start3A_1219 : memref<100000x128xf32, #tpu.memory_space<hbm>>) target(%dma_start3A_1213 : memref<128x128xf32, #tpu.memory_space<vmem>>) offsets(%dma_start3A_1216 : memref<128xi32, #tpu.memory_space<vmem>>) semaphore(%arg17 : memref<!tpu.dma_semaphore, #tpu.memory_space<semaphore_mem>>)
        %dma_start3A_1220 = arith.constant 1 : i32
        %dma_start3A_1221 = arith.constant 1 : i32
        %dma_start3A_1222 = arith.constant 0 : i32
        %dma_start3A_1223 = arith.constant 0 : i32
        %dma_start3A_1224 = tpu.memref_slice %arg9[%dma_start3A_1221, %dma_start3A_1222, %dma_start3A_1223] : memref<2x128x128xf32, #tpu.memory_space<vmem>> -> memref<1x128x128xf32, #tpu.memory_space<vmem>>
        %dma_start3A_1225 = tpu.memref_squeeze %dma_start3A_1224 : memref<1x128x128xf32, #tpu.memory_space<vmem>> -> memref<128x128xf32, #tpu.memory_space<vmem>>
        %dma_start3A_1226 = arith.constant 0 : i32
        %dma_start3A_1227 = tpu.memref_slice %arg12[%dma_start3A_1220, %dma_start3A_1226] : memref<2x128xi32, #tpu.memory_space<vmem>> -> memref<1x128xi32, #tpu.memory_space<vmem>>
        %dma_start3A_1228 = tpu.memref_squeeze %dma_start3A_1227 : memref<1x128xi32, #tpu.memory_space<vmem>> -> memref<128xi32, #tpu.memory_space<vmem>>
        %dma_start3A_1229 = arith.constant 0 : i32
        %dma_start3A_1230 = arith.constant 0 : i32
        %dma_start3A_1231 = tpu.memref_slice %arg4[%dma_start3A_1229, %dma_start3A_1230] : memref<1024x128xf32, #tpu.memory_space<hbm>> -> memref<1024x128xf32, #tpu.memory_space<hbm>>
        tpu.enqueue_indirect_dma source(%dma_start3A_1231 : memref<1024x128xf32, #tpu.memory_space<hbm>>) target(%dma_start3A_1225 : memref<128x128xf32, #tpu.memory_space<vmem>>) offsets(%dma_start3A_1228 : memref<128xi32, #tpu.memory_space<vmem>>) semaphore(%arg17 : memref<!tpu.dma_semaphore, #tpu.memory_space<semaphore_mem>>)
        %add3A_1232 = arith.constant 2 : i32
        %add3A_1233 = arith.addi %add3A_911, %add3A_1232 : i32
        %lt3A_1234 = arith.constant 50 : i32
        %lt3A_1235 = arith.cmpi slt, %add3A_1233, %lt3A_1234 : i32
        %convert_element_type3A_1236 = arith.extui %lt3A_1235 : i1 to i32
        %cond3A_1237 = arith.constant 0 : i32
        %cond3A_1238 = arith.cmpi ne, %convert_element_type3A_1236, %cond3A_1237 : i32
        scf.if %cond3A_1238 {
          %add3A_1239 = arith.constant 2 : i32
          %add3A_1240 = arith.addi %add3A_911, %add3A_1239 : i32
          %mul3A_1241 = arith.constant 128 : i32
          %mul3A_1242 = arith.muli %add3A_1240, %mul3A_1241 : i32
          %add3A_1243 = arith.addi %mul3A_2, %mul3A_1242 : i32
          %dma_start3A_1244 = arith.constant 1 : i32
          %dma_start3A_1245 = arith.constant 0 : i32
          %dma_start3A_1246 = arith.constant 0 : i32
          %dma_start3A_1247 = tpu.memref_slice %arg11[%dma_start3A_1244, %dma_start3A_1245, %dma_start3A_1246] : memref<2x3x128xi32, #tpu.memory_space<vmem>> -> memref<1x3x128xi32, #tpu.memory_space<vmem>>
          %dma_start3A_1248 = tpu.memref_squeeze %dma_start3A_1247 : memref<1x3x128xi32, #tpu.memory_space<vmem>> -> memref<3x128xi32, #tpu.memory_space<vmem>>
          %dma_start3A_1249 = arith.constant 0 : i32
          %dma_start3A_1250 = tpu.memref_slice %arg2[%dma_start3A_1249, %add3A_1243] : memref<3x204800xi32, #tpu.memory_space<hbm>> -> memref<3x128xi32, #tpu.memory_space<hbm>>
          %dma_start3A_1251 = arith.constant 0 : i32
          %dma_start3A_1252 = arith.constant 0 : i32
          %dma_start3A_1253 = tpu.memref_slice %arg11[%dma_start3A_1244, %dma_start3A_1251, %dma_start3A_1252] : memref<2x3x128xi32, #tpu.memory_space<vmem>> -> memref<1x3x128xi32, #tpu.memory_space<vmem>>
          %dma_start3A_1254 = tpu.memref_squeeze %dma_start3A_1253 : memref<1x3x128xi32, #tpu.memory_space<vmem>> -> memref<3x128xi32, #tpu.memory_space<vmem>>
          %dma_start3A_1255 = arith.constant 0 : i32
          %dma_start3A_1256 = tpu.memref_slice %arg2[%dma_start3A_1255, %add3A_1243] : memref<3x204800xi32, #tpu.memory_space<hbm>> -> memref<3x128xi32, #tpu.memory_space<hbm>>
          tpu.enqueue_dma source(%dma_start3A_1256 : memref<3x128xi32, #tpu.memory_space<hbm>>) target(%dma_start3A_1254 : memref<3x128xi32, #tpu.memory_space<vmem>>) target_semaphore(%arg21 : memref<!tpu.dma_semaphore, #tpu.memory_space<semaphore_mem>>)
        } else {
        }
      } else {
      }
      %mul3A_894 = arith.constant 128 : i32
      %mul3A_895 = arith.muli %add3A_854, %mul3A_894 : i32
      %add3A_896 = arith.addi %mul3A_2, %mul3A_895 : i32
      %dma_start3A_897 = arith.constant 1 : i32
      %dma_start3A_898 = arith.constant 0 : i32
      %dma_start3A_899 = arith.constant 0 : i32
      %dma_start3A_900 = tpu.memref_slice %arg10[%dma_start3A_897, %dma_start3A_898, %dma_start3A_899] : memref<2x128x128xf32, #tpu.memory_space<vmem>> -> memref<1x128x128xf32, #tpu.memory_space<vmem>>
      %dma_start3A_901 = tpu.memref_squeeze %dma_start3A_900 : memref<1x128x128xf32, #tpu.memory_space<vmem>> -> memref<128x128xf32, #tpu.memory_space<vmem>>
      %dma_start3A_902 = arith.constant 0 : i32
      %dma_start3A_903 = tpu.memref_slice %arg7[%add3A_896, %dma_start3A_902] : memref<204800x128xf32, #tpu.memory_space<hbm>> -> memref<128x128xf32, #tpu.memory_space<hbm>>
      %dma_start3A_904 = arith.constant 0 : i32
      %dma_start3A_905 = tpu.memref_slice %arg7[%add3A_896, %dma_start3A_904] : memref<204800x128xf32, #tpu.memory_space<hbm>> -> memref<128x128xf32, #tpu.memory_space<hbm>>
      %dma_start3A_906 = arith.constant 0 : i32
      %dma_start3A_907 = arith.constant 0 : i32
      %dma_start3A_908 = tpu.memref_slice %arg10[%dma_start3A_897, %dma_start3A_906, %dma_start3A_907] : memref<2x128x128xf32, #tpu.memory_space<vmem>> -> memref<1x128x128xf32, #tpu.memory_space<vmem>>
      %dma_start3A_909 = tpu.memref_squeeze %dma_start3A_908 : memref<1x128x128xf32, #tpu.memory_space<vmem>> -> memref<128x128xf32, #tpu.memory_space<vmem>>
      tpu.enqueue_dma source(%dma_start3A_909 : memref<128x128xf32, #tpu.memory_space<vmem>>) target(%dma_start3A_905 : memref<128x128xf32, #tpu.memory_space<hbm>>) target_semaphore(%arg19 : memref<!tpu.dma_semaphore, #tpu.memory_space<semaphore_mem>>)
    }
    %scan3A_767 = arith.constant 25 : i32
    %add3A_768 = arith.constant 6144 : i32
    %add3A_769 = arith.addi %mul3A_2, %add3A_768 : i32
    %dma_wait3A_770 = arith.constant 0 : i32
    %dma_wait3A_771 = arith.constant 0 : i32
    %dma_wait3A_772 = arith.constant 0 : i32
    %dma_wait3A_773 = tpu.memref_slice %arg10[%dma_wait3A_770, %dma_wait3A_771, %dma_wait3A_772] : memref<2x128x128xf32, #tpu.memory_space<vmem>> -> memref<1x128x128xf32, #tpu.memory_space<vmem>>
    %dma_wait3A_774 = tpu.memref_squeeze %dma_wait3A_773 : memref<1x128x128xf32, #tpu.memory_space<vmem>> -> memref<128x128xf32, #tpu.memory_space<vmem>>
    %dma_wait3A_775 = arith.constant 0 : i32
    %dma_wait3A_776 = tpu.memref_slice %arg7[%add3A_769, %dma_wait3A_775] : memref<204800x128xf32, #tpu.memory_space<hbm>> -> memref<128x128xf32, #tpu.memory_space<hbm>>
    %dma_wait3A_777 = arith.constant 0 : i32
    %dma_wait3A_778 = tpu.memref_slice %arg7[%add3A_769, %dma_wait3A_777] : memref<204800x128xf32, #tpu.memory_space<hbm>> -> memref<128x128xf32, #tpu.memory_space<hbm>>
    %dma_wait3A_779 = arith.constant 0 : i32
    %dma_wait3A_780 = arith.constant 0 : i32
    %dma_wait3A_781 = tpu.memref_slice %arg10[%dma_wait3A_770, %dma_wait3A_779, %dma_wait3A_780] : memref<2x128x128xf32, #tpu.memory_space<vmem>> -> memref<1x128x128xf32, #tpu.memory_space<vmem>>
    %dma_wait3A_782 = tpu.memref_squeeze %dma_wait3A_781 : memref<1x128x128xf32, #tpu.memory_space<vmem>> -> memref<128x128xf32, #tpu.memory_space<vmem>>
    tpu.wait_dma2 semaphore(%arg18 : memref<!tpu.dma_semaphore, #tpu.memory_space<semaphore_mem>>) src(%dma_wait3A_782 : memref<128x128xf32, #tpu.memory_space<vmem>>) dst(%dma_wait3A_778 : memref<128x128xf32, #tpu.memory_space<hbm>>)
    %add3A_783 = arith.constant 6272 : i32
    %add3A_784 = arith.addi %mul3A_2, %add3A_783 : i32
    %dma_wait3A_785 = arith.constant 1 : i32
    %dma_wait3A_786 = arith.constant 0 : i32
    %dma_wait3A_787 = arith.constant 0 : i32
    %dma_wait3A_788 = tpu.memref_slice %arg10[%dma_wait3A_785, %dma_wait3A_786, %dma_wait3A_787] : memref<2x128x128xf32, #tpu.memory_space<vmem>> -> memref<1x128x128xf32, #tpu.memory_space<vmem>>
    %dma_wait3A_789 = tpu.memref_squeeze %dma_wait3A_788 : memref<1x128x128xf32, #tpu.memory_space<vmem>> -> memref<128x128xf32, #tpu.memory_space<vmem>>
    %dma_wait3A_790 = arith.constant 0 : i32
    %dma_wait3A_791 = tpu.memref_slice %arg7[%add3A_784, %dma_wait3A_790] : memref<204800x128xf32, #tpu.memory_space<hbm>> -> memref<128x128xf32, #tpu.memory_space<hbm>>
    %dma_wait3A_792 = arith.constant 0 : i32
    %dma_wait3A_793 = tpu.memref_slice %arg7[%add3A_784, %dma_wait3A_792] : memref<204800x128xf32, #tpu.memory_space<hbm>> -> memref<128x128xf32, #tpu.memory_space<hbm>>
    %dma_wait3A_794 = arith.constant 0 : i32
    %dma_wait3A_795 = arith.constant 0 : i32
    %dma_wait3A_796 = tpu.memref_slice %arg10[%dma_wait3A_785, %dma_wait3A_794, %dma_wait3A_795] : memref<2x128x128xf32, #tpu.memory_space<vmem>> -> memref<1x128x128xf32, #tpu.memory_space<vmem>>
    %dma_wait3A_797 = tpu.memref_squeeze %dma_wait3A_796 : memref<1x128x128xf32, #tpu.memory_space<vmem>> -> memref<128x128xf32, #tpu.memory_space<vmem>>
    tpu.wait_dma2 semaphore(%arg19 : memref<!tpu.dma_semaphore, #tpu.memory_space<semaphore_mem>>) src(%dma_wait3A_797 : memref<128x128xf32, #tpu.memory_space<vmem>>) dst(%dma_wait3A_793 : memref<128x128xf32, #tpu.memory_space<hbm>>)
    return
  }
}

</mosaic_0001>

<sc_bundles>
// kernel: kernel.3.cloned.1.call-start
scs
__scs_entry_jumppad:
0x0: {  	(pc) =	sbr.rel $0x88, $3  }
0x1: {  	(tag) =	ssettag $0x0;
	lr =	simm.s32 $0x1  }
0x2: {  	[smem:$0x3F99] =	sst lr;
	_ =	strace $0xD0000000  }
0x3: {  	_ = 	snop  }
0x4: {  	_ = 	snop  }
0x5: {  	_ = 	snop  }
0x6: {  	_ = 	snop  }
0x7: {  	_ = 	snop  }
__scs_overlays_trampoline_lowered:
0x8: {  	[smem:$0x3FA8] =	sst s0  }
0x9: {  	[smem:$0x3FA9] =	sst s1  }
0xa: {  	[smem:$0x3FAA] =	sst s2  }
0xb: {  	[smem:$0x3FAB] =	sst s3  }
0xc: {  	[smem:$0x3FAC] =	sst s4  }
0xd: {  	[smem:$0x3FAD] =	sst s5  }
0xe: {  	[smem:$0x3FAE] =	sst s6  }
0xf: {  	[smem:$0x3FAF] =	sst s7  }
0x10: {  	[smem:$0x3FB0] =	sst s8  }
0x11: {  	[smem:$0x3FB1] =	sst s9;
	s0 =	simm.s32 @!p0 $0x0  }
0x12: {  	s1 =	sld [smem:$0x3F97];
	s0 =	simm.s32 @p0 $0x1  }
0x13: {  	[smem:$0x3FB2] =	sst s0;
	s0 =	simm.s32 @!p1 $0x0  }
0x14: {  	s2 =	sld [smem:$0x3F96];
	s0 =	simm.s32 @p1 $0x1  }
0x15: {  	[smem:$0x3FB3] =	sst s0;
	s0 =	simm.s32 @!p2 $0x0  }
0x16: {  	s3 =	sld [smem:$0x3FDB];
	s0 =	simm.s32 @p2 $0x1  }
0x17: {  	s4 =	simm.s32 $0x1BF5;
	[smem:$0x3FB5] =	sst s0  }
0x18: {  	s0 =	sld [smem:$0x3F98];
	_ =	swait.ge [sflag:s4], $0x0  }
0x19: {  	s7 =	sld [smem:$0x3F99]  }
0x1a: {  	s8 =	sadd.s32 $0xFFFFE003, lr  }
0x1b: {  	s9 =	sadd.s32 $0xFFFFFEF7, lr;
	s5 =	simm.s32 $0xFFFFFFFF;
	p2 =	slt.u32 s8, $0xFFFFF086  }
0x1c: {  	p1 =	slt.u32 s9, $0xF7A;
	s5 =	simm.s32 @!p2 $0x0  }
0x1d: {  	s5 =	simm.s32 @p1 $0x1;
	p0 =	seq.s32 s7, s2  }
0x1e: {  	s7 =	smul.u32 @!p0 $0xF7A, s2;
	p2 =	seq.s32 @!p0 s5, $0x0  }
0x1f: {  	s9 =	smul.u32 $0xF7A, s1;
	s8 =	simm.s32 @!p0 $0x1BF5;
	p2 =	por !p2, p0  }
0x20: {  	[sflag:s8] =	ssyncset.s32 @!p0 $0xFFFFF086;
	s6 =	sadd.s32 @!p0 s3, s7;
	s7 =	simm.s32 @!p0 $0x108  }
0x21: {  	s3 =	sadd.s32 s3, s9;
	s6 =	sadd.s32 @!p0 $0x88, s6;
	s7 =	simm.s32 @p2 $0x1082  }
0x22: {  	[simem:s7], [sflag:s8] =	dma.local @!p0 [hbm:s6], $0xF7A  }
0x23: {  	s9 =	sor.u32 $0xD0000000, s2;
	s6 =	simm.s32 $0x108;
	_ =	swait.ge @!p0 [sflag:s8], $0x0  }
0x24: {  	s3 =	sadd.s32 $0x88, s3;
	s6 =	simm.s32 @!p1 $0x1082;
	[sflag:s4] =	ssyncset.s32 $0xFFFFF086  }
0x25: {  	[simem:s6], [sflag:s4] =	dma.local [hbm:s3], $0xF7A  }
0x26: {  	[smem:$0x3F99] =	sst s1;
	(tag) =	ssettag s2;
	_ =	strace s9  }
0x27: {  	s1 =	sld [smem:$0x3FA9]  }
0x28: {  	s2 =	sld [smem:$0x3FAA]  }
0x29: {  	s4 =	sld [smem:$0x3FAC]  }
0x2a: {  	p0 =	seq.s32 s5, $0x0;
	s5 =	sld [smem:$0x3FAD]  }
0x2b: {  	s6 =	sld [smem:$0x3FAE]  }
0x2c: {  	s7 =	sld [smem:$0x3FAF]  }
0x2d: {  	s3 =	simm.s32 $0x108;
	s8 =	sld [smem:$0x3FB0]  }
0x2e: {  	s3 =	simm.s32 @!p0 $0x1082;
	s9 =	sld [smem:$0x3FB1]  }
0x2f: {  	lr =	sadd.s32 s0, s3;
	s0 =	sld [smem:$0x3FA8]  }
0x30: {  	s3 =	sld [smem:$0x3FAB]  }
0x31: {  	[smem:$0x3FB4] =	sst s10  }
0x32: {  	s10 =	sld [smem:$0x3FB2];
	_ =	sdelay $0x3  }
0x33: {  	p0 =	seq.s32 s10, $0x1;
	s10 =	sld [smem:$0x3FB4];
	_ =	sdelay $0x3  }
0x34: {  	[smem:$0x3FB4] =	sst s10  }
0x35: {  	s10 =	sld [smem:$0x3FB3];
	_ =	sdelay $0x3  }
0x36: {  	p1 =	seq.s32 s10, $0x1;
	s10 =	sld [smem:$0x3FB4];
	_ =	sdelay $0x3  }
0x37: {  	[smem:$0x3FB4] =	sst s10  }
0x38: {  	s10 =	sld [smem:$0x3FB5]  }
0x39: {  	_ = 	snop;
	(pc) =	sbr.ind lr, $3  }
0x3a: {  	_ = 	snop  }
0x3b: {  	_ = 	snop  }
0x3c: {  	p2 =	seq.s32 s10, $0x1;
	s10 =	sld [smem:$0x3FB4]  }
0x3d: {  	_ =	shalt  }
0x3e: {  	_ =	shalt  }
0x3f: {  	_ =	shalt  }
0x40: {  	_ =	shalt  }
0x41: {  	_ =	shalt  }
0x42: {  	_ =	shalt  }
0x43: {  	_ =	shalt  }
0x44: {  	_ =	shalt  }
0x45: {  	_ =	shalt  }
0x46: {  	_ =	shalt  }
0x47: {  	_ =	shalt  }
0x48: {  	_ =	shalt  }
0x49: {  	_ =	shalt  }
0x4a: {  	_ =	shalt  }
0x4b: {  	_ =	shalt  }
0x4c: {  	_ =	shalt  }
0x4d: {  	_ =	shalt  }
0x4e: {  	_ =	shalt  }
0x4f: {  	_ =	shalt  }
0x50: {  	_ =	shalt  }
0x51: {  	_ =	shalt  }
0x52: {  	_ =	shalt  }
0x53: {  	_ =	shalt  }
0x54: {  	_ =	shalt  }
0x55: {  	_ =	shalt  }
0x56: {  	_ =	shalt  }
0x57: {  	_ =	shalt  }
0x58: {  	_ =	shalt  }
0x59: {  	_ =	shalt  }
0x5a: {  	_ =	shalt  }
0x5b: {  	_ =	shalt  }
0x5c: {  	_ =	shalt  }
0x5d: {  	_ =	shalt  }
0x5e: {  	_ =	shalt  }
0x5f: {  	_ =	shalt  }
0x60: {  	_ =	shalt  }
0x61: {  	_ =	shalt  }
0x62: {  	_ =	shalt  }
0x63: {  	_ =	shalt  }
0x64: {  	_ =	shalt  }
0x65: {  	_ =	shalt  }
0x66: {  	_ =	shalt  }
0x67: {  	_ =	shalt  }
0x68: {  	_ =	shalt  }
0x69: {  	_ =	shalt  }
0x6a: {  	_ =	shalt  }
0x6b: {  	_ =	shalt  }
0x6c: {  	_ =	shalt  }
0x6d: {  	_ =	shalt  }
0x6e: {  	_ =	shalt  }
0x6f: {  	_ =	shalt  }
0x70: {  	_ =	shalt  }
0x71: {  	_ =	shalt  }
0x72: {  	_ =	shalt  }
0x73: {  	_ =	shalt  }
0x74: {  	_ =	shalt  }
0x75: {  	_ =	shalt  }
0x76: {  	_ =	shalt  }
0x77: {  	_ =	shalt  }
0x78: {  	_ =	shalt  }
0x79: {  	_ =	shalt  }
0x7a: {  	_ =	shalt  }
0x7b: {  	_ =	shalt  }
0x7c: {  	_ =	shalt  }
0x7d: {  	_ =	shalt  }
0x7e: {  	_ =	shalt  }
0x7f: {  	_ =	shalt  }
0x80: {  	_ =	shalt  }
0x81: {  	_ =	shalt  }
0x82: {  	_ =	shalt  }
0x83: {  	_ =	shalt  }
0x84: {  	_ =	shalt  }
0x85: {  	_ =	shalt  }
0x86: {  	_ =	shalt  }
0x87: {  	_ =	shalt  }
.Lfunc_end0:
.L_simem_size_0:
called_computation_lowered:
.L_overlay_start_0:
0x88: {  	s2 =	sld [smem:$0x3FD9]  }
0x89: {  	s3 =	sld [smem:$0x3FFE];
	_ =	sdelay $0x1  }
0x8a: {  	s1 =	srdreg.scid  }
0x8b: {  	s0 =	sand.u32 $0x1, s1  }
0x8c: {  	s17 =	sshll.u32 s0, $0xA;
	s2 =	sadd.s32 s3, s2  }
0x8d: {  	s2 =	sadd.s32 s2, s17  }
0x8e: {  	[smem:$0x3FC0] =	sst s2  }
0x8f: {  	_ = 	snop  }
0x90: {  	s2 =	sld [smem:$0x3FC6]  }
0x91: {  	s18 =	sld [smem:$0x3FC3]  }
0x92: {  	s4 =	sld [smem:$0x3FC2]  }
0x93: {  	s5 =	sld [smem:$0x3FD0];
	(tm) =	ssettm $0x1  }
0x94: {  	s6 =	sld [smem:$0x3FFB];
	_ =	sdelay $0x3  }
0x95: {  	_ =	strace s6  }
0x96: {  	s6 =	sld [smem:$0x3FFC];
	_ =	sdelay $0x3  }
0x97: {  	_ =	strace s6  }
0x98: {  	s6 =	sld [smem:$0x3FFD];
	_ =	sdelay $0x3  }
0x99: {  	_ =	strace s6  }
0x9a: {  	_ =	strace $0x8FFFFFFF  }
0x9b: {  	s19 =	sld [smem:$0x3FDB];
	_ =	sdelay $0x1  }
0x9c: {  	s7 =	simm.s32 $_scs_section_size  }
0x9d: {  	s8 =	simm.s32 $_size__tile_overlayer_lowered;
	s9 =	simm.s32 $_tile_overlayer_lowered  }
0x9e: {  	s22 =	simm.s32 $0x1BFF;
	s21 =	sshll.u32 s9, $0x1;
	s6 =	sadd.s32 s7, s19  }
0x9f: {  	s10 =	simm.s32 $0x0;
	s20 =	sshll.u32 s8, $0x1;
	s8 =	sadd.s32 s21, s6  }
0xa0: {  	[timem:s10], [sflag:s22] =	dma.local [hbm:s8], s20  }
0xa1: {  	_ =	swait.ge [sflag:s22], s20  }
0xa2: {  	s7 =	ssub.s32 $0x0, s20;
	[sflag:s22] =	ssyncset.done $0x0  }
0xa3: {  	[sflag:s22] =	ssyncadd.s32 s7;
	_ =	sdelay $0x1  }
0xa4: {  	s23 =	simm.s32 $0x1B8B  }
0xa5: {  	_ =	swait.ge [sflag:s23], $0x1  }
0xa6: {  	[sflag:s23] =	ssyncset.done $0x0  }
0xa7: {  	s25 =	simm.s32 $0x1B8E;
	s24 =	sld [smem:$0x3FFE];
	[sflag:s23] =	ssyncadd.s32 $0xFFFFFFFF  }
0xa8: {  	s26 =	simm.s32 $execute0_lowered;
	[smem:$0x3FD2] =	sst s25  }
0xa9: {  	s8 =	sshll.u32 s26, $0x1;
	_ =	strace $0x80000046;
	[dreg:$0x1] =	wrdreg $0xFFFFFFFF  }
0xaa: {  	s28 =	simm.s32 $_size_execute0_lowered;
	s6 =	sadd.s32 s6, s8;
	[dreg:$0x0] =	wrdreg $0x0  }
0xab: {  	s8 =	sshll.u32 s28, $0x1;
	[dreg:$0x2] =	wrdreg s6  }
0xac: {  	[dreg:$0x3] =	wrdreg s8  }
0xad: {  	[dreg:$0x4] =	wrdreg $0xC0  }
0xae: {  	_ =	task [dreg:s10], $0x5FFFF  }
0xaf: {  	[dreg:$0x1] =	wrdreg $0xFFFFFFFF  }
0xb0: {  	[dreg:$0x0] =	wrdreg $0x60  }
0xb1: {  	[dreg:$0x2] =	wrdreg s24  }
0xb2: {  	[dreg:$0x3] =	wrdreg s2  }
0xb3: {  	[dreg:$0x4] =	wrdreg s18  }
0xb4: {  	[dreg:$0x5] =	wrdreg s4  }
0xb5: {  	[dreg:$0x6] =	wrdreg s5  }
0xb6: {  	[dreg:$0x7] =	wrdreg $0x9  }
0xb7: {  	_ =	task.clear_ibuf [dreg:s10], $0x8FFFF;
	_ =	strace $0x90000046  }
0xb8: {  	s29 =	simm.s32 $0x9;
	_ =	strace $0x80000048  }
0xb9: {  	_ =	swait.ge [sflag:s29], $0x1  }
0xba: {  	[sflag:s29] =	ssyncadd.s32 $0xFFFFFFFF  }
0xbb: {  	_ =	strace $0x90000048  }
0xbc: {  	_ =	sfence  }
0xbd: {  	s30 =	sld [smem:$0x0];
	_ =	sdelay $0x2  }
0xbe: {  	s31 =	sshll.u32 s1, $0xD;
	s1 =	sshrl.u32 s1, $0x2  }
0xbf: {  	s3 =	sand.u32 $0x4000, s31;
	s1 =	sadd.s32 s1, s30  }
0xc0: {  	s0 =	sor.u32 s3, s0;
	s1 =	sshll.u32 s1, $0x11  }
0xc1: {  	s0 =	sor.u32 s1, s0  }
0xc2: {  	s0 =	sadd.s32 $0x8F2B, s0  }
0xc3: {  	[sflag:s0] =	ssyncadd.remote.s32 $0x1  }
0xc4: {  	_ =	sfence.sel $0xFFFF  }
0xc5: {  	[dreg:$0x0] =	wrdreg $0xFFFFFFFF;
	(pc) =	sbr.abs _section_cstart, $3  }
0xc6: {  	[dreg:$0x1] =	wrdreg $0xFFFFFFFF  }
0xc7: {  	_ =	task.clear_ibuf [dreg:s10], $0x2FFFF;
	_ =	strace $0x9FFFFFFF  }
0xc8: {  	(tm) =	ssettm $0x7FFFFFFF  }
0xc9: {  	_ =	shalt  }
tec
execute0_lowered:
.L_overlay_start_1:
0x0: {  	(tag) =	ssettag $0x1  }
0x1: {  	s0 =	rddreg [dreg:$0x0]  }
0x2: {  	s1 =	rddreg [dreg:$0x1]  }
0x3: {  	s5 =	rddreg [dreg:$0x4];
	s6 =	simm.s32 $0x0;
	s2 =	srdreg.scid  }
0x4: {  	s3 =	stileid.u32;
	s28 =	simm.s32 $0x18500;
	s29 =	simm.s32 $0x18400  }
0x5: {  	v0 =	vimm.s32 $0xEFCDAB89;
	v1 =	vimm.s32 $0x67452301;
	s30 =	simm.s32 $0x8000;
	s2 =	sand.u32 $0x1, s2;
	s3 =	sshll.u32 s3, $0x1  }
0x6: {  	v2 =	vimm.s32 $0xDCFE98BA;
	v3 =	vimm.s32 $0x54761032;
	v4 =	vimm.s32 $0xBA98FEDC;
	s31 =	simm.s32 $0x6;
	s18 =	simm.s32 $0x1;
	s3 =	sor.u32 s2, s3  }
0x7: {  	v5 =	vimm.s32 $0x32107654;
	v6 =	vimm.s32 $0xFEDCBA98;
	s20 =	simm.s32 $0x10000;
	s16 =	simm.s32 $0x2;
	s4 =	smul.u32 $0x6400, s3  }
0x8: {  	v7 =	vimm.s32 $0x76543210;
	[smem:$0x7FF] =	sst s6;
	s7 =	sadd.s32 $0x4C00, s0;
	s9 =	smul.u32 $0xC80, s3  }
0x9: {  	s8 =	sadd.s32 $0xC00, s0;
	v0 =	vunpack.c.l.s4.s8 v0;
	v1 =	vunpack.c.l.s4.s8 v1;
	v2 =	vunpack.c.l.s4.s8 v2;
	s2 =	ssub.s32 $0x2, s2;
	s23 =	smul.u32 $0x32, s3  }
0xa: {  	v3 =	vunpack.c.l.s4.s8 v3;
	v4 =	vunpack.c.l.s4.s8 v4;
	v5 =	vunpack.c.l.s4.s8 v5;
	_ =	strace $0x80000047;
	s21 =	sshrl.u32 s2, $0x1;
	s24 =	smul.u32 $0x19000, s3  }
0xb: {  	v6 =	vunpack.c.l.s4.s8 v6;
	s14 =	smul.u32 $0xC8000, s3;
	v0 =	vunpack.c.0.s8.s32 v0;
	v1 =	vunpack.c.0.s8.s32 v1;
	s3 =	simm.s32 $0xC000;
	s0 =	ssub.s32 s2, s21  }
0xc: {  	v7 =	vunpack.c.l.s4.s8 v7;
	v2 =	vunpack.c.0.s8.s32 v2;
	v3 =	vunpack.c.0.s8.s32 v3;
	s21 =	simm.s32 $0x14000;
	s22 =	sshrl.u32 s4, $0x3;
	s10 =	sadd.s32 s7, s9  }
0xd: {  	v4 =	vunpack.c.0.s8.s32 v4;
	v5 =	vunpack.c.0.s8.s32 v5;
	s13 =	sadd.s32 $0x4, s23;
	s26 =	sadd.s32 s24, s5;
	s15 =	sadd.s32 $0x5, s23;
	v0 =	vcombine.low v1, v0  }
0xe: {  	s0 =	smax.u32 s0, $0x1;
	v1 =	vunpack.c.0.s8.s32 v6;
	s4 =	simm.s32 $0x4000;
	v2 =	vcombine.low v3, v2;
	s2 =	sadd.s32 s7, s22  }
.Ltmp0:
0xf: {  	v3 =	vcombine.low v5, v4;
	v4 =	vunpack.c.0.s8.s32 v7;
	[dreg:$0x6] =	wrdreg s10;
	s10 =	sadd.s32 $0x40, s10;
	v0 =	vand.u32 $0xF, v0;
	(pc) =	sbr.rel .LBB2_1-.Ltmp0, $4  }
0x10: {  	[dreg:$0xa] =	wrdreg s0;
	s17 =	sadd.s32 $0x800, s26;
	s26 =	simm.s32 $0x80;
	v5 =	vand.u32 $0xF, v1;
	v1 =	vand.u32 $0xF, v2;
	[tilespmem:$0x1FFC0] =	vst v0  }
0x11: {  	s0 =	simm.s32 $0x18580;
	[dreg:$0x7] =	wrdreg s10;
	s25 =	sadd.s32 $0x80, s2;
	v13 =	vand.u32 $0xF, v3;
	v3 =	vcombine.low v5, v4;
	[tilespmem:$0x1FFD0] =	vst v1  }
0x12: {  	s22 =	simm.s32 $0x0;
	s2 =	sadd.s32 $0xC0, s2;
	[dreg:$0x8] =	wrdreg s25;
	[tilespmem:$0x1FFE0] =	vst v13  }
0x13: {  	[dreg:$0x9] =	wrdreg s2;
	s25 =	simm.s32 $0x5;
	s2 =	simm.s32 $0x18480;
	[tilespmem:$0x1FFF0] =	vst v3  }
.LBB2_11:
0x14: {  	s9 =	simm.s32 $0x3  }
0x15: {  	_ =	swait.ge [sflag:s9], $0x4000  }
0x16: {  	[sflag:s9] =	ssyncset.done $0x0  }
0x17: {  	s10 =	simm.s32 $0x4;
	[sflag:s9] =	ssyncadd.s32 $0xFFFFC000  }
0x18: {  	_ =	swait.ge [sflag:s10], $0x4000  }
0x19: {  	s22 =	sadd.s32 $0x1, s22;
	s24 =	rddreg [dreg:$0xa]  }
0x1a: {  	p0 =	sne.s32 s22, s24  }
.Ltmp1:
0x1b: {  	_ = 	snop;
	(pc) =	sbr.rel @!p0 .LBB2_12-.Ltmp1, $3  }
0x1c: {  	_ =	sdelay $0x1  }
0x1d: {  	[sflag:s10] =	ssyncset.done $0x0  }
0x1e: {  	[sflag:s10] =	ssyncadd.s32 $0xFFFFC000  }
.LBB2_1:
0x1f: {  	s9 =	rddreg [dreg:$0x2];
	s10 =	simm.s32 $0x18600;
	s12 =	simm.s32 $0x7  }
0x20: {  	[tilespmem:s10], [sflag:$0x7] =	stream.linear.gather [hbm4b:s9+s6], $0x80, $0x38;
	[tilespmem:$0x18700] =	vst v63  }
0x21: {  	_ =	swait.ge [sflag:s12], $0x80  }
0x22: {  	[sflag:s12] =	ssyncset.done $0x0  }
0x23: {  	[sflag:s12] =	ssyncadd.s32 $0xFFFFFF80  }
0x24: {  	s11 =	simm.s32 $0x18680;
	s19 =	rddreg [dreg:$0x3]  }
0x25: {  	[tilespmem:s11], [sflag:$0x7] =	stream.linear.gather [hbm4b:s19+s6], $0x80, $0x38;
	[tilespmem:$0x18700] =	vst v63  }
0x26: {  	_ =	swait.ge [sflag:s12], $0x80  }
0x27: {  	[sflag:s12] =	ssyncset.done $0x0  }
0x28: {  	[sflag:s12] =	ssyncadd.s32 $0xFFFFFF80  }
0x29: {  	v4 =	vld [tilespmem:$0x18600];
	_ =	sdelay $0x4  }
0x2a: {  	[tilespmem:$0x1FEC0] =	vst v4;
	v4 =	vld [tilespmem:$0x18610];
	_ =	sdelay $0x4  }
0x2b: {  	[tilespmem:$0x1FED0] =	vst v4;
	v4 =	vld [tilespmem:$0x18640];
	_ =	sdelay $0x4  }
0x2c: {  	[tilespmem:$0x1FEE0] =	vst v4;
	v4 =	vld [tilespmem:$0x186B0];
	_ =	sdelay $0x3  }
0x2d: {  	v10 =	vld [tilespmem:$0x18620]  }
0x2e: {  	[tilespmem:$0x1FEF0] =	vst v4;
	v4 =	vld [tilespmem:$0x186C0]  }
0x2f: {  	v11 =	vld [tilespmem:$0x18630]  }
0x30: {  	v14 =	vld [tilespmem:$0x18650]  }
0x31: {  	v12 =	vld [tilespmem:$0x18660]  }
0x32: {  	v15 =	vld [tilespmem:$0x18670]  }
0x33: {  	[tilespmem:$0x1FF00] =	vst v4;
	v4 =	vld [tilespmem:$0x186E0]  }
0x34: {  	v17 =	vld [tilespmem:$0x18680]  }
0x35: {  	v19 =	vld [tilespmem:$0x18690]  }
0x36: {  	s10 =	simm.s32 $0x200;
	v16 =	vld [tilespmem:$0x186A0]  }
0x37: {  	s11 =	simm.s32 $0xC8000;
	s23 =	rddreg [dreg:$0x6];
	s12 =	simm.s32 $0x18000;
	v18 =	vld [tilespmem:$0x186D0]  }
0x38: {  	[tilespmem:$0x1FF10] =	vst v4;
	v4 =	vld [tilespmem:$0x186F0];
	[tilespmem:s12], [sflag:$0x5] =	stream.strided.gather [hbm4b:s23+s10], $0x0, s11, s10, $0x38  }
0x39: {  	_ = 	snop  }
0x3a: {  	[tilespmem:s12], [sflag:$0x5] =	stream.linear.gather [hbm4b:s23+s6], $0x180, $0x38;
	[tilespmem:$0x18700] =	vst v63  }
0x3b: {  	s19 =	simm.s32 $0x18200;
	s24 =	rddreg [dreg:$0x7]  }
0x3c: {  	[tilespmem:s19], [sflag:$0x6] =	stream.strided.gather [hbm4b:s24+s10], $0x0, s11, s10, $0x38;
	[tilespmem:$0x18700] =	vst v63  }
0x3d: {  	[tilespmem:$0x1FF20] =	vst v4  }
0x3e: {  	[tilespmem:s19], [sflag:$0x6] =	stream.linear.gather [hbm4b:s24+s6], $0x180, $0x38;
	[tilespmem:$0x18700] =	vst v63  }
0x3f: {  	_ =	swait.ge [sflag:s25], $0x180  }
0x40: {  	[sflag:s25] =	ssyncset.done $0x0  }
0x41: {  	[sflag:s25] =	ssyncadd.s32 $0xFFFFFE80  }
0x42: {  	v4 =	vld [tilespmem:$0x18000]  }
0x43: {  	v5 =	vld [tilespmem:$0x18080]  }
0x44: {  	v6 =	vld [tilespmem:$0x18100]  }
0x45: {  	v7 =	vld [tilespmem:$0x18010]  }
0x46: {  	v8 =	vld [tilespmem:$0x18090]  }
0x47: {  	v9 =	vld [tilespmem:$0x18110]  }
0x48: {  	v20 =	vld [tilespmem:$0x18020]  }
0x49: {  	v21 =	vld [tilespmem:$0x180A0]  }
0x4a: {  	v22 =	vld [tilespmem:$0x18120]  }
0x4b: {  	v23 =	vld [tilespmem:$0x18030]  }
0x4c: {  	v24 =	vld [tilespmem:$0x180B0]  }
0x4d: {  	v25 =	vld [tilespmem:$0x18130]  }
0x4e: {  	v26 =	vld [tilespmem:$0x18040]  }
0x4f: {  	v27 =	vld [tilespmem:$0x180C0];
	v5 =	vshll.u32 v5, $0x1  }
0x50: {  	v45 =	vld [tilespmem:$0x18050];
	[tilespmem:$0x18500] =	vst v4;
	v4 =	vadd.s32 v6, v5  }
0x51: {  	v46 =	vld [tilespmem:$0x180D0];
	[tilespmem:$0x18400] =	vst v4;
	v4 =	vshll.u32 v8, $0x1  }
0x52: {  	v47 =	vld [tilespmem:$0x18160];
	[tilespmem:$0x18510] =	vst v7;
	v4 =	vadd.s32 v9, v4  }
0x53: {  	v5 =	vld [tilespmem:$0x18140];
	[tilespmem:$0x18410] =	vst v4;
	v4 =	vshll.u32 v21, $0x1  }
0x54: {  	v48 =	vld [tilespmem:$0x18070];
	[tilespmem:$0x18520] =	vst v20;
	v4 =	vadd.s32 v22, v4  }
0x55: {  	v8 =	vld [tilespmem:$0x18150];
	[tilespmem:$0x18420] =	vst v4;
	v4 =	vshll.u32 v24, $0x1  }
0x56: {  	v20 =	vld [tilespmem:$0x180E0];
	[tilespmem:$0x18530] =	vst v23;
	v4 =	vadd.s32 v25, v4  }
0x57: {  	v49 =	vld [tilespmem:$0x18170];
	[tilespmem:$0x18430] =	vst v4;
	v4 =	vshll.u32 v27, $0x1  }
0x58: {  	[tilespmem:$0x18540] =	vst v26;
	v4 =	vadd.s32 v5, v4;
	v5 =	vld [tilespmem:$0x180F0]  }
0x59: {  	v9 =	vld [tilespmem:$0x18060];
	[tilespmem:$0x18440] =	vst v4;
	v4 =	vshll.u32 v46, $0x1  }
0x5a: {  	[tilespmem:$0x18550] =	vst v45;
	v4 =	vadd.s32 v8, v4  }
0x5b: {  	[tilespmem:$0x18450] =	vst v4;
	v4 =	vshll.u32 v20, $0x1  }
0x5c: {  	[tilespmem:$0x18570] =	vst v48;
	v4 =	vadd.s32 v47, v4  }
0x5d: {  	[tilespmem:$0x18460] =	vst v4;
	v4 =	vshll.u32 v5, $0x1  }
0x5e: {  	[tilespmem:$0x18560] =	vst v9;
	v4 =	vadd.s32 v49, v4  }
0x5f: {  	[tilespmem:$0x18470] =	vst v4  }
0x60: {  	[tilespmem:s6], [sflag:$0x1] =	stream.indirect.gather [hbm4b:s1+s26], $0x80, s28, s26, $0xb8;
	[tilespmem:$0x18700] =	vst v63  }
0x61: {  	_ = 	snop  }
0x62: {  	[tilespmem:s30], [sflag:$0x1] =	stream.indirect.gather [hbm4b:s8+s26], $0x80, s29, s26, $0xb8;
	[tilespmem:$0x18700] =	vst v63  }
0x63: {  	s23 =	rddreg [dreg:$0x8]  }
0x64: {  	[tilespmem:s12], [sflag:$0x5] =	stream.strided.gather [hbm4b:s23+s10], $0x0, s11, s10, $0x38;
	[tilespmem:$0x18700] =	vst v63  }
0x65: {  	_ = 	snop  }
0x66: {  	[tilespmem:s12], [sflag:$0x5] =	stream.linear.gather [hbm4b:s23+s6], $0x180, $0x38;
	[tilespmem:$0x18700] =	vst v63  }
0x67: {  	_ =	swait.ge [sflag:s31], $0x180  }
0x68: {  	[sflag:s31] =	ssyncset.done $0x0  }
0x69: {  	[sflag:s31] =	ssyncadd.s32 $0xFFFFFE80  }
0x6a: {  	v4 =	vld [tilespmem:$0x18200]  }
0x6b: {  	v5 =	vld [tilespmem:$0x18280]  }
0x6c: {  	v50 =	vld [tilespmem:$0x18300]  }
0x6d: {  	v51 =	vld [tilespmem:$0x18210]  }
0x6e: {  	v8 =	vld [tilespmem:$0x18290]  }
0x6f: {  	v9 =	vld [tilespmem:$0x18310]  }
0x70: {  	v20 =	vld [tilespmem:$0x18220]  }
0x71: {  	v52 =	vld [tilespmem:$0x182A0]  }
0x72: {  	v53 =	vld [tilespmem:$0x18320]  }
0x73: {  	[tilespmem:$0x1FF30] =	vst v10;
	v54 =	vld [tilespmem:$0x18230]  }
0x74: {  	[tilespmem:$0x1FF40] =	vst v11;
	v55 =	vld [tilespmem:$0x182B0]  }
0x75: {  	[tilespmem:$0x1FF50] =	vst v14;
	v56 =	vld [tilespmem:$0x18330]  }
0x76: {  	[tilespmem:$0x1FF60] =	vst v12;
	v57 =	vld [tilespmem:$0x18240]  }
0x77: {  	[tilespmem:$0x1FF70] =	vst v15;
	v58 =	vld [tilespmem:$0x182C0];
	v5 =	vshll.u32 v5, $0x1  }
0x78: {  	v59 =	vld [tilespmem:$0x18250];
	[tilespmem:$0x18580] =	vst v4;
	v4 =	vadd.s32 v50, v5  }
0x79: {  	v60 =	vld [tilespmem:$0x182D0];
	[tilespmem:$0x18480] =	vst v4;
	v4 =	vshll.u32 v8, $0x1  }
0x7a: {  	v61 =	vld [tilespmem:$0x18360];
	[tilespmem:$0x18590] =	vst v51;
	v4 =	vadd.s32 v9, v4  }
0x7b: {  	v5 =	vld [tilespmem:$0x18340];
	[tilespmem:$0x18490] =	vst v4;
	v4 =	vshll.u32 v52, $0x1  }
0x7c: {  	v62 =	vld [tilespmem:$0x18270];
	[tilespmem:$0x185A0] =	vst v20;
	v4 =	vadd.s32 v53, v4  }
0x7d: {  	v8 =	vld [tilespmem:$0x18350];
	[tilespmem:$0x184A0] =	vst v4;
	v4 =	vshll.u32 v55, $0x1  }
0x7e: {  	v20 =	vld [tilespmem:$0x182E0];
	[tilespmem:$0x185B0] =	vst v54;
	v4 =	vadd.s32 v56, v4  }
0x7f: {  	v63 =	vld [tilespmem:$0x18370];
	[tilespmem:$0x184B0] =	vst v4;
	v4 =	vshll.u32 v58, $0x1  }
0x80: {  	[tilespmem:$0x185C0] =	vst v57;
	v4 =	vadd.s32 v5, v4;
	v5 =	vld [tilespmem:$0x182F0]  }
0x81: {  	v9 =	vld [tilespmem:$0x18260];
	[tilespmem:$0x184C0] =	vst v4;
	v4 =	vshll.u32 v60, $0x1  }
0x82: {  	[tilespmem:$0x185D0] =	vst v59;
	v4 =	vadd.s32 v8, v4  }
0x83: {  	[tilespmem:$0x184D0] =	vst v4;
	v4 =	vshll.u32 v20, $0x1  }
0x84: {  	[tilespmem:$0x185F0] =	vst v62;
	v4 =	vadd.s32 v61, v4  }
0x85: {  	[tilespmem:$0x184E0] =	vst v4;
	v4 =	vshll.u32 v5, $0x1  }
0x86: {  	[tilespmem:$0x185E0] =	vst v9;
	v4 =	vadd.s32 v63, v4  }
0x87: {  	[tilespmem:$0x184F0] =	vst v4  }
0x88: {  	[tilespmem:s4], [sflag:$0x2] =	stream.indirect.gather [hbm4b:s1+s26], $0x80, s0, s26, $0xb8;
	[tilespmem:$0x18700] =	vst v63  }
0x89: {  	[tilespmem:$0x1FF80] =	vst v17  }
0x8a: {  	[tilespmem:s3], [sflag:$0x2] =	stream.indirect.gather [hbm4b:s8+s26], $0x80, s2, s26, $0xb8;
	[tilespmem:$0x18700] =	vst v63  }
.Ltmp2:
0x8b: {  	[tilespmem:$0x1FF90] =	vst v19;
	(pc) =	sbr.rel .LBB2_2-.Ltmp2, $4  }
0x8c: {  	s24 =	rddreg [dreg:$0x9];
	[tilespmem:$0x1FFA0] =	vst v16  }
0x8d: {  	[tilespmem:s19], [sflag:$0x6] =	stream.strided.gather [hbm4b:s24+s10], $0x0, s11, s10, $0x38;
	[tilespmem:$0x18700] =	vst v63  }
0x8e: {  	s23 =	simm.s32 $0x0;
	[tilespmem:$0x1FFB0] =	vst v18  }
0x8f: {  	[tilespmem:s19], [sflag:$0x6] =	stream.linear.gather [hbm4b:s24+s6], $0x180, $0x38;
	[tilespmem:$0x18700] =	vst v63  }
.LBB2_10:
0x90: {  	s9 =	sshll.u32 s23, $0xC;
	s23 =	sadd.s32 $0x1, s23  }
0x91: {  	p0 =	sne.s32 s23, $0x19  }
.Ltmp3:
0x92: {  	_ = 	snop;
	(pc) =	sbr.rel @!p0 .LBB2_11-.Ltmp3, $4  }
0x93: {  	v0 =	vld [tilespmem:$0x1FFC0]  }
0x94: {  	v1 =	vld [tilespmem:$0x1FFD0]  }
0x95: {  	v13 =	vld [tilespmem:$0x1FFE0];
	s9 =	sadd.s32 s17, s9  }
0x96: {  	v3 =	vld [tilespmem:$0x1FFF0];
	[hbm4b:s9+s6] =	stream.linear.scatter [tilespmem:s21], [sflag:$0x4], $0x4000, $0x38  }
.LBB2_2:
0x97: {  	_ =	swait.ge [sflag:s18], $0x4000  }
0x98: {  	[sflag:s18] =	ssyncset.done $0x0  }
0x99: {  	[sflag:s18] =	ssyncadd.s32 $0xFFFFC000  }
0x9a: {  	_ =	swait.ge [sflag:s18], $0x4000  }
0x9b: {  	p0 =	seq.s32 s23, $0x0;
	[sflag:s18] =	ssyncset.done $0x0  }
0x9c: {  	s9 =	simm.s32 @!p0 $0x3;
	[sflag:s18] =	ssyncadd.s32 $0xFFFFC000  }
0x9d: {  	_ =	swait.ge @!p0 [sflag:s9], $0x4000  }
0x9e: {  	[sflag:s9] =	ssyncset.done @!p0 $0x0  }
0x9f: {  	s10 =	simm.s32 $0x100;
	[sflag:s9] =	ssyncadd.s32 @!p0 $0xFFFFC000  }
0xa0: {  	s19 =	simm.s32 $0x8100;
	v4 =	vld [tilespmem:s10+$0x80]  }
0xa1: {  	v5 =	vld [tilespmem:s19+$0x80]  }
0xa2: {  	v6 =	vld [tilespmem:s10+$0x90]  }
0xa3: {  	v8 =	vld [tilespmem:s19+$0x90]  }
0xa4: {  	v9 =	vld [tilespmem:s10+$0xA0]  }
0xa5: {  	v20 =	vld [tilespmem:s19+$0xA0]  }
0xa6: {  	v21 =	vld [tilespmem:s10+$0xB0]  }
0xa7: {  	v22 =	vld [tilespmem:s19+$0xB0]  }
0xa8: {  	v23 =	vld [tilespmem:s10+$0xC0]  }
0xa9: {  	v24 =	vld [tilespmem:s19+$0xC0]  }
0xaa: {  	v25 =	vld [tilespmem:s10+$0xD0]  }
0xab: {  	v26 =	vld [tilespmem:s19+$0xD0]  }
0xac: {  	v27 =	vld [tilespmem:s10+$0xE0]  }
0xad: {  	v28 =	vld [tilespmem:s19+$0xE0]  }
0xae: {  	v29 =	vld [tilespmem:s10+$0xF0]  }
0xaf: {  	v30 =	vld [tilespmem:s19+$0xF0]  }
0xb0: {  	v7 =	vld [tilespmem:s19+$0xFFFFFF00]  }
0xb1: {  	v31 =	vld [tilespmem:s10+$0xFFFFFF10]  }
0xb2: {  	v32 =	vld [tilespmem:s19+$0xFFFFFF10]  }
0xb3: {  	v33 =	vld [tilespmem:s10+$0xFFFFFF20]  }
0xb4: {  	v34 =	vld [tilespmem:s19+$0xFFFFFF20];
	v41 =	vadd.f32 v5, v4  }
0xb5: {  	v35 =	vld [tilespmem:s10+$0xFFFFFF30];
	v40 =	vadd.f32 v8, v6  }
0xb6: {  	v36 =	vld [tilespmem:s19+$0xFFFFFF30];
	v39 =	vadd.f32 v20, v9;
	[tilespmem:$0x1FB60] =	vst v41  }
0xb7: {  	v38 =	vadd.f32 v22, v21;
	[tilespmem:$0x1FB90] =	vst v40  }
0xb8: {  	v37 =	vadd.f32 v24, v23;
	v4 =	vld [tilespmem:s10+$0xFFFFFF40];
	[tilespmem:$0x1FBF0] =	vst v39  }
0xb9: {  	v2 =	vadd.f32 v26, v25;
	[tilespmem:$0x1FC10] =	vst v38  }
0xba: {  	v5 =	vld [tilespmem:s19+$0xFFFFFF40];
	[tilespmem:$0x1FC20] =	vst v37  }
0xbb: {  	[tilespmem:$0x1FC30] =	vst v2  }
0xbc: {  	v6 =	vld [tilespmem:s10+$0xFFFFFF50]  }
0xbd: {  	v28 =	vadd.f32 v28, v27;
	v27 =	vadd.f32 v30, v29;
	v8 =	vld [tilespmem:s19+$0xFFFFFF50]  }
0xbe: {  	v25 =	vld [tilespmem:s10+$0xFFFFFF60]  }
0xbf: {  	v26 =	vld [tilespmem:s19+$0xFFFFFF60];
	[tilespmem:$0x1FBC0] =	vst v27  }
0xc0: {  	[tilespmem:$0x1FC40] =	vst v28  }
0xc1: {  	v30 =	vld [tilespmem:s10+$0xFFFFFF70]  }
0xc2: {  	v49 =	vld [tilespmem:s19+$0xFFFFFF70]  }
0xc3: {  	v50 =	vld [tilespmem:s10+$0xFFFFFF90]  }
0xc4: {  	v9 =	vadd.f32 v40, v41;
	v20 =	vadd.f32 v38, v39;
	v21 =	vmul.f32 v41, v41;
	v52 =	vld [tilespmem:s19+$0xFFFFFFA0]  }
0xc5: {  	v22 =	vadd.f32 v2, v37;
	v23 =	vmul.f32 v40, v40;
	v24 =	vmul.f32 v39, v39;
	v45 =	vmovc v27;
	v53 =	vld [tilespmem:s10+$0xFFFFFFB0]  }
0xc6: {  	v46 =	vmovc v28;
	v29 =	vmul.f32 v37, v37;
	v47 =	vmul.f32 v2, v2;
	v27 =	vadd.f32 v27, v28;
	v54 =	vld [tilespmem:s19+$0xFFFFFFB0]  }
0xc7: {  	v48 =	vmul.f32 v46, v46;
	v9 =	vadd.f32 v20, v9;
	v28 =	vmul.f32 v38, v38;
	v57 =	vld [tilespmem:s19+$0xFFFFFFC0]  }
0xc8: {  	v20 =	vmul.f32 v45, v45;
	v21 =	vadd.f32 v23, v21;
	v44 =	vld [tilespmem:s10+$0xFFFFFFD0];
	v22 =	vadd.f32 v27, v22  }
0xc9: {  	v58 =	vld [tilespmem:s19+$0xFFFFFFD0];
	v23 =	vadd.f32 v28, v24;
	v24 =	vadd.f32 v47, v29  }
0xca: {  	v60 =	vld [tilespmem:s10+$0xFFFFFFF0];
	v29 =	vadd.f32 v20, v48;
	v20 =	vadd.f32 v32, v31  }
0xcb: {  	v46 =	vld [tilespmem:s10+$0x0];
	v9 =	vadd.f32 v22, v9;
	v51 =	vadd.f32 v23, v21  }
0xcc: {  	v41 =	vld [tilespmem:s19+$0x20];
	v24 =	vadd.f32 v29, v24;
	v21 =	vadd.f32 v34, v33  }
0xcd: {  	v27 =	vld [tilespmem:s10+$0xFFFFFF80];
	v22 =	vadd.f32 v36, v35;
	v23 =	vadd.f32 v5, v4  }
0xce: {  	v28 =	vld [tilespmem:s19+$0xFFFFFF80];
	v25 =	vadd.f32 v26, v25;
	v4 =	vadd.f32 v24, v51  }
0xcf: {  	v33 =	vld [tilespmem:s19+$0x0];
	v5 =	vperm.xlane v9, v0;
	v34 =	vmul.f32 v21, v21;
	v24 =	vadd.f32 v8, v6  }
0xd0: {  	v31 =	vld [tilespmem:s19+$0xFFFFFF90];
	v8 =	vadd.f32 v22, v21;
	v6 =	vmul.f32 v22, v22;
	v55 =	vmul.f32 v23, v23  }
0xd1: {  	v26 =	vadd.f32 v49, v30;
	v51 =	vld [tilespmem:s10+$0x20];
	v30 =	vmul.f32 v25, v25;
	v5 =	vadd.f32 v9, v5  }
0xd2: {  	v63 =	vld [tilespmem:s10+$0x10];
	v9 =	vperm.xlane v4, v0;
	v56 =	vadd.f32 v24, v23;
	v45 =	vadd.f32 v6, v34  }
0xd3: {  	v40 =	vld [tilespmem:s10+$0x60];
	v42 =	vmul.f32 v24, v24;
	v6 =	vadd.f32 v28, v27;
	v27 =	vadd.f32 v26, v25  }
0xd4: {  	v49 =	vld [tilespmem:s19+$0x10];
	v33 =	vadd.f32 v33, v46;
	v43 =	vperm.xlane v5, v1;
	v9 =	vadd.f32 v9, v4  }
0xd5: {  	v29 =	vld [tilespmem:s10+$0xFFFFFFA0];
	v28 =	vmul.f32 v26, v26;
	v38 =	vadd.f32 v42, v55;
	v4 =	vadd.f32 v31, v50  }
0xd6: {  	v35 =	vadd.f32 v41, v51;
	v51 =	vld [tilespmem:s19+$0x60];
	v5 =	vadd.f32 v5, v43;
	v59 =	vperm.xlane v9, v1  }
0xd7: {  	v39 =	vadd.f32 v27, v56;
	v27 =	vadd.f32 v28, v30;
	v41 =	vld [tilespmem:s10+$0xFFFFFF00]  }
0xd8: {  	v61 =	vld [tilespmem:s19+$0xFFFFFFF0];
	v28 =	vmul.f32 v6, v6;
	v31 =	vperm.xlane v5, v13;
	v9 =	vadd.f32 v59, v9  }
0xd9: {  	v36 =	vld [tilespmem:s10+$0xFFFFFFC0];
	v34 =	vadd.f32 v49, v63;
	v63 =	vmul.f32 v33, v33;
	v38 =	vadd.f32 v27, v38  }
0xda: {  	v37 =	vld [tilespmem:s10+$0x40];
	v27 =	vadd.f32 v54, v53;
	v30 =	vadd.f32 v5, v31;
	v31 =	vperm.xlane v9, v13  }
0xdb: {  	v42 =	vld [tilespmem:s10+$0xFFFFFFE0];
	v5 =	vadd.f32 v52, v29;
	v29 =	vmul.f32 v4, v4;
	v40 =	vadd.f32 v51, v40  }
0xdc: {  	v43 =	vld [tilespmem:s19+$0xFFFFFFE0];
	v55 =	vmul.f32 v27, v27;
	v7 =	vadd.f32 v7, v41;
	v9 =	vadd.f32 v31, v9  }
0xdd: {  	v52 =	vld [tilespmem:s19+$0x40];
	v62 =	vperm.xlane v30, v3;
	v31 =	vadd.f32 v4, v6;
	v48 =	vadd.f32 v29, v28  }
0xde: {  	v47 =	vmul.f32 v5, v5;
	v50 =	vadd.f32 v27, v5;
	v29 =	vadd.f32 v57, v36  }
0xdf: {  	v28 =	vadd.f32 v30, v62;
	v54 =	vperm.xlane v9, v3;
	v30 =	vadd.f32 v58, v44  }
0xe0: {  	v46 =	vld [tilespmem:s19+$0x50];
	v44 =	vadd.f32 v50, v31;
	v56 =	vmul.f32 v29, v29;
	v36 =	vadd.f32 v55, v47  }
0xe1: {  	v50 =	vld [tilespmem:s10+$0x30];
	v31 =	vadd.f32 v61, v60;
	v55 =	vmul.f32 v34, v34;
	v32 =	vadd.f32 v54, v9  }
0xe2: {  	v37 =	vadd.f32 v52, v37;
	v58 =	vmul.f32 $7.812500000e-03, v28;
	v9 =	vadd.f32 v43, v42;
	v42 =	vld [tilespmem:s19+$0x30]  }
0xe3: {  	v53 =	vld [tilespmem:s10+$0x50];
	v59 =	vadd.f32 v30, v29;
	v54 =	vmul.f32 v31, v31;
	v32 =	vmul.f32 $7.812500000e-03, v32  }
0xe4: {  	v48 =	vadd.f32 v36, v48;
	v57 =	vmul.f32 v58, v58;
	v61 =	vmul.f32 v9, v9  }
0xe5: {  	v60 =	vmul.f32 v30, v30;
	v49 =	vadd.f32 v55, v63;
	v62 =	vadd.f32 v31, v9  }
0xe6: {  	v43 =	vsub.f32 v32, v57;
	v57 =	vadd.f32 v54, v61;
	v61 =	vld [tilespmem:s19+$0x70]  }
0xe7: {  	v47 =	vadd.f32 v60, v56;
	v36 =	vadd.f32 v42, v50;
	v42 =	vld [tilespmem:s10+$0x70]  }
0xe8: {  	v56 =	vadd.f32 v46, v53;
	v32 =	vadd.f32 v62, v59  }
0xe9: {  	v60 =	vmul.f32 v35, v35;
	v54 =	vadd.f32 v34, v33;
	v59 =	vadd.f32 v57, v47  }
0xea: {  	v53 =	vmul.f32 v20, v20;
	v51 =	vadd.f32 v56, v37;
	v44 =	vadd.f32 v32, v44  }
0xeb: {  	v57 =	vmul.f32 v37, v37;
	v63 =	vmul.f32 v36, v36;
	v48 =	vadd.f32 v59, v48  }
0xec: {  	v59 =	vmul.f32 v56, v56;
	v32 =	vadd.f32 v61, v42;
	v61 =	vadd.f32 v20, v7  }
0xed: {  	v62 =	vadd.f32 v36, v35;
	v55 =	vadd.f32 v63, v60;
	v60 =	vmul.f32 v40, v40  }
0xee: {  	v41 =	vadd.f32 v59, v57;
	v57 =	vmul.f32 v32, v32;
	v8 =	vadd.f32 v8, v61  }
0xef: {  	v46 =	vadd.f32 v62, v54;
	v62 =	vmul.f32 v7, v7;
	v63 =	vadd.f32 v32, v40  }
0xf0: {  	v42 =	vadd.f32 v57, v60;
	v60 =	vperm.xlane v44, v0;
	v8 =	vadd.f32 v39, v8  }
0xf1: {  	v59 =	vadd.f32 v53, v62  }
0xf2: {  	v47 =	vadd.f32 v63, v51;
	v63 =	vadd.f32 v44, v60;
	v51 =	vperm.xlane v8, v0  }
0xf3: {  	v49 =	vadd.f32 v55, v49;
	v62 =	vperm.xlane v48, v0  }
0xf4: {  	v61 =	vadd.f32 v45, v59;
	v54 =	vperm.xlane v63, v1;
	v8 =	vadd.f32 v8, v51  }
0xf5: {  	v52 =	vadd.f32 v62, v48;
	v46 =	vadd.f32 v47, v46  }
0xf6: {  	v41 =	vadd.f32 v42, v41;
	v42 =	vadd.f32 v63, v54;
	v59 =	vperm.xlane v8, v1  }
0xf7: {  	v48 =	vperm.xlane v52, v1;
	v53 =	vperm.xlane v46, v0  }
0xf8: {  	v41 =	vadd.f32 v41, v49;
	v62 =	vperm.xlane v42, v13;
	v8 =	vadd.f32 v8, v59  }
0xf9: {  	v60 =	vadd.f32 v48, v52;
	v45 =	vadd.f32 v46, v53  }
0xfa: {  	v57 =	vperm.xlane v41, v0;
	v42 =	vadd.f32 v42, v62;
	v52 =	vperm.xlane v8, v13  }
0xfb: {  	v38 =	vadd.f32 v38, v61;
	v48 =	vperm.xlane v60, v13;
	v61 =	vperm.xlane v45, v1  }
0xfc: {  	v41 =	vadd.f32 v57, v41;
	v54 =	vperm.xlane v42, v3;
	v8 =	vadd.f32 v8, v52  }
0xfd: {  	v55 =	vperm.xlane v38, v0;
	v39 =	vadd.f32 v48, v60;
	v44 =	vadd.f32 v45, v61  }
0xfe: {  	v51 =	vperm.xlane v41, v1;
	v42 =	vadd.f32 v42, v54;
	v59 =	vperm.xlane v8, v3  }
0xff: {  	v38 =	vadd.f32 v55, v38;
	v48 =	vperm.xlane v39, v3;
	v53 =	vperm.xlane v44, v13  }
0x100: {  	s24 =	simm.s32 $0x300;
	v41 =	vadd.f32 v51, v41;
	v42 =	vmul.f32 $7.812500000e-03, v42;
	v8 =	vadd.f32 v8, v59  }
0x101: {  	s10 =	simm.s32 $0x8300;
	v47 =	vld [tilespmem:s24+$0x80];
	v39 =	vadd.f32 v48, v39;
	v44 =	vadd.f32 v44, v53  }
0x102: {  	v48 =	vld [tilespmem:s10+$0x90];
	v57 =	vperm.xlane v41, v13;
	v51 =	vmul.f32 $7.812500000e-03, v8;
	v2 =	vsub.f32 v6, v42  }
0x103: {  	v63 =	vperm.xlane v38, v1;
	v52 =	vld [tilespmem:s10+$0x80]  }
0x104: {  	v60 =	vperm.xlane v44, v3;
	v41 =	vadd.f32 v57, v41;
	v57 =	vld [tilespmem:s24+$0x90];
	[tilespmem:$0x1FAE0] =	vst v2;
	v2 =	vsub.f32 v7, v51  }
0x105: {  	v38 =	vadd.f32 v63, v38;
	v39 =	vmul.f32 $7.812500000e-03, v39  }
0x106: {  	v44 =	vadd.f32 v44, v60;
	v63 =	vmul.f32 v42, v42;
	v60 =	vld [tilespmem:s24+$0xA0];
	[tilespmem:$0x1FA70] =	vst v2;
	v2 =	vsub.f32 v20, v51;
	_ =	sdelay $0x1  }
0x107: {  	v8 =	vsub.f32 v39, v63;
	v63 =	vld [tilespmem:s10+$0xA0];
	[tilespmem:$0x1FA80] =	vst v2;
	v2 =	vsub.f32 v21, v51;
	_ =	sdelay $0x1  }
0x108: {  	v20 =	vld [tilespmem:s24+$0xB0];
	[tilespmem:$0x1FA90] =	vst v2;
	v2 =	vsub.f32 v22, v51;
	_ =	sdelay $0x1  }
0x109: {  	v55 =	vperm.xlane v38, v13;
	[tilespmem:$0x1FAA0] =	vst v2;
	v2 =	vsub.f32 v24, v51  }
0x10a: {  	v62 =	vperm.xlane v41, v3  }
0x10b: {  	v38 =	vadd.f32 v55, v38;
	v21 =	vld [tilespmem:s10+$0xB0];
	[tilespmem:$0x1FAB0] =	vst v2;
	v2 =	vsub.f32 v25, v51  }
0x10c: {  	v55 =	vadd.f32 $9.999999960e-13, v43;
	v43 =	vmul.f32 $7.812500000e-03, v44;
	v41 =	vadd.f32 v62, v41  }
0x10d: {  	v22 =	vld [tilespmem:s24+$0xC0];
	[tilespmem:$0x1FAC0] =	vst v2;
	v2 =	vsub.f32 v26, v51  }
0x10e: {  	v6 =	vmul.f32 $7.812500000e-03, v41;
	v59 =	vmul.f32 v43, v43  }
0x10f: {  	[tilespmem:$0x1FAD0] =	vst v2;
	v2 =	vsub.f32 v4, v42  }
0x110: {  	v45 =	vsub.f32 v6, v59  }
0x111: {  	v59 =	vsub.f32 v23, v51;
	v23 =	vld [tilespmem:s10+$0xC0];
	[tilespmem:$0x1FAF0] =	vst v2;
	v2 =	vsub.f32 v5, v42;
	_ =	sdelay $0x1  }
0x112: {  	[tilespmem:$0x1FB00] =	vst v2;
	v2 =	vsub.f32 v27, v42;
	_ =	sdelay $0x1  }
0x113: {  	v4 =	vld [tilespmem:s24+$0xD0];
	[tilespmem:$0x1FB10] =	vst v2;
	v2 =	vsub.f32 v29, v42;
	_ =	sdelay $0x1  }
0x114: {  	[tilespmem:$0x1FB20] =	vst v2;
	v2 =	vsub.f32 v30, v42;
	_ =	sdelay $0x1  }
0x115: {  	v5 =	vld [tilespmem:s10+$0xD0];
	[tilespmem:$0x1FB30] =	vst v2;
	v2 =	vsub.f32 v9, v42;
	_ =	sdelay $0x1  }
0x116: {  	[tilespmem:$0x1FB40] =	vst v2;
	v2 =	vsub.f32 v31, v42;
	_ =	sdelay $0x1  }
0x117: {  	v9 =	vld [tilespmem:s24+$0xE0];
	[tilespmem:$0x1FB50] =	vst v2;
	v2 =	vsub.f32 v33, v43;
	_ =	sdelay $0x1  }
0x118: {  	[tilespmem:$0x1FB70] =	vst v2;
	v2 =	vsub.f32 v34, v43;
	_ =	sdelay $0x1  }
0x119: {  	v24 =	vld [tilespmem:s10+$0xE0];
	[tilespmem:$0x1FB80] =	vst v2;
	v2 =	vsub.f32 v35, v43;
	_ =	sdelay $0x1  }
0x11a: {  	[tilespmem:$0x1FBA0] =	vst v2;
	v2 =	vsub.f32 v36, v43;
	_ =	sdelay $0x1  }
0x11b: {  	v25 =	vld [tilespmem:s24+$0xF0];
	[tilespmem:$0x1FBB0] =	vst v2;
	v2 =	vsub.f32 v37, v43;
	_ =	sdelay $0x1  }
0x11c: {  	[tilespmem:$0x1FBD0] =	vst v2;
	v2 =	vsub.f32 v56, v43;
	_ =	sdelay $0x1  }
0x11d: {  	v26 =	vld [tilespmem:s10+$0xF0];
	[tilespmem:$0x1FBE0] =	vst v2;
	v2 =	vsub.f32 v40, v43  }
0x11e: {  	v46 =	vadd.f32 v52, v47  }
0x11f: {  	v30 =	vadd.f32 v48, v57;
	[tilespmem:$0x1FC00] =	vst v2  }
0x120: {  	v2 =	vadd.f32 v63, v60;
	v27 =	vld [tilespmem:s24+$0xFFFFFF10];
	[tilespmem:$0x1FC60] =	vst v46  }
0x121: {  	v6 =	vadd.f32 v21, v20;
	[tilespmem:$0x1FC70] =	vst v30  }
0x122: {  	v7 =	vadd.f32 v23, v22;
	v29 =	vld [tilespmem:s10+$0xFFFFFF10];
	[tilespmem:$0x1FC90] =	vst v2  }
0x123: {  	v61 =	vperm.xlane v38, v3;
	v28 =	vadd.f32 v5, v4;
	[tilespmem:$0x1FCA0] =	vst v6  }
0x124: {  	v47 =	vadd.f32 v26, v25;
	v20 =	vld [tilespmem:s24+$0xFFFFFF20];
	[tilespmem:$0x1FCB0] =	vst v7  }
0x125: {  	v38 =	vadd.f32 v61, v38;
	[tilespmem:$0x1FCC0] =	vst v28  }
0x126: {  	v4 =	vld [tilespmem:s10+$0xFFFFFF20];
	[tilespmem:$0x1FC80] =	vst v47  }
0x127: {  	v38 =	vmul.f32 $7.812500000e-03, v38;
	v54 =	vmul.f32 v51, v51;
	v31 =	vadd.f32 v24, v9;
	v5 =	vld [tilespmem:s24+$0xFFFFFF30]  }
0x128: {  	v48 =	vmul.f32 v6, v6;
	v21 =	vadd.f32 v6, v2;
	v6 =	vsub.f32 v32, v43;
	v23 =	vld [tilespmem:s10+$0xFFFFFF30]  }
0x129: {  	v9 =	vadd.f32 v30, v46;
	v25 =	vmul.f32 v30, v30;
	v30 =	vld [tilespmem:s24+$0xFFFFFF40];
	[tilespmem:$0x1FCD0] =	vst v31  }
0x12a: {  	v54 =	vsub.f32 v38, v54;
	v8 =	vadd.f32 $9.999999960e-13, v8;
	[tilespmem:$0x1FC50] =	vst v6  }
0x12b: {  	v22 =	vmul.f32 v46, v46;
	v24 =	vadd.f32 v28, v7;
	v26 =	vmul.f32 v2, v2;
	v50 =	vld [tilespmem:s10+$0xFFFFFF40]  }
0x12c: {  	v49 =	vmul.f32 v7, v7;
	v2 =	vmovc v31;
	v9 =	vadd.f32 v21, v9;
	v31 =	vadd.f32 v47, v31;
	v21 =	vld [tilespmem:s24+$0xFFFFFF50]  }
0x12d: {  	v53 =	vmul.f32 v28, v28;
	v22 =	vadd.f32 v25, v22;
	v26 =	vadd.f32 v48, v26;
	v25 =	vld [tilespmem:s10+$0xFFFFFF50]  }
0x12e: {  	v56 =	vmul.f32 v2, v2;
	v57 =	vld [tilespmem:s24+$0xFFFFFF60];
	v24 =	vadd.f32 v31, v24;
	v31 =	vmul.f32 v47, v47  }
0x12f: {  	v38 =	vadd.f32 v53, v49;
	v53 =	vadd.f32 v29, v27;
	v27 =	vld [tilespmem:s10+$0xFFFFFF60]  }
0x130: {  	v22 =	vadd.f32 v26, v22;
	v29 =	vld [tilespmem:s24+$0xFFFFFF90];
	v31 =	vadd.f32 v31, v56  }
0x131: {  	v9 =	vadd.f32 v24, v9;
	v24 =	vld [tilespmem:s24+$0xFFFFFF70];
	v46 =	vadd.f32 v4, v20  }
0x132: {  	v4 =	vld [tilespmem:s10+$0xFFFFFF70];
	v47 =	vadd.f32 v23, v5;
	v26 =	vadd.f32 v31, v38  }
0x133: {  	v5 =	vld [tilespmem:s24+$0xFFFFFF80];
	v62 =	vadd.f32 v50, v30;
	v23 =	vmul.f32 v46, v46;
	v52 =	vadd.f32 v25, v21  }
0x134: {  	v25 =	vld [tilespmem:s10+$0xFFFFFF80];
	v21 =	vmul.f32 v47, v47;
	v20 =	vadd.f32 v26, v22;
	v22 =	vperm.xlane v9, v0  }
0x135: {  	v31 =	vld [tilespmem:s10+$0xFFFFFFB0];
	v44 =	vadd.f32 v27, v57;
	v26 =	vmul.f32 v62, v62;
	v27 =	vmul.f32 v52, v52  }
0x136: {  	v50 =	vadd.f32 v21, v23;
	v21 =	vld [tilespmem:s10+$0xFFFFFF90];
	v9 =	vadd.f32 v9, v22;
	v22 =	vperm.xlane v20, v0  }
0x137: {  	v51 =	vadd.f32 v4, v24;
	v23 =	vld [tilespmem:s24+$0xFFFFFFA0];
	v24 =	vmul.f32 $-5.000000000e-01, v55;
	v63 =	vmul.f32 v44, v44  }
0x138: {  	v26 =	vadd.f32 v27, v26;
	v27 =	vld [tilespmem:s10+$0xFFFFFFA0];
	v4 =	vperm.xlane v9, v1;
	v20 =	vadd.f32 v22, v20  }
0x139: {  	v56 =	vadd.f32 v25, v5;
	v5 =	vld [tilespmem:s24+$0xFFFFFFB0];
	v42 =	vadd.f32 v51, v44;
	v22 =	vshrl.u32 v55, $0x1  }
0x13a: {  	v22 =	vsub.s32 $0x5F3759DF, v22;
	v9 =	vadd.f32 v9, v4;
	v30 =	vperm.xlane v20, v1  }
0x13b: {  	v36 =	vmul.f32 v51, v51;
	v25 =	vmul.f32 v22, v24;
	v4 =	vadd.f32 v52, v62  }
0x13c: {  	v37 =	vld [tilespmem:s24+$0xFFFFFFC0];
	v2 =	vadd.f32 v21, v29;
	v20 =	vadd.f32 v30, v20;
	v21 =	vperm.xlane v9, v13  }
0x13d: {  	v38 =	vld [tilespmem:s24+$0xFFFFFFD0];
	v49 =	vadd.f32 v42, v4;
	v30 =	vadd.f32 v36, v63;
	v25 =	vmul.f32 v22, v25  }
0x13e: {  	v29 =	vld [tilespmem:s10+$0xFFFFFFC0];
	v63 =	vadd.f32 v27, v23;
	v23 =	vmul.f32 v56, v56;
	v43 =	vadd.f32 v31, v5  }
0x13f: {  	v27 =	vld [tilespmem:s10+$0xFFFFFFD0];
	v34 =	vadd.f32 v2, v56;
	v21 =	vadd.f32 v9, v21;
	v39 =	vperm.xlane v20, v13  }
0x140: {  	v32 =	vmul.f32 v2, v2;
	v25 =	vadd.f32 $1.500000000e+00, v25;
	v48 =	vadd.f32 v30, v26  }
0x141: {  	v35 =	vld [tilespmem:s10+$0xFFFFFFF0];
	v26 =	vmul.f32 v63, v63;
	v5 =	vperm.xlane v21, v3;
	v20 =	vadd.f32 v39, v20  }
0x142: {  	v23 =	vadd.f32 v32, v23;
	v33 =	vmul.f32 v43, v43;
	v22 =	vmul.f32 v22, v25;
	v25 =	vld [tilespmem:s24+$0xFFFFFFE0]  }
0x143: {  	v41 =	vadd.f32 v29, v37;
	v5 =	vadd.f32 v21, v5;
	v21 =	vld [tilespmem:s10+$0xFFFFFFE0];
	v29 =	vperm.xlane v20, v3  }
0x144: {  	v32 =	vadd.f32 v43, v63;
	v40 =	vadd.f32 v27, v38;
	v27 =	vld [tilespmem:s24+$0xFFFFFFF0];
	v24 =	vmul.f32 v22, v24  }
0x145: {  	v26 =	vadd.f32 v33, v26;
	v6 =	vmul.f32 v41, v41;
	v20 =	vadd.f32 v29, v20  }
0x146: {  	v42 =	vadd.f32 v32, v34;
	v24 =	vmul.f32 v24, v22;
	v61 =	vmul.f32 $7.812500000e-03, v5  }
0x147: {  	v31 =	vadd.f32 v26, v23;
	v5 =	vmul.f32 v40, v40;
	v23 =	vmul.f32 $7.812500000e-03, v20  }
0x148: {  	v39 =	vadd.f32 v21, v25;
	v21 =	vadd.f32 $1.500000000e+00, v24;
	v24 =	vmul.f32 v61, v61  }
0x149: {  	v33 =	vld [tilespmem:s24+$0x10];
	v38 =	vadd.f32 v35, v27;
	v27 =	vmul.f32 $-5.000000000e-01, v8;
	v30 =	vadd.f32 v5, v6  }
0x14a: {  	v35 =	vadd.f32 v40, v41;
	v25 =	vld [tilespmem:s24+$0x0];
	v29 =	vmul.f32 v21, v22;
	v55 =	vsub.f32 v23, v24  }
0x14b: {  	v21 =	vadd.f32 $9.999999960e-13, v54;
	v22 =	vld [tilespmem:s10+$0x0];
	v23 =	vshrl.u32 v8, $0x1;
	v24 =	vadd.f32 $9.999999960e-13, v45  }
0x14c: {  	v34 =	vld [tilespmem:s10+$0x10];
	v6 =	vmul.f32 v38, v38;
	v5 =	vadd.f32 v38, v39;
	v23 =	vsub.s32 $0x5F3759DF, v23  }
0x14d: {  	v26 =	vshrl.u32 v21, $0x1;
	v21 =	vmul.f32 $-5.000000000e-01, v21;
	v60 =	vmul.f32 $-5.000000000e-01, v24  }
0x14e: {  	v24 =	vshrl.u32 v24, $0x1;
	v57 =	vsub.s32 $0x5F3759DF, v26;
	v26 =	vmul.f32 v23, v27  }
0x14f: {  	v20 =	vld [tilespmem:s24+$0x20];
	v7 =	vmul.f32 v39, v39;
	v4 =	vsub.s32 $0x5F3759DF, v24;
	v24 =	vmul.f32 v57, v21  }
0x150: {  	v8 =	vld [tilespmem:s10+$0x20];
	v26 =	vmul.f32 v23, v26;
	v37 =	vadd.f32 v22, v25;
	v22 =	vmul.f32 v4, v60  }
0x151: {  	v36 =	vadd.f32 v34, v33;
	v5 =	vadd.f32 v5, v35;
	v24 =	vmul.f32 v57, v24  }
0x152: {  	v6 =	vadd.f32 v6, v7;
	v26 =	vadd.f32 $1.500000000e+00, v26;
	v22 =	vmul.f32 v4, v22  }
0x153: {  	v42 =	vadd.f32 v5, v42;
	v5 =	vmul.f32 v37, v37;
	v24 =	vadd.f32 $1.500000000e+00, v24  }
0x154: {  	v23 =	vmul.f32 v23, v26;
	v7 =	vadd.f32 $1.500000000e+00, v22;
	v22 =	vmul.f32 v36, v36  }
0x155: {  	v6 =	vadd.f32 v6, v30;
	v35 =	vadd.f32 v8, v20;
	v8 =	vld [tilespmem:s24+$0x50]  }
0x156: {  	v20 =	vmul.f32 v57, v24;
	v24 =	vld [tilespmem:s10+$0x50];
	v30 =	vadd.f32 v22, v5;
	v5 =	vmul.f32 v23, v27;
	_ =	sdelay $0x1  }
0x157: {  	v28 =	vld [tilespmem:s24+$0x30];
	v5 =	vmul.f32 v5, v23  }
0x158: {  	v45 =	vld [tilespmem:s10+$0x30];
	v27 =	vmul.f32 v20, v21  }
0x159: {  	v9 =	vld [tilespmem:s10+$0x40];
	v5 =	vadd.f32 $1.500000000e+00, v5  }
0x15a: {  	v25 =	vld [tilespmem:s24+$0x40];
	v32 =	vadd.f32 v24, v8;
	v8 =	vmul.f32 v27, v20  }
0x15b: {  	v23 =	vmul.f32 v5, v23;
	v5 =	vld [tilespmem:$0x1FA70]  }
0x15c: {  	v54 =	vld [tilespmem:s24+$0xFFFFFF00];
	v8 =	vadd.f32 $1.500000000e+00, v8  }
0x15d: {  	v34 =	vadd.f32 v45, v28;
	v45 =	vld [tilespmem:s24+$0x60]  }
0x15e: {  	v26 =	vld [tilespmem:s10+$0xFFFFFF00];
	v8 =	vmul.f32 v8, v20  }
0x15f: {  	v33 =	vadd.f32 v9, v25;
	v25 =	vld [tilespmem:s10+$0x60]  }
0x160: {  	v4 =	vmul.f32 v4, v7;
	v7 =	vadd.f32 v6, v31;
	v6 =	vld [tilespmem:s10+$0x70];
	v5 =	vmul.f32 v8, v5  }
0x161: {  	v24 =	vld [tilespmem:s24+$0x70]  }
0x162: {  	[tilespmem:$0x1FCE0] =	vst v5;
	v5 =	vld [tilespmem:$0x1FA80];
	_ =	sdelay $0x4  }
0x163: {  	v5 =	vmul.f32 v8, v5;
	_ =	sdelay $0x1  }
0x164: {  	[tilespmem:$0x1FCF0] =	vst v5;
	v5 =	vld [tilespmem:$0x1FA90];
	_ =	sdelay $0x4  }
0x165: {  	v5 =	vmul.f32 v8, v5;
	_ =	sdelay $0x1  }
0x166: {  	[tilespmem:$0x1FD00] =	vst v5;
	v5 =	vld [tilespmem:$0x1FAA0];
	_ =	sdelay $0x4  }
0x167: {  	v5 =	vmul.f32 v8, v5;
	_ =	sdelay $0x1  }
0x168: {  	[tilespmem:$0x1FD10] =	vst v5;
	v5 =	vmul.f32 v8, v59;
	_ =	sdelay $0x1  }
0x169: {  	[tilespmem:$0x1FD20] =	vst v5;
	v5 =	vld [tilespmem:$0x1FAB0];
	_ =	sdelay $0x4  }
0x16a: {  	v5 =	vmul.f32 v8, v5;
	_ =	sdelay $0x1  }
0x16b: {  	v57 =	vmul.f32 v35, v35;
	v9 =	vmul.f32 v4, v60;
	[tilespmem:$0x1FD30] =	vst v5;
	v5 =	vld [tilespmem:$0x1FAC0]  }
0x16c: {  	v31 =	vadd.f32 v34, v35;
	v60 =	vmul.f32 v34, v34;
	v27 =	vadd.f32 v36, v37  }
0x16d: {  	v9 =	vmul.f32 v9, v4  }
0x16e: {  	v57 =	vadd.f32 v60, v57;
	v27 =	vadd.f32 v31, v27;
	v31 =	vperm.xlane v42, v0  }
0x16f: {  	v28 =	vadd.f32 v25, v45;
	v9 =	vadd.f32 $1.500000000e+00, v9  }
0x170: {  	v20 =	vadd.f32 v42, v31;
	v42 =	vadd.f32 v26, v54;
	v5 =	vmul.f32 v8, v5  }
0x171: {  	v25 =	vadd.f32 v47, v46;
	v9 =	vmul.f32 v9, v4;
	v60 =	vadd.f32 v6, v24  }
0x172: {  	v6 =	vmul.f32 v33, v33;
	v24 =	vmul.f32 v32, v32;
	v26 =	vadd.f32 v53, v42;
	[tilespmem:$0x1FD40] =	vst v5;
	v5 =	vld [tilespmem:$0x1FAD0]  }
0x173: {  	v4 =	vadd.f32 v57, v30;
	v31 =	vmul.f32 v28, v28;
	v30 =	vmul.f32 v42, v42  }
0x174: {  	v6 =	vadd.f32 v24, v6;
	v24 =	vadd.f32 v25, v26;
	v25 =	vmul.f32 v53, v53  }
0x175: {  	v45 =	vadd.f32 v60, v28;
	v57 =	vmul.f32 v60, v60;
	v26 =	vadd.f32 v32, v33  }
0x176: {  	v25 =	vadd.f32 v25, v30  }
0x177: {  	v5 =	vmul.f32 v8, v5;
	v8 =	vadd.f32 v45, v26;
	v26 =	vadd.f32 v57, v31  }
0x178: {  	v24 =	vadd.f32 v49, v24  }
0x179: {  	v25 =	vadd.f32 v50, v25;
	v6 =	vadd.f32 v26, v6  }
0x17a: {  	v30 =	vperm.xlane v7, v0;
	v8 =	vadd.f32 v8, v27  }
0x17b: {  	v25 =	vadd.f32 v48, v25;
	v27 =	vperm.xlane v24, v0;
	v4 =	vadd.f32 v6, v4  }
0x17c: {  	v7 =	vadd.f32 v30, v7;
	v6 =	vperm.xlane v8, v0  }
0x17d: {  	v24 =	vadd.f32 v24, v27;
	v27 =	vperm.xlane v25, v0;
	v30 =	vperm.xlane v4, v0;
	v0 =	vld [tilespmem:$0x1FAE0];
	_ =	sdelay $0x4  }
0x17e: {  	v0 =	vmul.f32 v23, v0;
	_ =	sdelay $0x1  }
0x17f: {  	[tilespmem:$0x1FD60] =	vst v0;
	v0 =	vld [tilespmem:$0x1FAF0];
	_ =	sdelay $0x4  }
0x180: {  	v0 =	vmul.f32 v23, v0;
	_ =	sdelay $0x1  }
0x181: {  	[tilespmem:$0x1FD70] =	vst v0;
	v0 =	vld [tilespmem:$0x1FB00];
	_ =	sdelay $0x4  }
0x182: {  	v0 =	vmul.f32 v23, v0;
	_ =	sdelay $0x1  }
0x183: {  	[tilespmem:$0x1FD80] =	vst v0;
	v0 =	vld [tilespmem:$0x1FB10];
	_ =	sdelay $0x4  }
0x184: {  	v0 =	vmul.f32 v23, v0;
	_ =	sdelay $0x1  }
0x185: {  	[tilespmem:$0x1FD90] =	vst v0;
	v0 =	vld [tilespmem:$0x1FB20];
	_ =	sdelay $0x4  }
0x186: {  	v0 =	vmul.f32 v23, v0;
	_ =	sdelay $0x1  }
0x187: {  	[tilespmem:$0x1FDA0] =	vst v0;
	v0 =	vld [tilespmem:$0x1FB30];
	_ =	sdelay $0x4  }
0x188: {  	v0 =	vmul.f32 v23, v0;
	_ =	sdelay $0x1  }
0x189: {  	v26 =	vperm.xlane v20, v1;
	[tilespmem:$0x1FDB0] =	vst v0;
	v0 =	vld [tilespmem:$0x1FB40];
	_ =	sdelay $0x1  }
0x18a: {  	v20 =	vadd.f32 v20, v26;
	v26 =	vperm.xlane v7, v1;
	_ =	sdelay $0x1  }
0x18b: {  	v6 =	vadd.f32 v8, v6;
	v8 =	vperm.xlane v20, v13;
	v7 =	vadd.f32 v26, v7  }
0x18c: {  	v25 =	vadd.f32 v27, v25;
	v26 =	vperm.xlane v24, v1;
	v0 =	vmul.f32 v23, v0  }
0x18d: {  	v8 =	vadd.f32 v20, v8;
	v4 =	vadd.f32 v30, v4;
	v20 =	vperm.xlane v6, v1  }
0x18e: {  	v24 =	vadd.f32 v24, v26;
	v26 =	vperm.xlane v7, v13;
	v27 =	vperm.xlane v25, v1;
	[tilespmem:$0x1FDC0] =	vst v0;
	v0 =	vld [tilespmem:$0x1FB50]  }
0x18f: {  	v6 =	vadd.f32 v6, v20;
	v20 =	vperm.xlane v8, v3;
	v30 =	vperm.xlane v4, v1  }
0x190: {  	v7 =	vadd.f32 v26, v7;
	v25 =	vadd.f32 v27, v25;
	v26 =	vperm.xlane v24, v13  }
0x191: {  	v27 =	vadd.f32 v8, v20;
	v4 =	vadd.f32 v30, v4;
	v8 =	vperm.xlane v6, v13  }
0x192: {  	v24 =	vadd.f32 v24, v26;
	v20 =	vperm.xlane v25, v13  }
0x193: {  	v6 =	vadd.f32 v6, v8;
	v8 =	vperm.xlane v4, v13;
	v0 =	vmul.f32 v23, v0;
	_ =	sdelay $0x1  }
0x194: {  	v25 =	vadd.f32 v20, v25;
	v26 =	vadd.f32 v8, v4;
	v4 =	vperm.xlane v24, v3;
	[tilespmem:$0x1FDD0] =	vst v0;
	v0 =	vld [tilespmem:$0x1FB60];
	_ =	sdelay $0x1  }
0x195: {  	v31 =	vadd.f32 v24, v4;
	v24 =	vperm.xlane v25, v3  }
0x196: {  	v59 =	vperm.xlane v26, v3  }
0x197: {  	v23 =	vadd.f32 v24, v25  }
0x198: {  	v25 =	vadd.f32 v59, v26;
	v26 =	vsub.f32 v0, v58;
	v0 =	vld [tilespmem:$0x1FB70];
	_ =	sdelay $0x4  }
0x199: {  	v0 =	vmul.f32 v9, v0;
	_ =	sdelay $0x1  }
0x19a: {  	[tilespmem:$0x1FDE0] =	vst v0;
	v0 =	vld [tilespmem:$0x1FB80];
	_ =	sdelay $0x4  }
0x19b: {  	v0 =	vmul.f32 v9, v0;
	_ =	sdelay $0x1  }
0x19c: {  	[tilespmem:$0x1FDF0] =	vst v0;
	v0 =	vld [tilespmem:$0x1FB90];
	_ =	sdelay $0x4  }
0x19d: {  	v48 =	vsub.f32 v0, v58;
	v0 =	vld [tilespmem:$0x1FBA0];
	_ =	sdelay $0x4  }
0x19e: {  	v0 =	vmul.f32 v9, v0;
	_ =	sdelay $0x1  }
0x19f: {  	[tilespmem:$0x1FE00] =	vst v0;
	v0 =	vld [tilespmem:$0x1FBB0];
	_ =	sdelay $0x4  }
0x1a0: {  	v0 =	vmul.f32 v9, v0;
	_ =	sdelay $0x1  }
0x1a1: {  	[tilespmem:$0x1FE10] =	vst v0;
	v0 =	vld [tilespmem:$0x1FBC0];
	_ =	sdelay $0x4  }
0x1a2: {  	v49 =	vsub.f32 v0, v58;
	v0 =	vld [tilespmem:$0x1FBD0];
	_ =	sdelay $0x4  }
0x1a3: {  	v0 =	vmul.f32 v9, v0;
	_ =	sdelay $0x1  }
0x1a4: {  	[tilespmem:$0x1FE20] =	vst v0;
	v0 =	vld [tilespmem:$0x1FBE0];
	_ =	sdelay $0x4  }
0x1a5: {  	v0 =	vmul.f32 v9, v0;
	_ =	sdelay $0x1  }
0x1a6: {  	[tilespmem:$0x1FE30] =	vst v0;
	v0 =	vld [tilespmem:$0x1FBF0];
	_ =	sdelay $0x4  }
0x1a7: {  	v45 =	vsub.f32 v0, v58;
	v0 =	vld [tilespmem:$0x1FC00];
	_ =	sdelay $0x4  }
0x1a8: {  	v0 =	vmul.f32 v9, v0;
	_ =	sdelay $0x1  }
0x1a9: {  	[tilespmem:$0x1FE40] =	vst v0;
	v0 =	vld [tilespmem:$0x1FC10];
	_ =	sdelay $0x4  }
0x1aa: {  	v54 =	vmov v53;
	v53 =	vsub.f32 v0, v58;
	v0 =	vld [tilespmem:$0x1FC20];
	_ =	sdelay $0x2  }
0x1ab: {  	v20 =	vperm.xlane v7, v3;
	_ =	sdelay $0x1  }
0x1ac: {  	v30 =	vadd.f32 v20, v7;
	v20 =	vsub.f32 v0, v58;
	v0 =	vld [tilespmem:$0x1FC30];
	_ =	sdelay $0x4  }
0x1ad: {  	v8 =	vsub.f32 v0, v58;
	v0 =	vld [tilespmem:$0x1FC40];
	_ =	sdelay $0x4  }
0x1ae: {  	v58 =	vsub.f32 v0, v58;
	v0 =	vld [tilespmem:$0x1FC50]  }
0x1af: {  	v27 =	vmul.f32 $7.812500000e-03, v27;
	v7 =	vperm.xlane v6, v3  }
0x1b0: {  	v31 =	vmul.f32 $7.812500000e-03, v31  }
0x1b1: {  	v6 =	vadd.f32 v6, v7;
	v30 =	vmul.f32 $7.812500000e-03, v30;
	v4 =	vmul.f32 v27, v27  }
0x1b2: {  	[tilespmem:$0x1FD50] =	vst v5;
	v5 =	vmul.f32 v31, v31;
	v23 =	vmul.f32 $7.812500000e-03, v23  }
0x1b3: {  	v6 =	vmul.f32 $7.812500000e-03, v6;
	v4 =	vsub.f32 v30, v4;
	v0 =	vmul.f32 v9, v0  }
0x1b4: {  	v5 =	vsub.f32 v23, v5  }
0x1b5: {  	v7 =	vmul.f32 v6, v6;
	v4 =	vadd.f32 $9.999999960e-13, v4;
	[tilespmem:$0x1FE50] =	vst v0;
	v0 =	vmul.f32 v29, v45  }
0x1b6: {  	v46 =	vsub.f32 v46, v31;
	v25 =	vmul.f32 $7.812500000e-03, v25;
	v5 =	vadd.f32 $9.999999960e-13, v5  }
0x1b7: {  	v47 =	vsub.f32 v47, v31;
	v44 =	vsub.f32 v44, v31;
	[tilespmem:$0x1FE60] =	vst v0;
	v0 =	vmul.f32 v29, v53  }
0x1b8: {  	v24 =	vsub.f32 v54, v31;
	v7 =	vsub.f32 v25, v7;
	v21 =	vmul.f32 $-5.000000000e-01, v5  }
0x1b9: {  	v26 =	vmul.f32 v29, v26;
	v9 =	vadd.f32 $9.999999960e-13, v55;
	[tilespmem:$0x1FE70] =	vst v0;
	v0 =	vmul.f32 v29, v20  }
0x1ba: {  	v7 =	vadd.f32 $9.999999960e-13, v7;
	v48 =	vmul.f32 v29, v48;
	v30 =	vmul.f32 v29, v49  }
0x1bb: {  	v55 =	vsub.f32 v40, v27;
	v23 =	vshrl.u32 v9, $0x1;
	[tilespmem:$0x1FE80] =	vst v0;
	v0 =	vmul.f32 v29, v8  }
0x1bc: {  	v22 =	vmul.f32 $-5.000000000e-01, v9;
	v9 =	vmul.f32 $-5.000000000e-01, v7;
	v25 =	vsub.s32 $0x5F3759DF, v23  }
0x1bd: {  	v8 =	vmul.f32 $-5.000000000e-01, v4;
	[tilespmem:$0x1FE90] =	vst v0;
	v0 =	vmul.f32 v29, v58;
	v29 =	vshrl.u32 v4, $0x1  }
0x1be: {  	v57 =	vmul.f32 v25, v22;
	v58 =	vshrl.u32 v5, $0x1;
	v29 =	vsub.s32 $0x5F3759DF, v29  }
0x1bf: {  	v4 =	vshrl.u32 v7, $0x1;
	v50 =	vsub.s32 $0x5F3759DF, v58;
	v5 =	vmul.f32 v29, v8  }
0x1c0: {  	v20 =	vmul.f32 v25, v57;
	v4 =	vsub.s32 $0x5F3759DF, v4;
	v7 =	vmul.f32 v50, v21  }
0x1c1: {  	v40 =	vsub.f32 v60, v6;
	v59 =	vmul.f32 v4, v9;
	v5 =	vmul.f32 v29, v5  }
0x1c2: {  	v23 =	vsub.f32 v42, v31;
	v20 =	vadd.f32 $1.500000000e+00, v20;
	v7 =	vmul.f32 v50, v7  }
0x1c3: {  	v53 =	vsub.f32 v43, v27;
	v42 =	vmul.f32 v4, v59;
	v5 =	vadd.f32 $1.500000000e+00, v5  }
0x1c4: {  	v57 =	vsub.f32 v34, v6;
	v20 =	vmul.f32 v25, v20;
	v7 =	vadd.f32 $1.500000000e+00, v7  }
0x1c5: {  	[tilespmem:$0x1FEA0] =	vst v0;
	v0 =	vsub.f32 v28, v6;
	v42 =	vadd.f32 $1.500000000e+00, v42;
	v5 =	vmul.f32 v29, v5  }
0x1c6: {  	v25 =	vsub.f32 v62, v31;
	v50 =	vmul.f32 v50, v7;
	v7 =	vmul.f32 v20, v22  }
0x1c7: {  	v62 =	vsub.f32 v32, v6;
	[tilespmem:$0x1FEB0] =	vst v0;
	v0 =	vld [tilespmem:$0x1FC60];
	v4 =	vmul.f32 v4, v42;
	v8 =	vmul.f32 v5, v8  }
0x1c8: {  	v58 =	vsub.f32 v36, v6;
	v29 =	vsub.f32 v52, v31;
	v7 =	vmul.f32 v7, v20  }
0x1c9: {  	v31 =	vsub.f32 v51, v31;
	v9 =	vmul.f32 v4, v9;
	v8 =	vmul.f32 v8, v5  }
0x1ca: {  	v21 =	vmul.f32 v50, v21;
	v42 =	vadd.f32 $1.500000000e+00, v7;
	v7 =	vsub.f32 v37, v6  }
0x1cb: {  	v51 =	vmul.f32 v9, v4;
	v9 =	vsub.f32 v33, v6;
	v43 =	vadd.f32 $1.500000000e+00, v8  }
0x1cc: {  	v8 =	vsub.f32 v35, v6;
	v6 =	vsub.f32 v0, v61;
	v0 =	vld [tilespmem:$0x1FC70]  }
0x1cd: {  	v21 =	vmul.f32 v21, v50;
	_ =	sdelay $0x1  }
0x1ce: {  	v33 =	vmul.f32 v42, v20;
	v20 =	vadd.f32 $1.500000000e+00, v21  }
0x1cf: {  	v1 =	vld [tilespmem:$0x1FCB0]  }
0x1d0: {  	v20 =	vmul.f32 v20, v50;
	v50 =	vsub.f32 v0, v61;
	v0 =	vld [tilespmem:$0x1FC80];
	_ =	sdelay $0x2  }
0x1d1: {  	v21 =	vmul.f32 v43, v5;
	v5 =	vadd.f32 $1.500000000e+00, v51  }
0x1d2: {  	v37 =	vsub.f32 v1, v61;
	v1 =	vld [tilespmem:$0x1FCC0]  }
0x1d3: {  	v42 =	vmul.f32 v5, v4;
	v4 =	vsub.f32 v0, v61;
	v0 =	vld [tilespmem:$0x1FC90];
	_ =	sdelay $0x3  }
0x1d4: {  	v36 =	vsub.f32 v1, v61;
	v1 =	vld [tilespmem:$0x1FCD0]  }
0x1d5: {  	v54 =	vsub.f32 v41, v27;
	v41 =	vsub.f32 v0, v61;
	v0 =	vld [tilespmem:$0x1FCA0];
	_ =	sdelay $0x3  }
0x1d6: {  	v22 =	vsub.f32 v56, v27;
	v34 =	vsub.f32 v1, v61;
	v1 =	vld [tilespmem:$0x1FCE0]  }
0x1d7: {  	v56 =	vsub.f32 v39, v27;
	v39 =	vsub.f32 v0, v61;
	v0 =	vld [tilespmem:$0x1FEC0];
	_ =	sdelay $0x1  }
0x1d8: {  	v45 =	vsub.f32 v63, v27;
	v63 =	vld [tilespmem:$0x1FF20];
	_ =	sdelay $0x1  }
0x1d9: {  	v49 =	vsub.f32 v2, v27;
	v2 =	vld [tilespmem:$0x1FED0]  }
0x1da: {  	v5 =	vmul.f32 v30, v15;
	v30 =	vmul.f32 v1, v0;
	v1 =	vld [tilespmem:$0x1FCF0];
	_ =	sdelay $0x1  }
0x1db: {  	v5 =	vadd.f32 v5, v63  }
0x1dc: {  	s12 =	simm.s32 $0x10100  }
0x1dd: {  	[tilespmem:s12+$0xF0] =	vst v5  }
0x1de: {  	v52 =	vmul.f32 v1, v2;
	v1 =	vld [tilespmem:$0x1FD00];
	_ =	sdelay $0x2  }
0x1df: {  	v28 =	vmul.f32 v48, v2  }
0x1e0: {  	v26 =	vmul.f32 v26, v0  }
0x1e1: {  	v5 =	vadd.f32 v28, v19;
	v28 =	vmul.f32 v1, v10;
	v1 =	vld [tilespmem:$0x1FD10]  }
0x1e2: {  	v26 =	vadd.f32 v26, v17;
	_ =	sdelay $0x1  }
0x1e3: {  	[tilespmem:s12+$0x80] =	vst v26  }
0x1e4: {  	v61 =	vld [tilespmem:$0x1FEE0]  }
0x1e5: {  	v35 =	vmul.f32 v1, v11;
	v1 =	vld [tilespmem:$0x1FD20];
	_ =	sdelay $0x4  }
0x1e6: {  	v26 =	vadd.f32 v30, v17;
	v30 =	vmul.f32 v1, v61;
	v1 =	vld [tilespmem:$0x1FD30];
	_ =	sdelay $0x3  }
0x1e7: {  	[tilespmem:s12+$0x90] =	vst v5  }
0x1e8: {  	v59 =	vmul.f32 v1, v14;
	v1 =	vld [tilespmem:$0x1FD40];
	_ =	sdelay $0x1  }
0x1e9: {  	v5 =	vadd.f32 v52, v19  }
0x1ea: {  	[tilespmem:s12+$0xFFFFFF00] =	vst v26  }
0x1eb: {  	[tilespmem:s12+$0xFFFFFF10] =	vst v5  }
0x1ec: {  	v60 =	vmul.f32 v1, v12;
	v1 =	vld [tilespmem:$0x1FEF0];
	_ =	sdelay $0x1  }
0x1ed: {  	v51 =	vmul.f32 v20, v23;
	v23 =	vadd.f32 v28, v16;
	_ =	sdelay $0x1  }
0x1ee: {  	[tilespmem:s12+$0xFFFFFF20] =	vst v23  }
0x1ef: {  	v13 =	vld [tilespmem:$0x1FF00];
	v5 =	vadd.f32 v35, v1;
	_ =	sdelay $0x1  }
0x1f0: {  	[tilespmem:s12+$0xFFFFFF30] =	vst v5  }
0x1f1: {  	v3 =	vld [tilespmem:$0x1FD50];
	_ =	sdelay $0x1  }
0x1f2: {  	v23 =	vadd.f32 v30, v13;
	_ =	sdelay $0x1  }
0x1f3: {  	[tilespmem:s12+$0xFFFFFF40] =	vst v23  }
0x1f4: {  	v5 =	vmul.f32 v3, v15;
	v3 =	vld [tilespmem:$0x1FD60];
	_ =	sdelay $0x3  }
0x1f5: {  	v27 =	vsub.f32 v38, v27;
	v38 =	vmul.f32 v20, v46;
	v48 =	vmul.f32 v20, v47  }
0x1f6: {  	v32 =	vmul.f32 v20, v25;
	v23 =	vmul.f32 v3, v0;
	v3 =	vld [tilespmem:$0x1FD70]  }
0x1f7: {  	v31 =	vmul.f32 v20, v31;
	v52 =	vmul.f32 v20, v24  }
0x1f8: {  	v35 =	vmul.f32 v20, v29;
	v30 =	vmul.f32 v20, v44;
	v20 =	vadd.f32 v59, v18;
	_ =	sdelay $0x1  }
0x1f9: {  	v59 =	vld [tilespmem:$0x1FF10];
	[tilespmem:s12+$0xFFFFFF50] =	vst v20  }
0x1fa: {  	v24 =	vmul.f32 v3, v2;
	v3 =	vld [tilespmem:$0x1FD80];
	_ =	sdelay $0x4  }
0x1fb: {  	v20 =	vmul.f32 v3, v10;
	v3 =	vld [tilespmem:$0x1FD90];
	_ =	sdelay $0x1  }
0x1fc: {  	v25 =	vadd.f32 v60, v59;
	_ =	sdelay $0x1  }
0x1fd: {  	[tilespmem:s12+$0xFFFFFF60] =	vst v25  }
0x1fe: {  	v26 =	vmul.f32 v3, v11;
	v3 =	vld [tilespmem:$0x1FDA0];
	_ =	sdelay $0x4  }
0x1ff: {  	v25 =	vmul.f32 v3, v61;
	v3 =	vld [tilespmem:$0x1FDB0];
	_ =	sdelay $0x1  }
0x200: {  	v5 =	vadd.f32 v5, v63;
	_ =	sdelay $0x1  }
0x201: {  	[tilespmem:s12+$0xFFFFFF70] =	vst v5  }
0x202: {  	v29 =	vmul.f32 v3, v14;
	v3 =	vld [tilespmem:$0x1FDC0];
	_ =	sdelay $0x2  }
0x203: {  	v23 =	vadd.f32 v23, v17  }
0x204: {  	v5 =	vadd.f32 v24, v19  }
0x205: {  	v20 =	vadd.f32 v20, v16;
	v46 =	vmul.f32 v3, v12;
	v3 =	vld [tilespmem:$0x1FDD0];
	[tilespmem:s12+$0xFFFFFF80] =	vst v23  }
0x206: {  	v43 =	vmul.f32 v21, v22;
	v22 =	vadd.f32 v29, v18;
	[tilespmem:s12+$0xFFFFFF90] =	vst v5  }
0x207: {  	v23 =	vmul.f32 v33, v4;
	v4 =	vadd.f32 v26, v1;
	[tilespmem:s12+$0xFFFFFFA0] =	vst v20  }
0x208: {  	v20 =	vadd.f32 v25, v13;
	[tilespmem:s12+$0xFFFFFFD0] =	vst v22  }
0x209: {  	[tilespmem:s12+$0xFFFFFFB0] =	vst v4  }
0x20a: {  	[tilespmem:s12+$0xFFFFFFC0] =	vst v20  }
0x20b: {  	v60 =	vmul.f32 v3, v15;
	v3 =	vld [tilespmem:$0x1FDE0];
	_ =	sdelay $0x4  }
0x20c: {  	v22 =	vmul.f32 v3, v0;
	v3 =	vld [tilespmem:$0x1FDF0]  }
0x20d: {  	v28 =	vmul.f32 v21, v54  }
0x20e: {  	v44 =	vmul.f32 v21, v49;
	v29 =	vmul.f32 v21, v55;
	v20 =	vadd.f32 v46, v59  }
0x20f: {  	v5 =	vmul.f32 v21, v45;
	v45 =	vmul.f32 v21, v53  }
0x210: {  	v26 =	vmul.f32 v21, v27;
	v4 =	vmul.f32 v21, v56;
	[tilespmem:s12+$0xFFFFFFE0] =	vst v20  }
0x211: {  	v21 =	vmul.f32 v23, v15;
	v23 =	vmul.f32 v3, v2;
	v3 =	vld [tilespmem:$0x1FE00];
	_ =	sdelay $0x4  }
0x212: {  	v20 =	vmul.f32 v3, v10;
	v3 =	vld [tilespmem:$0x1FE10];
	_ =	sdelay $0x1  }
0x213: {  	v24 =	vadd.f32 v60, v63;
	_ =	sdelay $0x1  }
0x214: {  	[tilespmem:s12+$0xFFFFFFF0] =	vst v24  }
0x215: {  	v25 =	vmul.f32 v3, v11;
	v3 =	vld [tilespmem:$0x1FE20];
	_ =	sdelay $0x4  }
0x216: {  	v27 =	vmul.f32 v3, v61;
	v3 =	vld [tilespmem:$0x1FE30];
	_ =	sdelay $0x1  }
0x217: {  	v21 =	vadd.f32 v21, v63  }
0x218: {  	s11 =	simm.s32 $0x10300  }
0x219: {  	[tilespmem:s11+$0xF0] =	vst v21  }
0x21a: {  	v49 =	vmul.f32 v3, v14;
	v3 =	vld [tilespmem:$0x1FE40];
	_ =	sdelay $0x2  }
0x21b: {  	v22 =	vadd.f32 v22, v17;
	_ =	sdelay $0x1  }
0x21c: {  	v47 =	vmul.f32 v3, v12;
	v3 =	vld [tilespmem:$0x1FE50];
	[tilespmem:s12+$0x0] =	vst v22  }
0x21d: {  	v21 =	vadd.f32 v23, v19;
	v23 =	vmov v0;
	v0 =	vld [tilespmem:$0x1FE60];
	_ =	sdelay $0x4  }
0x21e: {  	v55 =	vmul.f32 v0, v10;
	v0 =	vld [tilespmem:$0x1FE70];
	_ =	sdelay $0x3  }
0x21f: {  	[tilespmem:s12+$0x10] =	vst v21  }
0x220: {  	v22 =	vmul.f32 v0, v11;
	v0 =	vld [tilespmem:$0x1FE80];
	_ =	sdelay $0x1  }
0x221: {  	v20 =	vadd.f32 v20, v16;
	_ =	sdelay $0x1  }
0x222: {  	[tilespmem:s12+$0x20] =	vst v20  }
0x223: {  	v24 =	vmul.f32 v0, v61;
	v0 =	vld [tilespmem:$0x1FE90];
	_ =	sdelay $0x1  }
0x224: {  	v21 =	vadd.f32 v25, v1;
	_ =	sdelay $0x1  }
0x225: {  	v27 =	vadd.f32 v27, v13;
	[tilespmem:s12+$0x30] =	vst v21  }
0x226: {  	v49 =	vadd.f32 v49, v18;
	v53 =	vmul.f32 v3, v15;
	v3 =	vmul.f32 v0, v14;
	v0 =	vld [tilespmem:$0x1FEA0]  }
0x227: {  	v46 =	vmul.f32 v42, v7;
	v7 =	vadd.f32 v47, v59;
	[tilespmem:s12+$0x40] =	vst v27  }
0x228: {  	[tilespmem:s12+$0x50] =	vst v49;
	v27 =	vadd.f32 v53, v63  }
0x229: {  	[tilespmem:s12+$0x60] =	vst v7  }
0x22a: {  	[tilespmem:s12+$0x70] =	vst v27  }
0x22b: {  	v6 =	vmul.f32 v33, v6;
	v20 =	vmov v13;
	v13 =	vmul.f32 v0, v12;
	v0 =	vld [tilespmem:$0x1FEB0]  }
0x22c: {  	v25 =	vmul.f32 v33, v50  }
0x22d: {  	v8 =	vmul.f32 v42, v8;
	v6 =	vmul.f32 v6, v23  }
0x22e: {  	v47 =	vmul.f32 v42, v57;
	v60 =	vmul.f32 v25, v2  }
0x22f: {  	v50 =	vadd.f32 v6, v17;
	v25 =	vmul.f32 v42, v9;
	v49 =	vmul.f32 v42, v58  }
0x230: {  	s9 =	simm.s32 $0x4;
	s19 =	simm.s32 $0x500;
	s24 =	sshll.u32 s23, $0x1;
	v56 =	vmovc v1;
	v7 =	vadd.f32 v60, v19;
	v27 =	vmul.f32 v42, v62;
	v6 =	vmul.f32 v42, v0  }
.LBB2_3:
0x231: {  	v53 =	vld [tilespmem:s19+$0x80]  }
0x232: {  	v1 =	vld [tilespmem:$0x1FED0]  }
0x233: {  	s10 =	sadd.s32 $0x200, s10;
	v0 =	vld [tilespmem:$0x1FEC0];
	[tilespmem:s11+$0x80] =	vst v50;
	v9 =	vadd.f32 v55, v16  }
0x234: {  	v40 =	vmul.f32 v42, v40;
	v42 =	vld [tilespmem:s10+$0x80];
	[tilespmem:s11+$0x90] =	vst v7;
	v7 =	vadd.f32 v22, v56  }
0x235: {  	v50 =	vld [tilespmem:s19+$0x90];
	[tilespmem:s12+$0xA0] =	vst v9;
	v9 =	vadd.f32 v24, v20  }
0x236: {  	v54 =	vld [tilespmem:s10+$0x90];
	[tilespmem:s12+$0xB0] =	vst v7;
	v7 =	vadd.f32 v3, v18  }
0x237: {  	v22 =	vmul.f32 v51, v23;
	v51 =	vld [tilespmem:s19+$0xA0];
	[tilespmem:s12+$0xC0] =	vst v9  }
0x238: {  	v20 =	vmul.f32 v38, v10;
	v9 =	vadd.f32 v13, v59;
	v38 =	vld [tilespmem:s10+$0xA0];
	[tilespmem:s12+$0xD0] =	vst v7  }
0x239: {  	v23 =	vmul.f32 v52, v1;
	v52 =	vld [tilespmem:s19+$0xB0]  }
0x23a: {  	[tilespmem:s12+$0xE0] =	vst v9;
	v9 =	vadd.f32 v20, v16;
	v20 =	vmul.f32 v43, v0;
	v0 =	vld [tilespmem:$0x1FF00];
	_ =	sdelay $0x1  }
0x23b: {  	v5 =	vmul.f32 v5, v10  }
0x23c: {  	v21 =	vadd.f32 v22, v17;
	v22 =	vmul.f32 v32, v61  }
0x23d: {  	v24 =	vmul.f32 v48, v11;
	v5 =	vadd.f32 v5, v16;
	v7 =	vadd.f32 v23, v19;
	v16 =	vld [tilespmem:$0x1FFE0]  }
0x23e: {  	[tilespmem:s11+$0xFFFFFF00] =	vst v21;
	v22 =	vadd.f32 v22, v0;
	v0 =	vld [tilespmem:$0x1FEC0]  }
0x23f: {  	v58 =	vmul.f32 v35, v14;
	v55 =	vld [tilespmem:s10+$0xB0];
	[tilespmem:s11+$0xFFFFFF10] =	vst v7;
	v7 =	vadd.f32 v24, v56  }
0x240: {  	v23 =	vmul.f32 v30, v12;
	v43 =	vld [tilespmem:s19+$0xC0];
	[tilespmem:s11+$0xFFFFFF20] =	vst v9  }
0x241: {  	v21 =	vmul.f32 v44, v1;
	v44 =	vld [tilespmem:s10+$0xC0];
	v24 =	vadd.f32 v58, v18;
	[tilespmem:s11+$0xFFFFFF30] =	vst v7  }
0x242: {  	v31 =	vmul.f32 v31, v15;
	v60 =	vmul.f32 v45, v11;
	v45 =	vld [tilespmem:s19+$0xD0];
	[tilespmem:s11+$0xFFFFFF40] =	vst v22;
	v22 =	vadd.f32 v23, v59  }
0x243: {  	v58 =	vld [tilespmem:s10+$0xD0];
	[tilespmem:s11+$0xFFFFFF50] =	vst v24;
	v32 =	vmul.f32 v46, v0;
	v0 =	vmul.f32 v49, v1  }
0x244: {  	v62 =	vld [tilespmem:s19+$0xE0];
	v23 =	vadd.f32 v31, v63;
	[tilespmem:s11+$0xFFFFFF60] =	vst v22  }
0x245: {  	v41 =	vmul.f32 v33, v41;
	v24 =	vld [tilespmem:$0x1FFC0];
	[tilespmem:$0x1F9F0] =	vst v0;
	v0 =	vmul.f32 v47, v11  }
0x246: {  	v39 =	vmul.f32 v33, v39;
	v31 =	vmul.f32 v8, v10;
	v8 =	vld [tilespmem:s10+$0xE0];
	[tilespmem:s11+$0xFFFFFF70] =	vst v23  }
0x247: {  	v37 =	vmul.f32 v33, v37;
	v63 =	vld [tilespmem:s19+$0xF0];
	[tilespmem:$0x1FA00] =	vst v0;
	v0 =	vmul.f32 v25, v61  }
0x248: {  	v36 =	vmul.f32 v33, v36;
	v21 =	vadd.f32 v21, v19;
	[tilespmem:s11+$0xFFFFFFA0] =	vst v5;
	v49 =	vadd.f32 v60, v56;
	v60 =	vld [tilespmem:s19+$0xFFFFFF10]  }
0x249: {  	v34 =	vmul.f32 v33, v34;
	v5 =	vld [tilespmem:s10+$0xFFFFFF10];
	[tilespmem:$0x1FA10] =	vst v0;
	v0 =	vmul.f32 v27, v14  }
0x24a: {  	v48 =	vmul.f32 v28, v61;
	[tilespmem:s11+$0xFFFFFF90] =	vst v21;
	v20 =	vadd.f32 v20, v17;
	v56 =	vadd.f32 v42, v53;
	v42 =	vld [tilespmem:s10+$0xFFFFFF20]  }
0x24b: {  	v28 =	vmul.f32 v36, v14;
	v36 =	vadd.f32 v58, v45;
	v45 =	vld [tilespmem:s10+$0xFFFFFF30];
	[tilespmem:$0x1FA20] =	vst v0;
	v0 =	vmul.f32 v6, v12  }
0x24c: {  	v9 =	vmul.f32 v29, v14;
	v29 =	vmul.f32 v39, v11;
	[tilespmem:s11+$0xFFFFFF80] =	vst v20;
	v6 =	vld [tilespmem:s10+$0xF0]  }
0x24d: {  	v57 =	vadd.f32 v54, v50;
	v35 =	vadd.f32 v38, v51;
	v50 =	vld [tilespmem:s19+$0xFFFFFF40];
	[tilespmem:$0x1FA30] =	vst v0;
	v0 =	vmul.f32 v40, v15  }
0x24e: {  	v58 =	vld [tilespmem:s19+$0xFFFFFF50];
	[tilespmem:s11+$0xFFFFFFB0] =	vst v49;
	v38 =	vadd.f32 v8, v62;
	v27 =	vmul.f32 v37, v61;
	v37 =	vadd.f32 v44, v43  }
0x24f: {  	v8 =	vadd.f32 v57, v56;
	v47 =	vmul.f32 v57, v57;
	v51 =	vld [tilespmem:s10+$0xFFFFFF90];
	[tilespmem:$0x1FA40] =	vst v0;
	v0 =	vmul.f32 v41, v10  }
0x250: {  	v11 =	vld [tilespmem:s10+$0xFFFFFFB0];
	v39 =	vadd.f32 v5, v60;
	v44 =	vmul.f32 v56, v56;
	v62 =	vadd.f32 v36, v37  }
0x251: {  	v5 =	vld [tilespmem:s10+$0xFFFFFF40];
	[tilespmem:$0x1FA50] =	vst v0;
	v0 =	vmul.f32 v34, v12;
	v34 =	vadd.f32 v55, v52;
	v55 =	vadd.f32 v6, v63  }
0x252: {  	v53 =	vmul.f32 v37, v37;
	v44 =	vadd.f32 v47, v44;
	v47 =	vld [tilespmem:s19+$0xFFFFFF80];
	v40 =	vmul.f32 v36, v36  }
0x253: {  	v49 =	vmul.f32 v35, v35;
	v41 =	vld [tilespmem:s19+$0xFFFFFF20];
	v61 =	vadd.f32 v34, v35;
	v63 =	vadd.f32 v55, v38  }
0x254: {  	v60 =	vmul.f32 v38, v38;
	v40 =	vadd.f32 v40, v53;
	v53 =	vld [tilespmem:s19+$0xFFFFFF70];
	v52 =	vmul.f32 v34, v34  }
0x255: {  	v6 =	vld [tilespmem:s19+$0xFFFFFF30];
	v8 =	vadd.f32 v61, v8;
	v61 =	vadd.f32 v63, v62;
	v62 =	vmul.f32 v55, v55  }
0x256: {  	[tilespmem:$0x1FA60] =	vst v0;
	v0 =	vld [tilespmem:$0x1FF00]  }
0x257: {  	v63 =	vld [tilespmem:s10+$0xFFFFFF50];
	v59 =	vadd.f32 v52, v49;
	v46 =	vadd.f32 v62, v60  }
0x258: {  	v49 =	vld [tilespmem:s19+$0xFFFFFF60]  }
0x259: {  	v52 =	vld [tilespmem:s10+$0xFFFFFF60];
	v60 =	vadd.f32 v59, v44;
	v46 =	vadd.f32 v46, v40  }
0x25a: {  	v8 =	vadd.f32 v61, v8;
	v61 =	vld [tilespmem:s10+$0xFFFFFF70]  }
0x25b: {  	v7 =	vmul.f32 v4, v12;
	v42 =	vadd.f32 v42, v41;
	v46 =	vadd.f32 v46, v60;
	v60 =	vld [tilespmem:$0x1FFD0]  }
0x25c: {  	v44 =	vadd.f32 v45, v6;
	v48 =	vadd.f32 v48, v0;
	v0 =	vld [tilespmem:$0x1FF10];
	v62 =	vperm.xlane v8, v24  }
0x25d: {  	v6 =	vmul.f32 v42, v42;
	v40 =	vadd.f32 v5, v50;
	v41 =	vadd.f32 v63, v58;
	v58 =	vld [tilespmem:s10+$0xFFFFFF80]  }
0x25e: {  	v43 =	vadd.f32 v52, v49;
	v49 =	vld [tilespmem:s19+$0xFFFFFF90];
	v8 =	vadd.f32 v8, v62;
	v50 =	vperm.xlane v46, v24  }
0x25f: {  	v9 =	vadd.f32 v9, v18;
	v54 =	vmul.f32 v40, v40;
	v62 =	vld [tilespmem:s10+$0xFFFFFFA0];
	v59 =	vmul.f32 v41, v41  }
0x260: {  	v45 =	vadd.f32 v61, v53;
	v53 =	vld [tilespmem:s19+$0xFFFFFFA0];
	v46 =	vadd.f32 v50, v46;
	v61 =	vperm.xlane v8, v60  }
0x261: {  	v63 =	vmul.f32 v44, v44;
	v7 =	vadd.f32 v7, v0;
	v0 =	vld [tilespmem:$0x1FF20];
	v59 =	vadd.f32 v59, v54  }
0x262: {  	v54 =	vadd.f32 v58, v47;
	v58 =	vld [tilespmem:s19+$0xFFFFFFB0];
	[tilespmem:s11+$0xFFFFFFC0] =	vst v48;
	v61 =	vadd.f32 v8, v61;
	v8 =	vperm.xlane v46, v60  }
0x263: {  	v10 =	vmul.f32 v45, v45;
	v50 =	vmul.f32 v43, v43;
	v47 =	vadd.f32 v51, v49;
	v51 =	vld [tilespmem:s19+$0xFFFFFFC0]  }
0x264: {  	v4 =	vmul.f32 v26, v15;
	v52 =	vadd.f32 v41, v40;
	v46 =	vadd.f32 v8, v46;
	v8 =	vld [tilespmem:$0x1FFF0]  }
0x265: {  	v26 =	vadd.f32 v63, v6;
	v10 =	vadd.f32 v10, v50;
	v50 =	vld [tilespmem:s10+$0xFFFFFFC0];
	[tilespmem:s11+$0xFFFFFFD0] =	vst v9;
	v49 =	vperm.xlane v61, v16  }
0x266: {  	v63 =	vadd.f32 v45, v43;
	v48 =	vadd.f32 v62, v53;
	v53 =	vld [tilespmem:s19+$0xFFFFFFD0]  }
0x267: {  	v25 =	vadd.f32 v10, v59;
	v10 =	vld [tilespmem:s10+$0xFFFFFFD0];
	v61 =	vadd.f32 v61, v49;
	v62 =	vperm.xlane v46, v16  }
0x268: {  	v6 =	vadd.f32 v63, v52;
	v52 =	vmul.f32 v54, v54;
	v63 =	vmul.f32 v47, v47  }
0x269: {  	v12 =	vld [tilespmem:s10+$0xFFFFFFE0];
	v49 =	vadd.f32 v11, v58;
	v62 =	vadd.f32 v62, v46;
	v58 =	vperm.xlane v61, v8  }
0x26a: {  	v4 =	vadd.f32 v4, v0;
	v13 =	vmul.f32 v48, v48;
	v63 =	vadd.f32 v63, v52;
	v11 =	vld [tilespmem:s19+$0xFFFFFFE0]  }
0x26b: {  	v14 =	vld [tilespmem:s19+$0xFFFFFFF0];
	v15 =	vmul.f32 v49, v49;
	v52 =	vperm.xlane v62, v8;
	v46 =	vadd.f32 v61, v58  }
0x26c: {  	v50 =	vadd.f32 v50, v51;
	v51 =	vadd.f32 v10, v53;
	v58 =	vld [tilespmem:s10+$0xFFFFFFF0]  }
0x26d: {  	v13 =	vadd.f32 v15, v13;
	v15 =	vld [tilespmem:s10+$0x0];
	v10 =	vadd.f32 v52, v62;
	v46 =	vmul.f32 $7.812500000e-03, v46  }
0x26e: {  	v59 =	vadd.f32 v47, v54;
	v61 =	vadd.f32 v49, v48;
	[tilespmem:s11+$0xFFFFFFE0] =	vst v7;
	v7 =	vld [tilespmem:s19+$0x0];
	v62 =	vmul.f32 v51, v51  }
0x26f: {  	[tilespmem:s11+$0xFFFFFFF0] =	vst v4;
	v4 =	vld [tilespmem:s19+$0x10];
	v52 =	vadd.f32 v12, v11;
	v10 =	vmul.f32 $7.812500000e-03, v10;
	v11 =	vmul.f32 v46, v46  }
0x270: {  	v13 =	vadd.f32 v13, v63;
	v63 =	vld [tilespmem:s10+$0x10];
	v59 =	vadd.f32 v61, v59;
	v61 =	vmul.f32 v50, v50  }
0x271: {  	v53 =	vadd.f32 v58, v14;
	v58 =	vld [tilespmem:s19+$0x20];
	v10 =	vsub.f32 v10, v11  }
0x272: {  	v11 =	vadd.f32 v62, v61;
	v61 =	vld [tilespmem:s10+$0x20]  }
0x273: {  	v12 =	vadd.f32 v51, v50;
	v10 =	vadd.f32 $9.999999960e-13, v10  }
0x274: {  	v17 =	vld [tilespmem:s10+$0x30];
	v9 =	vsub.f32 v56, v46;
	v18 =	vsub.f32 v57, v46  }
0x275: {  	v20 =	vld [tilespmem:s10+$0x60];
	v57 =	vadd.f32 v63, v4;
	v63 =	vshrl.u32 v10, $0x1;
	v10 =	vmul.f32 $-5.000000000e-01, v10  }
0x276: {  	v56 =	vadd.f32 v15, v7;
	v7 =	vld [tilespmem:s19+$0x30];
	v15 =	vadd.f32 v53, v52;
	v63 =	vsub.s32 $0x5F3759DF, v63  }
0x277: {  	v4 =	vld [tilespmem:s19+$0x40];
	v58 =	vadd.f32 v61, v58;
	v61 =	vmul.f32 v63, v10  }
0x278: {  	v14 =	vmul.f32 v52, v52;
	v62 =	vmul.f32 v53, v53;
	v12 =	vadd.f32 v15, v12;
	v15 =	vld [tilespmem:s10+$0x40]  }
0x279: {  	v33 =	vld [tilespmem:s10+$0xFFFFFF00];
	v5 =	vadd.f32 v44, v42;
	v3 =	vmul.f32 v63, v61  }
0x27a: {  	v0 =	vld [tilespmem:s19+$0x50];
	v14 =	vadd.f32 v62, v14;
	v12 =	vadd.f32 v12, v59  }
0x27b: {  	v19 =	vmul.f32 v56, v56;
	v62 =	vld [tilespmem:s10+$0x50];
	v59 =	vadd.f32 v17, v7;
	v3 =	vadd.f32 $1.500000000e+00, v3  }
0x27c: {  	v21 =	vld [tilespmem:s19+$0xFFFFFF00];
	v2 =	vmul.f32 v57, v57;
	v11 =	vadd.f32 v14, v11;
	v17 =	vmul.f32 v58, v58  }
0x27d: {  	v7 =	vld [tilespmem:s19+$0x60];
	v61 =	vadd.f32 v15, v4;
	v15 =	vmul.f32 v59, v59;
	v3 =	vmul.f32 v63, v3  }
0x27e: {  	v30 =	vmovc v1;
	v23 =	vmul.f32 v39, v39;
	v1 =	vadd.f32 v57, v56;
	v11 =	vadd.f32 v11, v13;
	v13 =	vld [tilespmem:s10+$0x70]  }
0x27f: {  	v2 =	vadd.f32 v2, v19;
	v4 =	vld [tilespmem:s19+$0x70];
	v15 =	vadd.f32 v15, v17;
	v10 =	vmul.f32 v3, v10  }
0x280: {  	v14 =	vperm.xlane v12, v24;
	v19 =	vadd.f32 v59, v58;
	v62 =	vadd.f32 v62, v0  }
0x281: {  	v2 =	vadd.f32 v15, v2;
	v15 =	vadd.f32 v33, v21;
	v10 =	vmul.f32 v10, v3  }
0x282: {  	v12 =	vadd.f32 v12, v14;
	v0 =	vmul.f32 v61, v61;
	v63 =	vadd.f32 v20, v7  }
0x283: {  	v20 =	vadd.f32 v39, v15;
	v21 =	vmul.f32 v15, v15;
	v10 =	vadd.f32 $1.500000000e+00, v10  }
0x284: {  	v14 =	vmul.f32 v62, v62;
	v7 =	vadd.f32 v62, v61;
	v4 =	vadd.f32 v13, v4  }
0x285: {  	v5 =	vadd.f32 v5, v20;
	v33 =	vmul.f32 v10, v3;
	v10 =	vadd.f32 v23, v21  }
0x286: {  	v0 =	vadd.f32 v14, v0;
	v14 =	vadd.f32 v4, v63  }
0x287: {  	v5 =	vadd.f32 v6, v5;
	v6 =	vadd.f32 v26, v10;
	v10 =	vld [tilespmem:$0x1FF70]  }
0x288: {  	v1 =	vadd.f32 v19, v1;
	v3 =	vsub.f32 v55, v46  }
0x289: {  	v13 =	vmul.f32 v63, v63;
	v19 =	vmul.f32 v4, v4;
	v7 =	vadd.f32 v14, v7  }
0x28a: {  	v17 =	vperm.xlane v12, v60;
	v3 =	vmul.f32 v33, v3  }
0x28b: {  	v22 =	vperm.xlane v11, v24;
	v1 =	vadd.f32 v7, v1;
	v7 =	vadd.f32 v19, v13  }
0x28c: {  	v3 =	vmul.f32 v3, v10;
	v10 =	vadd.f32 v12, v17;
	v12 =	vld [tilespmem:$0x1FF20]  }
0x28d: {  	v11 =	vadd.f32 v22, v11;
	v0 =	vadd.f32 v7, v0  }
0x28e: {  	v13 =	vmul.f32 v33, v9;
	v9 =	vperm.xlane v5, v24;
	v6 =	vadd.f32 v25, v6  }
0x28f: {  	v14 =	vperm.xlane v11, v60;
	v7 =	vperm.xlane v1, v24  }
0x290: {  	v0 =	vadd.f32 v0, v2;
	v5 =	vadd.f32 v5, v9;
	v9 =	vperm.xlane v6, v24  }
0x291: {  	v1 =	vadd.f32 v1, v7;
	v7 =	vperm.xlane v10, v16;
	v3 =	vadd.f32 v3, v12  }
0x292: {  	s12 =	smov.u32 s11;
	s11 =	sadd.s32 $0x200, s11;
	v11 =	vadd.f32 v14, v11;
	v6 =	vadd.f32 v9, v6;
	v12 =	vperm.xlane v0, v24  }
0x293: {  	v9 =	vperm.xlane v1, v60;
	v7 =	vadd.f32 v10, v7;
	[tilespmem:s11+$0xF0] =	vst v3;
	v3 =	vperm.xlane v5, v60  }
0x294: {  	v10 =	vperm.xlane v11, v16;
	v0 =	vadd.f32 v12, v0  }
0x295: {  	v1 =	vadd.f32 v1, v9;
	v9 =	vperm.xlane v7, v8;
	v3 =	vadd.f32 v5, v3  }
0x296: {  	v10 =	vadd.f32 v10, v11;
	v5 =	vperm.xlane v6, v60;
	v11 =	vperm.xlane v0, v60  }
0x297: {  	v7 =	vadd.f32 v7, v9;
	v12 =	vperm.xlane v3, v16  }
0x298: {  	v5 =	vadd.f32 v5, v6;
	v6 =	vperm.xlane v1, v16;
	v0 =	vadd.f32 v11, v0  }
0x299: {  	v9 =	vperm.xlane v10, v8;
	v3 =	vadd.f32 v3, v12  }
0x29a: {  	v1 =	vadd.f32 v1, v6;
	v12 =	vmul.f32 $7.812500000e-03, v7;
	v7 =	vperm.xlane v0, v16  }
0x29b: {  	v11 =	vperm.xlane v5, v16;
	v6 =	vadd.f32 v9, v10  }
0x29c: {  	v23 =	vld [tilespmem:$0x1FEC0];
	v10 =	vperm.xlane v1, v8;
	v0 =	vadd.f32 v7, v0  }
0x29d: {  	v5 =	vadd.f32 v11, v5;
	v6 =	vmul.f32 $7.812500000e-03, v6;
	v11 =	vmul.f32 v12, v12  }
0x29e: {  	v9 =	vperm.xlane v3, v8;
	v1 =	vadd.f32 v1, v10;
	v10 =	vperm.xlane v0, v8  }
0x29f: {  	v7 =	vperm.xlane v5, v8;
	v6 =	vsub.f32 v6, v11  }
0x2a0: {  	v3 =	vadd.f32 v3, v9;
	v1 =	vmul.f32 $7.812500000e-03, v1;
	v0 =	vadd.f32 v10, v0  }
0x2a1: {  	v5 =	vadd.f32 v7, v5;
	v7 =	vadd.f32 $9.999999960e-13, v6;
	v6 =	vmul.f32 v13, v23  }
0x2a2: {  	v0 =	vmul.f32 $7.812500000e-03, v0;
	v13 =	vmul.f32 v1, v1  }
0x2a3: {  	v3 =	vmul.f32 $7.812500000e-03, v3  }
0x2a4: {  	v0 =	vsub.f32 v0, v13  }
0x2a5: {  	v5 =	vmul.f32 $7.812500000e-03, v5;
	v8 =	vmul.f32 v3, v3  }
0x2a6: {  	v11 =	vshrl.u32 v7, $0x1;
	v0 =	vadd.f32 $9.999999960e-13, v0  }
0x2a7: {  	v2 =	vmul.f32 v33, v18;
	v5 =	vsub.f32 v5, v8;
	v8 =	vsub.s32 $0x5F3759DF, v11  }
0x2a8: {  	v11 =	vmul.f32 $-5.000000000e-01, v7;
	v17 =	vshrl.u32 v0, $0x1;
	v0 =	vmul.f32 $-5.000000000e-01, v0  }
0x2a9: {  	v7 =	vmul.f32 v2, v30;
	v2 =	vadd.f32 $9.999999960e-13, v5;
	v17 =	vsub.s32 $0x5F3759DF, v17  }
0x2aa: {  	v9 =	vsub.f32 v54, v12;
	v21 =	vmul.f32 v17, v0  }
0x2ab: {  	v13 =	vmul.f32 v8, v11;
	v16 =	vshrl.u32 v2, $0x1;
	v2 =	vmul.f32 $-5.000000000e-01, v2  }
0x2ac: {  	v10 =	vsub.f32 v15, v3;
	v16 =	vsub.s32 $0x5F3759DF, v16;
	v21 =	vmul.f32 v17, v21  }
0x2ad: {  	v14 =	vsub.f32 v39, v3;
	v13 =	vmul.f32 v8, v13;
	v18 =	vmul.f32 v16, v2  }
0x2ae: {  	v15 =	vsub.f32 v44, v3;
	v21 =	vadd.f32 $1.500000000e+00, v21  }
0x2af: {  	v19 =	vsub.f32 v40, v3;
	v13 =	vadd.f32 $1.500000000e+00, v13;
	v18 =	vmul.f32 v16, v18  }
0x2b0: {  	v20 =	vsub.f32 v41, v3;
	v22 =	vsub.f32 v43, v3;
	v17 =	vmul.f32 v17, v21  }
0x2b1: {  	v54 =	vsub.f32 v59, v1;
	v8 =	vmul.f32 v8, v13;
	v18 =	vadd.f32 $1.500000000e+00, v18  }
0x2b2: {  	v40 =	vsub.f32 v4, v1;
	v5 =	vsub.f32 v42, v3;
	v0 =	vmul.f32 v17, v0  }
0x2b3: {  	v3 =	vsub.f32 v45, v3;
	v11 =	vmul.f32 v8, v11;
	v16 =	vmul.f32 v16, v18  }
0x2b4: {  	v45 =	vsub.f32 v48, v12;
	v13 =	vsub.f32 v47, v12;
	v0 =	vmul.f32 v0, v17  }
0x2b5: {  	v47 =	vsub.f32 v49, v12;
	v11 =	vmul.f32 v11, v8;
	v2 =	vmul.f32 v16, v2  }
0x2b6: {  	v49 =	vsub.f32 v51, v12;
	v0 =	vadd.f32 $1.500000000e+00, v0  }
0x2b7: {  	v18 =	vsub.f32 v50, v12;
	v11 =	vadd.f32 $1.500000000e+00, v11;
	v2 =	vmul.f32 v2, v16  }
0x2b8: {  	v50 =	vsub.f32 v52, v12;
	v12 =	vsub.f32 v53, v12;
	v42 =	vmul.f32 v0, v17;
	v17 =	vld [tilespmem:$0x1FF80]  }
0x2b9: {  	v21 =	vsub.f32 v56, v1;
	v8 =	vmul.f32 v11, v8;
	v2 =	vadd.f32 $1.500000000e+00, v2  }
0x2ba: {  	v53 =	vsub.f32 v57, v1;
	v11 =	vsub.f32 v58, v1  }
0x2bb: {  	v58 =	vsub.f32 v61, v1;
	v43 =	vmul.f32 v8, v9;
	v2 =	vmul.f32 v2, v16  }
0x2bc: {  	v9 =	vsub.f32 v62, v1;
	v44 =	vmul.f32 v8, v13;
	v13 =	vsub.f32 v63, v1;
	v1 =	vld [tilespmem:$0x1F9F0]  }
0x2bd: {  	v0 =	vadd.f32 v32, v17;
	v32 =	vmul.f32 v2, v19;
	v19 =	vld [tilespmem:$0x1FF90];
	_ =	sdelay $0x4  }
0x2be: {  	v56 =	vld [tilespmem:$0x1FEF0];
	v1 =	vadd.f32 v1, v19  }
0x2bf: {  	v16 =	vld [tilespmem:$0x1FFA0]  }
0x2c0: {  	[tilespmem:s12+$0x10] =	vst v1;
	v1 =	vld [tilespmem:$0x1FA00];
	_ =	sdelay $0x3  }
0x2c1: {  	v41 =	vsub.f32 v35, v46;
	v35 =	vmul.f32 v2, v20;
	v20 =	vld [tilespmem:$0x1FF00];
	[tilespmem:s12+$0x0] =	vst v0;
	v0 =	vadd.f32 v31, v16  }
0x2c2: {  	v31 =	vmul.f32 v2, v3;
	v3 =	vmovc v28;
	v28 =	vmul.f32 v8, v18;
	v18 =	vld [tilespmem:$0x1FFB0];
	v1 =	vadd.f32 v1, v56  }
0x2c3: {  	[tilespmem:s12+$0x20] =	vst v0;
	v0 =	vld [tilespmem:$0x1FA10]  }
0x2c4: {  	[tilespmem:s12+$0x30] =	vst v1;
	v1 =	vld [tilespmem:$0x1FA20];
	_ =	sdelay $0x2  }
0x2c5: {  	v55 =	vld [tilespmem:$0x1FA50]  }
0x2c6: {  	v59 =	vld [tilespmem:$0x1FF10];
	v0 =	vadd.f32 v0, v20  }
0x2c7: {  	v63 =	vld [tilespmem:$0x1FF20];
	v1 =	vadd.f32 v1, v18  }
0x2c8: {  	v4 =	vmul.f32 v8, v50;
	[tilespmem:s12+$0x40] =	vst v0;
	v0 =	vld [tilespmem:$0x1FA30]  }
0x2c9: {  	v39 =	vsub.f32 v34, v46;
	v26 =	vmul.f32 v8, v12;
	v51 =	vmul.f32 v2, v10;
	[tilespmem:s12+$0x50] =	vst v1;
	v1 =	vld [tilespmem:$0x1FA40]  }
0x2ca: {  	s9 =	sadd.s32 $0x4, s9;
	v34 =	vsub.f32 v38, v46;
	v61 =	vld [tilespmem:$0x1FEE0];
	v52 =	vmul.f32 v2, v14;
	v38 =	vmul.f32 v2, v5  }
0x2cb: {  	p1 =	slt.u32 s9, $0x7C;
	v37 =	vsub.f32 v37, v46;
	v12 =	vld [tilespmem:$0x1FF60];
	v48 =	vmul.f32 v2, v15;
	v30 =	vmul.f32 v2, v22  }
.Ltmp4:
0x2cc: {  	v36 =	vsub.f32 v36, v46;
	v14 =	vld [tilespmem:$0x1FF50];
	v5 =	vmul.f32 v8, v45;
	v45 =	vmul.f32 v8, v47;
	(pc) =	sbr.rel @p1 .LBB2_3-.Ltmp4, $4  }
0x2cd: {  	v15 =	vld [tilespmem:$0x1FF70];
	v22 =	vmovc v29;
	v29 =	vmul.f32 v8, v49;
	v46 =	vmul.f32 v42, v21;
	v0 =	vadd.f32 v0, v59  }
0x2ce: {  	v24 =	vmovc v27;
	v49 =	vmul.f32 v42, v53;
	v10 =	vld [tilespmem:$0x1FF30];
	v47 =	vmul.f32 v42, v54;
	v1 =	vadd.f32 v1, v63  }
0x2cf: {  	v25 =	vmul.f32 v42, v58;
	v50 =	vadd.f32 v6, v17;
	v6 =	vmul.f32 v42, v13;
	v13 =	vld [tilespmem:$0x1FA60];
	[tilespmem:s12+$0x60] =	vst v0  }
0x2d0: {  	s19 =	sadd.s32 $0x200, s19;
	v27 =	vmul.f32 v42, v9;
	v8 =	vmul.f32 v42, v11;
	v11 =	vld [tilespmem:$0x1FF40];
	v7 =	vadd.f32 v7, v19;
	[tilespmem:s12+$0x70] =	vst v1  }
0x2d1: {  	[tilespmem:s11+$0x80] =	vst v50;
	v0 =	vadd.f32 v55, v16  }
0x2d2: {  	v1 =	vadd.f32 v22, v56;
	[tilespmem:s11+$0x90] =	vst v7  }
0x2d3: {  	v55 =	vadd.f32 v24, v20;
	v2 =	vmul.f32 v51, v23;
	[tilespmem:s12+$0xA0] =	vst v0  }
0x2d4: {  	v57 =	vadd.f32 v3, v18;
	v21 =	vmul.f32 v32, v61;
	[tilespmem:s12+$0xB0] =	vst v1  }
0x2d5: {  	v24 =	vmul.f32 v35, v14;
	v2 =	vadd.f32 v2, v17;
	v9 =	vld [tilespmem:$0x1FED0];
	[tilespmem:s12+$0xC0] =	vst v55  }
0x2d6: {  	v43 =	vmul.f32 v43, v23;
	v0 =	vadd.f32 v21, v20;
	[tilespmem:s12+$0xD0] =	vst v57  }
0x2d7: {  	v4 =	vmul.f32 v4, v12;
	v62 =	vmul.f32 v38, v10;
	v38 =	vadd.f32 v24, v18;
	[tilespmem:s11+$0xFFFFFF00] =	vst v2  }
0x2d8: {  	v53 =	vadd.f32 v43, v17;
	[tilespmem:s11+$0xFFFFFF40] =	vst v0  }
0x2d9: {  	v35 =	vmul.f32 v31, v15;
	v21 =	vmul.f32 v26, v15;
	v26 =	vadd.f32 v4, v59;
	[tilespmem:s11+$0xFFFFFF50] =	vst v38  }
0x2da: {  	v60 =	vadd.f32 v13, v59;
	[tilespmem:s11+$0xFFFFFF80] =	vst v53  }
0x2db: {  	v32 =	vmul.f32 v30, v12;
	v51 =	vadd.f32 v35, v63;
	[tilespmem:s11+$0xFFFFFFE0] =	vst v26  }
0x2dc: {  	v24 =	vmul.f32 v46, v23;
	v22 =	vadd.f32 v62, v16;
	[tilespmem:s12+$0xE0] =	vst v60  }
0x2dd: {  	v30 =	vmul.f32 v8, v10;
	v13 =	vmul.f32 v48, v11;
	v48 =	vadd.f32 v32, v59;
	[tilespmem:s11+$0xFFFFFF70] =	vst v51  }
0x2de: {  	v31 =	vadd.f32 v24, v17;
	[tilespmem:s11+$0xFFFFFF20] =	vst v22  }
0x2df: {  	v43 =	vadd.f32 v30, v16;
	[tilespmem:s11+$0xFFFFFF60] =	vst v48  }
0x2e0: {  	v54 =	vmul.f32 v45, v11;
	v60 =	vmul.f32 v29, v14;
	v29 =	vadd.f32 v21, v63;
	[tilespmem:s11+$0x0] =	vst v31  }
0x2e1: {  	v57 =	vmul.f32 v28, v61;
	v1 =	vadd.f32 v13, v56;
	[tilespmem:s11+$0x20] =	vst v43  }
0x2e2: {  	v32 =	vmul.f32 v47, v11;
	v62 =	vadd.f32 v54, v56;
	[tilespmem:s11+$0xFFFFFFF0] =	vst v29  }
0x2e3: {  	v38 =	vmul.f32 v25, v61;
	v47 =	vmul.f32 v33, v41;
	v13 =	vadd.f32 v57, v20;
	[tilespmem:s11+$0xFFFFFF30] =	vst v1  }
0x2e4: {  	v46 =	vadd.f32 v32, v56;
	[tilespmem:s11+$0xFFFFFFB0] =	vst v62  }
0x2e5: {  	v48 =	vadd.f32 v38, v20;
	v2 =	vmul.f32 v47, v10;
	[tilespmem:s11+$0xFFFFFFC0] =	vst v13  }
0x2e6: {  	v22 =	vadd.f32 v60, v18;
	v58 =	vmul.f32 v52, v9;
	[tilespmem:s11+$0x30] =	vst v46  }
0x2e7: {  	v50 =	vmul.f32 v44, v9;
	[tilespmem:s11+$0x40] =	vst v48;
	v57 =	vadd.f32 v2, v16  }
0x2e8: {  	v52 =	vmul.f32 v5, v10;
	[tilespmem:s11+$0xFFFFFFD0] =	vst v22;
	v3 =	vadd.f32 v58, v19  }
0x2e9: {  	v28 =	vmul.f32 v49, v9;
	v55 =	vadd.f32 v50, v19;
	[tilespmem:s11+$0xA0] =	vst v57  }
0x2ea: {  	v45 =	vmul.f32 v27, v14;
	v51 =	vmul.f32 v33, v37;
	v58 =	vadd.f32 v52, v16;
	[tilespmem:s11+$0xFFFFFF10] =	vst v3  }
0x2eb: {  	v6 =	vmul.f32 v6, v12;
	v49 =	vmul.f32 v33, v39;
	v35 =	vadd.f32 v28, v19;
	[tilespmem:s11+$0xFFFFFF90] =	vst v55  }
0x2ec: {  	v44 =	vmul.f32 v42, v40;
	v5 =	vmul.f32 v51, v61;
	v50 =	vadd.f32 v45, v18;
	[tilespmem:s11+$0xFFFFFFA0] =	vst v58  }
0x2ed: {  	v53 =	vmul.f32 v33, v36;
	v52 =	vadd.f32 v6, v59;
	v4 =	vmul.f32 v49, v11;
	[tilespmem:s11+$0x10] =	vst v35  }
0x2ee: {  	v61 =	vadd.f32 v5, v20;
	v3 =	vmul.f32 v44, v15;
	[tilespmem:s11+$0x50] =	vst v50;
	v55 =	vmul.f32 v33, v34  }
0x2ef: {  	p1 =	seq.s32 s23, $0x18;
	[tilespmem:s11+$0x60] =	vst v52;
	v58 =	vmul.f32 v53, v14;
	v60 =	vadd.f32 v4, v56  }
.Ltmp5:
0x2f0: {  	[tilespmem:s11+$0xC0] =	vst v61;
	v54 =	vadd.f32 v3, v63;
	v3 =	vmul.f32 v55, v12;
	(pc) =	sbr.rel @p1 .LBB2_6-.Ltmp5, $4  }
0x2f1: {  	[tilespmem:s11+$0xB0] =	vst v60;
	v62 =	vadd.f32 v58, v18  }
0x2f2: {  	[tilespmem:s11+$0x70] =	vst v54;
	v63 =	vadd.f32 v3, v59  }
0x2f3: {  	[tilespmem:s11+$0xD0] =	vst v62  }
0x2f4: {  	[tilespmem:s11+$0xE0] =	vst v63  }
0x2f5: {  	_ =	swait.ge [sflag:s25], $0x180  }
0x2f6: {  	[sflag:s25] =	ssyncset.done $0x0  }
0x2f7: {  	[sflag:s25] =	ssyncadd.s32 $0xFFFFFE80  }
0x2f8: {  	v0 =	vld [tilespmem:$0x18000]  }
0x2f9: {  	v1 =	vld [tilespmem:$0x18080]  }
0x2fa: {  	v2 =	vld [tilespmem:$0x18100]  }
0x2fb: {  	v3 =	vld [tilespmem:$0x18010]  }
0x2fc: {  	v4 =	vld [tilespmem:$0x18090]  }
0x2fd: {  	v5 =	vld [tilespmem:$0x18110]  }
0x2fe: {  	v6 =	vld [tilespmem:$0x18020]  }
0x2ff: {  	v7 =	vld [tilespmem:$0x180A0]  }
0x300: {  	v8 =	vld [tilespmem:$0x18120]  }
0x301: {  	v9 =	vld [tilespmem:$0x18030]  }
0x302: {  	v10 =	vld [tilespmem:$0x180B0]  }
0x303: {  	v11 =	vld [tilespmem:$0x18130]  }
0x304: {  	v12 =	vld [tilespmem:$0x18040]  }
0x305: {  	v13 =	vld [tilespmem:$0x180C0]  }
0x306: {  	v49 =	vld [tilespmem:$0x18050];
	[tilespmem:$0x18500] =	vst v0  }
0x307: {  	v53 =	vld [tilespmem:$0x18060];
	[tilespmem:$0x18510] =	vst v3  }
0x308: {  	v58 =	vld [tilespmem:$0x18070];
	[tilespmem:$0x18520] =	vst v6  }
0x309: {  	v47 =	vld [tilespmem:$0x18140];
	[tilespmem:$0x18530] =	vst v9  }
0x30a: {  	v50 =	vld [tilespmem:$0x180D0];
	[tilespmem:$0x18540] =	vst v12  }
0x30b: {  	v52 =	vld [tilespmem:$0x18150];
	[tilespmem:$0x18550] =	vst v49  }
0x30c: {  	v55 =	vld [tilespmem:$0x180E0];
	v1 =	vshll.u32 v1, $0x1;
	[tilespmem:$0x18560] =	vst v53  }
0x30d: {  	v56 =	vld [tilespmem:$0x18160];
	v48 =	vshll.u32 v4, $0x1;
	[tilespmem:$0x18570] =	vst v58;
	v46 =	vadd.s32 v2, v1  }
0x30e: {  	v59 =	vld [tilespmem:$0x180F0];
	v51 =	vshll.u32 v7, $0x1;
	v0 =	vadd.s32 v5, v48;
	[tilespmem:$0x18400] =	vst v46  }
0x30f: {  	v61 =	vld [tilespmem:$0x18170];
	v54 =	vshll.u32 v10, $0x1;
	[tilespmem:$0x18410] =	vst v0;
	v0 =	vadd.s32 v8, v51  }
0x310: {  	v57 =	vshll.u32 v13, $0x1;
	[tilespmem:$0x18420] =	vst v0;
	v0 =	vadd.s32 v11, v54  }
0x311: {  	v60 =	vshll.u32 v50, $0x1;
	[tilespmem:$0x18430] =	vst v0;
	v0 =	vadd.s32 v47, v57  }
0x312: {  	v62 =	vshll.u32 v55, $0x1;
	[tilespmem:$0x18440] =	vst v0;
	v0 =	vadd.s32 v52, v60  }
0x313: {  	p2 =	sgt.u32 s23, $0x16;
	v63 =	vshll.u32 v59, $0x1;
	[tilespmem:$0x18450] =	vst v0;
	v0 =	vadd.s32 v56, v62  }
0x314: {  	s9 =	sadd.s32 @!p2 s24, s13;
	[tilespmem:$0x18460] =	vst v0;
	v0 =	vadd.s32 v61, v63  }
0x315: {  	s9 =	sshll.u32 @!p2 s9, $0x6;
	[tilespmem:$0x18470] =	vst v0  }
0x316: {  	[tilespmem:s6], [sflag:$0x1] =	stream.indirect.gather [hbm4b:s1+s26], $0x80, s28, s26, $0xb8;
	[tilespmem:$0x18700] =	vst v63  }
0x317: {  	s10 =	simm.s32 @!p2 $0x200;
	s9 =	sand.u32 @!p2 $0x1FFFFF80, s9  }
0x318: {  	[tilespmem:s30], [sflag:$0x1] =	stream.indirect.gather [hbm4b:s8+s26], $0x80, s29, s26, $0xb8;
	[tilespmem:$0x18700] =	vst v63  }
0x319: {  	s11 =	simm.s32 @!p2 $0xC8000;
	s12 =	simm.s32 @!p2 $0x18000;
	s9 =	sadd.s32 @!p2 s7, s9  }
0x31a: {  	[tilespmem:s12], [sflag:$0x5] =	stream.strided.gather @!p2 [hbm4b:s9+s10], $0x0, s11, s10, $0x38;
	[tilespmem:$0x18700] =	vst v63  }
0x31b: {  	s10 =	simm.s32 @!p2 $0x0  }
0x31c: {  	[tilespmem:s12], [sflag:$0x5] =	stream.linear.gather @!p2 [hbm4b:s9+s10], $0x180, $0x38;
	[tilespmem:$0x18700] =	vst v63  }
.LBB2_6:
0x31d: {  	s9 =	sshll.u32 s23, $0xF  }
0x31e: {  	s9 =	sadd.s32 s14, s9  }
0x31f: {  	s9 =	sshrl.u32 s9, $0x3  }
0x320: {  	s9 =	sadd.s32 s5, s9  }
0x321: {  	[hbm4b:s9+s6] =	stream.linear.scatter [tilespmem:s20], [sflag:$0x3], $0x4000, $0x38;
	[tilespmem:$0x18700] =	vst v63  }
0x322: {  	_ =	swait.ge [sflag:s16], $0x4000  }
0x323: {  	[sflag:s16] =	ssyncset.done $0x0  }
0x324: {  	[sflag:s16] =	ssyncadd.s32 $0xFFFFC000  }
0x325: {  	_ =	swait.ge [sflag:s16], $0x4000  }
0x326: {  	[sflag:s16] =	ssyncset.done $0x0  }
0x327: {  	s9 =	simm.s32 @!p0 $0x4;
	[sflag:s16] =	ssyncadd.s32 $0xFFFFC000  }
0x328: {  	_ =	swait.ge @!p0 [sflag:s9], $0x4000  }
0x329: {  	[sflag:s9] =	ssyncset.done @!p0 $0x0  }
0x32a: {  	s10 =	simm.s32 $0x0;
	[sflag:s9] =	ssyncadd.s32 @!p0 $0xFFFFC000  }
0x32b: {  	v0 =	vld [tilespmem:s10+$0x4180]  }
0x32c: {  	v1 =	vld [tilespmem:s10+$0xC180]  }
0x32d: {  	v2 =	vld [tilespmem:s10+$0x4190]  }
0x32e: {  	v3 =	vld [tilespmem:s10+$0xC190]  }
0x32f: {  	v4 =	vld [tilespmem:s10+$0x41A0]  }
0x330: {  	v5 =	vld [tilespmem:s10+$0xC1A0]  }
0x331: {  	v6 =	vld [tilespmem:s10+$0x41B0]  }
0x332: {  	v7 =	vld [tilespmem:s10+$0xC1B0]  }
0x333: {  	v8 =	vld [tilespmem:s10+$0x41C0]  }
0x334: {  	v9 =	vld [tilespmem:s10+$0xC1C0]  }
0x335: {  	v10 =	vld [tilespmem:s10+$0x41D0]  }
0x336: {  	v11 =	vld [tilespmem:s10+$0xC1D0]  }
0x337: {  	v12 =	vld [tilespmem:s10+$0x41E0]  }
0x338: {  	v13 =	vld [tilespmem:s10+$0xC1E0]  }
0x339: {  	v14 =	vld [tilespmem:s10+$0x41F0]  }
0x33a: {  	v15 =	vld [tilespmem:s10+$0xC1F0]  }
0x33b: {  	v16 =	vld [tilespmem:s10+$0x4000]  }
0x33c: {  	v17 =	vld [tilespmem:s10+$0xC000]  }
0x33d: {  	v18 =	vld [tilespmem:s10+$0x4010]  }
0x33e: {  	v19 =	vld [tilespmem:s10+$0xC010]  }
0x33f: {  	v22 =	vld [tilespmem:s10+$0x4020];
	v25 =	vadd.f32 v3, v2  }
0x340: {  	v23 =	vld [tilespmem:s10+$0xC020];
	v26 =	vadd.f32 v5, v4  }
0x341: {  	v38 =	vld [tilespmem:s10+$0x4030];
	v27 =	vadd.f32 v7, v6;
	[tilespmem:$0x1F7B0] =	vst v25  }
0x342: {  	v20 =	vadd.f32 v9, v8;
	[tilespmem:$0x1F7C0] =	vst v26  }
0x343: {  	v21 =	vadd.f32 v11, v10;
	v39 =	vld [tilespmem:s10+$0xC030];
	[tilespmem:$0x1F7D0] =	vst v27  }
0x344: {  	v51 =	vld [tilespmem:$0x1FFC0];
	v24 =	vadd.f32 v13, v12;
	[tilespmem:$0x1F7E0] =	vst v20  }
0x345: {  	v40 =	vld [tilespmem:s10+$0x4040];
	[tilespmem:$0x1F7F0] =	vst v21  }
0x346: {  	v54 =	vld [tilespmem:$0x1FFD0];
	[tilespmem:$0x1F800] =	vst v24  }
0x347: {  	v60 =	vadd.f32 v1, v0;
	v3 =	vld [tilespmem:s10+$0xC040]  }
0x348: {  	v5 =	vld [tilespmem:s10+$0x4050]  }
0x349: {  	v56 =	vadd.f32 v15, v14;
	v4 =	vadd.f32 v25, v60;
	v9 =	vld [tilespmem:s10+$0xC050]  }
0x34a: {  	v6 =	vadd.f32 v27, v26;
	v7 =	vmul.f32 v60, v60;
	v8 =	vadd.f32 v21, v20;
	v41 =	vld [tilespmem:s10+$0x4060]  }
0x34b: {  	v10 =	vmul.f32 v25, v25;
	v15 =	vmul.f32 v20, v20;
	v20 =	vadd.f32 v17, v16;
	v16 =	vld [tilespmem:s10+$0xC060]  }
0x34c: {  	v17 =	vmul.f32 v21, v21;
	v4 =	vadd.f32 v6, v4;
	v6 =	vld [tilespmem:s10+$0x4070]  }
0x34d: {  	v7 =	vadd.f32 v10, v7;
	v10 =	vld [tilespmem:s10+$0xC070]  }
0x34e: {  	v44 =	vadd.f32 v17, v15;
	v15 =	vld [tilespmem:s10+$0x4080]  }
0x34f: {  	v11 =	vmul.f32 v26, v26;
	v12 =	vadd.f32 v56, v24;
	v42 =	vmul.f32 v27, v27;
	v17 =	vld [tilespmem:s10+$0xC080]  }
0x350: {  	v43 =	vmul.f32 v56, v56;
	v21 =	vmul.f32 v24, v24;
	v45 =	vld [tilespmem:s10+$0xC090]  }
0x351: {  	v25 =	vadd.f32 v23, v22;
	v8 =	vadd.f32 v12, v8;
	v47 =	vld [tilespmem:s10+$0x40A0]  }
0x352: {  	v11 =	vadd.f32 v42, v11;
	v49 =	vld [tilespmem:s10+$0x4140];
	v12 =	vadd.f32 v43, v21  }
0x353: {  	v50 =	vld [tilespmem:s10+$0xC140];
	v21 =	vadd.f32 v19, v18;
	v4 =	vadd.f32 v8, v4  }
0x354: {  	v59 =	vld [tilespmem:s10+$0xC0B0];
	v7 =	vadd.f32 v11, v7;
	v12 =	vadd.f32 v12, v44  }
0x355: {  	v29 =	vld [tilespmem:s10+$0x40C0];
	v11 =	vmul.f32 v20, v20;
	v22 =	vadd.f32 v39, v38;
	v23 =	vadd.f32 v3, v40  }
0x356: {  	v19 =	vld [tilespmem:s10+$0x40B0];
	v46 =	vmul.f32 v21, v21;
	v57 =	vadd.f32 v12, v7;
	v24 =	vadd.f32 v9, v5  }
0x357: {  	v31 =	vld [tilespmem:s10+$0x40D0];
	v3 =	vperm.xlane v4, v51;
	v7 =	vadd.f32 v21, v20;
	v18 =	vadd.f32 v22, v25  }
0x358: {  	v58 =	vmul.f32 v25, v25;
	v34 =	vld [tilespmem:s10+$0xC0D0];
	v0 =	vadd.f32 v46, v11;
	v1 =	vadd.f32 v50, v49  }
0x359: {  	v37 =	vld [tilespmem:s10+$0x4100];
	v27 =	vmul.f32 v22, v22;
	v3 =	vadd.f32 v4, v3;
	v4 =	vadd.f32 v16, v41  }
0x35a: {  	v8 =	vld [tilespmem:s10+$0x4090];
	v5 =	vperm.xlane v57, v51;
	v16 =	vadd.f32 v24, v23;
	v18 =	vadd.f32 v18, v7  }
0x35b: {  	v43 =	vld [tilespmem:$0x1FFE0];
	v28 =	vmul.f32 v23, v23;
	v12 =	vadd.f32 v27, v58;
	v27 =	vadd.f32 v59, v19  }
0x35c: {  	v9 =	vld [tilespmem:s10+$0xC0A0];
	v26 =	vperm.xlane v3, v54;
	v2 =	vadd.f32 v5, v57;
	v5 =	vadd.f32 v10, v6  }
0x35d: {  	v6 =	vld [tilespmem:s10+$0xC0C0];
	v10 =	vmul.f32 v24, v24;
	v30 =	vmul.f32 v4, v4;
	v0 =	vadd.f32 v12, v0  }
0x35e: {  	v44 =	vld [tilespmem:s10+$0xC100];
	v3 =	vadd.f32 v3, v26;
	v7 =	vperm.xlane v2, v54;
	v32 =	vadd.f32 v5, v4  }
0x35f: {  	v38 =	vld [tilespmem:s10+$0xC110];
	v35 =	vmul.f32 v5, v5;
	v26 =	vadd.f32 v17, v15;
	v10 =	vadd.f32 v10, v28  }
0x360: {  	v11 =	vld [tilespmem:s10+$0x40E0];
	v15 =	vperm.xlane v3, v43;
	v2 =	vadd.f32 v7, v2;
	v16 =	vadd.f32 v32, v16  }
0x361: {  	v19 =	vld [tilespmem:s10+$0x4110];
	v7 =	vadd.f32 v45, v8;
	v61 =	vmul.f32 v26, v26;
	v8 =	vadd.f32 v9, v47  }
0x362: {  	v47 =	vld [tilespmem:$0x1FFF0];
	v29 =	vadd.f32 v6, v29;
	v3 =	vadd.f32 v3, v15;
	v15 =	vperm.xlane v2, v43  }
0x363: {  	v17 =	vld [tilespmem:s10+$0xC0E0];
	v36 =	vadd.f32 v7, v26;
	v9 =	vmul.f32 v7, v7;
	v6 =	vadd.f32 v27, v8  }
0x364: {  	v62 =	vld [tilespmem:s10+$0x40F0];
	v16 =	vadd.f32 v16, v18;
	v2 =	vadd.f32 v15, v2  }
0x365: {  	v63 =	vld [tilespmem:s10+$0xC0F0];
	v45 =	vmul.f32 v8, v8;
	v15 =	vadd.f32 v35, v30;
	v14 =	vadd.f32 v9, v61  }
0x366: {  	v39 =	vld [tilespmem:s10+$0x4130];
	v30 =	vmul.f32 v27, v27;
	v46 =	vadd.f32 v6, v36;
	v35 =	vadd.f32 v44, v37  }
0x367: {  	v58 =	vld [tilespmem:s10+$0x4160];
	v36 =	vadd.f32 v38, v19;
	v42 =	vperm.xlane v16, v51;
	v28 =	vperm.xlane v3, v47  }
0x368: {  	v59 =	vld [tilespmem:s10+$0xC160];
	v9 =	vperm.xlane v2, v47;
	v13 =	vadd.f32 v30, v45;
	v30 =	vadd.f32 v17, v11  }
0x369: {  	v57 =	vld [tilespmem:s10+$0xC150];
	v10 =	vadd.f32 v15, v10;
	v19 =	vmul.f32 v35, v35;
	v44 =	vadd.f32 v16, v42  }
0x36a: {  	v11 =	vld [tilespmem:s10+$0xC130];
	v61 =	vmul.f32 v36, v36;
	v3 =	vadd.f32 v3, v28;
	v2 =	vadd.f32 v9, v2  }
0x36b: {  	v15 =	vld [tilespmem:s10+$0x4150];
	v9 =	vadd.f32 v34, v31;
	v31 =	vadd.f32 v63, v62  }
0x36c: {  	v18 =	vld [tilespmem:s10+$0x4120];
	v48 =	vmul.f32 v29, v29;
	v13 =	vadd.f32 v13, v14;
	v19 =	vadd.f32 v61, v19  }
0x36d: {  	v52 =	vmul.f32 v30, v30;
	v62 =	vld [tilespmem:s10+$0x4170];
	v0 =	vadd.f32 v10, v0;
	v14 =	vadd.f32 v59, v58  }
0x36e: {  	v63 =	vld [tilespmem:s10+$0xC170];
	v28 =	vmul.f32 $7.812500000e-03, v3;
	v2 =	vmul.f32 $7.812500000e-03, v2;
	v17 =	vadd.f32 v9, v29  }
0x36f: {  	v3 =	vld [tilespmem:s10+$0xC120];
	v40 =	vmul.f32 v9, v9;
	v55 =	vadd.f32 v31, v30;
	v41 =	vmul.f32 v31, v31  }
0x370: {  	v6 =	vmul.f32 v28, v28;
	v11 =	vadd.f32 v11, v39;
	v15 =	vadd.f32 v57, v15  }
0x371: {  	v53 =	vadd.f32 v40, v48;
	v17 =	vadd.f32 v55, v17  }
0x372: {  	v6 =	vsub.f32 v2, v6;
	v2 =	vadd.f32 v41, v52  }
0x373: {  	v55 =	vperm.xlane v44, v54;
	v34 =	vadd.f32 v63, v62;
	v37 =	vadd.f32 v15, v1  }
0x374: {  	v3 =	vadd.f32 v3, v18;
	v18 =	vadd.f32 v36, v35  }
0x375: {  	v45 =	vmul.f32 v1, v1;
	v17 =	vadd.f32 v17, v46;
	v12 =	vadd.f32 v44, v55  }
0x376: {  	v48 =	vmul.f32 v14, v14;
	v2 =	vadd.f32 v2, v53;
	v49 =	vadd.f32 v34, v14  }
0x377: {  	v41 =	vmul.f32 v34, v34;
	v53 =	vperm.xlane v0, v51;
	v10 =	vadd.f32 v11, v3  }
0x378: {  	v16 =	vmul.f32 v3, v3;
	v61 =	vperm.xlane v12, v43;
	v50 =	vadd.f32 v49, v37  }
0x379: {  	v2 =	vadd.f32 v2, v13;
	v10 =	vadd.f32 v10, v18;
	v18 =	vmul.f32 v11, v11  }
0x37a: {  	v46 =	vmul.f32 v15, v15;
	v52 =	vadd.f32 v41, v48;
	v12 =	vadd.f32 v12, v61  }
0x37b: {  	v0 =	vadd.f32 v53, v0;
	v57 =	vperm.xlane v2, v51;
	v16 =	vadd.f32 v18, v16  }
0x37c: {  	v18 =	vadd.f32 v46, v45;
	v10 =	vadd.f32 v50, v10;
	v37 =	vperm.xlane v12, v47  }
0x37d: {  	v2 =	vadd.f32 v57, v2;
	v16 =	vadd.f32 v16, v19;
	v19 =	vperm.xlane v17, v51  }
0x37e: {  	v18 =	vadd.f32 v52, v18;
	v12 =	vadd.f32 v12, v37  }
0x37f: {  	v59 =	vperm.xlane v2, v54;
	v58 =	vadd.f32 v17, v19;
	v17 =	vperm.xlane v10, v51  }
0x380: {  	v16 =	vadd.f32 v18, v16;
	v18 =	vperm.xlane v0, v54;
	v12 =	vmul.f32 $7.812500000e-03, v12  }
0x381: {  	v2 =	vadd.f32 v59, v2;
	v19 =	vperm.xlane v58, v54;
	v10 =	vadd.f32 v10, v17  }
0x382: {  	v17 =	vperm.xlane v16, v51;
	v0 =	vadd.f32 v18, v0;
	v40 =	vsub.f32 v20, v12  }
0x383: {  	v42 =	vsub.f32 v25, v12;
	v13 =	vadd.f32 v58, v19  }
0x384: {  	v18 =	vperm.xlane v10, v54;
	v16 =	vadd.f32 v17, v16;
	v17 =	vperm.xlane v0, v43  }
0x385: {  	v46 =	vsub.f32 v23, v12;
	v32 =	vperm.xlane v2, v43;
	v19 =	vperm.xlane v13, v43  }
0x386: {  	v10 =	vadd.f32 v10, v18;
	v18 =	vperm.xlane v16, v54;
	v0 =	vadd.f32 v17, v0  }
0x387: {  	s11 =	simm.s32 $0x200;
	v2 =	vadd.f32 v32, v2;
	v13 =	vadd.f32 v13, v19  }
0x388: {  	v33 =	vld [tilespmem:s11+$0xC190];
	v17 =	vperm.xlane v10, v43;
	v16 =	vadd.f32 v18, v16;
	v18 =	vperm.xlane v0, v47  }
0x389: {  	v62 =	vld [tilespmem:s11+$0xC180];
	v41 =	vsub.f32 v4, v12;
	v32 =	vperm.xlane v2, v47;
	v19 =	vperm.xlane v13, v47  }
0x38a: {  	v63 =	vld [tilespmem:s11+$0x4190];
	v10 =	vadd.f32 v10, v17;
	v17 =	vperm.xlane v16, v43;
	v0 =	vadd.f32 v18, v0  }
0x38b: {  	v53 =	vld [tilespmem:s11+$0x41C0];
	v2 =	vadd.f32 v32, v2;
	v13 =	vadd.f32 v13, v19  }
0x38c: {  	v25 =	vld [tilespmem:s11+$0xC1A0];
	v18 =	vperm.xlane v10, v47;
	v16 =	vadd.f32 v17, v16;
	v0 =	vmul.f32 $7.812500000e-03, v0  }
0x38d: {  	v23 =	vld [tilespmem:s11+$0xC1B0];
	v45 =	vsub.f32 v5, v12;
	v19 =	vmul.f32 v12, v12;
	v13 =	vmul.f32 $7.812500000e-03, v13  }
0x38e: {  	v4 =	vld [tilespmem:s11+$0xC1C0];
	v2 =	vmul.f32 $7.812500000e-03, v2;
	v10 =	vadd.f32 v10, v18;
	v18 =	vperm.xlane v16, v47  }
0x38f: {  	v17 =	vld [tilespmem:s11+$0x4180];
	v20 =	vsub.f32 v0, v19;
	v19 =	vmul.f32 v13, v13;
	v5 =	vsub.f32 v26, v13  }
0x390: {  	v44 =	vsub.f32 v21, v12;
	v16 =	vadd.f32 v18, v16;
	v18 =	vld [tilespmem:s11+$0x41A0]  }
0x391: {  	v21 =	vsub.f32 v2, v19;
	v19 =	vld [tilespmem:s11+$0x41B0];
	[tilespmem:$0x1F6C0] =	vst v5;
	v5 =	vsub.f32 v7, v13  }
0x392: {  	v7 =	vsub.f32 v8, v13  }
0x393: {  	[tilespmem:$0x1F6D0] =	vst v5  }
0x394: {  	v5 =	vld [tilespmem:s11+$0x41D0];
	[tilespmem:$0x1F6E0] =	vst v7;
	v7 =	vsub.f32 v27, v13  }
0x395: {  	v8 =	vsub.f32 v29, v13  }
0x396: {  	[tilespmem:$0x1F6F0] =	vst v7  }
0x397: {  	v7 =	vld [tilespmem:s11+$0xC1D0];
	[tilespmem:$0x1F700] =	vst v8;
	v8 =	vsub.f32 v9, v13  }
0x398: {  	v9 =	vsub.f32 v30, v13  }
0x399: {  	v10 =	vmul.f32 $7.812500000e-03, v10;
	[tilespmem:$0x1F710] =	vst v8  }
0x39a: {  	v8 =	vld [tilespmem:s11+$0x41E0];
	[tilespmem:$0x1F720] =	vst v9;
	v9 =	vsub.f32 v31, v13  }
0x39b: {  	v55 =	vsub.f32 v35, v10  }
0x39c: {  	v57 =	vsub.f32 v36, v10;
	[tilespmem:$0x1F730] =	vst v9  }
0x39d: {  	v3 =	vsub.f32 v3, v10;
	v9 =	vld [tilespmem:s11+$0xC1E0];
	[tilespmem:$0x1F740] =	vst v55  }
0x39e: {  	v48 =	vsub.f32 v22, v12;
	[tilespmem:$0x1F750] =	vst v57  }
0x39f: {  	v49 =	vsub.f32 v24, v12;
	v12 =	vld [tilespmem:s11+$0x41F0];
	[tilespmem:$0x1F760] =	vst v3;
	v3 =	vsub.f32 v11, v10  }
0x3a0: {  	v1 =	vsub.f32 v1, v10  }
0x3a1: {  	v58 =	vsub.f32 v15, v10;
	[tilespmem:$0x1F770] =	vst v3  }
0x3a2: {  	v3 =	vld [tilespmem:s11+$0xC1F0];
	[tilespmem:$0x1F780] =	vst v1  }
0x3a3: {  	v52 =	vmul.f32 $7.812500000e-03, v16;
	v16 =	vmul.f32 v10, v10;
	v15 =	vadd.f32 v62, v17;
	[tilespmem:$0x1F790] =	vst v58  }
0x3a4: {  	v59 =	vadd.f32 v33, v63;
	v1 =	vld [tilespmem:s11+$0x4000]  }
0x3a5: {  	v22 =	vsub.f32 v52, v16;
	v16 =	vadd.f32 v25, v18;
	v11 =	vld [tilespmem:s11+$0xC000];
	[tilespmem:$0x1F810] =	vst v15  }
0x3a6: {  	v17 =	vadd.f32 v23, v19;
	[tilespmem:$0x1F820] =	vst v59  }
0x3a7: {  	v18 =	vadd.f32 v4, v53;
	v61 =	vld [tilespmem:s11+$0x4010];
	[tilespmem:$0x1F830] =	vst v16  }
0x3a8: {  	v19 =	vadd.f32 v7, v5;
	[tilespmem:$0x1F840] =	vst v17  }
0x3a9: {  	v23 =	vadd.f32 v9, v8;
	v62 =	vld [tilespmem:s11+$0xC010];
	[tilespmem:$0x1F850] =	vst v18  }
0x3aa: {  	v4 =	vadd.f32 v59, v15;
	[tilespmem:$0x1F860] =	vst v19  }
0x3ab: {  	v30 =	vsub.f32 v14, v10;
	v5 =	vadd.f32 v17, v16;
	v63 =	vld [tilespmem:s11+$0x4020];
	[tilespmem:$0x1F870] =	vst v23  }
0x3ac: {  	v10 =	vsub.f32 v34, v10;
	v37 =	vadd.f32 v3, v12;
	v3 =	vld [tilespmem:s11+$0xC020]  }
0x3ad: {  	v6 =	vadd.f32 $9.999999960e-13, v6;
	v8 =	vld [tilespmem:s11+$0x4030]  }
0x3ae: {  	v32 =	vmul.f32 v59, v59;
	v7 =	vmul.f32 v15, v15;
	v4 =	vadd.f32 v5, v4;
	v15 =	vld [tilespmem:s11+$0xC030];
	[tilespmem:$0x1F7A0] =	vst v10  }
0x3af: {  	v9 =	vadd.f32 v19, v18;
	v10 =	vmul.f32 v17, v17;
	v17 =	vmul.f32 v18, v18;
	v18 =	vld [tilespmem:s11+$0x4040]  }
0x3b0: {  	v33 =	vmul.f32 v16, v16;
	v7 =	vadd.f32 v32, v7;
	v5 =	vld [tilespmem:s11+$0xC040];
	v16 =	vadd.f32 v37, v23  }
0x3b1: {  	v19 =	vmul.f32 v19, v19;
	v35 =	vld [tilespmem:s11+$0xC050];
	v29 =	vadd.f32 v11, v1;
	v34 =	vmul.f32 v37, v37  }
0x3b2: {  	v11 =	vld [tilespmem:s11+$0x4070];
	v10 =	vadd.f32 v10, v33;
	v9 =	vadd.f32 v16, v9;
	v16 =	vmul.f32 v23, v23  }
0x3b3: {  	v38 =	vld [tilespmem:s11+$0xC070];
	v17 =	vadd.f32 v19, v17;
	v26 =	vadd.f32 v62, v61  }
0x3b4: {  	v36 =	vshrl.u32 v6, $0x1;
	v7 =	vadd.f32 v10, v7;
	v12 =	vadd.f32 v34, v16;
	v16 =	vld [tilespmem:s11+$0x4060]  }
0x3b5: {  	v6 =	vmul.f32 $-5.000000000e-01, v6;
	v58 =	vadd.f32 v3, v63;
	v4 =	vadd.f32 v9, v4;
	v9 =	vld [tilespmem:s11+$0xC060]  }
0x3b6: {  	v1 =	vsub.s32 $0x5F3759DF, v36;
	v23 =	vld [tilespmem:s11+$0x4050];
	v52 =	vadd.f32 v15, v8;
	v10 =	vadd.f32 v12, v17  }
0x3b7: {  	v8 =	vadd.f32 v26, v29;
	v63 =	vmul.f32 v29, v29;
	v55 =	vadd.f32 v5, v18;
	v5 =	vld [tilespmem:s11+$0x4080]  }
0x3b8: {  	v61 =	vadd.f32 v38, v11;
	v3 =	vperm.xlane v4, v51;
	v39 =	vadd.f32 v10, v7;
	v10 =	vld [tilespmem:s11+$0xC080]  }
0x3b9: {  	v32 =	vld [tilespmem:s11+$0xC090];
	v11 =	vmul.f32 v26, v26;
	v53 =	vadd.f32 v52, v58;
	v7 =	vmul.f32 v1, v6  }
0x3ba: {  	v3 =	vadd.f32 v4, v3;
	v59 =	vadd.f32 v9, v16;
	v9 =	vld [tilespmem:s11+$0x4090];
	v4 =	vperm.xlane v39, v51  }
0x3bb: {  	v0 =	vadd.f32 v11, v63;
	v50 =	vadd.f32 v35, v23  }
0x3bc: {  	v34 =	vld [tilespmem:s11+$0x40B0];
	v7 =	vmul.f32 v1, v7;
	v2 =	vadd.f32 v4, v39;
	v4 =	vperm.xlane v3, v54  }
0x3bd: {  	v33 =	vmul.f32 v52, v52;
	v8 =	vadd.f32 v53, v8;
	v53 =	vadd.f32 v10, v5;
	v5 =	vld [tilespmem:s11+$0xC0A0]  }
0x3be: {  	v35 =	vmul.f32 v55, v55;
	v3 =	vadd.f32 v3, v4;
	v4 =	vadd.f32 $1.500000000e+00, v7;
	v7 =	vld [tilespmem:s11+$0x40A0]  }
0x3bf: {  	v38 =	vmul.f32 v59, v59;
	v39 =	vmul.f32 v61, v61;
	v62 =	vadd.f32 v32, v9;
	v9 =	vld [tilespmem:s11+$0xC0B0]  }
0x3c0: {  	v36 =	vmul.f32 v50, v50;
	v11 =	vadd.f32 v61, v59;
	v10 =	vperm.xlane v2, v54  }
0x3c1: {  	v57 =	vld [tilespmem:s11+$0x40D0];
	v12 =	vadd.f32 v39, v38;
	v1 =	vmul.f32 v1, v4;
	v4 =	vadd.f32 v50, v55  }
0x3c2: {  	v15 =	vld [tilespmem:s11+$0x40C0];
	v2 =	vadd.f32 v10, v2;
	v10 =	vmul.f32 v58, v58;
	v16 =	vmul.f32 v62, v62  }
0x3c3: {  	v4 =	vadd.f32 v11, v4;
	v11 =	vperm.xlane v3, v43;
	v63 =	vadd.f32 v5, v7;
	v5 =	vld [tilespmem:s11+$0xC0C0]  }
0x3c4: {  	v10 =	vadd.f32 v33, v10;
	v7 =	vperm.xlane v2, v43;
	v32 =	vadd.f32 v9, v34;
	v9 =	vld [tilespmem:s11+$0xC0D0]  }
0x3c5: {  	v6 =	vmul.f32 v1, v6;
	v3 =	vadd.f32 v3, v11;
	v11 =	vadd.f32 v36, v35  }
0x3c6: {  	v4 =	vadd.f32 v4, v8;
	v2 =	vadd.f32 v7, v2;
	v7 =	vmul.f32 v53, v53  }
0x3c7: {  	v8 =	vadd.f32 v62, v53;
	v0 =	vadd.f32 v10, v0  }
0x3c8: {  	v7 =	vadd.f32 v16, v7;
	v36 =	vadd.f32 v5, v15;
	v5 =	vmul.f32 v6, v1  }
0x3c9: {  	v39 =	vld [tilespmem:s11+$0xC0E0];
	v17 =	vperm.xlane v3, v47;
	v16 =	vadd.f32 v32, v63;
	v33 =	vadd.f32 v9, v57  }
0x3ca: {  	v35 =	vperm.xlane v2, v47;
	v6 =	vld [tilespmem:s11+$0x40E0];
	v9 =	vadd.f32 $9.999999960e-13, v20;
	v5 =	vadd.f32 $1.500000000e+00, v5  }
0x3cb: {  	v3 =	vadd.f32 v3, v17;
	v15 =	vmul.f32 v63, v63;
	v17 =	vmul.f32 v32, v32  }
0x3cc: {  	v2 =	vadd.f32 v35, v2;
	v13 =	vmul.f32 $-5.000000000e-01, v9;
	v20 =	vmul.f32 v5, v1  }
0x3cd: {  	v1 =	vadd.f32 v16, v8;
	v8 =	vshrl.u32 v9, $0x1;
	v9 =	vadd.f32 $9.999999960e-13, v21  }
0x3ce: {  	v19 =	vld [tilespmem:s11+$0xC100];
	v2 =	vmul.f32 $7.812500000e-03, v2;
	v5 =	vadd.f32 v17, v15;
	v21 =	vmul.f32 $7.812500000e-03, v3  }
0x3cf: {  	v57 =	vld [tilespmem:s11+$0x40F0];
	v31 =	vadd.f32 v39, v6;
	v6 =	vsub.s32 $0x5F3759DF, v8;
	v8 =	vmul.f32 $-5.000000000e-01, v9  }
0x3d0: {  	v16 =	vld [tilespmem:s11+$0xC0F0];
	v3 =	vshrl.u32 v9, $0x1;
	v9 =	vmul.f32 v6, v13;
	v17 =	vmul.f32 v21, v21  }
0x3d1: {  	v18 =	vld [tilespmem:s11+$0x4100];
	v23 =	vmul.f32 v33, v33;
	v15 =	vadd.f32 $9.999999960e-13, v22;
	v22 =	vmul.f32 v36, v36  }
0x3d2: {  	v3 =	vsub.s32 $0x5F3759DF, v3;
	v10 =	vmul.f32 v6, v9;
	v9 =	vsub.f32 v2, v17  }
0x3d3: {  	v35 =	vmul.f32 v3, v8;
	v17 =	vmul.f32 $-5.000000000e-01, v15;
	v15 =	vshrl.u32 v15, $0x1  }
0x3d4: {  	v24 =	vld [tilespmem:s11+$0x4110];
	v14 =	vadd.f32 v23, v22;
	v15 =	vsub.s32 $0x5F3759DF, v15;
	v10 =	vadd.f32 $1.500000000e+00, v10  }
0x3d5: {  	v38 =	vld [tilespmem:s11+$0xC110];
	v27 =	vadd.f32 v16, v57;
	v2 =	vmul.f32 v3, v35;
	v16 =	vmul.f32 v15, v17  }
0x3d6: {  	v22 =	vld [tilespmem:s11+$0x4120];
	v5 =	vadd.f32 v5, v7;
	v57 =	vadd.f32 v19, v18;
	v6 =	vmul.f32 v6, v10  }
0x3d7: {  	v10 =	vadd.f32 v12, v11;
	v2 =	vadd.f32 $1.500000000e+00, v2;
	v11 =	vld [tilespmem:s11+$0xC120];
	v7 =	vmul.f32 v15, v16  }
0x3d8: {  	v18 =	vmul.f32 v31, v31;
	v35 =	vld [tilespmem:s11+$0xC130];
	v39 =	vadd.f32 v27, v31;
	v19 =	vmul.f32 v27, v27  }
0x3d9: {  	v16 =	vld [tilespmem:s11+$0x4130];
	v2 =	vmul.f32 v3, v2;
	v3 =	vadd.f32 v33, v36;
	v7 =	vadd.f32 $1.500000000e+00, v7  }
0x3da: {  	v25 =	vadd.f32 v38, v24;
	v34 =	vld [tilespmem:s11+$0xC140];
	v38 =	vmul.f32 v6, v13;
	v0 =	vadd.f32 v10, v0  }
0x3db: {  	v12 =	vld [tilespmem:s11+$0xC170];
	v3 =	vadd.f32 v39, v3;
	v7 =	vmul.f32 v15, v7;
	v39 =	vadd.f32 v19, v18  }
0x3dc: {  	v8 =	vmul.f32 v2, v8;
	v18 =	vmul.f32 v25, v25;
	v24 =	vadd.f32 v11, v22;
	v11 =	vld [tilespmem:s11+$0x4140]  }
0x3dd: {  	v15 =	vld [tilespmem:s11+$0x4150];
	v1 =	vadd.f32 v3, v1;
	v3 =	vmul.f32 v38, v6;
	v38 =	vmul.f32 v57, v57  }
0x3de: {  	v19 =	vld [tilespmem:s11+$0x4160];
	v23 =	vadd.f32 v35, v16;
	v8 =	vmul.f32 v8, v2;
	v16 =	vmul.f32 v7, v17  }
0x3df: {  	v13 =	vadd.f32 v39, v14;
	v17 =	vld [tilespmem:s11+$0xC150];
	v14 =	vadd.f32 v18, v38;
	v18 =	vperm.xlane v4, v51  }
0x3e0: {  	v39 =	vadd.f32 v23, v24;
	v8 =	vadd.f32 $1.500000000e+00, v8;
	v10 =	vmul.f32 v16, v7;
	v16 =	vld [tilespmem:s11+$0xC160]  }
0x3e1: {  	v35 =	vmul.f32 v23, v23;
	v22 =	vadd.f32 v34, v11;
	v11 =	vadd.f32 v4, v18;
	v4 =	vld [tilespmem:s11+$0x4170]  }
0x3e2: {  	v3 =	vadd.f32 $1.500000000e+00, v3;
	v13 =	vadd.f32 v13, v5;
	v2 =	vmul.f32 v8, v2  }
0x3e3: {  	v8 =	vadd.f32 $1.500000000e+00, v10;
	v10 =	vadd.f32 v25, v57;
	v18 =	vmul.f32 v24, v24  }
0x3e4: {  	v3 =	vmul.f32 v3, v6;
	v6 =	vadd.f32 v17, v15;
	v15 =	vperm.xlane v1, v51  }
0x3e5: {  	v17 =	vmul.f32 v8, v7;
	v8 =	vadd.f32 v39, v10;
	v10 =	vadd.f32 v35, v18  }
0x3e6: {  	v39 =	vmul.f32 v3, v40;
	v7 =	vadd.f32 v16, v19;
	v5 =	vadd.f32 v12, v4  }
0x3e7: {  	v40 =	vmul.f32 v22, v22;
	v1 =	vadd.f32 v1, v15;
	v15 =	vmul.f32 v6, v6  }
0x3e8: {  	v16 =	vadd.f32 v6, v22;
	v18 =	vadd.f32 v5, v7  }
0x3e9: {  	v38 =	vmul.f32 v3, v41;
	v12 =	vadd.f32 v15, v40  }
0x3ea: {  	v34 =	vmul.f32 v7, v7;
	v15 =	vmul.f32 v5, v5;
	v16 =	vadd.f32 v18, v16  }
0x3eb: {  	v41 =	vmul.f32 v3, v45;
	v10 =	vadd.f32 v10, v14;
	v4 =	vmul.f32 v3, v44  }
0x3ec: {  	v40 =	vmul.f32 v3, v49;
	v14 =	vadd.f32 v15, v34;
	v8 =	vadd.f32 v16, v8  }
0x3ed: {  	[tilespmem:$0x1F880] =	vst v4;
	v4 =	vmul.f32 v3, v42;
	v42 =	vmul.f32 v3, v48  }
0x3ee: {  	v34 =	vmul.f32 v3, v46;
	v3 =	vadd.f32 v14, v12;
	v46 =	vperm.xlane v8, v51  }
0x3ef: {  	[tilespmem:$0x1F890] =	vst v4;
	v4 =	vld [tilespmem:$0x1F6C0]  }
0x3f0: {  	v3 =	vadd.f32 v3, v10;
	v10 =	vperm.xlane v1, v54;
	v8 =	vadd.f32 v8, v46  }
0x3f1: {  	v44 =	vperm.xlane v13, v51;
	v15 =	vperm.xlane v0, v51  }
0x3f2: {  	v1 =	vadd.f32 v1, v10;
	v10 =	vperm.xlane v3, v51;
	v51 =	vperm.xlane v8, v54;
	_ =	sdelay $0x1  }
0x3f3: {  	v45 =	vadd.f32 v44, v13;
	v13 =	vadd.f32 v8, v51;
	v8 =	vmul.f32 v2, v4;
	v4 =	vld [tilespmem:$0x1F6D0];
	_ =	sdelay $0x2  }
0x3f4: {  	v35 =	vperm.xlane v11, v54;
	_ =	sdelay $0x1  }
0x3f5: {  	v11 =	vadd.f32 v11, v35;
	v35 =	vmul.f32 v2, v4;
	v4 =	vld [tilespmem:$0x1F6E0];
	_ =	sdelay $0x4  }
0x3f6: {  	v4 =	vmul.f32 v2, v4;
	_ =	sdelay $0x1  }
0x3f7: {  	[tilespmem:$0x1F8A0] =	vst v4;
	v4 =	vld [tilespmem:$0x1F6F0];
	_ =	sdelay $0x4  }
0x3f8: {  	v4 =	vmul.f32 v2, v4;
	_ =	sdelay $0x1  }
0x3f9: {  	[tilespmem:$0x1F8B0] =	vst v4;
	v4 =	vld [tilespmem:$0x1F700];
	_ =	sdelay $0x4  }
0x3fa: {  	v4 =	vmul.f32 v2, v4;
	_ =	sdelay $0x1  }
0x3fb: {  	[tilespmem:$0x1F8C0] =	vst v4;
	v4 =	vld [tilespmem:$0x1F710];
	_ =	sdelay $0x4  }
0x3fc: {  	v51 =	vmul.f32 v2, v4;
	v4 =	vld [tilespmem:$0x1F720];
	_ =	sdelay $0x2  }
0x3fd: {  	v49 =	vperm.xlane v11, v43;
	_ =	sdelay $0x1  }
0x3fe: {  	v11 =	vadd.f32 v11, v49;
	v49 =	vmul.f32 v2, v4;
	v4 =	vld [tilespmem:$0x1F730];
	_ =	sdelay $0x4  }
0x3ff: {  	v2 =	vmul.f32 v2, v4;
	v4 =	vld [tilespmem:$0x1F740];
	_ =	sdelay $0x4  }
0x400: {  	v4 =	vmul.f32 v17, v4;
	_ =	sdelay $0x1  }
0x401: {  	[tilespmem:$0x1F8E0] =	vst v4;
	v4 =	vld [tilespmem:$0x1F750];
	_ =	sdelay $0x2  }
0x402: {  	v44 =	vperm.xlane v13, v43;
	_ =	sdelay $0x1  }
0x403: {  	v13 =	vadd.f32 v13, v44;
	v44 =	vmul.f32 v17, v4;
	v4 =	vld [tilespmem:$0x1F760];
	_ =	sdelay $0x4  }
0x404: {  	v4 =	vmul.f32 v17, v4;
	_ =	sdelay $0x1  }
0x405: {  	[tilespmem:$0x1F8F0] =	vst v4;
	v4 =	vld [tilespmem:$0x1F770];
	_ =	sdelay $0x4  }
0x406: {  	v4 =	vmul.f32 v17, v4;
	_ =	sdelay $0x1  }
0x407: {  	[tilespmem:$0x1F900] =	vst v4;
	v4 =	vld [tilespmem:$0x1F780];
	_ =	sdelay $0x4  }
0x408: {  	v4 =	vmul.f32 v17, v4;
	_ =	sdelay $0x1  }
0x409: {  	[tilespmem:$0x1F910] =	vst v4;
	v4 =	vld [tilespmem:$0x1F790];
	_ =	sdelay $0x4  }
0x40a: {  	v4 =	vmul.f32 v17, v4;
	_ =	sdelay $0x1  }
0x40b: {  	[tilespmem:$0x1F920] =	vst v4;
	v4 =	vmul.f32 v17, v30;
	_ =	sdelay $0x1  }
0x40c: {  	[tilespmem:$0x1F930] =	vst v4;
	v4 =	vld [tilespmem:$0x1F7A0];
	_ =	sdelay $0x4  }
0x40d: {  	v4 =	vmul.f32 v17, v4;
	_ =	sdelay $0x1  }
0x40e: {  	[tilespmem:$0x1F940] =	vst v4;
	v4 =	vld [tilespmem:$0x1F7B0]  }
0x40f: {  	v48 =	vperm.xlane v45, v54;
	v0 =	vadd.f32 v15, v0  }
0x410: {  	v3 =	vadd.f32 v10, v3;
	v10 =	vperm.xlane v1, v43  }
0x411: {  	v12 =	vadd.f32 v48, v45;
	v15 =	vperm.xlane v0, v54  }
0x412: {  	v1 =	vadd.f32 v1, v10;
	v10 =	vperm.xlane v3, v54  }
0x413: {  	v0 =	vadd.f32 v15, v0;
	v54 =	vperm.xlane v12, v43;
	v16 =	vsub.f32 v4, v28;
	v4 =	vld [tilespmem:$0x1F7C0]  }
0x414: {  	v3 =	vadd.f32 v10, v3;
	v10 =	vperm.xlane v11, v47  }
0x415: {  	v15 =	vperm.xlane v0, v43;
	v12 =	vadd.f32 v54, v12;
	v45 =	vperm.xlane v1, v47  }
0x416: {  	v9 =	vadd.f32 $9.999999960e-13, v9;
	v10 =	vadd.f32 v11, v10;
	v11 =	vperm.xlane v3, v43  }
0x417: {  	v0 =	vadd.f32 v15, v0;
	v1 =	vadd.f32 v1, v45;
	v46 =	vperm.xlane v12, v47  }
0x418: {  	v3 =	vadd.f32 v11, v3;
	v15 =	vperm.xlane v13, v47;
	v17 =	vsub.f32 v4, v28;
	v4 =	vld [tilespmem:$0x1F7D0]  }
0x419: {  	v48 =	vadd.f32 v46, v12;
	v46 =	vshrl.u32 v9, $0x1;
	v9 =	vmul.f32 $-5.000000000e-01, v9  }
0x41a: {  	v11 =	vperm.xlane v0, v47;
	v54 =	vadd.f32 v13, v15;
	v13 =	vsub.s32 $0x5F3759DF, v46  }
0x41b: {  	v14 =	vsub.f32 v60, v28;
	v15 =	vmul.f32 v13, v9  }
0x41c: {  	v1 =	vmul.f32 $7.812500000e-03, v1;
	v0 =	vadd.f32 v11, v0;
	v11 =	vperm.xlane v3, v47;
	v47 =	vld [tilespmem:$0x1F7F0]  }
0x41d: {  	v10 =	vmul.f32 $7.812500000e-03, v10;
	v15 =	vmul.f32 v13, v15;
	v18 =	vsub.f32 v4, v28;
	v4 =	vld [tilespmem:$0x1F7E0]  }
0x41e: {  	v45 =	vmul.f32 v1, v1;
	v3 =	vadd.f32 v11, v3;
	v12 =	vmul.f32 $7.812500000e-03, v54  }
0x41f: {  	v32 =	vsub.f32 v32, v1;
	v15 =	vadd.f32 $1.500000000e+00, v15;
	[tilespmem:$0x1F8D0] =	vst v2;
	v2 =	vmul.f32 $7.812500000e-03, v48  }
0x420: {  	v11 =	vsub.f32 v56, v28;
	v3 =	vmul.f32 $7.812500000e-03, v3;
	v25 =	vsub.f32 v25, v12  }
0x421: {  	v60 =	vsub.f32 v47, v28;
	v13 =	vmul.f32 v13, v15;
	v15 =	vsub.f32 v2, v45  }
0x422: {  	v48 =	vmul.f32 v10, v10;
	v19 =	vsub.f32 v4, v28;
	v4 =	vmul.f32 $7.812500000e-03, v0  }
0x423: {  	v47 =	vmul.f32 v12, v12;
	v9 =	vmul.f32 v13, v9;
	v15 =	vadd.f32 $9.999999960e-13, v15  }
0x424: {  	v24 =	vsub.f32 v24, v12;
	v4 =	vsub.f32 v4, v48  }
0x425: {  	v46 =	vld [tilespmem:$0x1F800];
	v3 =	vsub.f32 v3, v47;
	v9 =	vmul.f32 v9, v13;
	v43 =	vshrl.u32 v15, $0x1  }
0x426: {  	v15 =	vmul.f32 $-5.000000000e-01, v15;
	v47 =	vsub.s32 $0x5F3759DF, v43;
	v4 =	vadd.f32 $9.999999960e-13, v4  }
0x427: {  	v30 =	vsub.f32 v26, v10;
	v54 =	vmul.f32 v20, v16;
	v48 =	vmul.f32 v20, v14  }
0x428: {  	v14 =	vmul.f32 v20, v18;
	v18 =	vshrl.u32 v4, $0x1;
	v4 =	vmul.f32 $-5.000000000e-01, v4  }
0x429: {  	v26 =	vsub.f32 v58, v10;
	v58 =	vsub.f32 v55, v10;
	v18 =	vsub.s32 $0x5F3759DF, v18  }
0x42a: {  	v16 =	vsub.f32 v50, v10;
	[tilespmem:$0x1F960] =	vst v54;
	v28 =	vsub.f32 v46, v28;
	v46 =	vmul.f32 v18, v4  }
0x42b: {  	v50 =	vsub.f32 v59, v10;
	v54 =	vmul.f32 v47, v15;
	[tilespmem:$0x1F980] =	vst v14;
	v14 =	vsub.f32 v29, v10  }
0x42c: {  	v29 =	vsub.f32 v52, v10;
	v10 =	vsub.f32 v61, v10;
	v61 =	vmul.f32 v18, v46  }
0x42d: {  	v3 =	vadd.f32 $9.999999960e-13, v3;
	v9 =	vadd.f32 $1.500000000e+00, v9;
	v43 =	vmul.f32 v20, v60  }
0x42e: {  	v0 =	vmul.f32 v47, v54;
	v45 =	vmul.f32 v20, v28;
	v28 =	vadd.f32 $1.500000000e+00, v61  }
0x42f: {  	v56 =	vmul.f32 v20, v17;
	v46 =	vshrl.u32 v3, $0x1;
	v3 =	vmul.f32 $-5.000000000e-01, v3  }
0x430: {  	[tilespmem:$0x1F9A0] =	vst v43;
	v0 =	vadd.f32 $1.500000000e+00, v0;
	v18 =	vmul.f32 v18, v28;
	v28 =	vsub.s32 $0x5F3759DF, v46  }
0x431: {  	v60 =	vsub.f32 v63, v1;
	v43 =	vsub.f32 v27, v1;
	[tilespmem:$0x1F950] =	vst v48;
	v48 =	vmul.f32 v28, v3  }
0x432: {  	v55 =	vsub.f32 v6, v12;
	[tilespmem:$0x1F970] =	vst v56;
	v56 =	vmul.f32 v20, v19;
	v0 =	vmul.f32 v47, v0  }
0x433: {  	v47 =	vsub.f32 v53, v1;
	v53 =	vmul.f32 v28, v48;
	v48 =	vsub.f32 v57, v12;
	v57 =	vld [tilespmem:$0x1F810]  }
0x434: {  	v59 =	vsub.f32 v62, v1;
	v54 =	vsub.f32 v5, v12;
	[tilespmem:$0x1F990] =	vst v56;
	v56 =	vmul.f32 v0, v15  }
0x435: {  	v63 =	vld [tilespmem:$0x1F830];
	[tilespmem:$0x1F9B0] =	vst v45;
	v45 =	vsub.f32 v31, v1;
	v31 =	vmul.f32 v9, v13;
	v52 =	vsub.f32 v22, v12  }
0x436: {  	v13 =	vmul.f32 v56, v0;
	v56 =	vsub.f32 v7, v12;
	v61 =	vsub.f32 v36, v1  }
0x437: {  	v9 =	vadd.f32 $1.500000000e+00, v53;
	v53 =	vsub.f32 v23, v12;
	v12 =	vld [tilespmem:$0x1F840]  }
0x438: {  	v2 =	vld [tilespmem:$0x1FF70];
	v46 =	vsub.f32 v33, v1;
	v4 =	vmul.f32 v18, v4;
	v1 =	vsub.f32 v57, v21  }
0x439: {  	v62 =	vld [tilespmem:$0x1F820]  }
0x43a: {  	v17 =	vld [tilespmem:$0x1FF80];
	v4 =	vmul.f32 v4, v18;
	[tilespmem:$0x1F9C0] =	vst v1;
	v1 =	vsub.f32 v63, v21  }
0x43b: {  	v7 =	vld [tilespmem:$0x1FEC0]  }
0x43c: {  	v36 =	vld [tilespmem:$0x1F870];
	v4 =	vadd.f32 $1.500000000e+00, v4;
	[tilespmem:$0x1F9D0] =	vst v1;
	v1 =	vsub.f32 v12, v21  }
0x43d: {  	v33 =	vld [tilespmem:$0x1F860];
	v9 =	vmul.f32 v28, v9  }
0x43e: {  	v6 =	vmul.f32 v4, v18;
	v4 =	vadd.f32 $1.500000000e+00, v13;
	[tilespmem:$0x1F9E0] =	vst v1;
	v1 =	vld [tilespmem:$0x1FF20]  }
0x43f: {  	v11 =	vmul.f32 v20, v11;
	v13 =	vld [tilespmem:$0x1F850];
	v3 =	vmul.f32 v9, v3  }
0x440: {  	v0 =	vmul.f32 v4, v0;
	v63 =	vld [tilespmem:$0x1FED0]  }
0x441: {  	v4 =	vmul.f32 v11, v2;
	v11 =	vld [tilespmem:$0x1F880];
	v3 =	vmul.f32 v3, v9  }
0x442: {  	v5 =	vmul.f32 v39, v7  }
0x443: {  	v3 =	vadd.f32 $1.500000000e+00, v3;
	v4 =	vadd.f32 v4, v1  }
0x444: {  	v62 =	vsub.f32 v62, v21;
	v22 =	vld [tilespmem:$0x1FF30];
	v5 =	vadd.f32 v5, v17  }
0x445: {  	v36 =	vsub.f32 v36, v21;
	v23 =	vsub.f32 v37, v21;
	v3 =	vmul.f32 v3, v9;
	v9 =	vld [tilespmem:$0x1F890];
	[tilespmem:s10+$0x141F0] =	vst v4  }
0x446: {  	v37 =	vsub.f32 v33, v21;
	v39 =	vsub.f32 v13, v21;
	v21 =	vmul.f32 v11, v63;
	v11 =	vld [tilespmem:$0x1FF40]  }
0x447: {  	v57 =	vld [tilespmem:$0x1FEE0]  }
0x448: {  	v19 =	vld [tilespmem:$0x1FF90];
	[tilespmem:s10+$0x14000] =	vst v5  }
0x449: {  	v18 =	vld [tilespmem:$0x1FFA0];
	_ =	sdelay $0x2  }
0x44a: {  	v9 =	vmul.f32 v9, v22  }
0x44b: {  	v21 =	vadd.f32 v21, v19  }
0x44c: {  	v12 =	vld [tilespmem:$0x1FF50];
	v5 =	vadd.f32 v9, v18  }
0x44d: {  	v15 =	vld [tilespmem:$0x1FF60];
	[tilespmem:s10+$0x14010] =	vst v21  }
0x44e: {  	v33 =	vld [tilespmem:$0x1FEF0];
	[tilespmem:s10+$0x14020] =	vst v5  }
0x44f: {  	v20 =	vld [tilespmem:$0x1FF00];
	_ =	sdelay $0x1  }
0x450: {  	v4 =	vmul.f32 v42, v11  }
0x451: {  	v27 =	vmul.f32 v34, v57  }
0x452: {  	v4 =	vadd.f32 v4, v33  }
0x453: {  	v27 =	vadd.f32 v27, v20  }
0x454: {  	[tilespmem:s10+$0x14030] =	vst v4  }
0x455: {  	v21 =	vld [tilespmem:$0x1FFB0];
	[tilespmem:s10+$0x14040] =	vst v27  }
0x456: {  	v9 =	vmul.f32 v41, v2;
	v41 =	vmul.f32 v6, v26;
	v26 =	vld [tilespmem:$0x1FF10];
	_ =	sdelay $0x1  }
0x457: {  	v28 =	vmul.f32 v40, v12  }
0x458: {  	v38 =	vmul.f32 v38, v15  }
0x459: {  	v8 =	vmul.f32 v8, v7;
	v4 =	vadd.f32 v28, v21  }
0x45a: {  	v13 =	vmul.f32 v35, v63;
	v5 =	vmul.f32 v6, v14;
	v14 =	vadd.f32 v38, v26  }
0x45b: {  	v35 =	vmul.f32 v6, v50;
	v42 =	vmul.f32 v6, v58;
	[tilespmem:s10+$0x14050] =	vst v4  }
0x45c: {  	v34 =	vmul.f32 v6, v10;
	v40 =	vmul.f32 v6, v30;
	[tilespmem:s10+$0x14060] =	vst v14  }
0x45d: {  	v9 =	vadd.f32 v9, v1;
	v38 =	vmul.f32 v6, v29;
	v4 =	vmul.f32 v6, v16;
	v6 =	vld [tilespmem:$0x1F8A0];
	_ =	sdelay $0x1  }
0x45e: {  	v8 =	vadd.f32 v8, v17;
	[tilespmem:s10+$0x14070] =	vst v9  }
0x45f: {  	v58 =	vadd.f32 v13, v19;
	v9 =	vld [tilespmem:$0x1F8B0]  }
0x460: {  	v10 =	vld [tilespmem:$0x1F8C0];
	[tilespmem:s10+$0x14080] =	vst v8  }
0x461: {  	[tilespmem:s10+$0x14090] =	vst v58;
	v6 =	vmul.f32 v6, v22  }
0x462: {  	v16 =	vmul.f32 v49, v15;
	v49 =	vld [tilespmem:$0x1F8D0]  }
0x463: {  	v6 =	vadd.f32 v6, v18  }
0x464: {  	v9 =	vmul.f32 v9, v11  }
0x465: {  	v8 =	vmul.f32 v51, v12;
	[tilespmem:s10+$0x140A0] =	vst v6  }
0x466: {  	v10 =	vmul.f32 v10, v57;
	v9 =	vadd.f32 v9, v33;
	v58 =	vld [tilespmem:$0x1F8E0]  }
0x467: {  	v50 =	vmul.f32 v31, v23;
	v8 =	vadd.f32 v8, v21;
	v14 =	vmul.f32 v49, v2  }
0x468: {  	v51 =	vmov v63;
	v63 =	vmov v1;
	v6 =	vadd.f32 v10, v20;
	[tilespmem:s10+$0x140B0] =	vst v9  }
0x469: {  	v9 =	vmul.f32 v50, v2;
	[tilespmem:s10+$0x140D0] =	vst v8;
	v8 =	vadd.f32 v14, v63  }
0x46a: {  	[tilespmem:s10+$0x140C0] =	vst v6;
	v6 =	vadd.f32 v16, v26  }
0x46b: {  	v9 =	vadd.f32 v9, v63;
	[tilespmem:s10+$0x140F0] =	vst v8;
	v1 =	vmul.f32 v58, v7  }
0x46c: {  	[tilespmem:s10+$0x140E0] =	vst v6  }
0x46d: {  	v30 =	vmul.f32 v0, v45;
	v45 =	vld [tilespmem:$0x1F8F0];
	[tilespmem:s11+$0x141F0] =	vst v9;
	v1 =	vadd.f32 v1, v17  }
0x46e: {  	v32 =	vmul.f32 v0, v32;
	v8 =	vld [tilespmem:$0x1F900]  }
0x46f: {  	v29 =	vmul.f32 v0, v43;
	v23 =	vmul.f32 v44, v51;
	v9 =	vld [tilespmem:$0x1F910];
	[tilespmem:s10+$0x14100] =	vst v1  }
0x470: {  	v44 =	vmul.f32 v0, v59;
	v49 =	vmul.f32 v0, v47;
	v1 =	vld [tilespmem:$0x1F920]  }
0x471: {  	v47 =	vmul.f32 v0, v60;
	v10 =	vadd.f32 v23, v19;
	v6 =	vmul.f32 v0, v46;
	v46 =	vld [tilespmem:$0x1F930]  }
0x472: {  	v58 =	vmov v33;
	v33 =	vmul.f32 v0, v61;
	v0 =	vmul.f32 v45, v22  }
0x473: {  	v8 =	vmul.f32 v8, v11;
	[tilespmem:s10+$0x14110] =	vst v10  }
0x474: {  	v9 =	vmul.f32 v9, v57;
	v0 =	vadd.f32 v0, v18;
	v10 =	vld [tilespmem:$0x1F940]  }
0x475: {  	v50 =	vld [tilespmem:$0x1F950];
	v8 =	vadd.f32 v8, v58;
	v1 =	vmul.f32 v1, v12  }
0x476: {  	v9 =	vadd.f32 v9, v20;
	[tilespmem:s10+$0x14120] =	vst v0;
	v13 =	vmul.f32 v46, v15  }
0x477: {  	v27 =	vmul.f32 v3, v55;
	v28 =	vmul.f32 v3, v53;
	v0 =	vld [tilespmem:$0x1F960];
	[tilespmem:s10+$0x14130] =	vst v8;
	v1 =	vadd.f32 v1, v21  }
0x478: {  	v43 =	vmul.f32 v3, v52;
	[tilespmem:s10+$0x14140] =	vst v9;
	v46 =	vmul.f32 v3, v25;
	v8 =	vadd.f32 v13, v26  }
0x479: {  	v25 =	vmul.f32 v3, v54;
	v10 =	vmul.f32 v10, v2;
	[tilespmem:s10+$0x14150] =	vst v1  }
0x47a: {  	v2 =	vmul.f32 v50, v7;
	v50 =	vmul.f32 v3, v48;
	[tilespmem:s10+$0x14160] =	vst v8  }
0x47b: {  	v59 =	vmov v26;
	v48 =	vmul.f32 v3, v24;
	v26 =	vmul.f32 v3, v56;
	v3 =	vld [tilespmem:$0x1F970];
	_ =	sdelay $0x1  }
0x47c: {  	v53 =	vadd.f32 v10, v63;
	_ =	sdelay $0x1  }
0x47d: {  	v2 =	vadd.f32 v2, v17;
	v0 =	vmul.f32 v0, v51;
	[tilespmem:s10+$0x14170] =	vst v53  }
0x47e: {  	v1 =	vld [tilespmem:$0x1F980];
	v3 =	vmul.f32 v3, v22  }
0x47f: {  	v7 =	vld [tilespmem:$0x1F990];
	v0 =	vadd.f32 v0, v19;
	[tilespmem:s10+$0x14180] =	vst v2  }
0x480: {  	v2 =	vld [tilespmem:$0x1F9A0];
	v60 =	vadd.f32 v3, v18  }
0x481: {  	v56 =	vld [tilespmem:$0x1F9B0];
	[tilespmem:s10+$0x14190] =	vst v0  }
0x482: {  	v0 =	vld [tilespmem:$0x1F9C0];
	[tilespmem:s10+$0x141A0] =	vst v60  }
0x483: {  	v61 =	vld [tilespmem:$0x1F9D0]  }
0x484: {  	v23 =	vmul.f32 v31, v62;
	v62 =	vld [tilespmem:$0x1F9E0];
	_ =	sdelay $0x1  }
0x485: {  	v1 =	vmul.f32 v1, v11  }
0x486: {  	v9 =	vmul.f32 v7, v57;
	v11 =	vmul.f32 v2, v12  }
0x487: {  	v10 =	vmul.f32 v56, v15;
	v8 =	vadd.f32 v1, v58;
	v7 =	vmul.f32 v31, v0  }
0x488: {  	s12 =	simm.s32 $0x4;
	s9 =	simm.s32 $0x1000;
	v18 =	vmovc v21;
	v9 =	vadd.f32 v9, v20;
	v45 =	vmul.f32 v31, v61;
	v24 =	vmul.f32 v31, v62  }
.LBB2_7:
0x489: {  	v55 =	vld [tilespmem:$0x1FEC0]  }
0x48a: {  	v21 =	vld [tilespmem:$0x1FF30]  }
0x48b: {  	v22 =	vld [tilespmem:$0x1FF40]  }
0x48c: {  	v1 =	vmul.f32 v31, v37;
	v37 =	vld [tilespmem:$0x1FF60]  }
0x48d: {  	v56 =	vld [tilespmem:$0x1FFA0]  }
0x48e: {  	s19 =	sshra.s32 s9, $0x2;
	[tilespmem:s10+$0x141B0] =	vst v8;
	v8 =	vmul.f32 v31, v36;
	v36 =	vld [tilespmem:$0x1FF50]  }
0x48f: {  	v3 =	vld [tilespmem:s19+$0x4180];
	[tilespmem:s10+$0x141C0] =	vst v9;
	v2 =	vadd.f32 v11, v18  }
0x490: {  	v9 =	vadd.f32 v10, v59;
	v10 =	vld [tilespmem:s19+$0xC180];
	v11 =	vmul.f32 v40, v51  }
0x491: {  	v5 =	vmul.f32 v5, v55;
	v15 =	vmul.f32 v35, v37;
	v35 =	vld [tilespmem:$0x1FF70];
	[tilespmem:s10+$0x141D0] =	vst v2  }
0x492: {  	v13 =	vmul.f32 v38, v22;
	v11 =	vadd.f32 v11, v19;
	v2 =	vld [tilespmem:s19+$0x4190];
	[tilespmem:s10+$0x141E0] =	vst v9;
	s10 =	smov.u32 s11;
	s11 =	smov.u32 s19  }
0x493: {  	v12 =	vmul.f32 v41, v21;
	v5 =	vadd.f32 v5, v17;
	v9 =	vld [tilespmem:s11+$0xC190]  }
0x494: {  	v16 =	vld [tilespmem:s11+$0x41A0];
	[tilespmem:s10+$0x14010] =	vst v11;
	v11 =	vadd.f32 v13, v58  }
0x495: {  	v14 =	vmul.f32 v42, v57;
	v18 =	vld [tilespmem:s11+$0xC1A0];
	[tilespmem:s10+$0x14000] =	vst v5;
	v5 =	vadd.f32 v12, v56  }
0x496: {  	[tilespmem:s10+$0x14030] =	vst v11;
	v11 =	vld [tilespmem:$0x1FFB0]  }
0x497: {  	v0 =	vmul.f32 v31, v39;
	v31 =	vld [tilespmem:s11+$0x41B0];
	[tilespmem:s10+$0x14020] =	vst v5;
	v5 =	vadd.f32 v14, v20  }
0x498: {  	v19 =	vmul.f32 v47, v21;
	v47 =	vld [tilespmem:s11+$0xC1B0]  }
0x499: {  	v4 =	vmul.f32 v4, v36;
	v17 =	vmul.f32 v49, v55;
	v49 =	vld [tilespmem:s11+$0x41C0];
	[tilespmem:s10+$0x14040] =	vst v5;
	v5 =	vadd.f32 v15, v59  }
0x49a: {  	v7 =	vmul.f32 v7, v55;
	v52 =	vld [tilespmem:s11+$0x41D0]  }
0x49b: {  	v60 =	vmul.f32 v34, v35;
	v4 =	vadd.f32 v4, v11;
	[tilespmem:s10+$0x14060] =	vst v5;
	v5 =	vld [tilespmem:$0x1FF80]  }
0x49c: {  	[tilespmem:$0x1F660] =	vst v7;
	v53 =	vld [tilespmem:s11+$0x41E0]  }
0x49d: {  	v7 =	vld [tilespmem:s11+$0xC1E0];
	[tilespmem:s10+$0x14050] =	vst v4;
	v4 =	vadd.f32 v60, v63  }
0x49e: {  	v34 =	vmul.f32 v50, v55;
	v50 =	vld [tilespmem:s11+$0xC1C0]  }
0x49f: {  	[tilespmem:s10+$0x14070] =	vst v4;
	v4 =	vld [tilespmem:$0x1FF90]  }
0x4a0: {  	v54 =	vmul.f32 v23, v51;
	v6 =	vmul.f32 v6, v36;
	v5 =	vadd.f32 v17, v5;
	v17 =	vld [tilespmem:s11+$0xC1D0]  }
0x4a1: {  	v1 =	vmul.f32 v1, v36;
	v20 =	vmul.f32 v33, v57;
	v60 =	vld [tilespmem:s11+$0x4000]  }
0x4a2: {  	v11 =	vmul.f32 v30, v37;
	v30 =	vmul.f32 v27, v36;
	v36 =	vadd.f32 v10, v3;
	v3 =	vld [tilespmem:s11+$0xC010]  }
0x4a3: {  	v33 =	vmul.f32 v28, v22;
	v28 =	vmul.f32 v43, v57;
	v43 =	vld [tilespmem:s11+$0xC030]  }
0x4a4: {  	v15 =	vmul.f32 v29, v35;
	v29 =	vmul.f32 v46, v51;
	v46 =	vld [tilespmem:s11+$0x4040]  }
0x4a5: {  	v39 =	vadd.f32 v18, v16;
	v18 =	vld [tilespmem:s11+$0xC040]  }
0x4a6: {  	v61 =	vmul.f32 v44, v51;
	[tilespmem:$0x1F670] =	vst v54;
	v40 =	vadd.f32 v47, v31;
	v47 =	vld [tilespmem:s11+$0x4050]  }
0x4a7: {  	v62 =	vmul.f32 v32, v22;
	v54 =	vld [tilespmem:s11+$0xC050];
	[tilespmem:s10+$0x14080] =	vst v5;
	v5 =	vadd.f32 v19, v56  }
0x4a8: {  	v19 =	vmul.f32 v25, v35;
	v25 =	vmul.f32 v8, v37;
	v8 =	vld [tilespmem:s11+$0xC000];
	v4 =	vadd.f32 v61, v4  }
0x4a9: {  	[tilespmem:s10+$0x140A0] =	vst v5;
	v5 =	vld [tilespmem:$0x1FF00]  }
0x4aa: {  	v27 =	vmul.f32 v26, v37;
	v37 =	vadd.f32 v9, v2;
	v9 =	vld [tilespmem:s11+$0x4030];
	[tilespmem:s10+$0x14090] =	vst v4;
	v4 =	vadd.f32 v62, v58  }
0x4ab: {  	v26 =	vmov v56;
	v56 =	vld [tilespmem:s11+$0x41F0]  }
0x4ac: {  	v32 =	vmul.f32 v48, v21;
	v41 =	vadd.f32 v50, v49;
	v38 =	vadd.f32 v17, v52;
	[tilespmem:s10+$0x140B0] =	vst v4;
	v4 =	vld [tilespmem:$0x1FFB0]  }
0x4ad: {  	v55 =	vmul.f32 v45, v21;
	v42 =	vadd.f32 v7, v53;
	v44 =	vadd.f32 v54, v47;
	v58 =	vld [tilespmem:s11+$0xC1F0]  }
0x4ae: {  	v16 =	vmul.f32 v41, v41;
	v61 =	vld [tilespmem:s11+$0x4010];
	v10 =	vadd.f32 v38, v41;
	v5 =	vadd.f32 v20, v5  }
0x4af: {  	v23 =	vld [tilespmem:$0x1FFC0];
	v45 =	vadd.f32 v8, v60;
	v8 =	vmul.f32 v38, v38;
	v48 =	vadd.f32 v43, v9  }
0x4b0: {  	v0 =	vmul.f32 v0, v57;
	v21 =	vld [tilespmem:$0x1FFE0];
	v43 =	vadd.f32 v18, v46;
	[tilespmem:s10+$0x140C0] =	vst v5;
	v5 =	vadd.f32 v11, v59  }
0x4b1: {  	v7 =	vmul.f32 v36, v36;
	[tilespmem:$0x1F650] =	vst v19;
	v62 =	vld [tilespmem:s11+$0xC020];
	v8 =	vadd.f32 v8, v16;
	v4 =	vadd.f32 v6, v4  }
0x4b2: {  	v19 =	vmul.f32 v24, v22;
	v57 =	vadd.f32 v58, v56;
	v56 =	vld [tilespmem:s11+$0x4070];
	v6 =	vadd.f32 v15, v63;
	[tilespmem:s10+$0x140E0] =	vst v5  }
0x4b3: {  	v17 =	vmul.f32 v42, v42;
	v49 =	vadd.f32 v3, v61;
	v58 =	vld [tilespmem:s11+$0xC070];
	v5 =	vadd.f32 v37, v36;
	[tilespmem:s10+$0x140D0] =	vst v4  }
0x4b4: {  	v11 =	vmul.f32 v37, v37;
	v14 =	vadd.f32 v57, v42;
	[tilespmem:s10+$0x140F0] =	vst v6;
	v4 =	vld [tilespmem:s11+$0x4020];
	v6 =	vadd.f32 v40, v39  }
0x4b5: {  	[tilespmem:$0x1F690] =	vst v55;
	v55 =	vld [tilespmem:s11+$0x4060];
	v60 =	vadd.f32 v44, v43;
	v63 =	vmul.f32 v39, v39;
	v15 =	vmul.f32 v40, v40  }
0x4b6: {  	v61 =	vld [tilespmem:s11+$0x4090];
	v5 =	vadd.f32 v6, v5;
	v6 =	vadd.f32 v14, v10;
	v10 =	vmul.f32 v57, v57  }
0x4b7: {  	[tilespmem:$0x1F6A0] =	vst v19;
	v19 =	vmul.f32 v45, v45;
	v7 =	vadd.f32 v11, v7;
	v11 =	vadd.f32 v15, v63;
	v15 =	vld [tilespmem:s11+$0xC090]  }
0x4b8: {  	v20 =	vmul.f32 v48, v48;
	v59 =	vld [tilespmem:s11+$0xC080];
	v50 =	vadd.f32 v58, v56;
	v10 =	vadd.f32 v10, v17  }
0x4b9: {  	v63 =	vmul.f32 v44, v44;
	v3 =	vadd.f32 v6, v5;
	v5 =	vld [tilespmem:s11+$0xC060];
	v51 =	vadd.f32 v62, v4  }
0x4ba: {  	v6 =	vadd.f32 v11, v7;
	v4 =	vmul.f32 v49, v49;
	v7 =	vadd.f32 v10, v8;
	v10 =	vld [tilespmem:s11+$0x4080]  }
0x4bb: {  	v22 =	vld [tilespmem:$0x1FFD0];
	v18 =	vmul.f32 v50, v50;
	v8 =	vadd.f32 v49, v45;
	v11 =	vadd.f32 v48, v51  }
0x4bc: {  	v58 =	vld [tilespmem:s11+$0xC0B0];
	v53 =	vadd.f32 v15, v61;
	v9 =	vmul.f32 v51, v51;
	v4 =	vadd.f32 v4, v19  }
0x4bd: {  	v6 =	vadd.f32 v7, v6;
	v7 =	vperm.xlane v3, v23;
	v8 =	vadd.f32 v11, v8;
	v11 =	vld [tilespmem:s11+$0xC0A0]  }
0x4be: {  	v62 =	vmul.f32 v43, v43;
	v47 =	vadd.f32 v5, v55;
	v20 =	vadd.f32 v20, v9;
	v9 =	vld [tilespmem:s11+$0xC0C0]  }
0x4bf: {  	v3 =	vadd.f32 v3, v7;
	v7 =	vperm.xlane v6, v23;
	v52 =	vadd.f32 v59, v10;
	v10 =	vld [tilespmem:s11+$0x40B0]  }
0x4c0: {  	[tilespmem:$0x1F6B0] =	vst v0;
	v0 =	vadd.f32 v63, v62;
	v46 =	vmul.f32 v47, v47;
	v17 =	vadd.f32 v50, v47;
	v59 =	vld [tilespmem:s11+$0x40C0]  }
0x4c1: {  	v20 =	vadd.f32 v20, v4;
	v16 =	vperm.xlane v3, v22;
	v6 =	vadd.f32 v7, v6;
	v7 =	vld [tilespmem:s11+$0x40A0]  }
0x4c2: {  	v13 =	vld [tilespmem:s11+$0xC100];
	v2 =	vadd.f32 v17, v60;
	v15 =	vmul.f32 v52, v52;
	v17 =	vmul.f32 v53, v53  }
0x4c3: {  	[tilespmem:$0x1F680] =	vst v1;
	v5 =	vld [tilespmem:$0x1FFF0];
	v1 =	vadd.f32 v18, v46;
	v3 =	vadd.f32 v3, v16;
	v16 =	vperm.xlane v6, v22  }
0x4c4: {  	v60 =	vld [tilespmem:s11+$0xC0D0];
	v15 =	vadd.f32 v17, v15;
	v2 =	vadd.f32 v2, v8  }
0x4c5: {  	v8 =	vld [tilespmem:s11+$0xC0F0];
	v19 =	vperm.xlane v3, v21;
	v6 =	vadd.f32 v16, v6;
	v55 =	vadd.f32 v58, v10  }
0x4c6: {  	v56 =	vadd.f32 v9, v59;
	v9 =	vld [tilespmem:s11+$0x40F0];
	v54 =	vadd.f32 v11, v7  }
0x4c7: {  	v0 =	vadd.f32 v1, v0;
	v7 =	vld [tilespmem:s11+$0x40D0];
	v3 =	vadd.f32 v3, v19;
	v16 =	vperm.xlane v6, v21  }
0x4c8: {  	v10 =	vld [tilespmem:s11+$0x40E0];
	v11 =	vadd.f32 v53, v52;
	v18 =	vmul.f32 v55, v55;
	v61 =	vmul.f32 v54, v54  }
0x4c9: {  	v0 =	vadd.f32 v0, v20;
	v19 =	vperm.xlane v3, v5;
	v6 =	vadd.f32 v16, v6;
	v16 =	vld [tilespmem:s11+$0xC0E0]  }
0x4ca: {  	v4 =	vld [tilespmem:s11+$0xC110];
	v62 =	vadd.f32 v55, v54;
	v12 =	vadd.f32 v18, v61  }
0x4cb: {  	v1 =	vld [tilespmem:s11+$0xC120];
	v18 =	vperm.xlane v2, v23;
	v3 =	vadd.f32 v3, v19;
	v17 =	vperm.xlane v6, v5  }
0x4cc: {  	v58 =	vadd.f32 v60, v7;
	v7 =	vmul.f32 v56, v56;
	v60 =	vadd.f32 v8, v9;
	v9 =	vld [tilespmem:s11+$0x4120]  }
0x4cd: {  	v46 =	vmul.f32 $7.812500000e-03, v3;
	v3 =	vadd.f32 v17, v6;
	v6 =	vadd.f32 v62, v11;
	v11 =	vld [tilespmem:s11+$0x4100]  }
0x4ce: {  	v12 =	vadd.f32 v12, v15;
	v17 =	vld [tilespmem:s11+$0x4110];
	v59 =	vadd.f32 v16, v10;
	v16 =	vmul.f32 v58, v58  }
0x4cf: {  	v2 =	vadd.f32 v2, v18;
	v3 =	vmul.f32 $7.812500000e-03, v3;
	v63 =	vmul.f32 v46, v46  }
0x4d0: {  	v10 =	vadd.f32 v58, v56;
	v7 =	vadd.f32 v16, v7  }
0x4d1: {  	v8 =	vmul.f32 v59, v59;
	v3 =	vsub.f32 v3, v63;
	v63 =	vadd.f32 v1, v9;
	v1 =	vld [tilespmem:s11+$0x4150]  }
0x4d2: {  	v14 =	vadd.f32 v60, v59;
	v16 =	vmul.f32 v60, v60;
	v61 =	vadd.f32 v13, v11;
	v11 =	vld [tilespmem:s11+$0x4130]  }
0x4d3: {  	v13 =	vld [tilespmem:s11+$0xC130];
	v62 =	vadd.f32 v4, v17;
	v3 =	vadd.f32 $9.999999960e-13, v3  }
0x4d4: {  	v17 =	vld [tilespmem:s11+$0x4140];
	v4 =	vadd.f32 v14, v10;
	v8 =	vadd.f32 v16, v8  }
0x4d5: {  	v10 =	vld [tilespmem:s11+$0xC140];
	v19 =	vmul.f32 v61, v61;
	v15 =	vshrl.u32 v3, $0x1;
	v3 =	vmul.f32 $-5.000000000e-01, v3  }
0x4d6: {  	v31 =	vadd.f32 v4, v6;
	v6 =	vadd.f32 v8, v7;
	v7 =	vld [tilespmem:s11+$0xC150];
	v15 =	vsub.s32 $0x5F3759DF, v15  }
0x4d7: {  	v18 =	vld [tilespmem:s11+$0xC170];
	v9 =	vadd.f32 v62, v61;
	v16 =	vmul.f32 v62, v62;
	v14 =	vmul.f32 v15, v3  }
0x4d8: {  	v12 =	vadd.f32 v6, v12;
	v4 =	vadd.f32 v13, v11;
	v11 =	vld [tilespmem:s11+$0x4160]  }
0x4d9: {  	v13 =	vmul.f32 v63, v63;
	v8 =	vmul.f32 v15, v14;
	v14 =	vadd.f32 v16, v19;
	v19 =	vld [tilespmem:s11+$0xC160]  }
0x4da: {  	v24 =	vadd.f32 v10, v17;
	v10 =	vld [tilespmem:s11+$0x4170];
	v16 =	vperm.xlane v31, v23;
	v17 =	vadd.f32 v4, v63  }
0x4db: {  	v20 =	vmul.f32 v4, v4;
	v6 =	vadd.f32 v7, v1;
	v8 =	vadd.f32 $1.500000000e+00, v8  }
0x4dc: {  	v1 =	vadd.f32 v17, v9;
	v9 =	vmul.f32 v24, v24;
	v17 =	vperm.xlane v0, v23  }
0x4dd: {  	v16 =	vadd.f32 v31, v16;
	v15 =	vmul.f32 v15, v8;
	v8 =	vadd.f32 v20, v13  }
0x4de: {  	v13 =	vmul.f32 v6, v6;
	v0 =	vadd.f32 v17, v0;
	v7 =	vadd.f32 v19, v11  }
0x4df: {  	v3 =	vmul.f32 v15, v3;
	v14 =	vadd.f32 v8, v14;
	v8 =	vadd.f32 v18, v10  }
0x4e0: {  	v11 =	vadd.f32 v6, v24;
	v9 =	vadd.f32 v13, v9  }
0x4e1: {  	v13 =	vperm.xlane v2, v22;
	v3 =	vmul.f32 v3, v15;
	v17 =	vadd.f32 v8, v7  }
0x4e2: {  	v10 =	vmul.f32 v7, v7;
	v19 =	vmul.f32 v8, v8  }
0x4e3: {  	v20 =	vperm.xlane v16, v22;
	v3 =	vadd.f32 $1.500000000e+00, v3;
	v11 =	vadd.f32 v17, v11  }
0x4e4: {  	v18 =	vperm.xlane v12, v23;
	v2 =	vadd.f32 v2, v13;
	v10 =	vadd.f32 v19, v10  }
0x4e5: {  	v31 =	vmul.f32 v3, v15;
	v3 =	vsub.f32 v57, v46;
	v1 =	vadd.f32 v11, v1  }
0x4e6: {  	v15 =	vperm.xlane v0, v22;
	v9 =	vadd.f32 v10, v9;
	v10 =	vadd.f32 v16, v20;
	v16 =	vld [tilespmem:$0x1FF20]  }
0x4e7: {  	v12 =	vadd.f32 v18, v12;
	v13 =	vperm.xlane v2, v21;
	v3 =	vmul.f32 v31, v3  }
0x4e8: {  	v9 =	vadd.f32 v9, v14;
	v57 =	vperm.xlane v1, v23;
	v0 =	vadd.f32 v15, v0  }
0x4e9: {  	v11 =	vperm.xlane v12, v22;
	v2 =	vadd.f32 v2, v13;
	v3 =	vmul.f32 v3, v35  }
0x4ea: {  	v1 =	vadd.f32 v1, v57;
	v35 =	vperm.xlane v9, v23;
	v57 =	vperm.xlane v0, v21  }
0x4eb: {  	v15 =	vperm.xlane v10, v21;
	v11 =	vadd.f32 v11, v12;
	v3 =	vadd.f32 v3, v16  }
0x4ec: {  	v9 =	vadd.f32 v35, v9;
	v35 =	vperm.xlane v2, v5;
	v0 =	vadd.f32 v57, v0  }
0x4ed: {  	v14 =	vperm.xlane v1, v22;
	[tilespmem:s11+$0x141F0] =	vst v3;
	v3 =	vperm.xlane v11, v21  }
0x4ee: {  	v10 =	vadd.f32 v10, v15;
	v2 =	vadd.f32 v2, v35;
	v35 =	vperm.xlane v0, v5  }
0x4ef: {  	v1 =	vadd.f32 v1, v14;
	v3 =	vadd.f32 v3, v11;
	v11 =	vperm.xlane v9, v22  }
0x4f0: {  	v57 =	vperm.xlane v10, v5;
	v0 =	vadd.f32 v35, v0  }
0x4f1: {  	v14 =	vperm.xlane v1, v21;
	v2 =	vmul.f32 $7.812500000e-03, v2;
	v9 =	vadd.f32 v11, v9  }
0x4f2: {  	v10 =	vadd.f32 v10, v57;
	v57 =	vperm.xlane v3, v5;
	v0 =	vmul.f32 $7.812500000e-03, v0  }
0x4f3: {  	v1 =	vadd.f32 v1, v14;
	v35 =	vmul.f32 v2, v2;
	v11 =	vperm.xlane v9, v21  }
0x4f4: {  	v10 =	vmul.f32 $7.812500000e-03, v10;
	v3 =	vadd.f32 v57, v3  }
0x4f5: {  	v14 =	vperm.xlane v1, v5;
	v0 =	vsub.f32 v0, v35;
	v9 =	vadd.f32 v11, v9  }
0x4f6: {  	v3 =	vmul.f32 $7.812500000e-03, v3;
	v11 =	vsub.f32 v49, v2;
	v49 =	vmul.f32 v10, v10  }
0x4f7: {  	v15 =	vsub.f32 v51, v2;
	v1 =	vadd.f32 v1, v14;
	v51 =	vperm.xlane v9, v5  }
0x4f8: {  	v0 =	vadd.f32 $9.999999960e-13, v0;
	v3 =	vsub.f32 v3, v49  }
0x4f9: {  	v1 =	vmul.f32 $7.812500000e-03, v1;
	v9 =	vadd.f32 v51, v9  }
0x4fa: {  	v57 =	vshrl.u32 v0, $0x1;
	v0 =	vmul.f32 $-5.000000000e-01, v0;
	v3 =	vadd.f32 $9.999999960e-13, v3  }
0x4fb: {  	v14 =	vsub.s32 $0x5F3759DF, v57;
	v16 =	vmul.f32 v1, v1;
	v9 =	vmul.f32 $7.812500000e-03, v9  }
0x4fc: {  	v17 =	vmul.f32 v14, v0;
	v18 =	vshrl.u32 v3, $0x1;
	v3 =	vmul.f32 $-5.000000000e-01, v3  }
0x4fd: {  	v13 =	vsub.f32 v45, v2;
	v18 =	vsub.s32 $0x5F3759DF, v18;
	v9 =	vsub.f32 v9, v16  }
0x4fe: {  	v12 =	vsub.f32 v48, v2;
	v16 =	vmul.f32 v14, v17;
	v20 =	vmul.f32 v18, v3  }
0x4ff: {  	v19 =	vsub.f32 v43, v2;
	v9 =	vadd.f32 $9.999999960e-13, v9  }
0x500: {  	v17 =	vsub.f32 v44, v2;
	v16 =	vadd.f32 $1.500000000e+00, v16;
	v20 =	vmul.f32 v18, v20  }
0x501: {  	v44 =	vsub.f32 v52, v10;
	v52 =	vshrl.u32 v9, $0x1;
	v9 =	vmul.f32 $-5.000000000e-01, v9  }
0x502: {  	v14 =	vmul.f32 v14, v16;
	v16 =	vadd.f32 $1.500000000e+00, v20;
	v20 =	vsub.s32 $0x5F3759DF, v52  }
0x503: {  	v45 =	vsub.f32 v53, v10;
	v35 =	vsub.f32 v47, v2;
	v57 =	vmul.f32 v20, v9  }
0x504: {  	v47 =	vsub.f32 v54, v10;
	v51 =	vsub.f32 v58, v10  }
0x505: {  	v53 =	vsub.f32 v61, v1;
	v0 =	vmul.f32 v14, v0;
	v48 =	vmul.f32 v20, v57  }
0x506: {  	v54 =	vsub.f32 v63, v1;
	v7 =	vsub.f32 v7, v1;
	v16 =	vmul.f32 v18, v16  }
0x507: {  	v61 =	vadd.f32 v32, v26;
	v0 =	vmul.f32 v0, v14;
	v48 =	vadd.f32 $1.500000000e+00, v48  }
0x508: {  	v2 =	vsub.f32 v50, v2;
	v50 =	vsub.f32 v56, v10;
	v3 =	vmul.f32 v16, v3  }
0x509: {  	v56 =	vsub.f32 v40, v46;
	v0 =	vadd.f32 $1.500000000e+00, v0;
	v20 =	vmul.f32 v20, v48  }
0x50a: {  	v52 =	vsub.f32 v59, v10;
	v18 =	vsub.f32 v55, v10;
	v3 =	vmul.f32 v3, v16  }
0x50b: {  	v0 =	vmul.f32 v0, v14;
	v14 =	vsub.f32 v4, v1;
	v4 =	vmul.f32 v20, v9  }
0x50c: {  	v55 =	vsub.f32 v6, v1;
	v3 =	vadd.f32 $1.500000000e+00, v3  }
0x50d: {  	v58 =	vld [tilespmem:$0x1FEF0];
	v48 =	vsub.f32 v62, v1;
	v9 =	vsub.f32 v24, v1;
	v4 =	vmul.f32 v4, v20  }
0x50e: {  	v63 =	vld [tilespmem:$0x1FF20];
	v3 =	vmul.f32 v3, v16;
	v1 =	vsub.f32 v8, v1;
	v8 =	vsub.f32 v36, v46  }
0x50f: {  	v36 =	vsub.f32 v42, v46;
	v42 =	vmul.f32 v0, v19;
	v19 =	vld [tilespmem:$0x1FF90];
	v4 =	vadd.f32 $1.500000000e+00, v4  }
0x510: {  	v10 =	vsub.f32 v60, v10;
	v5 =	vmul.f32 v0, v13;
	v32 =	vmul.f32 v3, v18;
	v18 =	vld [tilespmem:$0x1FFB0]  }
0x511: {  	v16 =	vsub.f32 v37, v46;
	v40 =	vmul.f32 v0, v11;
	v11 =	vmul.f32 v4, v20;
	v4 =	vld [tilespmem:$0x1FF80]  }
0x512: {  	v59 =	vld [tilespmem:$0x1FF10];
	v13 =	vsub.f32 v39, v46;
	v39 =	vsub.f32 v41, v46;
	v41 =	vmul.f32 v0, v15  }
0x513: {  	v37 =	vsub.f32 v38, v46;
	v38 =	vmul.f32 v0, v12;
	v35 =	vmul.f32 v0, v35;
	v20 =	vld [tilespmem:$0x1FF00]  }
0x514: {  	v62 =	vadd.f32 v33, v58;
	v33 =	vmul.f32 v3, v50;
	v50 =	vmul.f32 v11, v53;
	v53 =	vld [tilespmem:$0x1F650]  }
0x515: {  	[tilespmem:s10+$0x14120] =	vst v61;
	v60 =	vadd.f32 v29, v19;
	v46 =	vmul.f32 v11, v48;
	v48 =	vmul.f32 v11, v54;
	v54 =	vld [tilespmem:$0x1F660]  }
0x516: {  	[tilespmem:s10+$0x14130] =	vst v62;
	v43 =	vadd.f32 v30, v18;
	v6 =	vadd.f32 v34, v4;
	v4 =	vmul.f32 v0, v17;
	v17 =	vld [tilespmem:$0x1FF80]  }
0x517: {  	[tilespmem:s10+$0x14110] =	vst v60;
	v30 =	vmul.f32 v3, v52;
	v52 =	vadd.f32 v27, v59;
	v27 =	vmul.f32 v11, v55;
	v55 =	vld [tilespmem:$0x1F670]  }
0x518: {  	v24 =	vmul.f32 v31, v56;
	v49 =	vmul.f32 v3, v44;
	v60 =	vld [tilespmem:$0x1F690];
	[tilespmem:s10+$0x14150] =	vst v43  }
0x519: {  	s12 =	sadd.s32 $0x4, s12;
	v61 =	vld [tilespmem:$0x1F6A0];
	v44 =	vmul.f32 v3, v45;
	v47 =	vmul.f32 v3, v47;
	[tilespmem:s10+$0x14160] =	vst v52;
	v12 =	vadd.f32 v28, v20  }
0x51a: {  	p0 =	slt.u32 s12, $0x7C;
	v62 =	vld [tilespmem:$0x1F6B0];
	v23 =	vmul.f32 v31, v16;
	v34 =	vmul.f32 v0, v2;
	[tilespmem:s10+$0x14100] =	vst v6;
	v2 =	vadd.f32 v53, v63  }
.Ltmp6:
0x51b: {  	v45 =	vmul.f32 v31, v13;
	v29 =	vmul.f32 v3, v10;
	[tilespmem:s10+$0x14140] =	vst v12;
	v0 =	vadd.f32 v54, v17;
	(pc) =	sbr.rel @p0 .LBB2_7-.Ltmp6, $4  }
0x51c: {  	v15 =	vmovc v26;
	v10 =	vmov v25;
	v26 =	vmul.f32 v11, v7;
	[tilespmem:s10+$0x14170] =	vst v2;
	v2 =	vadd.f32 v55, v19  }
0x51d: {  	v57 =	vld [tilespmem:$0x1FEE0];
	v25 =	vmul.f32 v11, v1;
	v7 =	vmul.f32 v31, v8;
	[tilespmem:s10+$0x14180] =	vst v0;
	v0 =	vadd.f32 v60, v15  }
0x51e: {  	v43 =	vmul.f32 v11, v9;
	v28 =	vmul.f32 v11, v14;
	v11 =	vld [tilespmem:$0x1F680];
	[tilespmem:s10+$0x14190] =	vst v2  }
0x51f: {  	s9 =	sadd.s32 $0x800, s9;
	v8 =	vadd.f32 v61, v58;
	v9 =	vadd.f32 v62, v20;
	v6 =	vmul.f32 v3, v51;
	v51 =	vld [tilespmem:$0x1FED0];
	[tilespmem:s10+$0x141A0] =	vst v0  }
0x520: {  	_ = 	snop  }
0x521: {  	[tilespmem:s10+$0x141B0] =	vst v8  }
0x522: {  	v8 =	vld [tilespmem:$0x1FEC0];
	_ =	sdelay $0x4  }
0x523: {  	v0 =	vadd.f32 v11, v18;
	v1 =	vmul.f32 v5, v8  }
0x524: {  	v2 =	vadd.f32 v10, v59;
	[tilespmem:s10+$0x141C0] =	vst v9  }
0x525: {  	v10 =	vld [tilespmem:$0x1FF30];
	[tilespmem:s10+$0x141D0] =	vst v0;
	v54 =	vadd.f32 v1, v17  }
0x526: {  	v3 =	vmul.f32 v40, v51;
	v11 =	vld [tilespmem:$0x1FF40];
	[tilespmem:s10+$0x141E0] =	vst v2  }
0x527: {  	[tilespmem:s11+$0x14000] =	vst v54  }
0x528: {  	v56 =	vadd.f32 v3, v19;
	v16 =	vld [tilespmem:$0x1FFA0];
	_ =	sdelay $0x1  }
0x529: {  	v14 =	vld [tilespmem:$0x1FF50];
	[tilespmem:s11+$0x14010] =	vst v56  }
0x52a: {  	v53 =	vmul.f32 v41, v10;
	v12 =	vld [tilespmem:$0x1FF60]  }
0x52b: {  	v55 =	vmul.f32 v38, v11  }
0x52c: {  	v60 =	vmul.f32 v42, v57;
	v61 =	vadd.f32 v53, v16  }
0x52d: {  	v40 =	vmul.f32 v44, v51;
	v1 =	vadd.f32 v55, v58  }
0x52e: {  	v21 =	vadd.f32 v60, v20;
	v42 =	vmul.f32 v47, v10;
	v47 =	vmul.f32 v32, v11;
	[tilespmem:s11+$0x14020] =	vst v61  }
0x52f: {  	v62 =	vmul.f32 v35, v12;
	v35 =	vmul.f32 v49, v8;
	v49 =	vadd.f32 v40, v19;
	v15 =	vld [tilespmem:$0x1FF70];
	[tilespmem:s11+$0x14030] =	vst v1  }
0x530: {  	v52 =	vmul.f32 v33, v57;
	v53 =	vadd.f32 v42, v16;
	[tilespmem:s11+$0x14040] =	vst v21  }
0x531: {  	v55 =	vadd.f32 v47, v58;
	[tilespmem:s11+$0x14090] =	vst v49  }
0x532: {  	v60 =	vadd.f32 v52, v20;
	[tilespmem:s11+$0x140A0] =	vst v53  }
0x533: {  	v54 =	vmul.f32 v6, v14;
	v38 =	vadd.f32 v62, v59;
	[tilespmem:s11+$0x140B0] =	vst v55  }
0x534: {  	v40 =	vmul.f32 v27, v14;
	v44 =	vadd.f32 v35, v17;
	[tilespmem:s11+$0x140C0] =	vst v60  }
0x535: {  	v56 =	vmul.f32 v30, v12;
	v42 =	vmul.f32 v26, v12;
	v62 =	vadd.f32 v54, v18;
	[tilespmem:s11+$0x14060] =	vst v38  }
0x536: {  	v30 =	vmul.f32 v48, v10;
	v48 =	vmul.f32 v23, v51;
	v1 =	vadd.f32 v40, v18;
	[tilespmem:s11+$0x14080] =	vst v44  }
0x537: {  	v21 =	vmul.f32 v50, v8;
	v47 =	vadd.f32 v42, v59;
	[tilespmem:s11+$0x140D0] =	vst v62  }
0x538: {  	v55 =	vadd.f32 v48, v19;
	[tilespmem:s11+$0x14150] =	vst v1  }
0x539: {  	v35 =	vmul.f32 v43, v57;
	v32 =	vadd.f32 v21, v17;
	[tilespmem:s11+$0x14160] =	vst v47  }
0x53a: {  	v54 =	vmul.f32 v24, v11;
	v38 =	vadd.f32 v30, v16;
	[tilespmem:s11+$0x14190] =	vst v55  }
0x53b: {  	v4 =	vmul.f32 v4, v14;
	v43 =	vadd.f32 v35, v20;
	[tilespmem:s11+$0x14100] =	vst v32  }
0x53c: {  	v60 =	vadd.f32 v54, v58;
	[tilespmem:s11+$0x14120] =	vst v38;
	v22 =	vmul.f32 v34, v15  }
0x53d: {  	[tilespmem:s11+$0x14140] =	vst v43;
	v34 =	vadd.f32 v4, v18  }
0x53e: {  	[tilespmem:s11+$0x141B0] =	vst v60;
	v61 =	vmul.f32 v29, v15;
	v41 =	vadd.f32 v22, v63  }
0x53f: {  	v29 =	vmul.f32 v46, v51;
	[tilespmem:s11+$0x14050] =	vst v34;
	v22 =	vadd.f32 v56, v59  }
0x540: {  	v44 =	vmul.f32 v25, v15;
	v2 =	vadd.f32 v61, v63;
	[tilespmem:s11+$0x14070] =	vst v41  }
0x541: {  	v50 =	vmul.f32 v31, v39;
	v46 =	vmul.f32 v7, v8;
	v34 =	vadd.f32 v29, v19;
	[tilespmem:s11+$0x140E0] =	vst v22  }
0x542: {  	v51 =	vmul.f32 v45, v10;
	v49 =	vadd.f32 v44, v63;
	[tilespmem:s11+$0x140F0] =	vst v2  }
0x543: {  	v53 =	vmul.f32 v31, v37;
	v4 =	vmul.f32 v50, v57;
	v52 =	vadd.f32 v46, v17;
	[tilespmem:s11+$0x14110] =	vst v34  }
0x544: {  	v33 =	vmul.f32 v28, v11;
	v56 =	vmul.f32 v31, v36;
	v57 =	vadd.f32 v51, v16;
	[tilespmem:s11+$0x14170] =	vst v49  }
0x545: {  	v61 =	vadd.f32 v4, v20;
	[tilespmem:s11+$0x14180] =	vst v52;
	v2 =	vmul.f32 v53, v14  }
.Ltmp7:
0x546: {  	v41 =	vadd.f32 v33, v58;
	v3 =	vmul.f32 v56, v12;
	[tilespmem:s11+$0x141A0] =	vst v57;
	(pc) =	sbr.rel @p1 .LBB2_10-.Ltmp7, $4  }
0x547: {  	[tilespmem:s11+$0x141C0] =	vst v61;
	v62 =	vadd.f32 v2, v18  }
0x548: {  	[tilespmem:s11+$0x14130] =	vst v41;
	v63 =	vadd.f32 v3, v59  }
0x549: {  	[tilespmem:s11+$0x141D0] =	vst v62  }
0x54a: {  	[tilespmem:s11+$0x141E0] =	vst v63  }
0x54b: {  	_ =	swait.ge [sflag:s31], $0x180  }
0x54c: {  	[sflag:s31] =	ssyncset.done $0x0  }
0x54d: {  	[sflag:s31] =	ssyncadd.s32 $0xFFFFFE80  }
0x54e: {  	v0 =	vld [tilespmem:$0x18200]  }
0x54f: {  	v1 =	vld [tilespmem:$0x18280]  }
0x550: {  	v2 =	vld [tilespmem:$0x18300]  }
0x551: {  	v3 =	vld [tilespmem:$0x18210]  }
0x552: {  	v4 =	vld [tilespmem:$0x18290]  }
0x553: {  	v5 =	vld [tilespmem:$0x18310]  }
0x554: {  	v6 =	vld [tilespmem:$0x18220]  }
0x555: {  	v7 =	vld [tilespmem:$0x182A0]  }
0x556: {  	v8 =	vld [tilespmem:$0x18320]  }
0x557: {  	v9 =	vld [tilespmem:$0x18230]  }
0x558: {  	v10 =	vld [tilespmem:$0x182B0]  }
0x559: {  	v11 =	vld [tilespmem:$0x18330]  }
0x55a: {  	v12 =	vld [tilespmem:$0x18240]  }
0x55b: {  	v13 =	vld [tilespmem:$0x182C0]  }
0x55c: {  	v50 =	vld [tilespmem:$0x18250];
	[tilespmem:$0x18580] =	vst v0  }
0x55d: {  	v54 =	vld [tilespmem:$0x18260];
	[tilespmem:$0x18590] =	vst v3  }
0x55e: {  	v48 =	vld [tilespmem:$0x18340];
	[tilespmem:$0x185A0] =	vst v6  }
0x55f: {  	v51 =	vld [tilespmem:$0x182D0];
	[tilespmem:$0x185B0] =	vst v9  }
0x560: {  	v53 =	vld [tilespmem:$0x18350];
	[tilespmem:$0x185C0] =	vst v12  }
0x561: {  	v56 =	vld [tilespmem:$0x182E0];
	v1 =	vshll.u32 v1, $0x1;
	[tilespmem:$0x185D0] =	vst v50  }
0x562: {  	v57 =	vld [tilespmem:$0x18360];
	v49 =	vshll.u32 v4, $0x1;
	[tilespmem:$0x185E0] =	vst v54;
	v47 =	vadd.s32 v2, v1  }
0x563: {  	v59 =	vld [tilespmem:$0x182F0];
	v52 =	vshll.u32 v7, $0x1;
	v0 =	vadd.s32 v5, v49;
	[tilespmem:$0x18480] =	vst v47  }
0x564: {  	v61 =	vld [tilespmem:$0x18370];
	v55 =	vshll.u32 v10, $0x1;
	[tilespmem:$0x18490] =	vst v0;
	v0 =	vadd.s32 v8, v52  }
0x565: {  	v58 =	vshll.u32 v13, $0x1;
	v8 =	vld [tilespmem:$0x18270];
	[tilespmem:$0x184A0] =	vst v0;
	v0 =	vadd.s32 v11, v55  }
0x566: {  	v60 =	vshll.u32 v51, $0x1;
	[tilespmem:$0x184B0] =	vst v0;
	v0 =	vadd.s32 v48, v58  }
0x567: {  	v62 =	vshll.u32 v56, $0x1;
	[tilespmem:$0x184C0] =	vst v0;
	v0 =	vadd.s32 v53, v60  }
0x568: {  	[tilespmem:$0x184D0] =	vst v0;
	v0 =	vadd.s32 v57, v62  }
0x569: {  	v63 =	vshll.u32 v59, $0x1;
	[tilespmem:$0x184E0] =	vst v0  }
0x56a: {  	p0 =	sgt.u32 s23, $0x16;
	[tilespmem:$0x185F0] =	vst v8;
	v0 =	vadd.s32 v61, v63  }
0x56b: {  	s9 =	sadd.s32 @!p0 s24, s15;
	[tilespmem:$0x184F0] =	vst v0  }
0x56c: {  	[tilespmem:s4], [sflag:$0x2] =	stream.indirect.gather [hbm4b:s1+s26], $0x80, s0, s26, $0xb8;
	[tilespmem:$0x18700] =	vst v63  }
0x56d: {  	s9 =	sshll.u32 @!p0 s9, $0x6  }
0x56e: {  	[tilespmem:s3], [sflag:$0x2] =	stream.indirect.gather [hbm4b:s8+s26], $0x80, s2, s26, $0xb8;
	[tilespmem:$0x18700] =	vst v63  }
.Ltmp8:
0x56f: {  	s10 =	simm.s32 @!p0 $0x200;
	s9 =	sand.u32 @!p0 $0x1FFFFFC0, s9;
	(pc) =	sbr.rel .LBB2_10-.Ltmp8, $4  }
0x570: {  	s11 =	simm.s32 @!p0 $0xC8000;
	s12 =	simm.s32 @!p0 $0x18200;
	s9 =	sadd.s32 @!p0 s7, s9  }
0x571: {  	v10 =	vld [tilespmem:$0x1FF30];
	[tilespmem:s12], [sflag:$0x6] =	stream.strided.gather @!p0 [hbm4b:s9+s10], $0x0, s11, s10, $0x38  }
0x572: {  	v12 =	vld [tilespmem:$0x1FF60];
	s10 =	simm.s32 @!p0 $0x0  }
0x573: {  	v11 =	vld [tilespmem:$0x1FF40];
	[tilespmem:s12], [sflag:$0x6] =	stream.linear.gather @!p0 [hbm4b:s9+s10], $0x180, $0x38  }
.LBB2_12:
0x574: {  	_ =	sfence.sel $0x180000  }
0x575: {  	[bflag:$0x0] =	sbarrier.arrive $0xFFFF  }
0x576: {  	_ =	strace $0x90000047  }
0x577: {  	s0 =	stileid.u32;
	[bflag:$0x2] =	sbarrier.arrive $0xFFFF  }
0x578: {  	p0 =	sne.s32 s0, $0x0;
	s0 =	rddreg [dreg:$0x5]  }
0x579: {  	s0 =	sadd.s32 @!p0 $0x100000, s0  }
0x57a: {  	[sflag:s0] =	ssyncadd.tile.s32 @!p0 $0x1;
	_ =	shalt  }
.Lfunc_end2:
_tile_overlayer_lowered:
.L_overlay_start_2:
0x57b: {  	(tag) =	ssettag $0x2  }
0x57c: {  	s0 =	rddreg [dreg:$0x0];
	s2 =	stileid.u32  }
0x57d: {  	s1 =	rddreg [dreg:$0x1];
	p0 =	sne.s32 s2, $0x0  }
0x57e: {  	s3 =	rddreg [dreg:$0x2];
	[bflag:$0x3] =	sbarrier.arrive $0xFFFF;
	s2 =	simm.s32 @!p0 $0x1C07  }
0x57f: {  	[timem:s3], [sflag:s2] =	dma.local @!p0 [hbm:s0], s1  }
0x580: {  	s0 =	simm.s32 @!p0 $0x7  }
0x581: {  	_ =	swait.ge @!p0 [sflag:s0], s1  }
0x582: {  	s1 =	ssub.s32 @!p0 $0x0, s1;
	[sflag:s0] =	ssyncset.done @!p0 $0x0  }
0x583: {  	[sflag:s0] =	ssyncadd.s32 @!p0 s1  }
0x584: {  	[bflag:$0x3] =	sbarrier.arrive $0xFFFF  }
0x585: {  	_ =	shalt  }

</sc_bundles>
